<compile_context>
chip_gen: v7x
topology: tpu7x:2x2x1
jax: 0.10.2.dev20260603
libtpu: 0.0.44.dev20260713+nightly
codegen_flags: <defaults>
</compile_context>

<pallas_src>
import functools

import jax
import jax.numpy as jnp
from jax import lax
from jax.experimental import pallas as pl
from jax.experimental.pallas import tpu as pltpu
from jax.experimental.pallas import tpu_sc as plsc

N = 10000
E = 320000
F = 128
H = 8
DH = 16
HP = 16
NC = 2
NS = 16
NW = NC * NS
EPW = E // NW
CA = 200
CB = 80
NP = 10240
ROWS = NP // NS
_A_PIECES = ((0, 200), (200, 200), (400, 200), (600, 40))

_mesh = plsc.VectorSubcoreMesh(
    core_axis_name="c", subcore_axis_name="s", num_cores=NC, num_subcores=NS)



def _qkv_body(x_ref, wq_ref, bq_ref, wk_ref, bk_ref, wv_ref, bv_ref,
              q_ref, k_ref, v_ref):
    x = x_ref[...]
    dn = (((1,), (1,)), ((), ()))
    q_ref[...] = lax.dot_general(x, wq_ref[...], dn,
                                 preferred_element_type=jnp.float32,
                                 precision=lax.Precision.HIGHEST) + bq_ref[...]
    k_ref[...] = lax.dot_general(x, wk_ref[...], dn,
                                 preferred_element_type=jnp.float32,
                                 precision=lax.Precision.HIGHEST) + bk_ref[...]
    v_ref[...] = lax.dot_general(x, wv_ref[...], dn,
                                 preferred_element_type=jnp.float32,
                                 precision=lax.Precision.HIGHEST) + bv_ref[...]


def _qkv_proj(x, Wq, bq, Wk, bk, Wv, bv):
    R = 1000
    grid = (N // R,)
    row_spec = pl.BlockSpec((R, F), lambda i: (i, 0))
    w_spec = pl.BlockSpec((F, F), lambda i: (0, 0))
    b_spec = pl.BlockSpec((1, F), lambda i: (0, 0))
    out = jax.ShapeDtypeStruct((N, F), jnp.float32)
    return pl.pallas_call(
        _qkv_body,
        grid=grid,
        in_specs=[row_spec, w_spec, b_spec, w_spec, b_spec, w_spec, b_spec],
        out_specs=[row_spec, row_spec, row_spec],
        out_shape=[out, out, out],
    )(x, Wq, bq.reshape(1, F), Wk, bk.reshape(1, F), Wv, bv.reshape(1, F))


def _out_body(a_ref, b_ref, wo_ref, bo_ref, y_ref):
    s = a_ref[...] + b_ref[...]
    dn = (((1,), (1,)), ((), ()))
    y_ref[...] = lax.dot_general(s, wo_ref[...], dn,
                                 preferred_element_type=jnp.float32,
                                 precision=lax.Precision.HIGHEST) + bo_ref[...]


def _out_proj(a, b, Wo, bo):
    R = 1000
    grid = (N // R,)
    row_spec = pl.BlockSpec((R, F), lambda i: (i, 0))
    w_spec = pl.BlockSpec((F, F), lambda i: (0, 0))
    b_spec = pl.BlockSpec((1, F), lambda i: (0, 0))
    return pl.pallas_call(
        _out_body,
        grid=grid,
        in_specs=[row_spec, row_spec, w_spec, b_spec],
        out_specs=pl.BlockSpec((R, F), lambda i: (i, 0)),
        out_shape=jax.ShapeDtypeStruct((N, F), jnp.float32),
    )(a, b, Wo, bo.reshape(1, F))



def _scores_body(q_hbm, k_hbm, src_hbm, dst_hbm,
                 ex_hbm, den0_hbm, den1_hbm,
                 src_v0, dst_v0, q_r0, k_r0, ex_v0,
                 src_v1, dst_v1, q_r1, k_r1, ex_v1,
                 wb_v0, wb_v1,
                 den_sh, sq0, sk0, sa0, se0, sq1, sk1, sa1, se1,
                 si0, sj0, si1, sj1, sw0, sw1):
    cid = lax.axis_index("c")
    sid = lax.axis_index("s")
    wid = sid * NC + cid
    r0 = sid * ROWS
    slots = ((src_v0, dst_v0, q_r0, k_r0, ex_v0, sq0, sk0, sa0, se0, si0,
              sj0, wb_v0, sw0),
             (src_v1, dst_v1, q_r1, k_r1, ex_v1, sq1, sk1, sa1, se1, si1,
              sj1, wb_v1, sw1))
    nch = EPW // CA

    @pl.loop(0, CA)
    def _zero(i):
        ex_v0[i] = jnp.zeros((HP,), jnp.float32)
        ex_v1[i] = jnp.zeros((HP,), jnp.float32)

    for (off, sz) in _A_PIECES:
        pltpu.sync_copy(ex_v0.at[pl.ds(0, sz)], den_sh.at[pl.ds(r0 + off, sz)])
    plsc.subcore_barrier()

    lane = lax.iota(jnp.int32, 16)

    def fire_idx(ci, s):
        src_v, dst_v = s[0], s[1]
        si, sj = s[9], s[10]
        base = wid * EPW + ci * CA
        pltpu.async_copy(src_hbm.at[pl.ds(base, CA)], src_v, si)
        pltpu.async_copy(dst_hbm.at[pl.ds(base, CA)], dst_v, sj)

    def wait_idx(s):
        src_v, dst_v = s[0], s[1]
        si, sj = s[9], s[10]
        pltpu.make_async_copy(src_hbm.at[pl.ds(0, CA)], src_v, si).wait()
        pltpu.make_async_copy(dst_hbm.at[pl.ds(0, CA)], dst_v, sj).wait()

    def fire_gathers(s):
        src_v, dst_v, q_r, k_r = s[0], s[1], s[2], s[3]
        sq, sk = s[5], s[6]
        pltpu.async_copy(q_hbm.at[src_v], q_r, sq)
        pltpu.async_copy(k_hbm.at[dst_v], k_r, sk)

    def fire_wbidx(ci, s):
        wb_v, sw = s[11], s[12]
        base = wid * EPW + ci * CA
        pltpu.async_copy(src_hbm.at[pl.ds(base, CA)], wb_v, sw)

    def wait_wbidx(s):
        wb_v, sw = s[11], s[12]
        pltpu.make_async_copy(src_hbm.at[pl.ds(0, CA)], wb_v, sw).wait()

    def wait_writeback(s):
        ex_v, sa, se, wb_v = s[4], s[7], s[8], s[11]
        pltpu.make_async_copy(ex_v, den_sh.at[wb_v], sa).wait()
        pltpu.make_async_copy(ex_v, ex_hbm.at[pl.ds(0, CA)], se).wait()

    fire_idx(0, slots[0])
    fire_idx(1, slots[1])
    wait_idx(slots[0])
    fire_gathers(slots[0])

    @pl.loop(0, nch // 2)
    def _pair(i):
        for b in (0, 1):
            s = slots[b]
            o = slots[1 - b]
            src_v, dst_v, q_r, k_r, ex_v = s[0], s[1], s[2], s[3], s[4]
            sq, sk, sa, se, wb_v = s[5], s[6], s[7], s[8], s[11]
            ci = i * 2 + b
            base = wid * EPW + ci * CA

            fire_wbidx(ci, s)

            @pl.when(ci >= 1)
            def _():
                wait_writeback(o)

            @pl.when(ci + 1 < nch)
            def _():
                wait_idx(o)
                fire_gathers(o)

            pltpu.make_async_copy(q_hbm.at[src_v], q_r, sq).wait()
            pltpu.make_async_copy(k_hbm.at[dst_v], k_r, sk).wait()

            @pl.when(ci + 2 < nch)
            def _():
                fire_idx(ci + 2, s)

            @pl.loop(0, CA)
            def _edge(e):
                merged = jnp.full((16,), -jnp.inf, jnp.float32)
                for h in range(H):
                    sl = pl.ds(h * DH, DH)
                    s = jnp.sum(q_r[e, sl] * k_r[e, sl], axis=0)
                    merged = jnp.where(lane == h, s, merged)
                ex_v[e] = jnp.exp(merged * (1.0 / 4.0))

            wait_wbidx(s)
            pltpu.async_copy(ex_v, den_sh.at[wb_v], sa, add=True)
            pltpu.async_copy(ex_v, ex_hbm.at[pl.ds(base, CA)], se)

    wait_writeback(slots[1])
    plsc.subcore_barrier()

    for (off, sz) in _A_PIECES:
        pltpu.sync_copy(den_sh.at[pl.ds(r0 + off, sz)], ex_v0.at[pl.ds(0, sz)])

        @pl.when(cid == 0)
        def _():
            pltpu.sync_copy(ex_v0.at[pl.ds(0, sz)],
                            den0_hbm.at[pl.ds(r0 + off, sz)])

        @pl.when(cid == 1)
        def _():
            pltpu.sync_copy(ex_v0.at[pl.ds(0, sz)],
                            den1_hbm.at[pl.ds(r0 + off, sz)])


_scores_call = functools.partial(
    pl.kernel,
    out_type=(jax.ShapeDtypeStruct((E, HP), jnp.float32),
              jax.ShapeDtypeStruct((NP, HP), jnp.float32),
              jax.ShapeDtypeStruct((NP, HP), jnp.float32)),
    mesh=_mesh,
    scratch_types=[
        pltpu.VMEM((CA,), jnp.int32),
        pltpu.VMEM((CA,), jnp.int32),
        pltpu.VMEM((CA, F), jnp.float32),
        pltpu.VMEM((CA, F), jnp.float32),
        pltpu.VMEM((CA, HP), jnp.float32),
        pltpu.VMEM((CA,), jnp.int32),
        pltpu.VMEM((CA,), jnp.int32),
        pltpu.VMEM((CA, F), jnp.float32),
        pltpu.VMEM((CA, F), jnp.float32),
        pltpu.VMEM((CA, HP), jnp.float32),
        pltpu.VMEM((CA,), jnp.int32),
        pltpu.VMEM((CA,), jnp.int32),
        pltpu.VMEM_SHARED((NP, HP), jnp.float32),
        pltpu.SemaphoreType.DMA,
        pltpu.SemaphoreType.DMA,
        pltpu.SemaphoreType.DMA,
        pltpu.SemaphoreType.DMA,
        pltpu.SemaphoreType.DMA,
        pltpu.SemaphoreType.DMA,
        pltpu.SemaphoreType.DMA,
        pltpu.SemaphoreType.DMA,
        pltpu.SemaphoreType.DMA,
        pltpu.SemaphoreType.DMA,
        pltpu.SemaphoreType.DMA,
        pltpu.SemaphoreType.DMA,
        pltpu.SemaphoreType.DMA,
        pltpu.SemaphoreType.DMA,
    ],
    compiler_params=pltpu.CompilerParams(
        use_tc_tiling_on_sc=False, needs_layout_passes=False),
)(_scores_body)



def _agg_body(v_hbm, src_hbm, dst_hbm, ex_hbm, den0_hbm, den1_hbm,
              out0_hbm, out1_hbm,
              src_v0, dst_v0, v_r0, ex_v0, d_v0,
              src_v1, dst_v1, v_r1, ex_v1, d_v1,
              wb_v0, wb_v1, stage, den_sh, out_sh,
              sv0, sd0, se0, sa0, sv1, sd1, se1, sa1,
              si0, sj0, sw0, si1, sj1, sw1):
    cid = lax.axis_index("c")
    sid = lax.axis_index("s")
    wid = sid * NC + cid
    r0 = sid * ROWS
    slots = ((src_v0, dst_v0, v_r0, ex_v0, d_v0, sv0, sd0, se0, sa0,
              si0, sj0, wb_v0, sw0),
             (src_v1, dst_v1, v_r1, ex_v1, d_v1, sv1, sd1, se1, sa1,
              si1, sj1, wb_v1, sw1))
    nch = EPW // CB

    pltpu.sync_copy(den0_hbm.at[pl.ds(r0, ROWS)], stage)
    for j in range(ROWS // CB):
        pltpu.sync_copy(den1_hbm.at[pl.ds(r0 + j * CB, CB)], ex_v0)

        @pl.loop(0, CB)
        def _add(i):
            stage[j * CB + i] = stage[j * CB + i] + ex_v0[i]

    pltpu.sync_copy(stage, den_sh.at[pl.ds(r0, ROWS)])

    @pl.loop(0, CB)
    def _zero(i):
        for h in range(F // 16):
            v_r0[i, pl.ds(h * 16, 16)] = jnp.zeros((16,), jnp.float32)

    for j in range(ROWS // CB):
        pltpu.sync_copy(v_r0, out_sh.at[pl.ds(r0 + j * CB, CB)])
    plsc.subcore_barrier()

    def fire_idx(ci, s):
        src_v, dst_v, si, sj = s[0], s[1], s[9], s[10]
        base = wid * EPW + ci * CB
        pltpu.async_copy(src_hbm.at[pl.ds(base, CB)], src_v, si)
        pltpu.async_copy(dst_hbm.at[pl.ds(base, CB)], dst_v, sj)

    def wait_idx(s):
        src_v, dst_v, si, sj = s[0], s[1], s[9], s[10]
        pltpu.make_async_copy(src_hbm.at[pl.ds(0, CB)], src_v, si).wait()
        pltpu.make_async_copy(dst_hbm.at[pl.ds(0, CB)], dst_v, sj).wait()

    def fire_gathers(ci, s):
        src_v, v_r, ex_v, d_v = s[0], s[2], s[3], s[4]
        sv, sd, se = s[5], s[6], s[7]
        base = wid * EPW + ci * CB
        pltpu.async_copy(v_hbm.at[src_v], v_r, sv)
        pltpu.async_copy(den_sh.at[src_v], d_v, sd)
        pltpu.async_copy(ex_hbm.at[pl.ds(base, CB)], ex_v, se)

    def fire_wbidx(ci, s):
        wb_v, sw = s[11], s[12]
        base = wid * EPW + ci * CB
        pltpu.async_copy(dst_hbm.at[pl.ds(base, CB)], wb_v, sw)

    def wait_wbidx(s):
        wb_v, sw = s[11], s[12]
        pltpu.make_async_copy(dst_hbm.at[pl.ds(0, CB)], wb_v, sw).wait()

    def wait_writeback(s):
        v_r, sa, wb_v = s[2], s[8], s[11]
        pltpu.make_async_copy(v_r, out_sh.at[wb_v], sa).wait()

    def wait_gathers(s):
        src_v, v_r, ex_v, d_v = s[0], s[2], s[3], s[4]
        sv, sd, se = s[5], s[6], s[7]
        pltpu.make_async_copy(v_hbm.at[src_v], v_r, sv).wait()
        pltpu.make_async_copy(den_sh.at[src_v], d_v, sd).wait()
        pltpu.make_async_copy(ex_hbm.at[pl.ds(0, CB)], ex_v, se).wait()

    def compute_scale(s):
        v_r, ex_v, d_v, sa, wb_v = s[2], s[3], s[4], s[8], s[11]

        @pl.loop(0, CB)
        def _edge(e):
            w = ex_v[e] / d_v[e]
            for h in range(H):
                s_h = w[h]
                sl = pl.ds(h * DH, DH)
                v_r[e, sl] = v_r[e, sl] * s_h

        wait_wbidx(s)
        pltpu.async_copy(v_r, out_sh.at[wb_v], sa, add=True)

    fire_idx(0, slots[0])
    fire_idx(1, slots[1])
    wait_idx(slots[0])
    fire_gathers(0, slots[0])

    @pl.loop(0, nch // 2)
    def _pair(i):
        for b in (0, 1):
            s = slots[b]
            o = slots[1 - b]
            ci = i * 2 + b

            fire_wbidx(ci, s)

            @pl.when(ci >= 1)
            def _():
                wait_writeback(o)

            @pl.when(ci + 1 < nch)
            def _():
                wait_idx(o)
                fire_gathers(ci + 1, o)

            wait_gathers(s)

            @pl.when(ci + 2 < nch)
            def _():
                fire_idx(ci + 2, s)

            compute_scale(s)

    fire_wbidx(nch - 1, slots[0])
    wait_writeback(slots[1])
    wait_gathers(slots[0])
    compute_scale(slots[0])
    wait_writeback(slots[0])
    plsc.subcore_barrier()

    for j in range(ROWS // CB):
        pltpu.sync_copy(out_sh.at[pl.ds(r0 + j * CB, CB)], v_r0)

        @pl.when(cid == 0)
        def _():
            pltpu.sync_copy(v_r0, out0_hbm.at[pl.ds(r0 + j * CB, CB)])

        @pl.when(cid == 1)
        def _():
            pltpu.sync_copy(v_r0, out1_hbm.at[pl.ds(r0 + j * CB, CB)])


_agg_call = functools.partial(
    pl.kernel,
    out_type=(jax.ShapeDtypeStruct((NP, F), jnp.float32),
              jax.ShapeDtypeStruct((NP, F), jnp.float32)),
    mesh=_mesh,
    scratch_types=[
        pltpu.VMEM((CB,), jnp.int32),
        pltpu.VMEM((CB,), jnp.int32),
        pltpu.VMEM((CB, F), jnp.float32),
        pltpu.VMEM((CB, HP), jnp.float32),
        pltpu.VMEM((CB, HP), jnp.float32),
        pltpu.VMEM((CB,), jnp.int32),
        pltpu.VMEM((CB,), jnp.int32),
        pltpu.VMEM((CB, F), jnp.float32),
        pltpu.VMEM((CB, HP), jnp.float32),
        pltpu.VMEM((CB, HP), jnp.float32),
        pltpu.VMEM((CB,), jnp.int32),
        pltpu.VMEM((CB,), jnp.int32),
        pltpu.VMEM((ROWS, HP), jnp.float32),
        pltpu.VMEM_SHARED((NP, HP), jnp.float32),
        pltpu.VMEM_SHARED((NP, F), jnp.float32),
        pltpu.SemaphoreType.DMA,
        pltpu.SemaphoreType.DMA,
        pltpu.SemaphoreType.DMA,
        pltpu.SemaphoreType.DMA,
        pltpu.SemaphoreType.DMA,
        pltpu.SemaphoreType.DMA,
        pltpu.SemaphoreType.DMA,
        pltpu.SemaphoreType.DMA,
        pltpu.SemaphoreType.DMA,
        pltpu.SemaphoreType.DMA,
        pltpu.SemaphoreType.DMA,
        pltpu.SemaphoreType.DMA,
        pltpu.SemaphoreType.DMA,
        pltpu.SemaphoreType.DMA,
    ],
    compiler_params=pltpu.CompilerParams(
        use_tc_tiling_on_sc=False, needs_layout_passes=False),
)(_agg_body)



def kernel(node_features, edge_index, Wq, bq, Wk, bk, Wv, bv, Wo, bo):
    src = edge_index[0]
    dst = edge_index[1]
    q, k, v = _qkv_proj(node_features, Wq, bq, Wk, bk, Wv, bv)
    ex, den0, den1 = _scores_call(q, k, src, dst)
    out0, out1 = _agg_call(v, src, dst, ex, den0, den1)
    return _out_proj(out0, out1, Wo, bo)

# --- scband reference (transcript-rebuilt; emitter-appended) ---
"""Pipeline reference for scband-attention-module-47665547051319 (READ-ONLY COPY).

The authoritative reference and input builder live on the scoring server;
editing this copy changes nothing except your own understanding.
"""

import jax, jax.numpy as jnp
import numpy as np

N = 10000
E = 320000
FEAT = 128
H = 8
DH = FEAT // H


def setup_inputs(seed: int = 0) -> dict:
    key = jax.random.key(seed)
    ks = jax.random.split(key, 12)
    s = 1.0 / np.sqrt(FEAT)
    inp = {
        "node_features": jax.random.normal(ks[0], (N, FEAT), dtype=jnp.float32),
        "edge_index": jax.random.randint(ks[1], (2, E), 0, N, dtype=jnp.int32),
        "Wq": jax.random.normal(ks[2], (FEAT, FEAT), dtype=jnp.float32) * s,
        "bq": jax.random.normal(ks[3], (FEAT,), dtype=jnp.float32) * s,
        "Wk": jax.random.normal(ks[4], (FEAT, FEAT), dtype=jnp.float32) * s,
        "bk": jax.random.normal(ks[5], (FEAT,), dtype=jnp.float32) * s,
        "Wv": jax.random.normal(ks[6], (FEAT, FEAT), dtype=jnp.float32) * s,
        "bv": jax.random.normal(ks[7], (FEAT,), dtype=jnp.float32) * s,
        "Wo": jax.random.normal(ks[8], (FEAT, FEAT), dtype=jnp.float32) * s,
        "bo": jax.random.normal(ks[9], (FEAT,), dtype=jnp.float32) * s,
    }
    return inp


def reference(node_features, edge_index, Wq, bq, Wk, bk, Wv, bv, Wo, bo):
    src = edge_index[0]
    dst = edge_index[1]
    q = (node_features @ Wq.T + bq).reshape(N, H, DH)
    k = (node_features @ Wk.T + bk).reshape(N, H, DH)
    v = (node_features @ Wv.T + bv).reshape(N, H, DH)
    src_q = q[src]            # (E, H, DH) gather
    dst_k = k[dst]            # (E, H, DH) gather
    scores = jnp.sum(src_q * dst_k, axis=-1) / np.sqrt(DH)  # (E, H)
    # per-source-node softmax over incident edges (segment softmax),
    # equivalent to the torch loop over unique src nodes
    seg_max = jax.ops.segment_max(scores, src, num_segments=N)  # (N, H)
    seg_max = jnp.where(jnp.isfinite(seg_max), seg_max, 0.0)
    ex = jnp.exp(scores - seg_max[src])
    denom = jax.ops.segment_sum(ex, src, num_segments=N)  # (N, H)
    attn = ex / denom[src]
    # dropout_prob=0.0 -> identity
    src_v = v[src]                         # (E, H, DH) gather
    weighted = src_v * attn[:, :, None]    # (E, H, DH)
    out = jnp.zeros((N, H, DH), dtype=node_features.dtype).at[dst].add(weighted)  # scatter-add
    out = out.reshape(N, FEAT)
    return out @ Wo.T + bo

if __name__ == "__main__":
    import jax
    _d = setup_inputs()
    print(jax.jit(kernel)(*tuple(_d.values())))

</pallas_src>

<mosaic_0001>
#map = affine_map<(d0, d1) -> (0, 0)>
#map1 = affine_map<(d0, d1) -> (0)>
module attributes {stable_mosaic.version = 14 : i64} {
  func.func @_scores_body(%arg0: i32, %arg1: i32, %arg2: memref<10000x128xf32, #tpu.memory_space<hbm>>, %arg3: memref<10000x128xf32, #tpu.memory_space<hbm>>, %arg4: memref<320000xi32, #tpu.memory_space<hbm>>, %arg5: memref<320000xi32, #tpu.memory_space<hbm>>, %arg6: memref<320000x16xf32, #tpu.memory_space<hbm>>, %arg7: memref<10240x16xf32, #tpu.memory_space<hbm>>, %arg8: memref<10240x16xf32, #tpu.memory_space<hbm>>, %arg9: memref<200xi32, #tpu.memory_space<vmem>>, %arg10: memref<200xi32, #tpu.memory_space<vmem>>, %arg11: memref<200x128xf32, #tpu.memory_space<vmem>>, %arg12: memref<200x128xf32, #tpu.memory_space<vmem>>, %arg13: memref<200x16xf32, #tpu.memory_space<vmem>>, %arg14: memref<200xi32, #tpu.memory_space<vmem>>, %arg15: memref<200xi32, #tpu.memory_space<vmem>>, %arg16: memref<200x128xf32, #tpu.memory_space<vmem>>, %arg17: memref<200x128xf32, #tpu.memory_space<vmem>>, %arg18: memref<200x16xf32, #tpu.memory_space<vmem>>, %arg19: memref<200xi32, #tpu.memory_space<vmem>>, %arg20: memref<200xi32, #tpu.memory_space<vmem>>, %arg21: memref<10240x16xf32, #tpu.memory_space<vmem_shared>>, %arg22: memref<!tpu.dma_semaphore, #tpu.memory_space<semaphore_mem>>, %arg23: memref<!tpu.dma_semaphore, #tpu.memory_space<semaphore_mem>>, %arg24: memref<!tpu.dma_semaphore, #tpu.memory_space<semaphore_mem>>, %arg25: memref<!tpu.dma_semaphore, #tpu.memory_space<semaphore_mem>>, %arg26: memref<!tpu.dma_semaphore, #tpu.memory_space<semaphore_mem>>, %arg27: memref<!tpu.dma_semaphore, #tpu.memory_space<semaphore_mem>>, %arg28: memref<!tpu.dma_semaphore, #tpu.memory_space<semaphore_mem>>, %arg29: memref<!tpu.dma_semaphore, #tpu.memory_space<semaphore_mem>>, %arg30: memref<!tpu.dma_semaphore, #tpu.memory_space<semaphore_mem>>, %arg31: memref<!tpu.dma_semaphore, #tpu.memory_space<semaphore_mem>>, %arg32: memref<!tpu.dma_semaphore, #tpu.memory_space<semaphore_mem>>, %arg33: memref<!tpu.dma_semaphore, #tpu.memory_space<semaphore_mem>>, %arg34: memref<!tpu.dma_semaphore, #tpu.memory_space<semaphore_mem>>, %arg35: memref<!tpu.dma_semaphore, #tpu.memory_space<semaphore_mem>>) attributes {dimension_semantics = [#tpu.dimension_semantics<core_parallel>, #tpu.dimension_semantics<subcore_parallel>], iteration_bounds = array<i64: 2, 16>, scalar_prefetch = 0 : i64, scratch_operands = 27 : i64, tpu.core_type = #tpu.core_type<sc_vector_subcore>, window_params = [{transform_indices = #map}, {transform_indices = #map}, {transform_indices = #map1}, {transform_indices = #map1}, {transform_indices = #map}, {transform_indices = #map}, {transform_indices = #map}]} {
    %mul3A = arith.constant 2 : i32
    %mul3A_0 = arith.muli %arg1, %mul3A : i32
    %add3A = arith.addi %mul3A_0, %arg0 : i32
    %mul3A_1 = arith.constant 640 : i32
    %mul3A_2 = arith.muli %arg1, %mul3A_1 : i32
    %scan3A = arith.constant 0 : i32
    %scan3A_3 = arith.constant 200 : i32
    %scan3A_4 = arith.addi %scan3A, %scan3A_3 : i32
    %scan3A_5 = arith.constant 1 : i32
    scf.for %scan3A_103 = %scan3A to %scan3A_4 step %scan3A_5  : i32 {
      %mul3A_104 = arith.constant 1 : i32
      %mul3A_105 = arith.muli %scan3A_103, %mul3A_104 : i32
      %add3A_106 = arith.constant 0 : i32
      %add3A_107 = arith.addi %add3A_106, %mul3A_105 : i32
      %broadcast_in_dim3A = arith.constant 0.000000e+00 : f32
      %broadcast_in_dim3A_108 = vector.broadcast %broadcast_in_dim3A : f32 to vector<16xf32>
      %swap3A = arith.index_cast %add3A_107 : i32 to index
      %swap3A_109 = arith.constant 0 : index
      %swap3A_110 = tpu.vector_load %arg13[%swap3A, %swap3A_109] {strides = array<i32>} : memref<200x16xf32, #tpu.memory_space<vmem>>, vector<16xf32>,
      tpu.vector_store %arg13[%swap3A, %swap3A_109], %broadcast_in_dim3A_108 {strides = array<i32>} : memref<200x16xf32, #tpu.memory_space<vmem>>, vector<16xf32>,
      %broadcast_in_dim3A_111 = arith.constant 0.000000e+00 : f32
      %broadcast_in_dim3A_112 = vector.broadcast %broadcast_in_dim3A_111 : f32 to vector<16xf32>
      %swap3A_113 = arith.index_cast %add3A_107 : i32 to index
      %swap3A_114 = arith.constant 0 : index
      %swap3A_115 = tpu.vector_load %arg18[%swap3A_113, %swap3A_114] {strides = array<i32>} : memref<200x16xf32, #tpu.memory_space<vmem>>, vector<16xf32>,
      tpu.vector_store %arg18[%swap3A_113, %swap3A_114], %broadcast_in_dim3A_112 {strides = array<i32>} : memref<200x16xf32, #tpu.memory_space<vmem>>, vector<16xf32>,
    }
    %scan3A_6 = arith.constant 200 : i32
    %add3A_7 = arith.constant 0 : i32
    %add3A_8 = arith.addi %mul3A_2, %add3A_7 : i32
    "tpu.region"() ({
      %run_scoped3A = tpu.sem_alloc : memref<!tpu.dma_semaphore, #tpu.memory_space<semaphore_mem>>
      %dma_start3A_103 = arith.constant 0 : i32
      %dma_start3A_104 = arith.constant 0 : i32
      %dma_start3A_105 = tpu.memref_slice %arg13[%dma_start3A_103, %dma_start3A_104] : memref<200x16xf32, #tpu.memory_space<vmem>> -> memref<200x16xf32, #tpu.memory_space<vmem>>
      %dma_start3A_106 = arith.constant 0 : i32
      %dma_start3A_107 = tpu.memref_slice %arg21[%add3A_8, %dma_start3A_106] : memref<10240x16xf32, #tpu.memory_space<vmem_shared>> -> memref<200x16xf32, #tpu.memory_space<vmem_shared>>
      %dma_start3A_108 = arith.constant 0 : i32
      %dma_start3A_109 = tpu.memref_slice %arg21[%add3A_8, %dma_start3A_108] : memref<10240x16xf32, #tpu.memory_space<vmem_shared>> -> memref<200x16xf32, #tpu.memory_space<vmem_shared>>
      %dma_start3A_110 = arith.constant 0 : i32
      %dma_start3A_111 = arith.constant 0 : i32
      %dma_start3A_112 = tpu.memref_slice %arg13[%dma_start3A_110, %dma_start3A_111] : memref<200x16xf32, #tpu.memory_space<vmem>> -> memref<200x16xf32, #tpu.memory_space<vmem>>
      tpu.enqueue_dma source(%dma_start3A_112 : memref<200x16xf32, #tpu.memory_space<vmem>>) target(%dma_start3A_109 : memref<200x16xf32, #tpu.memory_space<vmem_shared>>) target_semaphore(%run_scoped3A : memref<!tpu.dma_semaphore, #tpu.memory_space<semaphore_mem>>)
      %dma_wait3A_113 = arith.constant 0 : i32
      %dma_wait3A_114 = arith.constant 0 : i32
      %dma_wait3A_115 = tpu.memref_slice %arg13[%dma_wait3A_113, %dma_wait3A_114] : memref<200x16xf32, #tpu.memory_space<vmem>> -> memref<200x16xf32, #tpu.memory_space<vmem>>
      %dma_wait3A_116 = arith.constant 0 : i32
      %dma_wait3A_117 = tpu.memref_slice %arg21[%add3A_8, %dma_wait3A_116] : memref<10240x16xf32, #tpu.memory_space<vmem_shared>> -> memref<200x16xf32, #tpu.memory_space<vmem_shared>>
      %dma_wait3A_118 = arith.constant 0 : i32
      %dma_wait3A_119 = tpu.memref_slice %arg21[%add3A_8, %dma_wait3A_118] : memref<10240x16xf32, #tpu.memory_space<vmem_shared>> -> memref<200x16xf32, #tpu.memory_space<vmem_shared>>
      %dma_wait3A_120 = arith.constant 0 : i32
      %dma_wait3A_121 = arith.constant 0 : i32
      %dma_wait3A_122 = tpu.memref_slice %arg13[%dma_wait3A_120, %dma_wait3A_121] : memref<200x16xf32, #tpu.memory_space<vmem>> -> memref<200x16xf32, #tpu.memory_space<vmem>>
      tpu.wait_dma2 semaphore(%run_scoped3A : memref<!tpu.dma_semaphore, #tpu.memory_space<semaphore_mem>>) src(%dma_wait3A_122 : memref<200x16xf32, #tpu.memory_space<vmem>>) dst(%dma_wait3A_119 : memref<200x16xf32, #tpu.memory_space<vmem_shared>>)
      tpu.yield
    }) : () -> ()
    %add3A_9 = arith.constant 200 : i32
    %add3A_10 = arith.addi %mul3A_2, %add3A_9 : i32
    "tpu.region"() ({
      %run_scoped3A = tpu.sem_alloc : memref<!tpu.dma_semaphore, #tpu.memory_space<semaphore_mem>>
      %dma_start3A_103 = arith.constant 0 : i32
      %dma_start3A_104 = arith.constant 0 : i32
      %dma_start3A_105 = tpu.memref_slice %arg13[%dma_start3A_103, %dma_start3A_104] : memref<200x16xf32, #tpu.memory_space<vmem>> -> memref<200x16xf32, #tpu.memory_space<vmem>>
      %dma_start3A_106 = arith.constant 0 : i32
      %dma_start3A_107 = tpu.memref_slice %arg21[%add3A_10, %dma_start3A_106] : memref<10240x16xf32, #tpu.memory_space<vmem_shared>> -> memref<200x16xf32, #tpu.memory_space<vmem_shared>>
      %dma_start3A_108 = arith.constant 0 : i32
      %dma_start3A_109 = tpu.memref_slice %arg21[%add3A_10, %dma_start3A_108] : memref<10240x16xf32, #tpu.memory_space<vmem_shared>> -> memref<200x16xf32, #tpu.memory_space<vmem_shared>>
      %dma_start3A_110 = arith.constant 0 : i32
      %dma_start3A_111 = arith.constant 0 : i32
      %dma_start3A_112 = tpu.memref_slice %arg13[%dma_start3A_110, %dma_start3A_111] : memref<200x16xf32, #tpu.memory_space<vmem>> -> memref<200x16xf32, #tpu.memory_space<vmem>>
      tpu.enqueue_dma source(%dma_start3A_112 : memref<200x16xf32, #tpu.memory_space<vmem>>) target(%dma_start3A_109 : memref<200x16xf32, #tpu.memory_space<vmem_shared>>) target_semaphore(%run_scoped3A : memref<!tpu.dma_semaphore, #tpu.memory_space<semaphore_mem>>)
      %dma_wait3A_113 = arith.constant 0 : i32
      %dma_wait3A_114 = arith.constant 0 : i32
      %dma_wait3A_115 = tpu.memref_slice %arg13[%dma_wait3A_113, %dma_wait3A_114] : memref<200x16xf32, #tpu.memory_space<vmem>> -> memref<200x16xf32, #tpu.memory_space<vmem>>
      %dma_wait3A_116 = arith.constant 0 : i32
      %dma_wait3A_117 = tpu.memref_slice %arg21[%add3A_10, %dma_wait3A_116] : memref<10240x16xf32, #tpu.memory_space<vmem_shared>> -> memref<200x16xf32, #tpu.memory_space<vmem_shared>>
      %dma_wait3A_118 = arith.constant 0 : i32
      %dma_wait3A_119 = tpu.memref_slice %arg21[%add3A_10, %dma_wait3A_118] : memref<10240x16xf32, #tpu.memory_space<vmem_shared>> -> memref<200x16xf32, #tpu.memory_space<vmem_shared>>
      %dma_wait3A_120 = arith.constant 0 : i32
      %dma_wait3A_121 = arith.constant 0 : i32
      %dma_wait3A_122 = tpu.memref_slice %arg13[%dma_wait3A_120, %dma_wait3A_121] : memref<200x16xf32, #tpu.memory_space<vmem>> -> memref<200x16xf32, #tpu.memory_space<vmem>>
      tpu.wait_dma2 semaphore(%run_scoped3A : memref<!tpu.dma_semaphore, #tpu.memory_space<semaphore_mem>>) src(%dma_wait3A_122 : memref<200x16xf32, #tpu.memory_space<vmem>>) dst(%dma_wait3A_119 : memref<200x16xf32, #tpu.memory_space<vmem_shared>>)
      tpu.yield
    }) : () -> ()
    %add3A_11 = arith.constant 400 : i32
    %add3A_12 = arith.addi %mul3A_2, %add3A_11 : i32
    "tpu.region"() ({
      %run_scoped3A = tpu.sem_alloc : memref<!tpu.dma_semaphore, #tpu.memory_space<semaphore_mem>>
      %dma_start3A_103 = arith.constant 0 : i32
      %dma_start3A_104 = arith.constant 0 : i32
      %dma_start3A_105 = tpu.memref_slice %arg13[%dma_start3A_103, %dma_start3A_104] : memref<200x16xf32, #tpu.memory_space<vmem>> -> memref<200x16xf32, #tpu.memory_space<vmem>>
      %dma_start3A_106 = arith.constant 0 : i32
      %dma_start3A_107 = tpu.memref_slice %arg21[%add3A_12, %dma_start3A_106] : memref<10240x16xf32, #tpu.memory_space<vmem_shared>> -> memref<200x16xf32, #tpu.memory_space<vmem_shared>>
      %dma_start3A_108 = arith.constant 0 : i32
      %dma_start3A_109 = tpu.memref_slice %arg21[%add3A_12, %dma_start3A_108] : memref<10240x16xf32, #tpu.memory_space<vmem_shared>> -> memref<200x16xf32, #tpu.memory_space<vmem_shared>>
      %dma_start3A_110 = arith.constant 0 : i32
      %dma_start3A_111 = arith.constant 0 : i32
      %dma_start3A_112 = tpu.memref_slice %arg13[%dma_start3A_110, %dma_start3A_111] : memref<200x16xf32, #tpu.memory_space<vmem>> -> memref<200x16xf32, #tpu.memory_space<vmem>>
      tpu.enqueue_dma source(%dma_start3A_112 : memref<200x16xf32, #tpu.memory_space<vmem>>) target(%dma_start3A_109 : memref<200x16xf32, #tpu.memory_space<vmem_shared>>) target_semaphore(%run_scoped3A : memref<!tpu.dma_semaphore, #tpu.memory_space<semaphore_mem>>)
      %dma_wait3A_113 = arith.constant 0 : i32
      %dma_wait3A_114 = arith.constant 0 : i32
      %dma_wait3A_115 = tpu.memref_slice %arg13[%dma_wait3A_113, %dma_wait3A_114] : memref<200x16xf32, #tpu.memory_space<vmem>> -> memref<200x16xf32, #tpu.memory_space<vmem>>
      %dma_wait3A_116 = arith.constant 0 : i32
      %dma_wait3A_117 = tpu.memref_slice %arg21[%add3A_12, %dma_wait3A_116] : memref<10240x16xf32, #tpu.memory_space<vmem_shared>> -> memref<200x16xf32, #tpu.memory_space<vmem_shared>>
      %dma_wait3A_118 = arith.constant 0 : i32
      %dma_wait3A_119 = tpu.memref_slice %arg21[%add3A_12, %dma_wait3A_118] : memref<10240x16xf32, #tpu.memory_space<vmem_shared>> -> memref<200x16xf32, #tpu.memory_space<vmem_shared>>
      %dma_wait3A_120 = arith.constant 0 : i32
      %dma_wait3A_121 = arith.constant 0 : i32
      %dma_wait3A_122 = tpu.memref_slice %arg13[%dma_wait3A_120, %dma_wait3A_121] : memref<200x16xf32, #tpu.memory_space<vmem>> -> memref<200x16xf32, #tpu.memory_space<vmem>>
      tpu.wait_dma2 semaphore(%run_scoped3A : memref<!tpu.dma_semaphore, #tpu.memory_space<semaphore_mem>>) src(%dma_wait3A_122 : memref<200x16xf32, #tpu.memory_space<vmem>>) dst(%dma_wait3A_119 : memref<200x16xf32, #tpu.memory_space<vmem_shared>>)
      tpu.yield
    }) : () -> ()
    %add3A_13 = arith.constant 600 : i32
    %add3A_14 = arith.addi %mul3A_2, %add3A_13 : i32
    "tpu.region"() ({
      %run_scoped3A = tpu.sem_alloc : memref<!tpu.dma_semaphore, #tpu.memory_space<semaphore_mem>>
      %dma_start3A_103 = arith.constant 0 : i32
      %dma_start3A_104 = arith.constant 0 : i32
      %dma_start3A_105 = tpu.memref_slice %arg13[%dma_start3A_103, %dma_start3A_104] : memref<200x16xf32, #tpu.memory_space<vmem>> -> memref<40x16xf32, #tpu.memory_space<vmem>>
      %dma_start3A_106 = arith.constant 0 : i32
      %dma_start3A_107 = tpu.memref_slice %arg21[%add3A_14, %dma_start3A_106] : memref<10240x16xf32, #tpu.memory_space<vmem_shared>> -> memref<40x16xf32, #tpu.memory_space<vmem_shared>>
      %dma_start3A_108 = arith.constant 0 : i32
      %dma_start3A_109 = tpu.memref_slice %arg21[%add3A_14, %dma_start3A_108] : memref<10240x16xf32, #tpu.memory_space<vmem_shared>> -> memref<40x16xf32, #tpu.memory_space<vmem_shared>>
      %dma_start3A_110 = arith.constant 0 : i32
      %dma_start3A_111 = arith.constant 0 : i32
      %dma_start3A_112 = tpu.memref_slice %arg13[%dma_start3A_110, %dma_start3A_111] : memref<200x16xf32, #tpu.memory_space<vmem>> -> memref<40x16xf32, #tpu.memory_space<vmem>>
      tpu.enqueue_dma source(%dma_start3A_112 : memref<40x16xf32, #tpu.memory_space<vmem>>) target(%dma_start3A_109 : memref<40x16xf32, #tpu.memory_space<vmem_shared>>) target_semaphore(%run_scoped3A : memref<!tpu.dma_semaphore, #tpu.memory_space<semaphore_mem>>)
      %dma_wait3A_113 = arith.constant 0 : i32
      %dma_wait3A_114 = arith.constant 0 : i32
      %dma_wait3A_115 = tpu.memref_slice %arg13[%dma_wait3A_113, %dma_wait3A_114] : memref<200x16xf32, #tpu.memory_space<vmem>> -> memref<40x16xf32, #tpu.memory_space<vmem>>
      %dma_wait3A_116 = arith.constant 0 : i32
      %dma_wait3A_117 = tpu.memref_slice %arg21[%add3A_14, %dma_wait3A_116] : memref<10240x16xf32, #tpu.memory_space<vmem_shared>> -> memref<40x16xf32, #tpu.memory_space<vmem_shared>>
      %dma_wait3A_118 = arith.constant 0 : i32
      %dma_wait3A_119 = tpu.memref_slice %arg21[%add3A_14, %dma_wait3A_118] : memref<10240x16xf32, #tpu.memory_space<vmem_shared>> -> memref<40x16xf32, #tpu.memory_space<vmem_shared>>
      %dma_wait3A_120 = arith.constant 0 : i32
      %dma_wait3A_121 = arith.constant 0 : i32
      %dma_wait3A_122 = tpu.memref_slice %arg13[%dma_wait3A_120, %dma_wait3A_121] : memref<200x16xf32, #tpu.memory_space<vmem>> -> memref<40x16xf32, #tpu.memory_space<vmem>>
      tpu.wait_dma2 semaphore(%run_scoped3A : memref<!tpu.dma_semaphore, #tpu.memory_space<semaphore_mem>>) src(%dma_wait3A_122 : memref<40x16xf32, #tpu.memory_space<vmem>>) dst(%dma_wait3A_119 : memref<40x16xf32, #tpu.memory_space<vmem_shared>>)
      tpu.yield
    }) : () -> ()
    %barrier3A = arith.constant 0 : index
    tpu.barrier barrier_id(%barrier3A)
    %iota3A = tpu.iota {dimensions = array<i32: 0>} : vector<16xi32>
    %mul3A_15 = arith.constant 10000 : i32
    %mul3A_16 = arith.muli %add3A, %mul3A_15 : i32
    %add3A_17 = arith.constant 0 : i32
    %add3A_18 = arith.addi %mul3A_16, %add3A_17 : i32
    %dma_start3A = tpu.memref_slice %arg4[%add3A_18] : memref<320000xi32, #tpu.memory_space<hbm>> -> memref<200xi32, #tpu.memory_space<hbm>>
    %dma_start3A_19 = tpu.memref_slice %arg4[%add3A_18] : memref<320000xi32, #tpu.memory_space<hbm>> -> memref<200xi32, #tpu.memory_space<hbm>>
    tpu.enqueue_dma source(%dma_start3A_19 : memref<200xi32, #tpu.memory_space<hbm>>) target(%arg9 : memref<200xi32, #tpu.memory_space<vmem>>) target_semaphore(%arg30 : memref<!tpu.dma_semaphore, #tpu.memory_space<semaphore_mem>>)
    %dma_start3A_20 = tpu.memref_slice %arg5[%add3A_18] : memref<320000xi32, #tpu.memory_space<hbm>> -> memref<200xi32, #tpu.memory_space<hbm>>
    %dma_start3A_21 = tpu.memref_slice %arg5[%add3A_18] : memref<320000xi32, #tpu.memory_space<hbm>> -> memref<200xi32, #tpu.memory_space<hbm>>
    tpu.enqueue_dma source(%dma_start3A_21 : memref<200xi32, #tpu.memory_space<hbm>>) target(%arg10 : memref<200xi32, #tpu.memory_space<vmem>>) target_semaphore(%arg31 : memref<!tpu.dma_semaphore, #tpu.memory_space<semaphore_mem>>)
    %mul3A_22 = arith.constant 10000 : i32
    %mul3A_23 = arith.muli %add3A, %mul3A_22 : i32
    %add3A_24 = arith.constant 200 : i32
    %add3A_25 = arith.addi %mul3A_23, %add3A_24 : i32
    %dma_start3A_26 = tpu.memref_slice %arg4[%add3A_25] : memref<320000xi32, #tpu.memory_space<hbm>> -> memref<200xi32, #tpu.memory_space<hbm>>
    %dma_start3A_27 = tpu.memref_slice %arg4[%add3A_25] : memref<320000xi32, #tpu.memory_space<hbm>> -> memref<200xi32, #tpu.memory_space<hbm>>
    tpu.enqueue_dma source(%dma_start3A_27 : memref<200xi32, #tpu.memory_space<hbm>>) target(%arg14 : memref<200xi32, #tpu.memory_space<vmem>>) target_semaphore(%arg32 : memref<!tpu.dma_semaphore, #tpu.memory_space<semaphore_mem>>)
    %dma_start3A_28 = tpu.memref_slice %arg5[%add3A_25] : memref<320000xi32, #tpu.memory_space<hbm>> -> memref<200xi32, #tpu.memory_space<hbm>>
    %dma_start3A_29 = tpu.memref_slice %arg5[%add3A_25] : memref<320000xi32, #tpu.memory_space<hbm>> -> memref<200xi32, #tpu.memory_space<hbm>>
    tpu.enqueue_dma source(%dma_start3A_29 : memref<200xi32, #tpu.memory_space<hbm>>) target(%arg15 : memref<200xi32, #tpu.memory_space<vmem>>) target_semaphore(%arg33 : memref<!tpu.dma_semaphore, #tpu.memory_space<semaphore_mem>>)
    %dma_wait3A = arith.constant 0 : i32
    %dma_wait3A_30 = tpu.memref_slice %arg4[%dma_wait3A] : memref<320000xi32, #tpu.memory_space<hbm>> -> memref<200xi32, #tpu.memory_space<hbm>>
    %dma_wait3A_31 = arith.constant 0 : i32
    %dma_wait3A_32 = tpu.memref_slice %arg4[%dma_wait3A_31] : memref<320000xi32, #tpu.memory_space<hbm>> -> memref<200xi32, #tpu.memory_space<hbm>>
    tpu.wait_dma2 semaphore(%arg30 : memref<!tpu.dma_semaphore, #tpu.memory_space<semaphore_mem>>) src(%dma_wait3A_32 : memref<200xi32, #tpu.memory_space<hbm>>) dst(%arg9 : memref<200xi32, #tpu.memory_space<vmem>>)
    %dma_wait3A_33 = arith.constant 0 : i32
    %dma_wait3A_34 = tpu.memref_slice %arg5[%dma_wait3A_33] : memref<320000xi32, #tpu.memory_space<hbm>> -> memref<200xi32, #tpu.memory_space<hbm>>
    %dma_wait3A_35 = arith.constant 0 : i32
    %dma_wait3A_36 = tpu.memref_slice %arg5[%dma_wait3A_35] : memref<320000xi32, #tpu.memory_space<hbm>> -> memref<200xi32, #tpu.memory_space<hbm>>
    tpu.wait_dma2 semaphore(%arg31 : memref<!tpu.dma_semaphore, #tpu.memory_space<semaphore_mem>>) src(%dma_wait3A_36 : memref<200xi32, #tpu.memory_space<hbm>>) dst(%arg10 : memref<200xi32, #tpu.memory_space<vmem>>)
    %dma_start3A_37 = arith.constant 0 : i32
    %dma_start3A_38 = arith.constant 0 : i32
    %dma_start3A_39 = tpu.memref_slice %arg2[%dma_start3A_37, %dma_start3A_38] : memref<10000x128xf32, #tpu.memory_space<hbm>> -> memref<10000x128xf32, #tpu.memory_space<hbm>>
    tpu.enqueue_indirect_dma source(%dma_start3A_39 : memref<10000x128xf32, #tpu.memory_space<hbm>>) target(%arg11 : memref<200x128xf32, #tpu.memory_space<vmem>>) offsets(%arg9 : memref<200xi32, #tpu.memory_space<vmem>>) semaphore(%arg22 : memref<!tpu.dma_semaphore, #tpu.memory_space<semaphore_mem>>)
    %dma_start3A_40 = arith.constant 0 : i32
    %dma_start3A_41 = arith.constant 0 : i32
    %dma_start3A_42 = tpu.memref_slice %arg3[%dma_start3A_40, %dma_start3A_41] : memref<10000x128xf32, #tpu.memory_space<hbm>> -> memref<10000x128xf32, #tpu.memory_space<hbm>>
    tpu.enqueue_indirect_dma source(%dma_start3A_42 : memref<10000x128xf32, #tpu.memory_space<hbm>>) target(%arg12 : memref<200x128xf32, #tpu.memory_space<vmem>>) offsets(%arg10 : memref<200xi32, #tpu.memory_space<vmem>>) semaphore(%arg23 : memref<!tpu.dma_semaphore, #tpu.memory_space<semaphore_mem>>)
    %scan3A_43 = arith.constant 0 : i32
    %scan3A_44 = arith.constant 25 : i32
    %scan3A_45 = arith.addi %scan3A_43, %scan3A_44 : i32
    %scan3A_46 = arith.constant 1 : i32
    scf.for %scan3A_103 = %scan3A_43 to %scan3A_45 step %scan3A_46  : i32 {
      %mul3A_104 = arith.constant 1 : i32
      %mul3A_105 = arith.muli %scan3A_103, %mul3A_104 : i32
      %add3A_106 = arith.constant 0 : i32
      %add3A_107 = arith.addi %add3A_106, %mul3A_105 : i32
      %mul3A_108 = arith.constant 2 : i32
      %mul3A_109 = arith.muli %add3A_107, %mul3A_108 : i32
      %add3A_110 = arith.constant 0 : i32
      %add3A_111 = arith.addi %mul3A_109, %add3A_110 : i32
      %mul3A_112 = arith.constant 10000 : i32
      %mul3A_113 = arith.muli %add3A, %mul3A_112 : i32
      %mul3A_114 = arith.constant 200 : i32
      %mul3A_115 = arith.muli %add3A_111, %mul3A_114 : i32
      %add3A_116 = arith.addi %mul3A_113, %mul3A_115 : i32
      %mul3A_117 = arith.constant 10000 : i32
      %mul3A_118 = arith.muli %add3A, %mul3A_117 : i32
      %mul3A_119 = arith.constant 200 : i32
      %mul3A_120 = arith.muli %add3A_111, %mul3A_119 : i32
      %add3A_121 = arith.addi %mul3A_118, %mul3A_120 : i32
      %dma_start3A_122 = tpu.memref_slice %arg4[%add3A_121] : memref<320000xi32, #tpu.memory_space<hbm>> -> memref<200xi32, #tpu.memory_space<hbm>>
      %dma_start3A_123 = tpu.memref_slice %arg4[%add3A_121] : memref<320000xi32, #tpu.memory_space<hbm>> -> memref<200xi32, #tpu.memory_space<hbm>>
      tpu.enqueue_dma source(%dma_start3A_123 : memref<200xi32, #tpu.memory_space<hbm>>) target(%arg19 : memref<200xi32, #tpu.memory_space<vmem>>) target_semaphore(%arg34 : memref<!tpu.dma_semaphore, #tpu.memory_space<semaphore_mem>>)
      %ge3A = arith.constant 1 : i32
      %ge3A_124 = arith.cmpi sge, %add3A_111, %ge3A : i32
      %convert_element_type3A_125 = arith.extui %ge3A_124 : i1 to i32
      %cond3A_126 = arith.constant 0 : i32
      %cond3A_127 = arith.cmpi ne, %convert_element_type3A_125, %cond3A_126 : i32
      scf.if %cond3A_127 {
        %dma_wait3A_220 = arith.constant 0 : i32
        %dma_wait3A_221 = arith.constant 0 : i32
        %dma_wait3A_222 = tpu.memref_slice %arg21[%dma_wait3A_220, %dma_wait3A_221] : memref<10240x16xf32, #tpu.memory_space<vmem_shared>> -> memref<10240x16xf32, #tpu.memory_space<vmem_shared>>
        tpu.wait_indirect_dma semaphore(%arg28 : memref<!tpu.dma_semaphore, #tpu.memory_space<semaphore_mem>>) src(%arg18 : memref<200x16xf32, #tpu.memory_space<vmem>>) dst(%dma_wait3A_222 : memref<10240x16xf32, #tpu.memory_space<vmem_shared>>)
        %dma_wait3A_223 = arith.constant 0 : i32
        %dma_wait3A_224 = arith.constant 0 : i32
        %dma_wait3A_225 = tpu.memref_slice %arg6[%dma_wait3A_223, %dma_wait3A_224] : memref<320000x16xf32, #tpu.memory_space<hbm>> -> memref<200x16xf32, #tpu.memory_space<hbm>>
        %dma_wait3A_226 = arith.constant 0 : i32
        %dma_wait3A_227 = arith.constant 0 : i32
        %dma_wait3A_228 = tpu.memref_slice %arg6[%dma_wait3A_226, %dma_wait3A_227] : memref<320000x16xf32, #tpu.memory_space<hbm>> -> memref<200x16xf32, #tpu.memory_space<hbm>>
        tpu.wait_dma2 semaphore(%arg29 : memref<!tpu.dma_semaphore, #tpu.memory_space<semaphore_mem>>) src(%arg18 : memref<200x16xf32, #tpu.memory_space<vmem>>) dst(%dma_wait3A_228 : memref<200x16xf32, #tpu.memory_space<hbm>>)
      } else {
      }
      %add3A_128 = arith.constant 1 : i32
      %add3A_129 = arith.addi %add3A_111, %add3A_128 : i32
      %lt3A = arith.constant 50 : i32
      %lt3A_130 = arith.cmpi slt, %add3A_129, %lt3A : i32
      %convert_element_type3A_131 = arith.extui %lt3A_130 : i1 to i32
      %cond3A_132 = arith.constant 0 : i32
      %cond3A_133 = arith.cmpi ne, %convert_element_type3A_131, %cond3A_132 : i32
      scf.if %cond3A_133 {
        %dma_wait3A_220 = arith.constant 0 : i32
        %dma_wait3A_221 = tpu.memref_slice %arg4[%dma_wait3A_220] : memref<320000xi32, #tpu.memory_space<hbm>> -> memref<200xi32, #tpu.memory_space<hbm>>
        %dma_wait3A_222 = arith.constant 0 : i32
        %dma_wait3A_223 = tpu.memref_slice %arg4[%dma_wait3A_222] : memref<320000xi32, #tpu.memory_space<hbm>> -> memref<200xi32, #tpu.memory_space<hbm>>
        tpu.wait_dma2 semaphore(%arg32 : memref<!tpu.dma_semaphore, #tpu.memory_space<semaphore_mem>>) src(%dma_wait3A_223 : memref<200xi32, #tpu.memory_space<hbm>>) dst(%arg14 : memref<200xi32, #tpu.memory_space<vmem>>)
        %dma_wait3A_224 = arith.constant 0 : i32
        %dma_wait3A_225 = tpu.memref_slice %arg5[%dma_wait3A_224] : memref<320000xi32, #tpu.memory_space<hbm>> -> memref<200xi32, #tpu.memory_space<hbm>>
        %dma_wait3A_226 = arith.constant 0 : i32
        %dma_wait3A_227 = tpu.memref_slice %arg5[%dma_wait3A_226] : memref<320000xi32, #tpu.memory_space<hbm>> -> memref<200xi32, #tpu.memory_space<hbm>>
        tpu.wait_dma2 semaphore(%arg33 : memref<!tpu.dma_semaphore, #tpu.memory_space<semaphore_mem>>) src(%dma_wait3A_227 : memref<200xi32, #tpu.memory_space<hbm>>) dst(%arg15 : memref<200xi32, #tpu.memory_space<vmem>>)
        %dma_start3A_228 = arith.constant 0 : i32
        %dma_start3A_229 = arith.constant 0 : i32
        %dma_start3A_230 = tpu.memref_slice %arg2[%dma_start3A_228, %dma_start3A_229] : memref<10000x128xf32, #tpu.memory_space<hbm>> -> memref<10000x128xf32, #tpu.memory_space<hbm>>
        tpu.enqueue_indirect_dma source(%dma_start3A_230 : memref<10000x128xf32, #tpu.memory_space<hbm>>) target(%arg16 : memref<200x128xf32, #tpu.memory_space<vmem>>) offsets(%arg14 : memref<200xi32, #tpu.memory_space<vmem>>) semaphore(%arg26 : memref<!tpu.dma_semaphore, #tpu.memory_space<semaphore_mem>>)
        %dma_start3A_231 = arith.constant 0 : i32
        %dma_start3A_232 = arith.constant 0 : i32
        %dma_start3A_233 = tpu.memref_slice %arg3[%dma_start3A_231, %dma_start3A_232] : memref<10000x128xf32, #tpu.memory_space<hbm>> -> memref<10000x128xf32, #tpu.memory_space<hbm>>
        tpu.enqueue_indirect_dma source(%dma_start3A_233 : memref<10000x128xf32, #tpu.memory_space<hbm>>) target(%arg17 : memref<200x128xf32, #tpu.memory_space<vmem>>) offsets(%arg15 : memref<200xi32, #tpu.memory_space<vmem>>) semaphore(%arg27 : memref<!tpu.dma_semaphore, #tpu.memory_space<semaphore_mem>>)
      } else {
      }
      %dma_wait3A_134 = arith.constant 0 : i32
      %dma_wait3A_135 = arith.constant 0 : i32
      %dma_wait3A_136 = tpu.memref_slice %arg2[%dma_wait3A_134, %dma_wait3A_135] : memref<10000x128xf32, #tpu.memory_space<hbm>> -> memref<10000x128xf32, #tpu.memory_space<hbm>>
      tpu.wait_indirect_dma semaphore(%arg22 : memref<!tpu.dma_semaphore, #tpu.memory_space<semaphore_mem>>) src(%dma_wait3A_136 : memref<10000x128xf32, #tpu.memory_space<hbm>>) dst(%arg11 : memref<200x128xf32, #tpu.memory_space<vmem>>)
      %dma_wait3A_137 = arith.constant 0 : i32
      %dma_wait3A_138 = arith.constant 0 : i32
      %dma_wait3A_139 = tpu.memref_slice %arg3[%dma_wait3A_137, %dma_wait3A_138] : memref<10000x128xf32, #tpu.memory_space<hbm>> -> memref<10000x128xf32, #tpu.memory_space<hbm>>
      tpu.wait_indirect_dma semaphore(%arg23 : memref<!tpu.dma_semaphore, #tpu.memory_space<semaphore_mem>>) src(%dma_wait3A_139 : memref<10000x128xf32, #tpu.memory_space<hbm>>) dst(%arg12 : memref<200x128xf32, #tpu.memory_space<vmem>>)
      %add3A_140 = arith.constant 2 : i32
      %add3A_141 = arith.addi %add3A_111, %add3A_140 : i32
      %lt3A_142 = arith.constant 50 : i32
      %lt3A_143 = arith.cmpi slt, %add3A_141, %lt3A_142 : i32
      %convert_element_type3A_144 = arith.extui %lt3A_143 : i1 to i32
      %cond3A_145 = arith.constant 0 : i32
      %cond3A_146 = arith.cmpi ne, %convert_element_type3A_144, %cond3A_145 : i32
      scf.if %cond3A_146 {
        %add3A_220 = arith.constant 2 : i32
        %add3A_221 = arith.addi %add3A_111, %add3A_220 : i32
        %mul3A_222 = arith.constant 10000 : i32
        %mul3A_223 = arith.muli %add3A, %mul3A_222 : i32
        %mul3A_224 = arith.constant 200 : i32
        %mul3A_225 = arith.muli %add3A_221, %mul3A_224 : i32
        %add3A_226 = arith.addi %mul3A_223, %mul3A_225 : i32
        %dma_start3A_227 = tpu.memref_slice %arg4[%add3A_226] : memref<320000xi32, #tpu.memory_space<hbm>> -> memref<200xi32, #tpu.memory_space<hbm>>
        %dma_start3A_228 = tpu.memref_slice %arg4[%add3A_226] : memref<320000xi32, #tpu.memory_space<hbm>> -> memref<200xi32, #tpu.memory_space<hbm>>
        tpu.enqueue_dma source(%dma_start3A_228 : memref<200xi32, #tpu.memory_space<hbm>>) target(%arg9 : memref<200xi32, #tpu.memory_space<vmem>>) target_semaphore(%arg30 : memref<!tpu.dma_semaphore, #tpu.memory_space<semaphore_mem>>)
        %dma_start3A_229 = tpu.memref_slice %arg5[%add3A_226] : memref<320000xi32, #tpu.memory_space<hbm>> -> memref<200xi32, #tpu.memory_space<hbm>>
        %dma_start3A_230 = tpu.memref_slice %arg5[%add3A_226] : memref<320000xi32, #tpu.memory_space<hbm>> -> memref<200xi32, #tpu.memory_space<hbm>>
        tpu.enqueue_dma source(%dma_start3A_230 : memref<200xi32, #tpu.memory_space<hbm>>) target(%arg10 : memref<200xi32, #tpu.memory_space<vmem>>) target_semaphore(%arg31 : memref<!tpu.dma_semaphore, #tpu.memory_space<semaphore_mem>>)
      } else {
      }
      %scan3A_147 = arith.constant 0 : i32
      %scan3A_148 = arith.constant 200 : i32
      %scan3A_149 = arith.addi %scan3A_147, %scan3A_148 : i32
      %scan3A_150 = arith.constant 1 : i32
      scf.for %scan3A_220 = %scan3A_147 to %scan3A_149 step %scan3A_150  : i32 {
        %mul3A_221 = arith.constant 1 : i32
        %mul3A_222 = arith.muli %scan3A_220, %mul3A_221 : i32
        %add3A_223 = arith.constant 0 : i32
        %add3A_224 = arith.addi %add3A_223, %mul3A_222 : i32
        %broadcast_in_dim3A = arith.constant 0xFF800000 : f32
        %broadcast_in_dim3A_225 = vector.broadcast %broadcast_in_dim3A : f32 to vector<16xf32>
        %get3A = arith.index_cast %add3A_224 : i32 to index
        %get3A_226 = arith.constant 0 : index
        %get3A_227 = tpu.vector_load %arg11[%get3A, %get3A_226] {strides = array<i32>} : memref<200x128xf32, #tpu.memory_space<vmem>>, vector<16xf32>,
        %get3A_228 = arith.index_cast %add3A_224 : i32 to index
        %get3A_229 = arith.constant 0 : index
        %get3A_230 = tpu.vector_load %arg12[%get3A_228, %get3A_229] {strides = array<i32>} : memref<200x128xf32, #tpu.memory_space<vmem>>, vector<16xf32>,
        %mul3A_231 = arith.mulf %get3A_227, %get3A_230 : vector<16xf32>
        %reduce_sum3A = arith.constant true
        %reduce_sum3A_232 = vector.broadcast %reduce_sum3A : i1 to vector<16xi1>
        %reduce_sum3A_233 = tpu.scan <sum>, %mul3A_231 masked %reduce_sum3A_232 : vector<16xf32>, vector<16xi1> -> vector<16xf32>
        %reduce_sum3A_234 = vector.extract %reduce_sum3A_233[15] : f32 from vector<16xf32>
        %eq3A_235 = arith.constant 0 : i32
        %eq3A_236 = vector.broadcast %eq3A_235 : i32 to vector<16xi32>
        %eq3A_237 = arith.cmpi eq, %iota3A, %eq3A_236 : vector<16xi32>
        %broadcast_in_dim3A_238 = vector.broadcast %reduce_sum3A_234 : f32 to vector<16xf32>
        %select_n3A = arith.select %eq3A_237, %broadcast_in_dim3A_238, %broadcast_in_dim3A_225 : vector<16xi1>, vector<16xf32>
        %get3A_239 = arith.index_cast %add3A_224 : i32 to index
        %get3A_240 = arith.constant 16 : index
        %get3A_241 = tpu.vector_load %arg11[%get3A_239, %get3A_240] {strides = array<i32>} : memref<200x128xf32, #tpu.memory_space<vmem>>, vector<16xf32>,
        %get3A_242 = arith.index_cast %add3A_224 : i32 to index
        %get3A_243 = arith.constant 16 : index
        %get3A_244 = tpu.vector_load %arg12[%get3A_242, %get3A_243] {strides = array<i32>} : memref<200x128xf32, #tpu.memory_space<vmem>>, vector<16xf32>,
        %mul3A_245 = arith.mulf %get3A_241, %get3A_244 : vector<16xf32>
        %reduce_sum3A_246 = arith.constant true
        %reduce_sum3A_247 = vector.broadcast %reduce_sum3A_246 : i1 to vector<16xi1>
        %reduce_sum3A_248 = tpu.scan <sum>, %mul3A_245 masked %reduce_sum3A_247 : vector<16xf32>, vector<16xi1> -> vector<16xf32>
        %reduce_sum3A_249 = vector.extract %reduce_sum3A_248[15] : f32 from vector<16xf32>
        %eq3A_250 = arith.constant 1 : i32
        %eq3A_251 = vector.broadcast %eq3A_250 : i32 to vector<16xi32>
        %eq3A_252 = arith.cmpi eq, %iota3A, %eq3A_251 : vector<16xi32>
        %broadcast_in_dim3A_253 = vector.broadcast %reduce_sum3A_249 : f32 to vector<16xf32>
        %select_n3A_254 = arith.select %eq3A_252, %broadcast_in_dim3A_253, %select_n3A : vector<16xi1>, vector<16xf32>
        %get3A_255 = arith.index_cast %add3A_224 : i32 to index
        %get3A_256 = arith.constant 32 : index
        %get3A_257 = tpu.vector_load %arg11[%get3A_255, %get3A_256] {strides = array<i32>} : memref<200x128xf32, #tpu.memory_space<vmem>>, vector<16xf32>,
        %get3A_258 = arith.index_cast %add3A_224 : i32 to index
        %get3A_259 = arith.constant 32 : index
        %get3A_260 = tpu.vector_load %arg12[%get3A_258, %get3A_259] {strides = array<i32>} : memref<200x128xf32, #tpu.memory_space<vmem>>, vector<16xf32>,
        %mul3A_261 = arith.mulf %get3A_257, %get3A_260 : vector<16xf32>
        %reduce_sum3A_262 = arith.constant true
        %reduce_sum3A_263 = vector.broadcast %reduce_sum3A_262 : i1 to vector<16xi1>
        %reduce_sum3A_264 = tpu.scan <sum>, %mul3A_261 masked %reduce_sum3A_263 : vector<16xf32>, vector<16xi1> -> vector<16xf32>
        %reduce_sum3A_265 = vector.extract %reduce_sum3A_264[15] : f32 from vector<16xf32>
        %eq3A_266 = arith.constant 2 : i32
        %eq3A_267 = vector.broadcast %eq3A_266 : i32 to vector<16xi32>
        %eq3A_268 = arith.cmpi eq, %iota3A, %eq3A_267 : vector<16xi32>
        %broadcast_in_dim3A_269 = vector.broadcast %reduce_sum3A_265 : f32 to vector<16xf32>
        %select_n3A_270 = arith.select %eq3A_268, %broadcast_in_dim3A_269, %select_n3A_254 : vector<16xi1>, vector<16xf32>
        %get3A_271 = arith.index_cast %add3A_224 : i32 to index
        %get3A_272 = arith.constant 48 : index
        %get3A_273 = tpu.vector_load %arg11[%get3A_271, %get3A_272] {strides = array<i32>} : memref<200x128xf32, #tpu.memory_space<vmem>>, vector<16xf32>,
        %get3A_274 = arith.index_cast %add3A_224 : i32 to index
        %get3A_275 = arith.constant 48 : index
        %get3A_276 = tpu.vector_load %arg12[%get3A_274, %get3A_275] {strides = array<i32>} : memref<200x128xf32, #tpu.memory_space<vmem>>, vector<16xf32>,
        %mul3A_277 = arith.mulf %get3A_273, %get3A_276 : vector<16xf32>
        %reduce_sum3A_278 = arith.constant true
        %reduce_sum3A_279 = vector.broadcast %reduce_sum3A_278 : i1 to vector<16xi1>
        %reduce_sum3A_280 = tpu.scan <sum>, %mul3A_277 masked %reduce_sum3A_279 : vector<16xf32>, vector<16xi1> -> vector<16xf32>
        %reduce_sum3A_281 = vector.extract %reduce_sum3A_280[15] : f32 from vector<16xf32>
        %eq3A_282 = arith.constant 3 : i32
        %eq3A_283 = vector.broadcast %eq3A_282 : i32 to vector<16xi32>
        %eq3A_284 = arith.cmpi eq, %iota3A, %eq3A_283 : vector<16xi32>
        %broadcast_in_dim3A_285 = vector.broadcast %reduce_sum3A_281 : f32 to vector<16xf32>
        %select_n3A_286 = arith.select %eq3A_284, %broadcast_in_dim3A_285, %select_n3A_270 : vector<16xi1>, vector<16xf32>
        %get3A_287 = arith.index_cast %add3A_224 : i32 to index
        %get3A_288 = arith.constant 64 : index
        %get3A_289 = tpu.vector_load %arg11[%get3A_287, %get3A_288] {strides = array<i32>} : memref<200x128xf32, #tpu.memory_space<vmem>>, vector<16xf32>,
        %get3A_290 = arith.index_cast %add3A_224 : i32 to index
        %get3A_291 = arith.constant 64 : index
        %get3A_292 = tpu.vector_load %arg12[%get3A_290, %get3A_291] {strides = array<i32>} : memref<200x128xf32, #tpu.memory_space<vmem>>, vector<16xf32>,
        %mul3A_293 = arith.mulf %get3A_289, %get3A_292 : vector<16xf32>
        %reduce_sum3A_294 = arith.constant true
        %reduce_sum3A_295 = vector.broadcast %reduce_sum3A_294 : i1 to vector<16xi1>
        %reduce_sum3A_296 = tpu.scan <sum>, %mul3A_293 masked %reduce_sum3A_295 : vector<16xf32>, vector<16xi1> -> vector<16xf32>
        %reduce_sum3A_297 = vector.extract %reduce_sum3A_296[15] : f32 from vector<16xf32>
        %eq3A_298 = arith.constant 4 : i32
        %eq3A_299 = vector.broadcast %eq3A_298 : i32 to vector<16xi32>
        %eq3A_300 = arith.cmpi eq, %iota3A, %eq3A_299 : vector<16xi32>
        %broadcast_in_dim3A_301 = vector.broadcast %reduce_sum3A_297 : f32 to vector<16xf32>
        %select_n3A_302 = arith.select %eq3A_300, %broadcast_in_dim3A_301, %select_n3A_286 : vector<16xi1>, vector<16xf32>
        %get3A_303 = arith.index_cast %add3A_224 : i32 to index
        %get3A_304 = arith.constant 80 : index
        %get3A_305 = tpu.vector_load %arg11[%get3A_303, %get3A_304] {strides = array<i32>} : memref<200x128xf32, #tpu.memory_space<vmem>>, vector<16xf32>,
        %get3A_306 = arith.index_cast %add3A_224 : i32 to index
        %get3A_307 = arith.constant 80 : index
        %get3A_308 = tpu.vector_load %arg12[%get3A_306, %get3A_307] {strides = array<i32>} : memref<200x128xf32, #tpu.memory_space<vmem>>, vector<16xf32>,
        %mul3A_309 = arith.mulf %get3A_305, %get3A_308 : vector<16xf32>
        %reduce_sum3A_310 = arith.constant true
        %reduce_sum3A_311 = vector.broadcast %reduce_sum3A_310 : i1 to vector<16xi1>
        %reduce_sum3A_312 = tpu.scan <sum>, %mul3A_309 masked %reduce_sum3A_311 : vector<16xf32>, vector<16xi1> -> vector<16xf32>
        %reduce_sum3A_313 = vector.extract %reduce_sum3A_312[15] : f32 from vector<16xf32>
        %eq3A_314 = arith.constant 5 : i32
        %eq3A_315 = vector.broadcast %eq3A_314 : i32 to vector<16xi32>
        %eq3A_316 = arith.cmpi eq, %iota3A, %eq3A_315 : vector<16xi32>
        %broadcast_in_dim3A_317 = vector.broadcast %reduce_sum3A_313 : f32 to vector<16xf32>
        %select_n3A_318 = arith.select %eq3A_316, %broadcast_in_dim3A_317, %select_n3A_302 : vector<16xi1>, vector<16xf32>
        %get3A_319 = arith.index_cast %add3A_224 : i32 to index
        %get3A_320 = arith.constant 96 : index
        %get3A_321 = tpu.vector_load %arg11[%get3A_319, %get3A_320] {strides = array<i32>} : memref<200x128xf32, #tpu.memory_space<vmem>>, vector<16xf32>,
        %get3A_322 = arith.index_cast %add3A_224 : i32 to index
        %get3A_323 = arith.constant 96 : index
        %get3A_324 = tpu.vector_load %arg12[%get3A_322, %get3A_323] {strides = array<i32>} : memref<200x128xf32, #tpu.memory_space<vmem>>, vector<16xf32>,
        %mul3A_325 = arith.mulf %get3A_321, %get3A_324 : vector<16xf32>
        %reduce_sum3A_326 = arith.constant true
        %reduce_sum3A_327 = vector.broadcast %reduce_sum3A_326 : i1 to vector<16xi1>
        %reduce_sum3A_328 = tpu.scan <sum>, %mul3A_325 masked %reduce_sum3A_327 : vector<16xf32>, vector<16xi1> -> vector<16xf32>
        %reduce_sum3A_329 = vector.extract %reduce_sum3A_328[15] : f32 from vector<16xf32>
        %eq3A_330 = arith.constant 6 : i32
        %eq3A_331 = vector.broadcast %eq3A_330 : i32 to vector<16xi32>
        %eq3A_332 = arith.cmpi eq, %iota3A, %eq3A_331 : vector<16xi32>
        %broadcast_in_dim3A_333 = vector.broadcast %reduce_sum3A_329 : f32 to vector<16xf32>
        %select_n3A_334 = arith.select %eq3A_332, %broadcast_in_dim3A_333, %select_n3A_318 : vector<16xi1>, vector<16xf32>
        %get3A_335 = arith.index_cast %add3A_224 : i32 to index
        %get3A_336 = arith.constant 112 : index
        %get3A_337 = tpu.vector_load %arg11[%get3A_335, %get3A_336] {strides = array<i32>} : memref<200x128xf32, #tpu.memory_space<vmem>>, vector<16xf32>,
        %get3A_338 = arith.index_cast %add3A_224 : i32 to index
        %get3A_339 = arith.constant 112 : index
        %get3A_340 = tpu.vector_load %arg12[%get3A_338, %get3A_339] {strides = array<i32>} : memref<200x128xf32, #tpu.memory_space<vmem>>, vector<16xf32>,
        %mul3A_341 = arith.mulf %get3A_337, %get3A_340 : vector<16xf32>
        %reduce_sum3A_342 = arith.constant true
        %reduce_sum3A_343 = vector.broadcast %reduce_sum3A_342 : i1 to vector<16xi1>
        %reduce_sum3A_344 = tpu.scan <sum>, %mul3A_341 masked %reduce_sum3A_343 : vector<16xf32>, vector<16xi1> -> vector<16xf32>
        %reduce_sum3A_345 = vector.extract %reduce_sum3A_344[15] : f32 from vector<16xf32>
        %eq3A_346 = arith.constant 7 : i32
        %eq3A_347 = vector.broadcast %eq3A_346 : i32 to vector<16xi32>
        %eq3A_348 = arith.cmpi eq, %iota3A, %eq3A_347 : vector<16xi32>
        %broadcast_in_dim3A_349 = vector.broadcast %reduce_sum3A_345 : f32 to vector<16xf32>
        %select_n3A_350 = arith.select %eq3A_348, %broadcast_in_dim3A_349, %select_n3A_334 : vector<16xi1>, vector<16xf32>
        %mul3A_351 = arith.constant 2.500000e-01 : f32
        %mul3A_352 = vector.broadcast %mul3A_351 : f32 to vector<16xf32>
        %mul3A_353 = arith.mulf %select_n3A_350, %mul3A_352 : vector<16xf32>
        %exp3A = math.exp %mul3A_353 : vector<16xf32>
        %swap3A = arith.index_cast %add3A_224 : i32 to index
        %swap3A_354 = arith.constant 0 : index
        %swap3A_355 = tpu.vector_load %arg13[%swap3A, %swap3A_354] {strides = array<i32>} : memref<200x16xf32, #tpu.memory_space<vmem>>, vector<16xf32>,
        tpu.vector_store %arg13[%swap3A, %swap3A_354], %exp3A {strides = array<i32>} : memref<200x16xf32, #tpu.memory_space<vmem>>, vector<16xf32>,
      }
      %scan3A_151 = arith.constant 200 : i32
      %dma_wait3A_152 = arith.constant 0 : i32
      %dma_wait3A_153 = tpu.memref_slice %arg4[%dma_wait3A_152] : memref<320000xi32, #tpu.memory_space<hbm>> -> memref<200xi32, #tpu.memory_space<hbm>>
      %dma_wait3A_154 = arith.constant 0 : i32
      %dma_wait3A_155 = tpu.memref_slice %arg4[%dma_wait3A_154] : memref<320000xi32, #tpu.memory_space<hbm>> -> memref<200xi32, #tpu.memory_space<hbm>>
      tpu.wait_dma2 semaphore(%arg34 : memref<!tpu.dma_semaphore, #tpu.memory_space<semaphore_mem>>) src(%dma_wait3A_155 : memref<200xi32, #tpu.memory_space<hbm>>) dst(%arg19 : memref<200xi32, #tpu.memory_space<vmem>>)
      %dma_start3A_156 = arith.constant 0 : i32
      %dma_start3A_157 = arith.constant 0 : i32
      %dma_start3A_158 = tpu.memref_slice %arg21[%dma_start3A_156, %dma_start3A_157] : memref<10240x16xf32, #tpu.memory_space<vmem_shared>> -> memref<10240x16xf32, #tpu.memory_space<vmem_shared>>
      tpu.enqueue_indirect_dma source(%arg13 : memref<200x16xf32, #tpu.memory_space<vmem>>) target(%dma_start3A_158 : memref<10240x16xf32, #tpu.memory_space<vmem_shared>>) offsets(%arg19 : memref<200xi32, #tpu.memory_space<vmem>>) semaphore(%arg24 : memref<!tpu.dma_semaphore, #tpu.memory_space<semaphore_mem>>) {add = true}
      %dma_start3A_159 = arith.constant 0 : i32
      %dma_start3A_160 = tpu.memref_slice %arg6[%add3A_116, %dma_start3A_159] : memref<320000x16xf32, #tpu.memory_space<hbm>> -> memref<200x16xf32, #tpu.memory_space<hbm>>
      %dma_start3A_161 = arith.constant 0 : i32
      %dma_start3A_162 = tpu.memref_slice %arg6[%add3A_116, %dma_start3A_161] : memref<320000x16xf32, #tpu.memory_space<hbm>> -> memref<200x16xf32, #tpu.memory_space<hbm>>
      tpu.enqueue_dma source(%arg13 : memref<200x16xf32, #tpu.memory_space<vmem>>) target(%dma_start3A_162 : memref<200x16xf32, #tpu.memory_space<hbm>>) target_semaphore(%arg25 : memref<!tpu.dma_semaphore, #tpu.memory_space<semaphore_mem>>)
      %mul3A_163 = arith.constant 2 : i32
      %mul3A_164 = arith.muli %add3A_107, %mul3A_163 : i32
      %add3A_165 = arith.constant 1 : i32
      %add3A_166 = arith.addi %mul3A_164, %add3A_165 : i32
      %mul3A_167 = arith.constant 10000 : i32
      %mul3A_168 = arith.muli %add3A, %mul3A_167 : i32
      %mul3A_169 = arith.constant 200 : i32
      %mul3A_170 = arith.muli %add3A_166, %mul3A_169 : i32
      %add3A_171 = arith.addi %mul3A_168, %mul3A_170 : i32
      %mul3A_172 = arith.constant 10000 : i32
      %mul3A_173 = arith.muli %add3A, %mul3A_172 : i32
      %mul3A_174 = arith.constant 200 : i32
      %mul3A_175 = arith.muli %add3A_166, %mul3A_174 : i32
      %add3A_176 = arith.addi %mul3A_173, %mul3A_175 : i32
      %dma_start3A_177 = tpu.memref_slice %arg4[%add3A_176] : memref<320000xi32, #tpu.memory_space<hbm>> -> memref<200xi32, #tpu.memory_space<hbm>>
      %dma_start3A_178 = tpu.memref_slice %arg4[%add3A_176] : memref<320000xi32, #tpu.memory_space<hbm>> -> memref<200xi32, #tpu.memory_space<hbm>>
      tpu.enqueue_dma source(%dma_start3A_178 : memref<200xi32, #tpu.memory_space<hbm>>) target(%arg20 : memref<200xi32, #tpu.memory_space<vmem>>) target_semaphore(%arg35 : memref<!tpu.dma_semaphore, #tpu.memory_space<semaphore_mem>>)
      %ge3A_179 = arith.constant 1 : i32
      %ge3A_180 = arith.cmpi sge, %add3A_166, %ge3A_179 : i32
      %convert_element_type3A_181 = arith.extui %ge3A_180 : i1 to i32
      %cond3A_182 = arith.constant 0 : i32
      %cond3A_183 = arith.cmpi ne, %convert_element_type3A_181, %cond3A_182 : i32
      scf.if %cond3A_183 {
        %dma_wait3A_220 = arith.constant 0 : i32
        %dma_wait3A_221 = arith.constant 0 : i32
        %dma_wait3A_222 = tpu.memref_slice %arg21[%dma_wait3A_220, %dma_wait3A_221] : memref<10240x16xf32, #tpu.memory_space<vmem_shared>> -> memref<10240x16xf32, #tpu.memory_space<vmem_shared>>
        tpu.wait_indirect_dma semaphore(%arg24 : memref<!tpu.dma_semaphore, #tpu.memory_space<semaphore_mem>>) src(%arg13 : memref<200x16xf32, #tpu.memory_space<vmem>>) dst(%dma_wait3A_222 : memref<10240x16xf32, #tpu.memory_space<vmem_shared>>)
        %dma_wait3A_223 = arith.constant 0 : i32
        %dma_wait3A_224 = arith.constant 0 : i32
        %dma_wait3A_225 = tpu.memref_slice %arg6[%dma_wait3A_223, %dma_wait3A_224] : memref<320000x16xf32, #tpu.memory_space<hbm>> -> memref<200x16xf32, #tpu.memory_space<hbm>>
        %dma_wait3A_226 = arith.constant 0 : i32
        %dma_wait3A_227 = arith.constant 0 : i32
        %dma_wait3A_228 = tpu.memref_slice %arg6[%dma_wait3A_226, %dma_wait3A_227] : memref<320000x16xf32, #tpu.memory_space<hbm>> -> memref<200x16xf32, #tpu.memory_space<hbm>>
        tpu.wait_dma2 semaphore(%arg25 : memref<!tpu.dma_semaphore, #tpu.memory_space<semaphore_mem>>) src(%arg13 : memref<200x16xf32, #tpu.memory_space<vmem>>) dst(%dma_wait3A_228 : memref<200x16xf32, #tpu.memory_space<hbm>>)
      } else {
      }
      %add3A_184 = arith.constant 1 : i32
      %add3A_185 = arith.addi %add3A_166, %add3A_184 : i32
      %lt3A_186 = arith.constant 50 : i32
      %lt3A_187 = arith.cmpi slt, %add3A_185, %lt3A_186 : i32
      %convert_element_type3A_188 = arith.extui %lt3A_187 : i1 to i32
      %cond3A_189 = arith.constant 0 : i32
      %cond3A_190 = arith.cmpi ne, %convert_element_type3A_188, %cond3A_189 : i32
      scf.if %cond3A_190 {
        %dma_wait3A_220 = arith.constant 0 : i32
        %dma_wait3A_221 = tpu.memref_slice %arg4[%dma_wait3A_220] : memref<320000xi32, #tpu.memory_space<hbm>> -> memref<200xi32, #tpu.memory_space<hbm>>
        %dma_wait3A_222 = arith.constant 0 : i32
        %dma_wait3A_223 = tpu.memref_slice %arg4[%dma_wait3A_222] : memref<320000xi32, #tpu.memory_space<hbm>> -> memref<200xi32, #tpu.memory_space<hbm>>
        tpu.wait_dma2 semaphore(%arg30 : memref<!tpu.dma_semaphore, #tpu.memory_space<semaphore_mem>>) src(%dma_wait3A_223 : memref<200xi32, #tpu.memory_space<hbm>>) dst(%arg9 : memref<200xi32, #tpu.memory_space<vmem>>)
        %dma_wait3A_224 = arith.constant 0 : i32
        %dma_wait3A_225 = tpu.memref_slice %arg5[%dma_wait3A_224] : memref<320000xi32, #tpu.memory_space<hbm>> -> memref<200xi32, #tpu.memory_space<hbm>>
        %dma_wait3A_226 = arith.constant 0 : i32
        %dma_wait3A_227 = tpu.memref_slice %arg5[%dma_wait3A_226] : memref<320000xi32, #tpu.memory_space<hbm>> -> memref<200xi32, #tpu.memory_space<hbm>>
        tpu.wait_dma2 semaphore(%arg31 : memref<!tpu.dma_semaphore, #tpu.memory_space<semaphore_mem>>) src(%dma_wait3A_227 : memref<200xi32, #tpu.memory_space<hbm>>) dst(%arg10 : memref<200xi32, #tpu.memory_space<vmem>>)
        %dma_start3A_228 = arith.constant 0 : i32
        %dma_start3A_229 = arith.constant 0 : i32
        %dma_start3A_230 = tpu.memref_slice %arg2[%dma_start3A_228, %dma_start3A_229] : memref<10000x128xf32, #tpu.memory_space<hbm>> -> memref<10000x128xf32, #tpu.memory_space<hbm>>
        tpu.enqueue_indirect_dma source(%dma_start3A_230 : memref<10000x128xf32, #tpu.memory_space<hbm>>) target(%arg11 : memref<200x128xf32, #tpu.memory_space<vmem>>) offsets(%arg9 : memref<200xi32, #tpu.memory_space<vmem>>) semaphore(%arg22 : memref<!tpu.dma_semaphore, #tpu.memory_space<semaphore_mem>>)
        %dma_start3A_231 = arith.constant 0 : i32
        %dma_start3A_232 = arith.constant 0 : i32
        %dma_start3A_233 = tpu.memref_slice %arg3[%dma_start3A_231, %dma_start3A_232] : memref<10000x128xf32, #tpu.memory_space<hbm>> -> memref<10000x128xf32, #tpu.memory_space<hbm>>
        tpu.enqueue_indirect_dma source(%dma_start3A_233 : memref<10000x128xf32, #tpu.memory_space<hbm>>) target(%arg12 : memref<200x128xf32, #tpu.memory_space<vmem>>) offsets(%arg10 : memref<200xi32, #tpu.memory_space<vmem>>) semaphore(%arg23 : memref<!tpu.dma_semaphore, #tpu.memory_space<semaphore_mem>>)
      } else {
      }
      %dma_wait3A_191 = arith.constant 0 : i32
      %dma_wait3A_192 = arith.constant 0 : i32
      %dma_wait3A_193 = tpu.memref_slice %arg2[%dma_wait3A_191, %dma_wait3A_192] : memref<10000x128xf32, #tpu.memory_space<hbm>> -> memref<10000x128xf32, #tpu.memory_space<hbm>>
      tpu.wait_indirect_dma semaphore(%arg26 : memref<!tpu.dma_semaphore, #tpu.memory_space<semaphore_mem>>) src(%dma_wait3A_193 : memref<10000x128xf32, #tpu.memory_space<hbm>>) dst(%arg16 : memref<200x128xf32, #tpu.memory_space<vmem>>)
      %dma_wait3A_194 = arith.constant 0 : i32
      %dma_wait3A_195 = arith.constant 0 : i32
      %dma_wait3A_196 = tpu.memref_slice %arg3[%dma_wait3A_194, %dma_wait3A_195] : memref<10000x128xf32, #tpu.memory_space<hbm>> -> memref<10000x128xf32, #tpu.memory_space<hbm>>
      tpu.wait_indirect_dma semaphore(%arg27 : memref<!tpu.dma_semaphore, #tpu.memory_space<semaphore_mem>>) src(%dma_wait3A_196 : memref<10000x128xf32, #tpu.memory_space<hbm>>) dst(%arg17 : memref<200x128xf32, #tpu.memory_space<vmem>>)
      %add3A_197 = arith.constant 2 : i32
      %add3A_198 = arith.addi %add3A_166, %add3A_197 : i32
      %lt3A_199 = arith.constant 50 : i32
      %lt3A_200 = arith.cmpi slt, %add3A_198, %lt3A_199 : i32
      %convert_element_type3A_201 = arith.extui %lt3A_200 : i1 to i32
      %cond3A_202 = arith.constant 0 : i32
      %cond3A_203 = arith.cmpi ne, %convert_element_type3A_201, %cond3A_202 : i32
      scf.if %cond3A_203 {
        %add3A_220 = arith.constant 2 : i32
        %add3A_221 = arith.addi %add3A_166, %add3A_220 : i32
        %mul3A_222 = arith.constant 10000 : i32
        %mul3A_223 = arith.muli %add3A, %mul3A_222 : i32
        %mul3A_224 = arith.constant 200 : i32
        %mul3A_225 = arith.muli %add3A_221, %mul3A_224 : i32
        %add3A_226 = arith.addi %mul3A_223, %mul3A_225 : i32
        %dma_start3A_227 = tpu.memref_slice %arg4[%add3A_226] : memref<320000xi32, #tpu.memory_space<hbm>> -> memref<200xi32, #tpu.memory_space<hbm>>
        %dma_start3A_228 = tpu.memref_slice %arg4[%add3A_226] : memref<320000xi32, #tpu.memory_space<hbm>> -> memref<200xi32, #tpu.memory_space<hbm>>
        tpu.enqueue_dma source(%dma_start3A_228 : memref<200xi32, #tpu.memory_space<hbm>>) target(%arg14 : memref<200xi32, #tpu.memory_space<vmem>>) target_semaphore(%arg32 : memref<!tpu.dma_semaphore, #tpu.memory_space<semaphore_mem>>)
        %dma_start3A_229 = tpu.memref_slice %arg5[%add3A_226] : memref<320000xi32, #tpu.memory_space<hbm>> -> memref<200xi32, #tpu.memory_space<hbm>>
        %dma_start3A_230 = tpu.memref_slice %arg5[%add3A_226] : memref<320000xi32, #tpu.memory_space<hbm>> -> memref<200xi32, #tpu.memory_space<hbm>>
        tpu.enqueue_dma source(%dma_start3A_230 : memref<200xi32, #tpu.memory_space<hbm>>) target(%arg15 : memref<200xi32, #tpu.memory_space<vmem>>) target_semaphore(%arg33 : memref<!tpu.dma_semaphore, #tpu.memory_space<semaphore_mem>>)
      } else {
      }
      %scan3A_204 = arith.constant 0 : i32
      %scan3A_205 = arith.constant 200 : i32
      %scan3A_206 = arith.addi %scan3A_204, %scan3A_205 : i32
      %scan3A_207 = arith.constant 1 : i32
      scf.for %scan3A_220 = %scan3A_204 to %scan3A_206 step %scan3A_207  : i32 {
        %mul3A_221 = arith.constant 1 : i32
        %mul3A_222 = arith.muli %scan3A_220, %mul3A_221 : i32
        %add3A_223 = arith.constant 0 : i32
        %add3A_224 = arith.addi %add3A_223, %mul3A_222 : i32
        %broadcast_in_dim3A = arith.constant 0xFF800000 : f32
        %broadcast_in_dim3A_225 = vector.broadcast %broadcast_in_dim3A : f32 to vector<16xf32>
        %get3A = arith.index_cast %add3A_224 : i32 to index
        %get3A_226 = arith.constant 0 : index
        %get3A_227 = tpu.vector_load %arg16[%get3A, %get3A_226] {strides = array<i32>} : memref<200x128xf32, #tpu.memory_space<vmem>>, vector<16xf32>,
        %get3A_228 = arith.index_cast %add3A_224 : i32 to index
        %get3A_229 = arith.constant 0 : index
        %get3A_230 = tpu.vector_load %arg17[%get3A_228, %get3A_229] {strides = array<i32>} : memref<200x128xf32, #tpu.memory_space<vmem>>, vector<16xf32>,
        %mul3A_231 = arith.mulf %get3A_227, %get3A_230 : vector<16xf32>
        %reduce_sum3A = arith.constant true
        %reduce_sum3A_232 = vector.broadcast %reduce_sum3A : i1 to vector<16xi1>
        %reduce_sum3A_233 = tpu.scan <sum>, %mul3A_231 masked %reduce_sum3A_232 : vector<16xf32>, vector<16xi1> -> vector<16xf32>
        %reduce_sum3A_234 = vector.extract %reduce_sum3A_233[15] : f32 from vector<16xf32>
        %eq3A_235 = arith.constant 0 : i32
        %eq3A_236 = vector.broadcast %eq3A_235 : i32 to vector<16xi32>
        %eq3A_237 = arith.cmpi eq, %iota3A, %eq3A_236 : vector<16xi32>
        %broadcast_in_dim3A_238 = vector.broadcast %reduce_sum3A_234 : f32 to vector<16xf32>
        %select_n3A = arith.select %eq3A_237, %broadcast_in_dim3A_238, %broadcast_in_dim3A_225 : vector<16xi1>, vector<16xf32>
        %get3A_239 = arith.index_cast %add3A_224 : i32 to index
        %get3A_240 = arith.constant 16 : index
        %get3A_241 = tpu.vector_load %arg16[%get3A_239, %get3A_240] {strides = array<i32>} : memref<200x128xf32, #tpu.memory_space<vmem>>, vector<16xf32>,
        %get3A_242 = arith.index_cast %add3A_224 : i32 to index
        %get3A_243 = arith.constant 16 : index
        %get3A_244 = tpu.vector_load %arg17[%get3A_242, %get3A_243] {strides = array<i32>} : memref<200x128xf32, #tpu.memory_space<vmem>>, vector<16xf32>,
        %mul3A_245 = arith.mulf %get3A_241, %get3A_244 : vector<16xf32>
        %reduce_sum3A_246 = arith.constant true
        %reduce_sum3A_247 = vector.broadcast %reduce_sum3A_246 : i1 to vector<16xi1>
        %reduce_sum3A_248 = tpu.scan <sum>, %mul3A_245 masked %reduce_sum3A_247 : vector<16xf32>, vector<16xi1> -> vector<16xf32>
        %reduce_sum3A_249 = vector.extract %reduce_sum3A_248[15] : f32 from vector<16xf32>
        %eq3A_250 = arith.constant 1 : i32
        %eq3A_251 = vector.broadcast %eq3A_250 : i32 to vector<16xi32>
        %eq3A_252 = arith.cmpi eq, %iota3A, %eq3A_251 : vector<16xi32>
        %broadcast_in_dim3A_253 = vector.broadcast %reduce_sum3A_249 : f32 to vector<16xf32>
        %select_n3A_254 = arith.select %eq3A_252, %broadcast_in_dim3A_253, %select_n3A : vector<16xi1>, vector<16xf32>
        %get3A_255 = arith.index_cast %add3A_224 : i32 to index
        %get3A_256 = arith.constant 32 : index
        %get3A_257 = tpu.vector_load %arg16[%get3A_255, %get3A_256] {strides = array<i32>} : memref<200x128xf32, #tpu.memory_space<vmem>>, vector<16xf32>,
        %get3A_258 = arith.index_cast %add3A_224 : i32 to index
        %get3A_259 = arith.constant 32 : index
        %get3A_260 = tpu.vector_load %arg17[%get3A_258, %get3A_259] {strides = array<i32>} : memref<200x128xf32, #tpu.memory_space<vmem>>, vector<16xf32>,
        %mul3A_261 = arith.mulf %get3A_257, %get3A_260 : vector<16xf32>
        %reduce_sum3A_262 = arith.constant true
        %reduce_sum3A_263 = vector.broadcast %reduce_sum3A_262 : i1 to vector<16xi1>
        %reduce_sum3A_264 = tpu.scan <sum>, %mul3A_261 masked %reduce_sum3A_263 : vector<16xf32>, vector<16xi1> -> vector<16xf32>
        %reduce_sum3A_265 = vector.extract %reduce_sum3A_264[15] : f32 from vector<16xf32>
        %eq3A_266 = arith.constant 2 : i32
        %eq3A_267 = vector.broadcast %eq3A_266 : i32 to vector<16xi32>
        %eq3A_268 = arith.cmpi eq, %iota3A, %eq3A_267 : vector<16xi32>
        %broadcast_in_dim3A_269 = vector.broadcast %reduce_sum3A_265 : f32 to vector<16xf32>
        %select_n3A_270 = arith.select %eq3A_268, %broadcast_in_dim3A_269, %select_n3A_254 : vector<16xi1>, vector<16xf32>
        %get3A_271 = arith.index_cast %add3A_224 : i32 to index
        %get3A_272 = arith.constant 48 : index
        %get3A_273 = tpu.vector_load %arg16[%get3A_271, %get3A_272] {strides = array<i32>} : memref<200x128xf32, #tpu.memory_space<vmem>>, vector<16xf32>,
        %get3A_274 = arith.index_cast %add3A_224 : i32 to index
        %get3A_275 = arith.constant 48 : index
        %get3A_276 = tpu.vector_load %arg17[%get3A_274, %get3A_275] {strides = array<i32>} : memref<200x128xf32, #tpu.memory_space<vmem>>, vector<16xf32>,
        %mul3A_277 = arith.mulf %get3A_273, %get3A_276 : vector<16xf32>
        %reduce_sum3A_278 = arith.constant true
        %reduce_sum3A_279 = vector.broadcast %reduce_sum3A_278 : i1 to vector<16xi1>
        %reduce_sum3A_280 = tpu.scan <sum>, %mul3A_277 masked %reduce_sum3A_279 : vector<16xf32>, vector<16xi1> -> vector<16xf32>
        %reduce_sum3A_281 = vector.extract %reduce_sum3A_280[15] : f32 from vector<16xf32>
        %eq3A_282 = arith.constant 3 : i32
        %eq3A_283 = vector.broadcast %eq3A_282 : i32 to vector<16xi32>
        %eq3A_284 = arith.cmpi eq, %iota3A, %eq3A_283 : vector<16xi32>
        %broadcast_in_dim3A_285 = vector.broadcast %reduce_sum3A_281 : f32 to vector<16xf32>
        %select_n3A_286 = arith.select %eq3A_284, %broadcast_in_dim3A_285, %select_n3A_270 : vector<16xi1>, vector<16xf32>
        %get3A_287 = arith.index_cast %add3A_224 : i32 to index
        %get3A_288 = arith.constant 64 : index
        %get3A_289 = tpu.vector_load %arg16[%get3A_287, %get3A_288] {strides = array<i32>} : memref<200x128xf32, #tpu.memory_space<vmem>>, vector<16xf32>,
        %get3A_290 = arith.index_cast %add3A_224 : i32 to index
        %get3A_291 = arith.constant 64 : index
        %get3A_292 = tpu.vector_load %arg17[%get3A_290, %get3A_291] {strides = array<i32>} : memref<200x128xf32, #tpu.memory_space<vmem>>, vector<16xf32>,
        %mul3A_293 = arith.mulf %get3A_289, %get3A_292 : vector<16xf32>
        %reduce_sum3A_294 = arith.constant true
        %reduce_sum3A_295 = vector.broadcast %reduce_sum3A_294 : i1 to vector<16xi1>
        %reduce_sum3A_296 = tpu.scan <sum>, %mul3A_293 masked %reduce_sum3A_295 : vector<16xf32>, vector<16xi1> -> vector<16xf32>
        %reduce_sum3A_297 = vector.extract %reduce_sum3A_296[15] : f32 from vector<16xf32>
        %eq3A_298 = arith.constant 4 : i32
        %eq3A_299 = vector.broadcast %eq3A_298 : i32 to vector<16xi32>
        %eq3A_300 = arith.cmpi eq, %iota3A, %eq3A_299 : vector<16xi32>
        %broadcast_in_dim3A_301 = vector.broadcast %reduce_sum3A_297 : f32 to vector<16xf32>
        %select_n3A_302 = arith.select %eq3A_300, %broadcast_in_dim3A_301, %select_n3A_286 : vector<16xi1>, vector<16xf32>
        %get3A_303 = arith.index_cast %add3A_224 : i32 to index
        %get3A_304 = arith.constant 80 : index
        %get3A_305 = tpu.vector_load %arg16[%get3A_303, %get3A_304] {strides = array<i32>} : memref<200x128xf32, #tpu.memory_space<vmem>>, vector<16xf32>,
        %get3A_306 = arith.index_cast %add3A_224 : i32 to index
        %get3A_307 = arith.constant 80 : index
        %get3A_308 = tpu.vector_load %arg17[%get3A_306, %get3A_307] {strides = array<i32>} : memref<200x128xf32, #tpu.memory_space<vmem>>, vector<16xf32>,
        %mul3A_309 = arith.mulf %get3A_305, %get3A_308 : vector<16xf32>
        %reduce_sum3A_310 = arith.constant true
        %reduce_sum3A_311 = vector.broadcast %reduce_sum3A_310 : i1 to vector<16xi1>
        %reduce_sum3A_312 = tpu.scan <sum>, %mul3A_309 masked %reduce_sum3A_311 : vector<16xf32>, vector<16xi1> -> vector<16xf32>
        %reduce_sum3A_313 = vector.extract %reduce_sum3A_312[15] : f32 from vector<16xf32>
        %eq3A_314 = arith.constant 5 : i32
        %eq3A_315 = vector.broadcast %eq3A_314 : i32 to vector<16xi32>
        %eq3A_316 = arith.cmpi eq, %iota3A, %eq3A_315 : vector<16xi32>
        %broadcast_in_dim3A_317 = vector.broadcast %reduce_sum3A_313 : f32 to vector<16xf32>
        %select_n3A_318 = arith.select %eq3A_316, %broadcast_in_dim3A_317, %select_n3A_302 : vector<16xi1>, vector<16xf32>
        %get3A_319 = arith.index_cast %add3A_224 : i32 to index
        %get3A_320 = arith.constant 96 : index
        %get3A_321 = tpu.vector_load %arg16[%get3A_319, %get3A_320] {strides = array<i32>} : memref<200x128xf32, #tpu.memory_space<vmem>>, vector<16xf32>,
        %get3A_322 = arith.index_cast %add3A_224 : i32 to index
        %get3A_323 = arith.constant 96 : index
        %get3A_324 = tpu.vector_load %arg17[%get3A_322, %get3A_323] {strides = array<i32>} : memref<200x128xf32, #tpu.memory_space<vmem>>, vector<16xf32>,
        %mul3A_325 = arith.mulf %get3A_321, %get3A_324 : vector<16xf32>
        %reduce_sum3A_326 = arith.constant true
        %reduce_sum3A_327 = vector.broadcast %reduce_sum3A_326 : i1 to vector<16xi1>
        %reduce_sum3A_328 = tpu.scan <sum>, %mul3A_325 masked %reduce_sum3A_327 : vector<16xf32>, vector<16xi1> -> vector<16xf32>
        %reduce_sum3A_329 = vector.extract %reduce_sum3A_328[15] : f32 from vector<16xf32>
        %eq3A_330 = arith.constant 6 : i32
        %eq3A_331 = vector.broadcast %eq3A_330 : i32 to vector<16xi32>
        %eq3A_332 = arith.cmpi eq, %iota3A, %eq3A_331 : vector<16xi32>
        %broadcast_in_dim3A_333 = vector.broadcast %reduce_sum3A_329 : f32 to vector<16xf32>
        %select_n3A_334 = arith.select %eq3A_332, %broadcast_in_dim3A_333, %select_n3A_318 : vector<16xi1>, vector<16xf32>
        %get3A_335 = arith.index_cast %add3A_224 : i32 to index
        %get3A_336 = arith.constant 112 : index
        %get3A_337 = tpu.vector_load %arg16[%get3A_335, %get3A_336] {strides = array<i32>} : memref<200x128xf32, #tpu.memory_space<vmem>>, vector<16xf32>,
        %get3A_338 = arith.index_cast %add3A_224 : i32 to index
        %get3A_339 = arith.constant 112 : index
        %get3A_340 = tpu.vector_load %arg17[%get3A_338, %get3A_339] {strides = array<i32>} : memref<200x128xf32, #tpu.memory_space<vmem>>, vector<16xf32>,
        %mul3A_341 = arith.mulf %get3A_337, %get3A_340 : vector<16xf32>
        %reduce_sum3A_342 = arith.constant true
        %reduce_sum3A_343 = vector.broadcast %reduce_sum3A_342 : i1 to vector<16xi1>
        %reduce_sum3A_344 = tpu.scan <sum>, %mul3A_341 masked %reduce_sum3A_343 : vector<16xf32>, vector<16xi1> -> vector<16xf32>
        %reduce_sum3A_345 = vector.extract %reduce_sum3A_344[15] : f32 from vector<16xf32>
        %eq3A_346 = arith.constant 7 : i32
        %eq3A_347 = vector.broadcast %eq3A_346 : i32 to vector<16xi32>
        %eq3A_348 = arith.cmpi eq, %iota3A, %eq3A_347 : vector<16xi32>
        %broadcast_in_dim3A_349 = vector.broadcast %reduce_sum3A_345 : f32 to vector<16xf32>
        %select_n3A_350 = arith.select %eq3A_348, %broadcast_in_dim3A_349, %select_n3A_334 : vector<16xi1>, vector<16xf32>
        %mul3A_351 = arith.constant 2.500000e-01 : f32
        %mul3A_352 = vector.broadcast %mul3A_351 : f32 to vector<16xf32>
        %mul3A_353 = arith.mulf %select_n3A_350, %mul3A_352 : vector<16xf32>
        %exp3A = math.exp %mul3A_353 : vector<16xf32>
        %swap3A = arith.index_cast %add3A_224 : i32 to index
        %swap3A_354 = arith.constant 0 : index
        %swap3A_355 = tpu.vector_load %arg18[%swap3A, %swap3A_354] {strides = array<i32>} : memref<200x16xf32, #tpu.memory_space<vmem>>, vector<16xf32>,
        tpu.vector_store %arg18[%swap3A, %swap3A_354], %exp3A {strides = array<i32>} : memref<200x16xf32, #tpu.memory_space<vmem>>, vector<16xf32>,
      }
      %scan3A_208 = arith.constant 200 : i32
      %dma_wait3A_209 = arith.constant 0 : i32
      %dma_wait3A_210 = tpu.memref_slice %arg4[%dma_wait3A_209] : memref<320000xi32, #tpu.memory_space<hbm>> -> memref<200xi32, #tpu.memory_space<hbm>>
      %dma_wait3A_211 = arith.constant 0 : i32
      %dma_wait3A_212 = tpu.memref_slice %arg4[%dma_wait3A_211] : memref<320000xi32, #tpu.memory_space<hbm>> -> memref<200xi32, #tpu.memory_space<hbm>>
      tpu.wait_dma2 semaphore(%arg35 : memref<!tpu.dma_semaphore, #tpu.memory_space<semaphore_mem>>) src(%dma_wait3A_212 : memref<200xi32, #tpu.memory_space<hbm>>) dst(%arg20 : memref<200xi32, #tpu.memory_space<vmem>>)
      %dma_start3A_213 = arith.constant 0 : i32
      %dma_start3A_214 = arith.constant 0 : i32
      %dma_start3A_215 = tpu.memref_slice %arg21[%dma_start3A_213, %dma_start3A_214] : memref<10240x16xf32, #tpu.memory_space<vmem_shared>> -> memref<10240x16xf32, #tpu.memory_space<vmem_shared>>
      tpu.enqueue_indirect_dma source(%arg18 : memref<200x16xf32, #tpu.memory_space<vmem>>) target(%dma_start3A_215 : memref<10240x16xf32, #tpu.memory_space<vmem_shared>>) offsets(%arg20 : memref<200xi32, #tpu.memory_space<vmem>>) semaphore(%arg28 : memref<!tpu.dma_semaphore, #tpu.memory_space<semaphore_mem>>) {add = true}
      %dma_start3A_216 = arith.constant 0 : i32
      %dma_start3A_217 = tpu.memref_slice %arg6[%add3A_171, %dma_start3A_216] : memref<320000x16xf32, #tpu.memory_space<hbm>> -> memref<200x16xf32, #tpu.memory_space<hbm>>
      %dma_start3A_218 = arith.constant 0 : i32
      %dma_start3A_219 = tpu.memref_slice %arg6[%add3A_171, %dma_start3A_218] : memref<320000x16xf32, #tpu.memory_space<hbm>> -> memref<200x16xf32, #tpu.memory_space<hbm>>
      tpu.enqueue_dma source(%arg18 : memref<200x16xf32, #tpu.memory_space<vmem>>) target(%dma_start3A_219 : memref<200x16xf32, #tpu.memory_space<hbm>>) target_semaphore(%arg29 : memref<!tpu.dma_semaphore, #tpu.memory_space<semaphore_mem>>)
    }
    %scan3A_47 = arith.constant 25 : i32
    %dma_wait3A_48 = arith.constant 0 : i32
    %dma_wait3A_49 = arith.constant 0 : i32
    %dma_wait3A_50 = tpu.memref_slice %arg21[%dma_wait3A_48, %dma_wait3A_49] : memref<10240x16xf32, #tpu.memory_space<vmem_shared>> -> memref<10240x16xf32, #tpu.memory_space<vmem_shared>>
    tpu.wait_indirect_dma semaphore(%arg28 : memref<!tpu.dma_semaphore, #tpu.memory_space<semaphore_mem>>) src(%arg18 : memref<200x16xf32, #tpu.memory_space<vmem>>) dst(%dma_wait3A_50 : memref<10240x16xf32, #tpu.memory_space<vmem_shared>>)
    %dma_wait3A_51 = arith.constant 0 : i32
    %dma_wait3A_52 = arith.constant 0 : i32
    %dma_wait3A_53 = tpu.memref_slice %arg6[%dma_wait3A_51, %dma_wait3A_52] : memref<320000x16xf32, #tpu.memory_space<hbm>> -> memref<200x16xf32, #tpu.memory_space<hbm>>
    %dma_wait3A_54 = arith.constant 0 : i32
    %dma_wait3A_55 = arith.constant 0 : i32
    %dma_wait3A_56 = tpu.memref_slice %arg6[%dma_wait3A_54, %dma_wait3A_55] : memref<320000x16xf32, #tpu.memory_space<hbm>> -> memref<200x16xf32, #tpu.memory_space<hbm>>
    tpu.wait_dma2 semaphore(%arg29 : memref<!tpu.dma_semaphore, #tpu.memory_space<semaphore_mem>>) src(%arg18 : memref<200x16xf32, #tpu.memory_space<vmem>>) dst(%dma_wait3A_56 : memref<200x16xf32, #tpu.memory_space<hbm>>)
    %barrier3A_57 = arith.constant 0 : index
    tpu.barrier barrier_id(%barrier3A_57)
    %add3A_58 = arith.constant 0 : i32
    %add3A_59 = arith.addi %mul3A_2, %add3A_58 : i32
    "tpu.region"() ({
      %run_scoped3A = tpu.sem_alloc : memref<!tpu.dma_semaphore, #tpu.memory_space<semaphore_mem>>
      %dma_start3A_103 = arith.constant 0 : i32
      %dma_start3A_104 = arith.constant 0 : i32
      %dma_start3A_105 = tpu.memref_slice %arg13[%dma_start3A_103, %dma_start3A_104] : memref<200x16xf32, #tpu.memory_space<vmem>> -> memref<200x16xf32, #tpu.memory_space<vmem>>
      %dma_start3A_106 = arith.constant 0 : i32
      %dma_start3A_107 = tpu.memref_slice %arg21[%add3A_59, %dma_start3A_106] : memref<10240x16xf32, #tpu.memory_space<vmem_shared>> -> memref<200x16xf32, #tpu.memory_space<vmem_shared>>
      %dma_start3A_108 = arith.constant 0 : i32
      %dma_start3A_109 = arith.constant 0 : i32
      %dma_start3A_110 = tpu.memref_slice %arg13[%dma_start3A_108, %dma_start3A_109] : memref<200x16xf32, #tpu.memory_space<vmem>> -> memref<200x16xf32, #tpu.memory_space<vmem>>
      %dma_start3A_111 = arith.constant 0 : i32
      %dma_start3A_112 = tpu.memref_slice %arg21[%add3A_59, %dma_start3A_111] : memref<10240x16xf32, #tpu.memory_space<vmem_shared>> -> memref<200x16xf32, #tpu.memory_space<vmem_shared>>
      tpu.enqueue_dma source(%dma_start3A_112 : memref<200x16xf32, #tpu.memory_space<vmem_shared>>) target(%dma_start3A_110 : memref<200x16xf32, #tpu.memory_space<vmem>>) target_semaphore(%run_scoped3A : memref<!tpu.dma_semaphore, #tpu.memory_space<semaphore_mem>>)
      %dma_wait3A_113 = arith.constant 0 : i32
      %dma_wait3A_114 = arith.constant 0 : i32
      %dma_wait3A_115 = tpu.memref_slice %arg13[%dma_wait3A_113, %dma_wait3A_114] : memref<200x16xf32, #tpu.memory_space<vmem>> -> memref<200x16xf32, #tpu.memory_space<vmem>>
      %dma_wait3A_116 = arith.constant 0 : i32
      %dma_wait3A_117 = tpu.memref_slice %arg21[%add3A_59, %dma_wait3A_116] : memref<10240x16xf32, #tpu.memory_space<vmem_shared>> -> memref<200x16xf32, #tpu.memory_space<vmem_shared>>
      %dma_wait3A_118 = arith.constant 0 : i32
      %dma_wait3A_119 = arith.constant 0 : i32
      %dma_wait3A_120 = tpu.memref_slice %arg13[%dma_wait3A_118, %dma_wait3A_119] : memref<200x16xf32, #tpu.memory_space<vmem>> -> memref<200x16xf32, #tpu.memory_space<vmem>>
      %dma_wait3A_121 = arith.constant 0 : i32
      %dma_wait3A_122 = tpu.memref_slice %arg21[%add3A_59, %dma_wait3A_121] : memref<10240x16xf32, #tpu.memory_space<vmem_shared>> -> memref<200x16xf32, #tpu.memory_space<vmem_shared>>
      tpu.wait_dma2 semaphore(%run_scoped3A : memref<!tpu.dma_semaphore, #tpu.memory_space<semaphore_mem>>) src(%dma_wait3A_122 : memref<200x16xf32, #tpu.memory_space<vmem_shared>>) dst(%dma_wait3A_120 : memref<200x16xf32, #tpu.memory_space<vmem>>)
      tpu.yield
    }) : () -> ()
    %eq3A = arith.constant 0 : i32
    %eq3A_60 = arith.cmpi eq, %arg0, %eq3A : i32
    %convert_element_type3A = arith.extui %eq3A_60 : i1 to i32
    %cond3A = arith.constant 0 : i32
    %cond3A_61 = arith.cmpi ne, %convert_element_type3A, %cond3A : i32
    scf.if %cond3A_61 {
      %add3A_103 = arith.constant 0 : i32
      %add3A_104 = arith.addi %mul3A_2, %add3A_103 : i32
      "tpu.region"() ({
        %run_scoped3A = tpu.sem_alloc : memref<!tpu.dma_semaphore, #tpu.memory_space<semaphore_mem>>
        %dma_start3A_105 = arith.constant 0 : i32
        %dma_start3A_106 = arith.constant 0 : i32
        %dma_start3A_107 = tpu.memref_slice %arg13[%dma_start3A_105, %dma_start3A_106] : memref<200x16xf32, #tpu.memory_space<vmem>> -> memref<200x16xf32, #tpu.memory_space<vmem>>
        %dma_start3A_108 = arith.constant 0 : i32
        %dma_start3A_109 = tpu.memref_slice %arg7[%add3A_104, %dma_start3A_108] : memref<10240x16xf32, #tpu.memory_space<hbm>> -> memref<200x16xf32, #tpu.memory_space<hbm>>
        %dma_start3A_110 = arith.constant 0 : i32
        %dma_start3A_111 = tpu.memref_slice %arg7[%add3A_104, %dma_start3A_110] : memref<10240x16xf32, #tpu.memory_space<hbm>> -> memref<200x16xf32, #tpu.memory_space<hbm>>
        %dma_start3A_112 = arith.constant 0 : i32
        %dma_start3A_113 = arith.constant 0 : i32
        %dma_start3A_114 = tpu.memref_slice %arg13[%dma_start3A_112, %dma_start3A_113] : memref<200x16xf32, #tpu.memory_space<vmem>> -> memref<200x16xf32, #tpu.memory_space<vmem>>
        tpu.enqueue_dma source(%dma_start3A_114 : memref<200x16xf32, #tpu.memory_space<vmem>>) target(%dma_start3A_111 : memref<200x16xf32, #tpu.memory_space<hbm>>) target_semaphore(%run_scoped3A : memref<!tpu.dma_semaphore, #tpu.memory_space<semaphore_mem>>)
        %dma_wait3A_115 = arith.constant 0 : i32
        %dma_wait3A_116 = arith.constant 0 : i32
        %dma_wait3A_117 = tpu.memref_slice %arg13[%dma_wait3A_115, %dma_wait3A_116] : memref<200x16xf32, #tpu.memory_space<vmem>> -> memref<200x16xf32, #tpu.memory_space<vmem>>
        %dma_wait3A_118 = arith.constant 0 : i32
        %dma_wait3A_119 = tpu.memref_slice %arg7[%add3A_104, %dma_wait3A_118] : memref<10240x16xf32, #tpu.memory_space<hbm>> -> memref<200x16xf32, #tpu.memory_space<hbm>>
        %dma_wait3A_120 = arith.constant 0 : i32
        %dma_wait3A_121 = tpu.memref_slice %arg7[%add3A_104, %dma_wait3A_120] : memref<10240x16xf32, #tpu.memory_space<hbm>> -> memref<200x16xf32, #tpu.memory_space<hbm>>
        %dma_wait3A_122 = arith.constant 0 : i32
        %dma_wait3A_123 = arith.constant 0 : i32
        %dma_wait3A_124 = tpu.memref_slice %arg13[%dma_wait3A_122, %dma_wait3A_123] : memref<200x16xf32, #tpu.memory_space<vmem>> -> memref<200x16xf32, #tpu.memory_space<vmem>>
        tpu.wait_dma2 semaphore(%run_scoped3A : memref<!tpu.dma_semaphore, #tpu.memory_space<semaphore_mem>>) src(%dma_wait3A_124 : memref<200x16xf32, #tpu.memory_space<vmem>>) dst(%dma_wait3A_121 : memref<200x16xf32, #tpu.memory_space<hbm>>)
        tpu.yield
      }) : () -> ()
    } else {
    }
    %eq3A_62 = arith.constant 1 : i32
    %eq3A_63 = arith.cmpi eq, %arg0, %eq3A_62 : i32
    %convert_element_type3A_64 = arith.extui %eq3A_63 : i1 to i32
    %cond3A_65 = arith.constant 0 : i32
    %cond3A_66 = arith.cmpi ne, %convert_element_type3A_64, %cond3A_65 : i32
    scf.if %cond3A_66 {
      %add3A_103 = arith.constant 0 : i32
      %add3A_104 = arith.addi %mul3A_2, %add3A_103 : i32
      "tpu.region"() ({
        %run_scoped3A = tpu.sem_alloc : memref<!tpu.dma_semaphore, #tpu.memory_space<semaphore_mem>>
        %dma_start3A_105 = arith.constant 0 : i32
        %dma_start3A_106 = arith.constant 0 : i32
        %dma_start3A_107 = tpu.memref_slice %arg13[%dma_start3A_105, %dma_start3A_106] : memref<200x16xf32, #tpu.memory_space<vmem>> -> memref<200x16xf32, #tpu.memory_space<vmem>>
        %dma_start3A_108 = arith.constant 0 : i32
        %dma_start3A_109 = tpu.memref_slice %arg8[%add3A_104, %dma_start3A_108] : memref<10240x16xf32, #tpu.memory_space<hbm>> -> memref<200x16xf32, #tpu.memory_space<hbm>>
        %dma_start3A_110 = arith.constant 0 : i32
        %dma_start3A_111 = tpu.memref_slice %arg8[%add3A_104, %dma_start3A_110] : memref<10240x16xf32, #tpu.memory_space<hbm>> -> memref<200x16xf32, #tpu.memory_space<hbm>>
        %dma_start3A_112 = arith.constant 0 : i32
        %dma_start3A_113 = arith.constant 0 : i32
        %dma_start3A_114 = tpu.memref_slice %arg13[%dma_start3A_112, %dma_start3A_113] : memref<200x16xf32, #tpu.memory_space<vmem>> -> memref<200x16xf32, #tpu.memory_space<vmem>>
        tpu.enqueue_dma source(%dma_start3A_114 : memref<200x16xf32, #tpu.memory_space<vmem>>) target(%dma_start3A_111 : memref<200x16xf32, #tpu.memory_space<hbm>>) target_semaphore(%run_scoped3A : memref<!tpu.dma_semaphore, #tpu.memory_space<semaphore_mem>>)
        %dma_wait3A_115 = arith.constant 0 : i32
        %dma_wait3A_116 = arith.constant 0 : i32
        %dma_wait3A_117 = tpu.memref_slice %arg13[%dma_wait3A_115, %dma_wait3A_116] : memref<200x16xf32, #tpu.memory_space<vmem>> -> memref<200x16xf32, #tpu.memory_space<vmem>>
        %dma_wait3A_118 = arith.constant 0 : i32
        %dma_wait3A_119 = tpu.memref_slice %arg8[%add3A_104, %dma_wait3A_118] : memref<10240x16xf32, #tpu.memory_space<hbm>> -> memref<200x16xf32, #tpu.memory_space<hbm>>
        %dma_wait3A_120 = arith.constant 0 : i32
        %dma_wait3A_121 = tpu.memref_slice %arg8[%add3A_104, %dma_wait3A_120] : memref<10240x16xf32, #tpu.memory_space<hbm>> -> memref<200x16xf32, #tpu.memory_space<hbm>>
        %dma_wait3A_122 = arith.constant 0 : i32
        %dma_wait3A_123 = arith.constant 0 : i32
        %dma_wait3A_124 = tpu.memref_slice %arg13[%dma_wait3A_122, %dma_wait3A_123] : memref<200x16xf32, #tpu.memory_space<vmem>> -> memref<200x16xf32, #tpu.memory_space<vmem>>
        tpu.wait_dma2 semaphore(%run_scoped3A : memref<!tpu.dma_semaphore, #tpu.memory_space<semaphore_mem>>) src(%dma_wait3A_124 : memref<200x16xf32, #tpu.memory_space<vmem>>) dst(%dma_wait3A_121 : memref<200x16xf32, #tpu.memory_space<hbm>>)
        tpu.yield
      }) : () -> ()
    } else {
    }
    %add3A_67 = arith.constant 200 : i32
    %add3A_68 = arith.addi %mul3A_2, %add3A_67 : i32
    "tpu.region"() ({
      %run_scoped3A = tpu.sem_alloc : memref<!tpu.dma_semaphore, #tpu.memory_space<semaphore_mem>>
      %dma_start3A_103 = arith.constant 0 : i32
      %dma_start3A_104 = arith.constant 0 : i32
      %dma_start3A_105 = tpu.memref_slice %arg13[%dma_start3A_103, %dma_start3A_104] : memref<200x16xf32, #tpu.memory_space<vmem>> -> memref<200x16xf32, #tpu.memory_space<vmem>>
      %dma_start3A_106 = arith.constant 0 : i32
      %dma_start3A_107 = tpu.memref_slice %arg21[%add3A_68, %dma_start3A_106] : memref<10240x16xf32, #tpu.memory_space<vmem_shared>> -> memref<200x16xf32, #tpu.memory_space<vmem_shared>>
      %dma_start3A_108 = arith.constant 0 : i32
      %dma_start3A_109 = arith.constant 0 : i32
      %dma_start3A_110 = tpu.memref_slice %arg13[%dma_start3A_108, %dma_start3A_109] : memref<200x16xf32, #tpu.memory_space<vmem>> -> memref<200x16xf32, #tpu.memory_space<vmem>>
      %dma_start3A_111 = arith.constant 0 : i32
      %dma_start3A_112 = tpu.memref_slice %arg21[%add3A_68, %dma_start3A_111] : memref<10240x16xf32, #tpu.memory_space<vmem_shared>> -> memref<200x16xf32, #tpu.memory_space<vmem_shared>>
      tpu.enqueue_dma source(%dma_start3A_112 : memref<200x16xf32, #tpu.memory_space<vmem_shared>>) target(%dma_start3A_110 : memref<200x16xf32, #tpu.memory_space<vmem>>) target_semaphore(%run_scoped3A : memref<!tpu.dma_semaphore, #tpu.memory_space<semaphore_mem>>)
      %dma_wait3A_113 = arith.constant 0 : i32
      %dma_wait3A_114 = arith.constant 0 : i32
      %dma_wait3A_115 = tpu.memref_slice %arg13[%dma_wait3A_113, %dma_wait3A_114] : memref<200x16xf32, #tpu.memory_space<vmem>> -> memref<200x16xf32, #tpu.memory_space<vmem>>
      %dma_wait3A_116 = arith.constant 0 : i32
      %dma_wait3A_117 = tpu.memref_slice %arg21[%add3A_68, %dma_wait3A_116] : memref<10240x16xf32, #tpu.memory_space<vmem_shared>> -> memref<200x16xf32, #tpu.memory_space<vmem_shared>>
      %dma_wait3A_118 = arith.constant 0 : i32
      %dma_wait3A_119 = arith.constant 0 : i32
      %dma_wait3A_120 = tpu.memref_slice %arg13[%dma_wait3A_118, %dma_wait3A_119] : memref<200x16xf32, #tpu.memory_space<vmem>> -> memref<200x16xf32, #tpu.memory_space<vmem>>
      %dma_wait3A_121 = arith.constant 0 : i32
      %dma_wait3A_122 = tpu.memref_slice %arg21[%add3A_68, %dma_wait3A_121] : memref<10240x16xf32, #tpu.memory_space<vmem_shared>> -> memref<200x16xf32, #tpu.memory_space<vmem_shared>>
      tpu.wait_dma2 semaphore(%run_scoped3A : memref<!tpu.dma_semaphore, #tpu.memory_space<semaphore_mem>>) src(%dma_wait3A_122 : memref<200x16xf32, #tpu.memory_space<vmem_shared>>) dst(%dma_wait3A_120 : memref<200x16xf32, #tpu.memory_space<vmem>>)
      tpu.yield
    }) : () -> ()
    %eq3A_69 = arith.constant 0 : i32
    %eq3A_70 = arith.cmpi eq, %arg0, %eq3A_69 : i32
    %convert_element_type3A_71 = arith.extui %eq3A_70 : i1 to i32
    %cond3A_72 = arith.constant 0 : i32
    %cond3A_73 = arith.cmpi ne, %convert_element_type3A_71, %cond3A_72 : i32
    scf.if %cond3A_73 {
      %add3A_103 = arith.constant 200 : i32
      %add3A_104 = arith.addi %mul3A_2, %add3A_103 : i32
      "tpu.region"() ({
        %run_scoped3A = tpu.sem_alloc : memref<!tpu.dma_semaphore, #tpu.memory_space<semaphore_mem>>
        %dma_start3A_105 = arith.constant 0 : i32
        %dma_start3A_106 = arith.constant 0 : i32
        %dma_start3A_107 = tpu.memref_slice %arg13[%dma_start3A_105, %dma_start3A_106] : memref<200x16xf32, #tpu.memory_space<vmem>> -> memref<200x16xf32, #tpu.memory_space<vmem>>
        %dma_start3A_108 = arith.constant 0 : i32
        %dma_start3A_109 = tpu.memref_slice %arg7[%add3A_104, %dma_start3A_108] : memref<10240x16xf32, #tpu.memory_space<hbm>> -> memref<200x16xf32, #tpu.memory_space<hbm>>
        %dma_start3A_110 = arith.constant 0 : i32
        %dma_start3A_111 = tpu.memref_slice %arg7[%add3A_104, %dma_start3A_110] : memref<10240x16xf32, #tpu.memory_space<hbm>> -> memref<200x16xf32, #tpu.memory_space<hbm>>
        %dma_start3A_112 = arith.constant 0 : i32
        %dma_start3A_113 = arith.constant 0 : i32
        %dma_start3A_114 = tpu.memref_slice %arg13[%dma_start3A_112, %dma_start3A_113] : memref<200x16xf32, #tpu.memory_space<vmem>> -> memref<200x16xf32, #tpu.memory_space<vmem>>
        tpu.enqueue_dma source(%dma_start3A_114 : memref<200x16xf32, #tpu.memory_space<vmem>>) target(%dma_start3A_111 : memref<200x16xf32, #tpu.memory_space<hbm>>) target_semaphore(%run_scoped3A : memref<!tpu.dma_semaphore, #tpu.memory_space<semaphore_mem>>)
        %dma_wait3A_115 = arith.constant 0 : i32
        %dma_wait3A_116 = arith.constant 0 : i32
        %dma_wait3A_117 = tpu.memref_slice %arg13[%dma_wait3A_115, %dma_wait3A_116] : memref<200x16xf32, #tpu.memory_space<vmem>> -> memref<200x16xf32, #tpu.memory_space<vmem>>
        %dma_wait3A_118 = arith.constant 0 : i32
        %dma_wait3A_119 = tpu.memref_slice %arg7[%add3A_104, %dma_wait3A_118] : memref<10240x16xf32, #tpu.memory_space<hbm>> -> memref<200x16xf32, #tpu.memory_space<hbm>>
        %dma_wait3A_120 = arith.constant 0 : i32
        %dma_wait3A_121 = tpu.memref_slice %arg7[%add3A_104, %dma_wait3A_120] : memref<10240x16xf32, #tpu.memory_space<hbm>> -> memref<200x16xf32, #tpu.memory_space<hbm>>
        %dma_wait3A_122 = arith.constant 0 : i32
        %dma_wait3A_123 = arith.constant 0 : i32
        %dma_wait3A_124 = tpu.memref_slice %arg13[%dma_wait3A_122, %dma_wait3A_123] : memref<200x16xf32, #tpu.memory_space<vmem>> -> memref<200x16xf32, #tpu.memory_space<vmem>>
        tpu.wait_dma2 semaphore(%run_scoped3A : memref<!tpu.dma_semaphore, #tpu.memory_space<semaphore_mem>>) src(%dma_wait3A_124 : memref<200x16xf32, #tpu.memory_space<vmem>>) dst(%dma_wait3A_121 : memref<200x16xf32, #tpu.memory_space<hbm>>)
        tpu.yield
      }) : () -> ()
    } else {
    }
    %eq3A_74 = arith.constant 1 : i32
    %eq3A_75 = arith.cmpi eq, %arg0, %eq3A_74 : i32
    %convert_element_type3A_76 = arith.extui %eq3A_75 : i1 to i32
    %cond3A_77 = arith.constant 0 : i32
    %cond3A_78 = arith.cmpi ne, %convert_element_type3A_76, %cond3A_77 : i32
    scf.if %cond3A_78 {
      %add3A_103 = arith.constant 200 : i32
      %add3A_104 = arith.addi %mul3A_2, %add3A_103 : i32
      "tpu.region"() ({
        %run_scoped3A = tpu.sem_alloc : memref<!tpu.dma_semaphore, #tpu.memory_space<semaphore_mem>>
        %dma_start3A_105 = arith.constant 0 : i32
        %dma_start3A_106 = arith.constant 0 : i32
        %dma_start3A_107 = tpu.memref_slice %arg13[%dma_start3A_105, %dma_start3A_106] : memref<200x16xf32, #tpu.memory_space<vmem>> -> memref<200x16xf32, #tpu.memory_space<vmem>>
        %dma_start3A_108 = arith.constant 0 : i32
        %dma_start3A_109 = tpu.memref_slice %arg8[%add3A_104, %dma_start3A_108] : memref<10240x16xf32, #tpu.memory_space<hbm>> -> memref<200x16xf32, #tpu.memory_space<hbm>>
        %dma_start3A_110 = arith.constant 0 : i32
        %dma_start3A_111 = tpu.memref_slice %arg8[%add3A_104, %dma_start3A_110] : memref<10240x16xf32, #tpu.memory_space<hbm>> -> memref<200x16xf32, #tpu.memory_space<hbm>>
        %dma_start3A_112 = arith.constant 0 : i32
        %dma_start3A_113 = arith.constant 0 : i32
        %dma_start3A_114 = tpu.memref_slice %arg13[%dma_start3A_112, %dma_start3A_113] : memref<200x16xf32, #tpu.memory_space<vmem>> -> memref<200x16xf32, #tpu.memory_space<vmem>>
        tpu.enqueue_dma source(%dma_start3A_114 : memref<200x16xf32, #tpu.memory_space<vmem>>) target(%dma_start3A_111 : memref<200x16xf32, #tpu.memory_space<hbm>>) target_semaphore(%run_scoped3A : memref<!tpu.dma_semaphore, #tpu.memory_space<semaphore_mem>>)
        %dma_wait3A_115 = arith.constant 0 : i32
        %dma_wait3A_116 = arith.constant 0 : i32
        %dma_wait3A_117 = tpu.memref_slice %arg13[%dma_wait3A_115, %dma_wait3A_116] : memref<200x16xf32, #tpu.memory_space<vmem>> -> memref<200x16xf32, #tpu.memory_space<vmem>>
        %dma_wait3A_118 = arith.constant 0 : i32
        %dma_wait3A_119 = tpu.memref_slice %arg8[%add3A_104, %dma_wait3A_118] : memref<10240x16xf32, #tpu.memory_space<hbm>> -> memref<200x16xf32, #tpu.memory_space<hbm>>
        %dma_wait3A_120 = arith.constant 0 : i32
        %dma_wait3A_121 = tpu.memref_slice %arg8[%add3A_104, %dma_wait3A_120] : memref<10240x16xf32, #tpu.memory_space<hbm>> -> memref<200x16xf32, #tpu.memory_space<hbm>>
        %dma_wait3A_122 = arith.constant 0 : i32
        %dma_wait3A_123 = arith.constant 0 : i32
        %dma_wait3A_124 = tpu.memref_slice %arg13[%dma_wait3A_122, %dma_wait3A_123] : memref<200x16xf32, #tpu.memory_space<vmem>> -> memref<200x16xf32, #tpu.memory_space<vmem>>
        tpu.wait_dma2 semaphore(%run_scoped3A : memref<!tpu.dma_semaphore, #tpu.memory_space<semaphore_mem>>) src(%dma_wait3A_124 : memref<200x16xf32, #tpu.memory_space<vmem>>) dst(%dma_wait3A_121 : memref<200x16xf32, #tpu.memory_space<hbm>>)
        tpu.yield
      }) : () -> ()
    } else {
    }
    %add3A_79 = arith.constant 400 : i32
    %add3A_80 = arith.addi %mul3A_2, %add3A_79 : i32
    "tpu.region"() ({
      %run_scoped3A = tpu.sem_alloc : memref<!tpu.dma_semaphore, #tpu.memory_space<semaphore_mem>>
      %dma_start3A_103 = arith.constant 0 : i32
      %dma_start3A_104 = arith.constant 0 : i32
      %dma_start3A_105 = tpu.memref_slice %arg13[%dma_start3A_103, %dma_start3A_104] : memref<200x16xf32, #tpu.memory_space<vmem>> -> memref<200x16xf32, #tpu.memory_space<vmem>>
      %dma_start3A_106 = arith.constant 0 : i32
      %dma_start3A_107 = tpu.memref_slice %arg21[%add3A_80, %dma_start3A_106] : memref<10240x16xf32, #tpu.memory_space<vmem_shared>> -> memref<200x16xf32, #tpu.memory_space<vmem_shared>>
      %dma_start3A_108 = arith.constant 0 : i32
      %dma_start3A_109 = arith.constant 0 : i32
      %dma_start3A_110 = tpu.memref_slice %arg13[%dma_start3A_108, %dma_start3A_109] : memref<200x16xf32, #tpu.memory_space<vmem>> -> memref<200x16xf32, #tpu.memory_space<vmem>>
      %dma_start3A_111 = arith.constant 0 : i32
      %dma_start3A_112 = tpu.memref_slice %arg21[%add3A_80, %dma_start3A_111] : memref<10240x16xf32, #tpu.memory_space<vmem_shared>> -> memref<200x16xf32, #tpu.memory_space<vmem_shared>>
      tpu.enqueue_dma source(%dma_start3A_112 : memref<200x16xf32, #tpu.memory_space<vmem_shared>>) target(%dma_start3A_110 : memref<200x16xf32, #tpu.memory_space<vmem>>) target_semaphore(%run_scoped3A : memref<!tpu.dma_semaphore, #tpu.memory_space<semaphore_mem>>)
      %dma_wait3A_113 = arith.constant 0 : i32
      %dma_wait3A_114 = arith.constant 0 : i32
      %dma_wait3A_115 = tpu.memref_slice %arg13[%dma_wait3A_113, %dma_wait3A_114] : memref<200x16xf32, #tpu.memory_space<vmem>> -> memref<200x16xf32, #tpu.memory_space<vmem>>
      %dma_wait3A_116 = arith.constant 0 : i32
      %dma_wait3A_117 = tpu.memref_slice %arg21[%add3A_80, %dma_wait3A_116] : memref<10240x16xf32, #tpu.memory_space<vmem_shared>> -> memref<200x16xf32, #tpu.memory_space<vmem_shared>>
      %dma_wait3A_118 = arith.constant 0 : i32
      %dma_wait3A_119 = arith.constant 0 : i32
      %dma_wait3A_120 = tpu.memref_slice %arg13[%dma_wait3A_118, %dma_wait3A_119] : memref<200x16xf32, #tpu.memory_space<vmem>> -> memref<200x16xf32, #tpu.memory_space<vmem>>
      %dma_wait3A_121 = arith.constant 0 : i32
      %dma_wait3A_122 = tpu.memref_slice %arg21[%add3A_80, %dma_wait3A_121] : memref<10240x16xf32, #tpu.memory_space<vmem_shared>> -> memref<200x16xf32, #tpu.memory_space<vmem_shared>>
      tpu.wait_dma2 semaphore(%run_scoped3A : memref<!tpu.dma_semaphore, #tpu.memory_space<semaphore_mem>>) src(%dma_wait3A_122 : memref<200x16xf32, #tpu.memory_space<vmem_shared>>) dst(%dma_wait3A_120 : memref<200x16xf32, #tpu.memory_space<vmem>>)
      tpu.yield
    }) : () -> ()
    %eq3A_81 = arith.constant 0 : i32
    %eq3A_82 = arith.cmpi eq, %arg0, %eq3A_81 : i32
    %convert_element_type3A_83 = arith.extui %eq3A_82 : i1 to i32
    %cond3A_84 = arith.constant 0 : i32
    %cond3A_85 = arith.cmpi ne, %convert_element_type3A_83, %cond3A_84 : i32
    scf.if %cond3A_85 {
      %add3A_103 = arith.constant 400 : i32
      %add3A_104 = arith.addi %mul3A_2, %add3A_103 : i32
      "tpu.region"() ({
        %run_scoped3A = tpu.sem_alloc : memref<!tpu.dma_semaphore, #tpu.memory_space<semaphore_mem>>
        %dma_start3A_105 = arith.constant 0 : i32
        %dma_start3A_106 = arith.constant 0 : i32
        %dma_start3A_107 = tpu.memref_slice %arg13[%dma_start3A_105, %dma_start3A_106] : memref<200x16xf32, #tpu.memory_space<vmem>> -> memref<200x16xf32, #tpu.memory_space<vmem>>
        %dma_start3A_108 = arith.constant 0 : i32
        %dma_start3A_109 = tpu.memref_slice %arg7[%add3A_104, %dma_start3A_108] : memref<10240x16xf32, #tpu.memory_space<hbm>> -> memref<200x16xf32, #tpu.memory_space<hbm>>
        %dma_start3A_110 = arith.constant 0 : i32
        %dma_start3A_111 = tpu.memref_slice %arg7[%add3A_104, %dma_start3A_110] : memref<10240x16xf32, #tpu.memory_space<hbm>> -> memref<200x16xf32, #tpu.memory_space<hbm>>
        %dma_start3A_112 = arith.constant 0 : i32
        %dma_start3A_113 = arith.constant 0 : i32
        %dma_start3A_114 = tpu.memref_slice %arg13[%dma_start3A_112, %dma_start3A_113] : memref<200x16xf32, #tpu.memory_space<vmem>> -> memref<200x16xf32, #tpu.memory_space<vmem>>
        tpu.enqueue_dma source(%dma_start3A_114 : memref<200x16xf32, #tpu.memory_space<vmem>>) target(%dma_start3A_111 : memref<200x16xf32, #tpu.memory_space<hbm>>) target_semaphore(%run_scoped3A : memref<!tpu.dma_semaphore, #tpu.memory_space<semaphore_mem>>)
        %dma_wait3A_115 = arith.constant 0 : i32
        %dma_wait3A_116 = arith.constant 0 : i32
        %dma_wait3A_117 = tpu.memref_slice %arg13[%dma_wait3A_115, %dma_wait3A_116] : memref<200x16xf32, #tpu.memory_space<vmem>> -> memref<200x16xf32, #tpu.memory_space<vmem>>
        %dma_wait3A_118 = arith.constant 0 : i32
        %dma_wait3A_119 = tpu.memref_slice %arg7[%add3A_104, %dma_wait3A_118] : memref<10240x16xf32, #tpu.memory_space<hbm>> -> memref<200x16xf32, #tpu.memory_space<hbm>>
        %dma_wait3A_120 = arith.constant 0 : i32
        %dma_wait3A_121 = tpu.memref_slice %arg7[%add3A_104, %dma_wait3A_120] : memref<10240x16xf32, #tpu.memory_space<hbm>> -> memref<200x16xf32, #tpu.memory_space<hbm>>
        %dma_wait3A_122 = arith.constant 0 : i32
        %dma_wait3A_123 = arith.constant 0 : i32
        %dma_wait3A_124 = tpu.memref_slice %arg13[%dma_wait3A_122, %dma_wait3A_123] : memref<200x16xf32, #tpu.memory_space<vmem>> -> memref<200x16xf32, #tpu.memory_space<vmem>>
        tpu.wait_dma2 semaphore(%run_scoped3A : memref<!tpu.dma_semaphore, #tpu.memory_space<semaphore_mem>>) src(%dma_wait3A_124 : memref<200x16xf32, #tpu.memory_space<vmem>>) dst(%dma_wait3A_121 : memref<200x16xf32, #tpu.memory_space<hbm>>)
        tpu.yield
      }) : () -> ()
    } else {
    }
    %eq3A_86 = arith.constant 1 : i32
    %eq3A_87 = arith.cmpi eq, %arg0, %eq3A_86 : i32
    %convert_element_type3A_88 = arith.extui %eq3A_87 : i1 to i32
    %cond3A_89 = arith.constant 0 : i32
    %cond3A_90 = arith.cmpi ne, %convert_element_type3A_88, %cond3A_89 : i32
    scf.if %cond3A_90 {
      %add3A_103 = arith.constant 400 : i32
      %add3A_104 = arith.addi %mul3A_2, %add3A_103 : i32
      "tpu.region"() ({
        %run_scoped3A = tpu.sem_alloc : memref<!tpu.dma_semaphore, #tpu.memory_space<semaphore_mem>>
        %dma_start3A_105 = arith.constant 0 : i32
        %dma_start3A_106 = arith.constant 0 : i32
        %dma_start3A_107 = tpu.memref_slice %arg13[%dma_start3A_105, %dma_start3A_106] : memref<200x16xf32, #tpu.memory_space<vmem>> -> memref<200x16xf32, #tpu.memory_space<vmem>>
        %dma_start3A_108 = arith.constant 0 : i32
        %dma_start3A_109 = tpu.memref_slice %arg8[%add3A_104, %dma_start3A_108] : memref<10240x16xf32, #tpu.memory_space<hbm>> -> memref<200x16xf32, #tpu.memory_space<hbm>>
        %dma_start3A_110 = arith.constant 0 : i32
        %dma_start3A_111 = tpu.memref_slice %arg8[%add3A_104, %dma_start3A_110] : memref<10240x16xf32, #tpu.memory_space<hbm>> -> memref<200x16xf32, #tpu.memory_space<hbm>>
        %dma_start3A_112 = arith.constant 0 : i32
        %dma_start3A_113 = arith.constant 0 : i32
        %dma_start3A_114 = tpu.memref_slice %arg13[%dma_start3A_112, %dma_start3A_113] : memref<200x16xf32, #tpu.memory_space<vmem>> -> memref<200x16xf32, #tpu.memory_space<vmem>>
        tpu.enqueue_dma source(%dma_start3A_114 : memref<200x16xf32, #tpu.memory_space<vmem>>) target(%dma_start3A_111 : memref<200x16xf32, #tpu.memory_space<hbm>>) target_semaphore(%run_scoped3A : memref<!tpu.dma_semaphore, #tpu.memory_space<semaphore_mem>>)
        %dma_wait3A_115 = arith.constant 0 : i32
        %dma_wait3A_116 = arith.constant 0 : i32
        %dma_wait3A_117 = tpu.memref_slice %arg13[%dma_wait3A_115, %dma_wait3A_116] : memref<200x16xf32, #tpu.memory_space<vmem>> -> memref<200x16xf32, #tpu.memory_space<vmem>>
        %dma_wait3A_118 = arith.constant 0 : i32
        %dma_wait3A_119 = tpu.memref_slice %arg8[%add3A_104, %dma_wait3A_118] : memref<10240x16xf32, #tpu.memory_space<hbm>> -> memref<200x16xf32, #tpu.memory_space<hbm>>
        %dma_wait3A_120 = arith.constant 0 : i32
        %dma_wait3A_121 = tpu.memref_slice %arg8[%add3A_104, %dma_wait3A_120] : memref<10240x16xf32, #tpu.memory_space<hbm>> -> memref<200x16xf32, #tpu.memory_space<hbm>>
        %dma_wait3A_122 = arith.constant 0 : i32
        %dma_wait3A_123 = arith.constant 0 : i32
        %dma_wait3A_124 = tpu.memref_slice %arg13[%dma_wait3A_122, %dma_wait3A_123] : memref<200x16xf32, #tpu.memory_space<vmem>> -> memref<200x16xf32, #tpu.memory_space<vmem>>
        tpu.wait_dma2 semaphore(%run_scoped3A : memref<!tpu.dma_semaphore, #tpu.memory_space<semaphore_mem>>) src(%dma_wait3A_124 : memref<200x16xf32, #tpu.memory_space<vmem>>) dst(%dma_wait3A_121 : memref<200x16xf32, #tpu.memory_space<hbm>>)
        tpu.yield
      }) : () -> ()
    } else {
    }
    %add3A_91 = arith.constant 600 : i32
    %add3A_92 = arith.addi %mul3A_2, %add3A_91 : i32
    "tpu.region"() ({
      %run_scoped3A = tpu.sem_alloc : memref<!tpu.dma_semaphore, #tpu.memory_space<semaphore_mem>>
      %dma_start3A_103 = arith.constant 0 : i32
      %dma_start3A_104 = arith.constant 0 : i32
      %dma_start3A_105 = tpu.memref_slice %arg13[%dma_start3A_103, %dma_start3A_104] : memref<200x16xf32, #tpu.memory_space<vmem>> -> memref<40x16xf32, #tpu.memory_space<vmem>>
      %dma_start3A_106 = arith.constant 0 : i32
      %dma_start3A_107 = tpu.memref_slice %arg21[%add3A_92, %dma_start3A_106] : memref<10240x16xf32, #tpu.memory_space<vmem_shared>> -> memref<40x16xf32, #tpu.memory_space<vmem_shared>>
      %dma_start3A_108 = arith.constant 0 : i32
      %dma_start3A_109 = arith.constant 0 : i32
      %dma_start3A_110 = tpu.memref_slice %arg13[%dma_start3A_108, %dma_start3A_109] : memref<200x16xf32, #tpu.memory_space<vmem>> -> memref<40x16xf32, #tpu.memory_space<vmem>>
      %dma_start3A_111 = arith.constant 0 : i32
      %dma_start3A_112 = tpu.memref_slice %arg21[%add3A_92, %dma_start3A_111] : memref<10240x16xf32, #tpu.memory_space<vmem_shared>> -> memref<40x16xf32, #tpu.memory_space<vmem_shared>>
      tpu.enqueue_dma source(%dma_start3A_112 : memref<40x16xf32, #tpu.memory_space<vmem_shared>>) target(%dma_start3A_110 : memref<40x16xf32, #tpu.memory_space<vmem>>) target_semaphore(%run_scoped3A : memref<!tpu.dma_semaphore, #tpu.memory_space<semaphore_mem>>)
      %dma_wait3A_113 = arith.constant 0 : i32
      %dma_wait3A_114 = arith.constant 0 : i32
      %dma_wait3A_115 = tpu.memref_slice %arg13[%dma_wait3A_113, %dma_wait3A_114] : memref<200x16xf32, #tpu.memory_space<vmem>> -> memref<40x16xf32, #tpu.memory_space<vmem>>
      %dma_wait3A_116 = arith.constant 0 : i32
      %dma_wait3A_117 = tpu.memref_slice %arg21[%add3A_92, %dma_wait3A_116] : memref<10240x16xf32, #tpu.memory_space<vmem_shared>> -> memref<40x16xf32, #tpu.memory_space<vmem_shared>>
      %dma_wait3A_118 = arith.constant 0 : i32
      %dma_wait3A_119 = arith.constant 0 : i32
      %dma_wait3A_120 = tpu.memref_slice %arg13[%dma_wait3A_118, %dma_wait3A_119] : memref<200x16xf32, #tpu.memory_space<vmem>> -> memref<40x16xf32, #tpu.memory_space<vmem>>
      %dma_wait3A_121 = arith.constant 0 : i32
      %dma_wait3A_122 = tpu.memref_slice %arg21[%add3A_92, %dma_wait3A_121] : memref<10240x16xf32, #tpu.memory_space<vmem_shared>> -> memref<40x16xf32, #tpu.memory_space<vmem_shared>>
      tpu.wait_dma2 semaphore(%run_scoped3A : memref<!tpu.dma_semaphore, #tpu.memory_space<semaphore_mem>>) src(%dma_wait3A_122 : memref<40x16xf32, #tpu.memory_space<vmem_shared>>) dst(%dma_wait3A_120 : memref<40x16xf32, #tpu.memory_space<vmem>>)
      tpu.yield
    }) : () -> ()
    %eq3A_93 = arith.constant 0 : i32
    %eq3A_94 = arith.cmpi eq, %arg0, %eq3A_93 : i32
    %convert_element_type3A_95 = arith.extui %eq3A_94 : i1 to i32
    %cond3A_96 = arith.constant 0 : i32
    %cond3A_97 = arith.cmpi ne, %convert_element_type3A_95, %cond3A_96 : i32
    scf.if %cond3A_97 {
      %add3A_103 = arith.constant 600 : i32
      %add3A_104 = arith.addi %mul3A_2, %add3A_103 : i32
      "tpu.region"() ({
        %run_scoped3A = tpu.sem_alloc : memref<!tpu.dma_semaphore, #tpu.memory_space<semaphore_mem>>
        %dma_start3A_105 = arith.constant 0 : i32
        %dma_start3A_106 = arith.constant 0 : i32
        %dma_start3A_107 = tpu.memref_slice %arg13[%dma_start3A_105, %dma_start3A_106] : memref<200x16xf32, #tpu.memory_space<vmem>> -> memref<40x16xf32, #tpu.memory_space<vmem>>
        %dma_start3A_108 = arith.constant 0 : i32
        %dma_start3A_109 = tpu.memref_slice %arg7[%add3A_104, %dma_start3A_108] : memref<10240x16xf32, #tpu.memory_space<hbm>> -> memref<40x16xf32, #tpu.memory_space<hbm>>
        %dma_start3A_110 = arith.constant 0 : i32
        %dma_start3A_111 = tpu.memref_slice %arg7[%add3A_104, %dma_start3A_110] : memref<10240x16xf32, #tpu.memory_space<hbm>> -> memref<40x16xf32, #tpu.memory_space<hbm>>
        %dma_start3A_112 = arith.constant 0 : i32
        %dma_start3A_113 = arith.constant 0 : i32
        %dma_start3A_114 = tpu.memref_slice %arg13[%dma_start3A_112, %dma_start3A_113] : memref<200x16xf32, #tpu.memory_space<vmem>> -> memref<40x16xf32, #tpu.memory_space<vmem>>
        tpu.enqueue_dma source(%dma_start3A_114 : memref<40x16xf32, #tpu.memory_space<vmem>>) target(%dma_start3A_111 : memref<40x16xf32, #tpu.memory_space<hbm>>) target_semaphore(%run_scoped3A : memref<!tpu.dma_semaphore, #tpu.memory_space<semaphore_mem>>)
        %dma_wait3A_115 = arith.constant 0 : i32
        %dma_wait3A_116 = arith.constant 0 : i32
        %dma_wait3A_117 = tpu.memref_slice %arg13[%dma_wait3A_115, %dma_wait3A_116] : memref<200x16xf32, #tpu.memory_space<vmem>> -> memref<40x16xf32, #tpu.memory_space<vmem>>
        %dma_wait3A_118 = arith.constant 0 : i32
        %dma_wait3A_119 = tpu.memref_slice %arg7[%add3A_104, %dma_wait3A_118] : memref<10240x16xf32, #tpu.memory_space<hbm>> -> memref<40x16xf32, #tpu.memory_space<hbm>>
        %dma_wait3A_120 = arith.constant 0 : i32
        %dma_wait3A_121 = tpu.memref_slice %arg7[%add3A_104, %dma_wait3A_120] : memref<10240x16xf32, #tpu.memory_space<hbm>> -> memref<40x16xf32, #tpu.memory_space<hbm>>
        %dma_wait3A_122 = arith.constant 0 : i32
        %dma_wait3A_123 = arith.constant 0 : i32
        %dma_wait3A_124 = tpu.memref_slice %arg13[%dma_wait3A_122, %dma_wait3A_123] : memref<200x16xf32, #tpu.memory_space<vmem>> -> memref<40x16xf32, #tpu.memory_space<vmem>>
        tpu.wait_dma2 semaphore(%run_scoped3A : memref<!tpu.dma_semaphore, #tpu.memory_space<semaphore_mem>>) src(%dma_wait3A_124 : memref<40x16xf32, #tpu.memory_space<vmem>>) dst(%dma_wait3A_121 : memref<40x16xf32, #tpu.memory_space<hbm>>)
        tpu.yield
      }) : () -> ()
    } else {
    }
    %eq3A_98 = arith.constant 1 : i32
    %eq3A_99 = arith.cmpi eq, %arg0, %eq3A_98 : i32
    %convert_element_type3A_100 = arith.extui %eq3A_99 : i1 to i32
    %cond3A_101 = arith.constant 0 : i32
    %cond3A_102 = arith.cmpi ne, %convert_element_type3A_100, %cond3A_101 : i32
    scf.if %cond3A_102 {
      %add3A_103 = arith.constant 600 : i32
      %add3A_104 = arith.addi %mul3A_2, %add3A_103 : i32
      "tpu.region"() ({
        %run_scoped3A = tpu.sem_alloc : memref<!tpu.dma_semaphore, #tpu.memory_space<semaphore_mem>>
        %dma_start3A_105 = arith.constant 0 : i32
        %dma_start3A_106 = arith.constant 0 : i32
        %dma_start3A_107 = tpu.memref_slice %arg13[%dma_start3A_105, %dma_start3A_106] : memref<200x16xf32, #tpu.memory_space<vmem>> -> memref<40x16xf32, #tpu.memory_space<vmem>>
        %dma_start3A_108 = arith.constant 0 : i32
        %dma_start3A_109 = tpu.memref_slice %arg8[%add3A_104, %dma_start3A_108] : memref<10240x16xf32, #tpu.memory_space<hbm>> -> memref<40x16xf32, #tpu.memory_space<hbm>>
        %dma_start3A_110 = arith.constant 0 : i32
        %dma_start3A_111 = tpu.memref_slice %arg8[%add3A_104, %dma_start3A_110] : memref<10240x16xf32, #tpu.memory_space<hbm>> -> memref<40x16xf32, #tpu.memory_space<hbm>>
        %dma_start3A_112 = arith.constant 0 : i32
        %dma_start3A_113 = arith.constant 0 : i32
        %dma_start3A_114 = tpu.memref_slice %arg13[%dma_start3A_112, %dma_start3A_113] : memref<200x16xf32, #tpu.memory_space<vmem>> -> memref<40x16xf32, #tpu.memory_space<vmem>>
        tpu.enqueue_dma source(%dma_start3A_114 : memref<40x16xf32, #tpu.memory_space<vmem>>) target(%dma_start3A_111 : memref<40x16xf32, #tpu.memory_space<hbm>>) target_semaphore(%run_scoped3A : memref<!tpu.dma_semaphore, #tpu.memory_space<semaphore_mem>>)
        %dma_wait3A_115 = arith.constant 0 : i32
        %dma_wait3A_116 = arith.constant 0 : i32
        %dma_wait3A_117 = tpu.memref_slice %arg13[%dma_wait3A_115, %dma_wait3A_116] : memref<200x16xf32, #tpu.memory_space<vmem>> -> memref<40x16xf32, #tpu.memory_space<vmem>>
        %dma_wait3A_118 = arith.constant 0 : i32
        %dma_wait3A_119 = tpu.memref_slice %arg8[%add3A_104, %dma_wait3A_118] : memref<10240x16xf32, #tpu.memory_space<hbm>> -> memref<40x16xf32, #tpu.memory_space<hbm>>
        %dma_wait3A_120 = arith.constant 0 : i32
        %dma_wait3A_121 = tpu.memref_slice %arg8[%add3A_104, %dma_wait3A_120] : memref<10240x16xf32, #tpu.memory_space<hbm>> -> memref<40x16xf32, #tpu.memory_space<hbm>>
        %dma_wait3A_122 = arith.constant 0 : i32
        %dma_wait3A_123 = arith.constant 0 : i32
        %dma_wait3A_124 = tpu.memref_slice %arg13[%dma_wait3A_122, %dma_wait3A_123] : memref<200x16xf32, #tpu.memory_space<vmem>> -> memref<40x16xf32, #tpu.memory_space<vmem>>
        tpu.wait_dma2 semaphore(%run_scoped3A : memref<!tpu.dma_semaphore, #tpu.memory_space<semaphore_mem>>) src(%dma_wait3A_124 : memref<40x16xf32, #tpu.memory_space<vmem>>) dst(%dma_wait3A_121 : memref<40x16xf32, #tpu.memory_space<hbm>>)
        tpu.yield
      }) : () -> ()
    } else {
    }
    return
  }
}

#map = affine_map<(d0, d1) -> (0, 0)>
#map1 = affine_map<(d0, d1) -> (0)>
module attributes {stable_mosaic.version = 14 : i64} {
  func.func @_agg_body(%arg0: i32, %arg1: i32, %arg2: memref<10000x128xf32, #tpu.memory_space<hbm>>, %arg3: memref<320000xi32, #tpu.memory_space<hbm>>, %arg4: memref<320000xi32, #tpu.memory_space<hbm>>, %arg5: memref<320000x16xf32, #tpu.memory_space<hbm>>, %arg6: memref<10240x16xf32, #tpu.memory_space<hbm>>, %arg7: memref<10240x16xf32, #tpu.memory_space<hbm>>, %arg8: memref<10240x128xf32, #tpu.memory_space<hbm>>, %arg9: memref<10240x128xf32, #tpu.memory_space<hbm>>, %arg10: memref<80xi32, #tpu.memory_space<vmem>>, %arg11: memref<80xi32, #tpu.memory_space<vmem>>, %arg12: memref<80x128xf32, #tpu.memory_space<vmem>>, %arg13: memref<80x16xf32, #tpu.memory_space<vmem>>, %arg14: memref<80x16xf32, #tpu.memory_space<vmem>>, %arg15: memref<80xi32, #tpu.memory_space<vmem>>, %arg16: memref<80xi32, #tpu.memory_space<vmem>>, %arg17: memref<80x128xf32, #tpu.memory_space<vmem>>, %arg18: memref<80x16xf32, #tpu.memory_space<vmem>>, %arg19: memref<80x16xf32, #tpu.memory_space<vmem>>, %arg20: memref<80xi32, #tpu.memory_space<vmem>>, %arg21: memref<80xi32, #tpu.memory_space<vmem>>, %arg22: memref<640x16xf32, #tpu.memory_space<vmem>>, %arg23: memref<10240x16xf32, #tpu.memory_space<vmem_shared>>, %arg24: memref<10240x128xf32, #tpu.memory_space<vmem_shared>>, %arg25: memref<!tpu.dma_semaphore, #tpu.memory_space<semaphore_mem>>, %arg26: memref<!tpu.dma_semaphore, #tpu.memory_space<semaphore_mem>>, %arg27: memref<!tpu.dma_semaphore, #tpu.memory_space<semaphore_mem>>, %arg28: memref<!tpu.dma_semaphore, #tpu.memory_space<semaphore_mem>>, %arg29: memref<!tpu.dma_semaphore, #tpu.memory_space<semaphore_mem>>, %arg30: memref<!tpu.dma_semaphore, #tpu.memory_space<semaphore_mem>>, %arg31: memref<!tpu.dma_semaphore, #tpu.memory_space<semaphore_mem>>, %arg32: memref<!tpu.dma_semaphore, #tpu.memory_space<semaphore_mem>>, %arg33: memref<!tpu.dma_semaphore, #tpu.memory_space<semaphore_mem>>, %arg34: memref<!tpu.dma_semaphore, #tpu.memory_space<semaphore_mem>>, %arg35: memref<!tpu.dma_semaphore, #tpu.memory_space<semaphore_mem>>, %arg36: memref<!tpu.dma_semaphore, #tpu.memory_space<semaphore_mem>>, %arg37: memref<!tpu.dma_semaphore, #tpu.memory_space<semaphore_mem>>, %arg38: memref<!tpu.dma_semaphore, #tpu.memory_space<semaphore_mem>>) attributes {dimension_semantics = [#tpu.dimension_semantics<core_parallel>, #tpu.dimension_semantics<subcore_parallel>], iteration_bounds = array<i64: 2, 16>, scalar_prefetch = 0 : i64, scratch_operands = 29 : i64, tpu.core_type = #tpu.core_type<sc_vector_subcore>, window_params = [{transform_indices = #map}, {transform_indices = #map1}, {transform_indices = #map1}, {transform_indices = #map}, {transform_indices = #map}, {transform_indices = #map}, {transform_indices = #map}, {transform_indices = #map}]} {
    %mul3A = arith.constant 2 : i32
    %mul3A_0 = arith.muli %arg1, %mul3A : i32
    %add3A = arith.addi %mul3A_0, %arg0 : i32
    %mul3A_1 = arith.constant 640 : i32
    %mul3A_2 = arith.muli %arg1, %mul3A_1 : i32
    "tpu.region"() ({
      %run_scoped3A = tpu.sem_alloc : memref<!tpu.dma_semaphore, #tpu.memory_space<semaphore_mem>>
      %dma_start3A_250 = arith.constant 0 : i32
      %dma_start3A_251 = tpu.memref_slice %arg6[%mul3A_2, %dma_start3A_250] : memref<10240x16xf32, #tpu.memory_space<hbm>> -> memref<640x16xf32, #tpu.memory_space<hbm>>
      %dma_start3A_252 = arith.constant 0 : i32
      %dma_start3A_253 = tpu.memref_slice %arg6[%mul3A_2, %dma_start3A_252] : memref<10240x16xf32, #tpu.memory_space<hbm>> -> memref<640x16xf32, #tpu.memory_space<hbm>>
      tpu.enqueue_dma source(%dma_start3A_253 : memref<640x16xf32, #tpu.memory_space<hbm>>) target(%arg22 : memref<640x16xf32, #tpu.memory_space<vmem>>) target_semaphore(%run_scoped3A : memref<!tpu.dma_semaphore, #tpu.memory_space<semaphore_mem>>)
      %dma_wait3A_254 = arith.constant 0 : i32
      %dma_wait3A_255 = tpu.memref_slice %arg6[%mul3A_2, %dma_wait3A_254] : memref<10240x16xf32, #tpu.memory_space<hbm>> -> memref<640x16xf32, #tpu.memory_space<hbm>>
      %dma_wait3A_256 = arith.constant 0 : i32
      %dma_wait3A_257 = tpu.memref_slice %arg6[%mul3A_2, %dma_wait3A_256] : memref<10240x16xf32, #tpu.memory_space<hbm>> -> memref<640x16xf32, #tpu.memory_space<hbm>>
      tpu.wait_dma2 semaphore(%run_scoped3A : memref<!tpu.dma_semaphore, #tpu.memory_space<semaphore_mem>>) src(%dma_wait3A_257 : memref<640x16xf32, #tpu.memory_space<hbm>>) dst(%arg22 : memref<640x16xf32, #tpu.memory_space<vmem>>)
      tpu.yield
    }) : () -> ()
    %add3A_3 = arith.constant 0 : i32
    %add3A_4 = arith.addi %mul3A_2, %add3A_3 : i32
    "tpu.region"() ({
      %run_scoped3A = tpu.sem_alloc : memref<!tpu.dma_semaphore, #tpu.memory_space<semaphore_mem>>
      %dma_start3A_250 = arith.constant 0 : i32
      %dma_start3A_251 = tpu.memref_slice %arg7[%add3A_4, %dma_start3A_250] : memref<10240x16xf32, #tpu.memory_space<hbm>> -> memref<80x16xf32, #tpu.memory_space<hbm>>
      %dma_start3A_252 = arith.constant 0 : i32
      %dma_start3A_253 = tpu.memref_slice %arg7[%add3A_4, %dma_start3A_252] : memref<10240x16xf32, #tpu.memory_space<hbm>> -> memref<80x16xf32, #tpu.memory_space<hbm>>
      tpu.enqueue_dma source(%dma_start3A_253 : memref<80x16xf32, #tpu.memory_space<hbm>>) target(%arg13 : memref<80x16xf32, #tpu.memory_space<vmem>>) target_semaphore(%run_scoped3A : memref<!tpu.dma_semaphore, #tpu.memory_space<semaphore_mem>>)
      %dma_wait3A_254 = arith.constant 0 : i32
      %dma_wait3A_255 = tpu.memref_slice %arg7[%add3A_4, %dma_wait3A_254] : memref<10240x16xf32, #tpu.memory_space<hbm>> -> memref<80x16xf32, #tpu.memory_space<hbm>>
      %dma_wait3A_256 = arith.constant 0 : i32
      %dma_wait3A_257 = tpu.memref_slice %arg7[%add3A_4, %dma_wait3A_256] : memref<10240x16xf32, #tpu.memory_space<hbm>> -> memref<80x16xf32, #tpu.memory_space<hbm>>
      tpu.wait_dma2 semaphore(%run_scoped3A : memref<!tpu.dma_semaphore, #tpu.memory_space<semaphore_mem>>) src(%dma_wait3A_257 : memref<80x16xf32, #tpu.memory_space<hbm>>) dst(%arg13 : memref<80x16xf32, #tpu.memory_space<vmem>>)
      tpu.yield
    }) : () -> ()
    %scan3A = arith.constant 0 : i32
    %scan3A_5 = arith.constant 80 : i32
    %scan3A_6 = arith.addi %scan3A, %scan3A_5 : i32
    %scan3A_7 = arith.constant 1 : i32
    scf.for %scan3A_250 = %scan3A to %scan3A_6 step %scan3A_7  : i32 {
      %mul3A_251 = arith.constant 1 : i32
      %mul3A_252 = arith.muli %scan3A_250, %mul3A_251 : i32
      %add3A_253 = arith.constant 0 : i32
      %add3A_254 = arith.addi %add3A_253, %mul3A_252 : i32
      %add3A_255 = arith.constant 0 : i32
      %add3A_256 = arith.addi %add3A_255, %add3A_254 : i32
      %get3A = arith.index_cast %add3A_256 : i32 to index
      %get3A_257 = arith.constant 0 : index
      %get3A_258 = tpu.vector_load %arg22[%get3A, %get3A_257] {strides = array<i32>} : memref<640x16xf32, #tpu.memory_space<vmem>>, vector<16xf32>,
      %get3A_259 = arith.index_cast %add3A_254 : i32 to index
      %get3A_260 = arith.constant 0 : index
      %get3A_261 = tpu.vector_load %arg13[%get3A_259, %get3A_260] {strides = array<i32>} : memref<80x16xf32, #tpu.memory_space<vmem>>, vector<16xf32>,
      %add3A_262 = arith.addf %get3A_258, %get3A_261 : vector<16xf32>
      %add3A_263 = arith.constant 0 : i32
      %add3A_264 = arith.addi %add3A_263, %add3A_254 : i32
      %swap3A = arith.index_cast %add3A_264 : i32 to index
      %swap3A_265 = arith.constant 0 : index
      %swap3A_266 = tpu.vector_load %arg22[%swap3A, %swap3A_265] {strides = array<i32>} : memref<640x16xf32, #tpu.memory_space<vmem>>, vector<16xf32>,
      tpu.vector_store %arg22[%swap3A, %swap3A_265], %add3A_262 {strides = array<i32>} : memref<640x16xf32, #tpu.memory_space<vmem>>, vector<16xf32>,
    }
    %scan3A_8 = arith.constant 80 : i32
    %add3A_9 = arith.constant 80 : i32
    %add3A_10 = arith.addi %mul3A_2, %add3A_9 : i32
    "tpu.region"() ({
      %run_scoped3A = tpu.sem_alloc : memref<!tpu.dma_semaphore, #tpu.memory_space<semaphore_mem>>
      %dma_start3A_250 = arith.constant 0 : i32
      %dma_start3A_251 = tpu.memref_slice %arg7[%add3A_10, %dma_start3A_250] : memref<10240x16xf32, #tpu.memory_space<hbm>> -> memref<80x16xf32, #tpu.memory_space<hbm>>
      %dma_start3A_252 = arith.constant 0 : i32
      %dma_start3A_253 = tpu.memref_slice %arg7[%add3A_10, %dma_start3A_252] : memref<10240x16xf32, #tpu.memory_space<hbm>> -> memref<80x16xf32, #tpu.memory_space<hbm>>
      tpu.enqueue_dma source(%dma_start3A_253 : memref<80x16xf32, #tpu.memory_space<hbm>>) target(%arg13 : memref<80x16xf32, #tpu.memory_space<vmem>>) target_semaphore(%run_scoped3A : memref<!tpu.dma_semaphore, #tpu.memory_space<semaphore_mem>>)
      %dma_wait3A_254 = arith.constant 0 : i32
      %dma_wait3A_255 = tpu.memref_slice %arg7[%add3A_10, %dma_wait3A_254] : memref<10240x16xf32, #tpu.memory_space<hbm>> -> memref<80x16xf32, #tpu.memory_space<hbm>>
      %dma_wait3A_256 = arith.constant 0 : i32
      %dma_wait3A_257 = tpu.memref_slice %arg7[%add3A_10, %dma_wait3A_256] : memref<10240x16xf32, #tpu.memory_space<hbm>> -> memref<80x16xf32, #tpu.memory_space<hbm>>
      tpu.wait_dma2 semaphore(%run_scoped3A : memref<!tpu.dma_semaphore, #tpu.memory_space<semaphore_mem>>) src(%dma_wait3A_257 : memref<80x16xf32, #tpu.memory_space<hbm>>) dst(%arg13 : memref<80x16xf32, #tpu.memory_space<vmem>>)
      tpu.yield
    }) : () -> ()
    %scan3A_11 = arith.constant 0 : i32
    %scan3A_12 = arith.constant 80 : i32
    %scan3A_13 = arith.addi %scan3A_11, %scan3A_12 : i32
    %scan3A_14 = arith.constant 1 : i32
    scf.for %scan3A_250 = %scan3A_11 to %scan3A_13 step %scan3A_14  : i32 {
      %mul3A_251 = arith.constant 1 : i32
      %mul3A_252 = arith.muli %scan3A_250, %mul3A_251 : i32
      %add3A_253 = arith.constant 0 : i32
      %add3A_254 = arith.addi %add3A_253, %mul3A_252 : i32
      %add3A_255 = arith.constant 80 : i32
      %add3A_256 = arith.addi %add3A_255, %add3A_254 : i32
      %get3A = arith.index_cast %add3A_256 : i32 to index
      %get3A_257 = arith.constant 0 : index
      %get3A_258 = tpu.vector_load %arg22[%get3A, %get3A_257] {strides = array<i32>} : memref<640x16xf32, #tpu.memory_space<vmem>>, vector<16xf32>,
      %get3A_259 = arith.index_cast %add3A_254 : i32 to index
      %get3A_260 = arith.constant 0 : index
      %get3A_261 = tpu.vector_load %arg13[%get3A_259, %get3A_260] {strides = array<i32>} : memref<80x16xf32, #tpu.memory_space<vmem>>, vector<16xf32>,
      %add3A_262 = arith.addf %get3A_258, %get3A_261 : vector<16xf32>
      %add3A_263 = arith.constant 80 : i32
      %add3A_264 = arith.addi %add3A_263, %add3A_254 : i32
      %swap3A = arith.index_cast %add3A_264 : i32 to index
      %swap3A_265 = arith.constant 0 : index
      %swap3A_266 = tpu.vector_load %arg22[%swap3A, %swap3A_265] {strides = array<i32>} : memref<640x16xf32, #tpu.memory_space<vmem>>, vector<16xf32>,
      tpu.vector_store %arg22[%swap3A, %swap3A_265], %add3A_262 {strides = array<i32>} : memref<640x16xf32, #tpu.memory_space<vmem>>, vector<16xf32>,
    }
    %scan3A_15 = arith.constant 80 : i32
    %add3A_16 = arith.constant 160 : i32
    %add3A_17 = arith.addi %mul3A_2, %add3A_16 : i32
    "tpu.region"() ({
      %run_scoped3A = tpu.sem_alloc : memref<!tpu.dma_semaphore, #tpu.memory_space<semaphore_mem>>
      %dma_start3A_250 = arith.constant 0 : i32
      %dma_start3A_251 = tpu.memref_slice %arg7[%add3A_17, %dma_start3A_250] : memref<10240x16xf32, #tpu.memory_space<hbm>> -> memref<80x16xf32, #tpu.memory_space<hbm>>
      %dma_start3A_252 = arith.constant 0 : i32
      %dma_start3A_253 = tpu.memref_slice %arg7[%add3A_17, %dma_start3A_252] : memref<10240x16xf32, #tpu.memory_space<hbm>> -> memref<80x16xf32, #tpu.memory_space<hbm>>
      tpu.enqueue_dma source(%dma_start3A_253 : memref<80x16xf32, #tpu.memory_space<hbm>>) target(%arg13 : memref<80x16xf32, #tpu.memory_space<vmem>>) target_semaphore(%run_scoped3A : memref<!tpu.dma_semaphore, #tpu.memory_space<semaphore_mem>>)
      %dma_wait3A_254 = arith.constant 0 : i32
      %dma_wait3A_255 = tpu.memref_slice %arg7[%add3A_17, %dma_wait3A_254] : memref<10240x16xf32, #tpu.memory_space<hbm>> -> memref<80x16xf32, #tpu.memory_space<hbm>>
      %dma_wait3A_256 = arith.constant 0 : i32
      %dma_wait3A_257 = tpu.memref_slice %arg7[%add3A_17, %dma_wait3A_256] : memref<10240x16xf32, #tpu.memory_space<hbm>> -> memref<80x16xf32, #tpu.memory_space<hbm>>
      tpu.wait_dma2 semaphore(%run_scoped3A : memref<!tpu.dma_semaphore, #tpu.memory_space<semaphore_mem>>) src(%dma_wait3A_257 : memref<80x16xf32, #tpu.memory_space<hbm>>) dst(%arg13 : memref<80x16xf32, #tpu.memory_space<vmem>>)
      tpu.yield
    }) : () -> ()
    %scan3A_18 = arith.constant 0 : i32
    %scan3A_19 = arith.constant 80 : i32
    %scan3A_20 = arith.addi %scan3A_18, %scan3A_19 : i32
    %scan3A_21 = arith.constant 1 : i32
    scf.for %scan3A_250 = %scan3A_18 to %scan3A_20 step %scan3A_21  : i32 {
      %mul3A_251 = arith.constant 1 : i32
      %mul3A_252 = arith.muli %scan3A_250, %mul3A_251 : i32
      %add3A_253 = arith.constant 0 : i32
      %add3A_254 = arith.addi %add3A_253, %mul3A_252 : i32
      %add3A_255 = arith.constant 160 : i32
      %add3A_256 = arith.addi %add3A_255, %add3A_254 : i32
      %get3A = arith.index_cast %add3A_256 : i32 to index
      %get3A_257 = arith.constant 0 : index
      %get3A_258 = tpu.vector_load %arg22[%get3A, %get3A_257] {strides = array<i32>} : memref<640x16xf32, #tpu.memory_space<vmem>>, vector<16xf32>,
      %get3A_259 = arith.index_cast %add3A_254 : i32 to index
      %get3A_260 = arith.constant 0 : index
      %get3A_261 = tpu.vector_load %arg13[%get3A_259, %get3A_260] {strides = array<i32>} : memref<80x16xf32, #tpu.memory_space<vmem>>, vector<16xf32>,
      %add3A_262 = arith.addf %get3A_258, %get3A_261 : vector<16xf32>
      %add3A_263 = arith.constant 160 : i32
      %add3A_264 = arith.addi %add3A_263, %add3A_254 : i32
      %swap3A = arith.index_cast %add3A_264 : i32 to index
      %swap3A_265 = arith.constant 0 : index
      %swap3A_266 = tpu.vector_load %arg22[%swap3A, %swap3A_265] {strides = array<i32>} : memref<640x16xf32, #tpu.memory_space<vmem>>, vector<16xf32>,
      tpu.vector_store %arg22[%swap3A, %swap3A_265], %add3A_262 {strides = array<i32>} : memref<640x16xf32, #tpu.memory_space<vmem>>, vector<16xf32>,
    }
    %scan3A_22 = arith.constant 80 : i32
    %add3A_23 = arith.constant 240 : i32
    %add3A_24 = arith.addi %mul3A_2, %add3A_23 : i32
    "tpu.region"() ({
      %run_scoped3A = tpu.sem_alloc : memref<!tpu.dma_semaphore, #tpu.memory_space<semaphore_mem>>
      %dma_start3A_250 = arith.constant 0 : i32
      %dma_start3A_251 = tpu.memref_slice %arg7[%add3A_24, %dma_start3A_250] : memref<10240x16xf32, #tpu.memory_space<hbm>> -> memref<80x16xf32, #tpu.memory_space<hbm>>
      %dma_start3A_252 = arith.constant 0 : i32
      %dma_start3A_253 = tpu.memref_slice %arg7[%add3A_24, %dma_start3A_252] : memref<10240x16xf32, #tpu.memory_space<hbm>> -> memref<80x16xf32, #tpu.memory_space<hbm>>
      tpu.enqueue_dma source(%dma_start3A_253 : memref<80x16xf32, #tpu.memory_space<hbm>>) target(%arg13 : memref<80x16xf32, #tpu.memory_space<vmem>>) target_semaphore(%run_scoped3A : memref<!tpu.dma_semaphore, #tpu.memory_space<semaphore_mem>>)
      %dma_wait3A_254 = arith.constant 0 : i32
      %dma_wait3A_255 = tpu.memref_slice %arg7[%add3A_24, %dma_wait3A_254] : memref<10240x16xf32, #tpu.memory_space<hbm>> -> memref<80x16xf32, #tpu.memory_space<hbm>>
      %dma_wait3A_256 = arith.constant 0 : i32
      %dma_wait3A_257 = tpu.memref_slice %arg7[%add3A_24, %dma_wait3A_256] : memref<10240x16xf32, #tpu.memory_space<hbm>> -> memref<80x16xf32, #tpu.memory_space<hbm>>
      tpu.wait_dma2 semaphore(%run_scoped3A : memref<!tpu.dma_semaphore, #tpu.memory_space<semaphore_mem>>) src(%dma_wait3A_257 : memref<80x16xf32, #tpu.memory_space<hbm>>) dst(%arg13 : memref<80x16xf32, #tpu.memory_space<vmem>>)
      tpu.yield
    }) : () -> ()
    %scan3A_25 = arith.constant 0 : i32
    %scan3A_26 = arith.constant 80 : i32
    %scan3A_27 = arith.addi %scan3A_25, %scan3A_26 : i32
    %scan3A_28 = arith.constant 1 : i32
    scf.for %scan3A_250 = %scan3A_25 to %scan3A_27 step %scan3A_28  : i32 {
      %mul3A_251 = arith.constant 1 : i32
      %mul3A_252 = arith.muli %scan3A_250, %mul3A_251 : i32
      %add3A_253 = arith.constant 0 : i32
      %add3A_254 = arith.addi %add3A_253, %mul3A_252 : i32
      %add3A_255 = arith.constant 240 : i32
      %add3A_256 = arith.addi %add3A_255, %add3A_254 : i32
      %get3A = arith.index_cast %add3A_256 : i32 to index
      %get3A_257 = arith.constant 0 : index
      %get3A_258 = tpu.vector_load %arg22[%get3A, %get3A_257] {strides = array<i32>} : memref<640x16xf32, #tpu.memory_space<vmem>>, vector<16xf32>,
      %get3A_259 = arith.index_cast %add3A_254 : i32 to index
      %get3A_260 = arith.constant 0 : index
      %get3A_261 = tpu.vector_load %arg13[%get3A_259, %get3A_260] {strides = array<i32>} : memref<80x16xf32, #tpu.memory_space<vmem>>, vector<16xf32>,
      %add3A_262 = arith.addf %get3A_258, %get3A_261 : vector<16xf32>
      %add3A_263 = arith.constant 240 : i32
      %add3A_264 = arith.addi %add3A_263, %add3A_254 : i32
      %swap3A = arith.index_cast %add3A_264 : i32 to index
      %swap3A_265 = arith.constant 0 : index
      %swap3A_266 = tpu.vector_load %arg22[%swap3A, %swap3A_265] {strides = array<i32>} : memref<640x16xf32, #tpu.memory_space<vmem>>, vector<16xf32>,
      tpu.vector_store %arg22[%swap3A, %swap3A_265], %add3A_262 {strides = array<i32>} : memref<640x16xf32, #tpu.memory_space<vmem>>, vector<16xf32>,
    }
    %scan3A_29 = arith.constant 80 : i32
    %add3A_30 = arith.constant 320 : i32
    %add3A_31 = arith.addi %mul3A_2, %add3A_30 : i32
    "tpu.region"() ({
      %run_scoped3A = tpu.sem_alloc : memref<!tpu.dma_semaphore, #tpu.memory_space<semaphore_mem>>
      %dma_start3A_250 = arith.constant 0 : i32
      %dma_start3A_251 = tpu.memref_slice %arg7[%add3A_31, %dma_start3A_250] : memref<10240x16xf32, #tpu.memory_space<hbm>> -> memref<80x16xf32, #tpu.memory_space<hbm>>
      %dma_start3A_252 = arith.constant 0 : i32
      %dma_start3A_253 = tpu.memref_slice %arg7[%add3A_31, %dma_start3A_252] : memref<10240x16xf32, #tpu.memory_space<hbm>> -> memref<80x16xf32, #tpu.memory_space<hbm>>
      tpu.enqueue_dma source(%dma_start3A_253 : memref<80x16xf32, #tpu.memory_space<hbm>>) target(%arg13 : memref<80x16xf32, #tpu.memory_space<vmem>>) target_semaphore(%run_scoped3A : memref<!tpu.dma_semaphore, #tpu.memory_space<semaphore_mem>>)
      %dma_wait3A_254 = arith.constant 0 : i32
      %dma_wait3A_255 = tpu.memref_slice %arg7[%add3A_31, %dma_wait3A_254] : memref<10240x16xf32, #tpu.memory_space<hbm>> -> memref<80x16xf32, #tpu.memory_space<hbm>>
      %dma_wait3A_256 = arith.constant 0 : i32
      %dma_wait3A_257 = tpu.memref_slice %arg7[%add3A_31, %dma_wait3A_256] : memref<10240x16xf32, #tpu.memory_space<hbm>> -> memref<80x16xf32, #tpu.memory_space<hbm>>
      tpu.wait_dma2 semaphore(%run_scoped3A : memref<!tpu.dma_semaphore, #tpu.memory_space<semaphore_mem>>) src(%dma_wait3A_257 : memref<80x16xf32, #tpu.memory_space<hbm>>) dst(%arg13 : memref<80x16xf32, #tpu.memory_space<vmem>>)
      tpu.yield
    }) : () -> ()
    %scan3A_32 = arith.constant 0 : i32
    %scan3A_33 = arith.constant 80 : i32
    %scan3A_34 = arith.addi %scan3A_32, %scan3A_33 : i32
    %scan3A_35 = arith.constant 1 : i32
    scf.for %scan3A_250 = %scan3A_32 to %scan3A_34 step %scan3A_35  : i32 {
      %mul3A_251 = arith.constant 1 : i32
      %mul3A_252 = arith.muli %scan3A_250, %mul3A_251 : i32
      %add3A_253 = arith.constant 0 : i32
      %add3A_254 = arith.addi %add3A_253, %mul3A_252 : i32
      %add3A_255 = arith.constant 320 : i32
      %add3A_256 = arith.addi %add3A_255, %add3A_254 : i32
      %get3A = arith.index_cast %add3A_256 : i32 to index
      %get3A_257 = arith.constant 0 : index
      %get3A_258 = tpu.vector_load %arg22[%get3A, %get3A_257] {strides = array<i32>} : memref<640x16xf32, #tpu.memory_space<vmem>>, vector<16xf32>,
      %get3A_259 = arith.index_cast %add3A_254 : i32 to index
      %get3A_260 = arith.constant 0 : index
      %get3A_261 = tpu.vector_load %arg13[%get3A_259, %get3A_260] {strides = array<i32>} : memref<80x16xf32, #tpu.memory_space<vmem>>, vector<16xf32>,
      %add3A_262 = arith.addf %get3A_258, %get3A_261 : vector<16xf32>
      %add3A_263 = arith.constant 320 : i32
      %add3A_264 = arith.addi %add3A_263, %add3A_254 : i32
      %swap3A = arith.index_cast %add3A_264 : i32 to index
      %swap3A_265 = arith.constant 0 : index
      %swap3A_266 = tpu.vector_load %arg22[%swap3A, %swap3A_265] {strides = array<i32>} : memref<640x16xf32, #tpu.memory_space<vmem>>, vector<16xf32>,
      tpu.vector_store %arg22[%swap3A, %swap3A_265], %add3A_262 {strides = array<i32>} : memref<640x16xf32, #tpu.memory_space<vmem>>, vector<16xf32>,
    }
    %scan3A_36 = arith.constant 80 : i32
    %add3A_37 = arith.constant 400 : i32
    %add3A_38 = arith.addi %mul3A_2, %add3A_37 : i32
    "tpu.region"() ({
      %run_scoped3A = tpu.sem_alloc : memref<!tpu.dma_semaphore, #tpu.memory_space<semaphore_mem>>
      %dma_start3A_250 = arith.constant 0 : i32
      %dma_start3A_251 = tpu.memref_slice %arg7[%add3A_38, %dma_start3A_250] : memref<10240x16xf32, #tpu.memory_space<hbm>> -> memref<80x16xf32, #tpu.memory_space<hbm>>
      %dma_start3A_252 = arith.constant 0 : i32
      %dma_start3A_253 = tpu.memref_slice %arg7[%add3A_38, %dma_start3A_252] : memref<10240x16xf32, #tpu.memory_space<hbm>> -> memref<80x16xf32, #tpu.memory_space<hbm>>
      tpu.enqueue_dma source(%dma_start3A_253 : memref<80x16xf32, #tpu.memory_space<hbm>>) target(%arg13 : memref<80x16xf32, #tpu.memory_space<vmem>>) target_semaphore(%run_scoped3A : memref<!tpu.dma_semaphore, #tpu.memory_space<semaphore_mem>>)
      %dma_wait3A_254 = arith.constant 0 : i32
      %dma_wait3A_255 = tpu.memref_slice %arg7[%add3A_38, %dma_wait3A_254] : memref<10240x16xf32, #tpu.memory_space<hbm>> -> memref<80x16xf32, #tpu.memory_space<hbm>>
      %dma_wait3A_256 = arith.constant 0 : i32
      %dma_wait3A_257 = tpu.memref_slice %arg7[%add3A_38, %dma_wait3A_256] : memref<10240x16xf32, #tpu.memory_space<hbm>> -> memref<80x16xf32, #tpu.memory_space<hbm>>
      tpu.wait_dma2 semaphore(%run_scoped3A : memref<!tpu.dma_semaphore, #tpu.memory_space<semaphore_mem>>) src(%dma_wait3A_257 : memref<80x16xf32, #tpu.memory_space<hbm>>) dst(%arg13 : memref<80x16xf32, #tpu.memory_space<vmem>>)
      tpu.yield
    }) : () -> ()
    %scan3A_39 = arith.constant 0 : i32
    %scan3A_40 = arith.constant 80 : i32
    %scan3A_41 = arith.addi %scan3A_39, %scan3A_40 : i32
    %scan3A_42 = arith.constant 1 : i32
    scf.for %scan3A_250 = %scan3A_39 to %scan3A_41 step %scan3A_42  : i32 {
      %mul3A_251 = arith.constant 1 : i32
      %mul3A_252 = arith.muli %scan3A_250, %mul3A_251 : i32
      %add3A_253 = arith.constant 0 : i32
      %add3A_254 = arith.addi %add3A_253, %mul3A_252 : i32
      %add3A_255 = arith.constant 400 : i32
      %add3A_256 = arith.addi %add3A_255, %add3A_254 : i32
      %get3A = arith.index_cast %add3A_256 : i32 to index
      %get3A_257 = arith.constant 0 : index
      %get3A_258 = tpu.vector_load %arg22[%get3A, %get3A_257] {strides = array<i32>} : memref<640x16xf32, #tpu.memory_space<vmem>>, vector<16xf32>,
      %get3A_259 = arith.index_cast %add3A_254 : i32 to index
      %get3A_260 = arith.constant 0 : index
      %get3A_261 = tpu.vector_load %arg13[%get3A_259, %get3A_260] {strides = array<i32>} : memref<80x16xf32, #tpu.memory_space<vmem>>, vector<16xf32>,
      %add3A_262 = arith.addf %get3A_258, %get3A_261 : vector<16xf32>
      %add3A_263 = arith.constant 400 : i32
      %add3A_264 = arith.addi %add3A_263, %add3A_254 : i32
      %swap3A = arith.index_cast %add3A_264 : i32 to index
      %swap3A_265 = arith.constant 0 : index
      %swap3A_266 = tpu.vector_load %arg22[%swap3A, %swap3A_265] {strides = array<i32>} : memref<640x16xf32, #tpu.memory_space<vmem>>, vector<16xf32>,
      tpu.vector_store %arg22[%swap3A, %swap3A_265], %add3A_262 {strides = array<i32>} : memref<640x16xf32, #tpu.memory_space<vmem>>, vector<16xf32>,
    }
    %scan3A_43 = arith.constant 80 : i32
    %add3A_44 = arith.constant 480 : i32
    %add3A_45 = arith.addi %mul3A_2, %add3A_44 : i32
    "tpu.region"() ({
      %run_scoped3A = tpu.sem_alloc : memref<!tpu.dma_semaphore, #tpu.memory_space<semaphore_mem>>
      %dma_start3A_250 = arith.constant 0 : i32
      %dma_start3A_251 = tpu.memref_slice %arg7[%add3A_45, %dma_start3A_250] : memref<10240x16xf32, #tpu.memory_space<hbm>> -> memref<80x16xf32, #tpu.memory_space<hbm>>
      %dma_start3A_252 = arith.constant 0 : i32
      %dma_start3A_253 = tpu.memref_slice %arg7[%add3A_45, %dma_start3A_252] : memref<10240x16xf32, #tpu.memory_space<hbm>> -> memref<80x16xf32, #tpu.memory_space<hbm>>
      tpu.enqueue_dma source(%dma_start3A_253 : memref<80x16xf32, #tpu.memory_space<hbm>>) target(%arg13 : memref<80x16xf32, #tpu.memory_space<vmem>>) target_semaphore(%run_scoped3A : memref<!tpu.dma_semaphore, #tpu.memory_space<semaphore_mem>>)
      %dma_wait3A_254 = arith.constant 0 : i32
      %dma_wait3A_255 = tpu.memref_slice %arg7[%add3A_45, %dma_wait3A_254] : memref<10240x16xf32, #tpu.memory_space<hbm>> -> memref<80x16xf32, #tpu.memory_space<hbm>>
      %dma_wait3A_256 = arith.constant 0 : i32
      %dma_wait3A_257 = tpu.memref_slice %arg7[%add3A_45, %dma_wait3A_256] : memref<10240x16xf32, #tpu.memory_space<hbm>> -> memref<80x16xf32, #tpu.memory_space<hbm>>
      tpu.wait_dma2 semaphore(%run_scoped3A : memref<!tpu.dma_semaphore, #tpu.memory_space<semaphore_mem>>) src(%dma_wait3A_257 : memref<80x16xf32, #tpu.memory_space<hbm>>) dst(%arg13 : memref<80x16xf32, #tpu.memory_space<vmem>>)
      tpu.yield
    }) : () -> ()
    %scan3A_46 = arith.constant 0 : i32
    %scan3A_47 = arith.constant 80 : i32
    %scan3A_48 = arith.addi %scan3A_46, %scan3A_47 : i32
    %scan3A_49 = arith.constant 1 : i32
    scf.for %scan3A_250 = %scan3A_46 to %scan3A_48 step %scan3A_49  : i32 {
      %mul3A_251 = arith.constant 1 : i32
      %mul3A_252 = arith.muli %scan3A_250, %mul3A_251 : i32
      %add3A_253 = arith.constant 0 : i32
      %add3A_254 = arith.addi %add3A_253, %mul3A_252 : i32
      %add3A_255 = arith.constant 480 : i32
      %add3A_256 = arith.addi %add3A_255, %add3A_254 : i32
      %get3A = arith.index_cast %add3A_256 : i32 to index
      %get3A_257 = arith.constant 0 : index
      %get3A_258 = tpu.vector_load %arg22[%get3A, %get3A_257] {strides = array<i32>} : memref<640x16xf32, #tpu.memory_space<vmem>>, vector<16xf32>,
      %get3A_259 = arith.index_cast %add3A_254 : i32 to index
      %get3A_260 = arith.constant 0 : index
      %get3A_261 = tpu.vector_load %arg13[%get3A_259, %get3A_260] {strides = array<i32>} : memref<80x16xf32, #tpu.memory_space<vmem>>, vector<16xf32>,
      %add3A_262 = arith.addf %get3A_258, %get3A_261 : vector<16xf32>
      %add3A_263 = arith.constant 480 : i32
      %add3A_264 = arith.addi %add3A_263, %add3A_254 : i32
      %swap3A = arith.index_cast %add3A_264 : i32 to index
      %swap3A_265 = arith.constant 0 : index
      %swap3A_266 = tpu.vector_load %arg22[%swap3A, %swap3A_265] {strides = array<i32>} : memref<640x16xf32, #tpu.memory_space<vmem>>, vector<16xf32>,
      tpu.vector_store %arg22[%swap3A, %swap3A_265], %add3A_262 {strides = array<i32>} : memref<640x16xf32, #tpu.memory_space<vmem>>, vector<16xf32>,
    }
    %scan3A_50 = arith.constant 80 : i32
    %add3A_51 = arith.constant 560 : i32
    %add3A_52 = arith.addi %mul3A_2, %add3A_51 : i32
    "tpu.region"() ({
      %run_scoped3A = tpu.sem_alloc : memref<!tpu.dma_semaphore, #tpu.memory_space<semaphore_mem>>
      %dma_start3A_250 = arith.constant 0 : i32
      %dma_start3A_251 = tpu.memref_slice %arg7[%add3A_52, %dma_start3A_250] : memref<10240x16xf32, #tpu.memory_space<hbm>> -> memref<80x16xf32, #tpu.memory_space<hbm>>
      %dma_start3A_252 = arith.constant 0 : i32
      %dma_start3A_253 = tpu.memref_slice %arg7[%add3A_52, %dma_start3A_252] : memref<10240x16xf32, #tpu.memory_space<hbm>> -> memref<80x16xf32, #tpu.memory_space<hbm>>
      tpu.enqueue_dma source(%dma_start3A_253 : memref<80x16xf32, #tpu.memory_space<hbm>>) target(%arg13 : memref<80x16xf32, #tpu.memory_space<vmem>>) target_semaphore(%run_scoped3A : memref<!tpu.dma_semaphore, #tpu.memory_space<semaphore_mem>>)
      %dma_wait3A_254 = arith.constant 0 : i32
      %dma_wait3A_255 = tpu.memref_slice %arg7[%add3A_52, %dma_wait3A_254] : memref<10240x16xf32, #tpu.memory_space<hbm>> -> memref<80x16xf32, #tpu.memory_space<hbm>>
      %dma_wait3A_256 = arith.constant 0 : i32
      %dma_wait3A_257 = tpu.memref_slice %arg7[%add3A_52, %dma_wait3A_256] : memref<10240x16xf32, #tpu.memory_space<hbm>> -> memref<80x16xf32, #tpu.memory_space<hbm>>
      tpu.wait_dma2 semaphore(%run_scoped3A : memref<!tpu.dma_semaphore, #tpu.memory_space<semaphore_mem>>) src(%dma_wait3A_257 : memref<80x16xf32, #tpu.memory_space<hbm>>) dst(%arg13 : memref<80x16xf32, #tpu.memory_space<vmem>>)
      tpu.yield
    }) : () -> ()
    %scan3A_53 = arith.constant 0 : i32
    %scan3A_54 = arith.constant 80 : i32
    %scan3A_55 = arith.addi %scan3A_53, %scan3A_54 : i32
    %scan3A_56 = arith.constant 1 : i32
    scf.for %scan3A_250 = %scan3A_53 to %scan3A_55 step %scan3A_56  : i32 {
      %mul3A_251 = arith.constant 1 : i32
      %mul3A_252 = arith.muli %scan3A_250, %mul3A_251 : i32
      %add3A_253 = arith.constant 0 : i32
      %add3A_254 = arith.addi %add3A_253, %mul3A_252 : i32
      %add3A_255 = arith.constant 560 : i32
      %add3A_256 = arith.addi %add3A_255, %add3A_254 : i32
      %get3A = arith.index_cast %add3A_256 : i32 to index
      %get3A_257 = arith.constant 0 : index
      %get3A_258 = tpu.vector_load %arg22[%get3A, %get3A_257] {strides = array<i32>} : memref<640x16xf32, #tpu.memory_space<vmem>>, vector<16xf32>,
      %get3A_259 = arith.index_cast %add3A_254 : i32 to index
      %get3A_260 = arith.constant 0 : index
      %get3A_261 = tpu.vector_load %arg13[%get3A_259, %get3A_260] {strides = array<i32>} : memref<80x16xf32, #tpu.memory_space<vmem>>, vector<16xf32>,
      %add3A_262 = arith.addf %get3A_258, %get3A_261 : vector<16xf32>
      %add3A_263 = arith.constant 560 : i32
      %add3A_264 = arith.addi %add3A_263, %add3A_254 : i32
      %swap3A = arith.index_cast %add3A_264 : i32 to index
      %swap3A_265 = arith.constant 0 : index
      %swap3A_266 = tpu.vector_load %arg22[%swap3A, %swap3A_265] {strides = array<i32>} : memref<640x16xf32, #tpu.memory_space<vmem>>, vector<16xf32>,
      tpu.vector_store %arg22[%swap3A, %swap3A_265], %add3A_262 {strides = array<i32>} : memref<640x16xf32, #tpu.memory_space<vmem>>, vector<16xf32>,
    }
    %scan3A_57 = arith.constant 80 : i32
    "tpu.region"() ({
      %run_scoped3A = tpu.sem_alloc : memref<!tpu.dma_semaphore, #tpu.memory_space<semaphore_mem>>
      %dma_start3A_250 = arith.constant 0 : i32
      %dma_start3A_251 = tpu.memref_slice %arg23[%mul3A_2, %dma_start3A_250] : memref<10240x16xf32, #tpu.memory_space<vmem_shared>> -> memref<640x16xf32, #tpu.memory_space<vmem_shared>>
      %dma_start3A_252 = arith.constant 0 : i32
      %dma_start3A_253 = tpu.memref_slice %arg23[%mul3A_2, %dma_start3A_252] : memref<10240x16xf32, #tpu.memory_space<vmem_shared>> -> memref<640x16xf32, #tpu.memory_space<vmem_shared>>
      tpu.enqueue_dma source(%arg22 : memref<640x16xf32, #tpu.memory_space<vmem>>) target(%dma_start3A_253 : memref<640x16xf32, #tpu.memory_space<vmem_shared>>) target_semaphore(%run_scoped3A : memref<!tpu.dma_semaphore, #tpu.memory_space<semaphore_mem>>)
      %dma_wait3A_254 = arith.constant 0 : i32
      %dma_wait3A_255 = tpu.memref_slice %arg23[%mul3A_2, %dma_wait3A_254] : memref<10240x16xf32, #tpu.memory_space<vmem_shared>> -> memref<640x16xf32, #tpu.memory_space<vmem_shared>>
      %dma_wait3A_256 = arith.constant 0 : i32
      %dma_wait3A_257 = tpu.memref_slice %arg23[%mul3A_2, %dma_wait3A_256] : memref<10240x16xf32, #tpu.memory_space<vmem_shared>> -> memref<640x16xf32, #tpu.memory_space<vmem_shared>>
      tpu.wait_dma2 semaphore(%run_scoped3A : memref<!tpu.dma_semaphore, #tpu.memory_space<semaphore_mem>>) src(%arg22 : memref<640x16xf32, #tpu.memory_space<vmem>>) dst(%dma_wait3A_257 : memref<640x16xf32, #tpu.memory_space<vmem_shared>>)
      tpu.yield
    }) : () -> ()
    %scan3A_58 = arith.constant 0 : i32
    %scan3A_59 = arith.constant 80 : i32
    %scan3A_60 = arith.addi %scan3A_58, %scan3A_59 : i32
    %scan3A_61 = arith.constant 1 : i32
    scf.for %scan3A_250 = %scan3A_58 to %scan3A_60 step %scan3A_61  : i32 {
      %mul3A_251 = arith.constant 1 : i32
      %mul3A_252 = arith.muli %scan3A_250, %mul3A_251 : i32
      %add3A_253 = arith.constant 0 : i32
      %add3A_254 = arith.addi %add3A_253, %mul3A_252 : i32
      %broadcast_in_dim3A = arith.constant 0.000000e+00 : f32
      %broadcast_in_dim3A_255 = vector.broadcast %broadcast_in_dim3A : f32 to vector<16xf32>
      %swap3A = arith.index_cast %add3A_254 : i32 to index
      %swap3A_256 = arith.constant 0 : index
      %swap3A_257 = tpu.vector_load %arg12[%swap3A, %swap3A_256] {strides = array<i32>} : memref<80x128xf32, #tpu.memory_space<vmem>>, vector<16xf32>,
      tpu.vector_store %arg12[%swap3A, %swap3A_256], %broadcast_in_dim3A_255 {strides = array<i32>} : memref<80x128xf32, #tpu.memory_space<vmem>>, vector<16xf32>,
      %broadcast_in_dim3A_258 = arith.constant 0.000000e+00 : f32
      %broadcast_in_dim3A_259 = vector.broadcast %broadcast_in_dim3A_258 : f32 to vector<16xf32>
      %swap3A_260 = arith.index_cast %add3A_254 : i32 to index
      %swap3A_261 = arith.constant 16 : index
      %swap3A_262 = tpu.vector_load %arg12[%swap3A_260, %swap3A_261] {strides = array<i32>} : memref<80x128xf32, #tpu.memory_space<vmem>>, vector<16xf32>,
      tpu.vector_store %arg12[%swap3A_260, %swap3A_261], %broadcast_in_dim3A_259 {strides = array<i32>} : memref<80x128xf32, #tpu.memory_space<vmem>>, vector<16xf32>,
      %broadcast_in_dim3A_263 = arith.constant 0.000000e+00 : f32
      %broadcast_in_dim3A_264 = vector.broadcast %broadcast_in_dim3A_263 : f32 to vector<16xf32>
      %swap3A_265 = arith.index_cast %add3A_254 : i32 to index
      %swap3A_266 = arith.constant 32 : index
      %swap3A_267 = tpu.vector_load %arg12[%swap3A_265, %swap3A_266] {strides = array<i32>} : memref<80x128xf32, #tpu.memory_space<vmem>>, vector<16xf32>,
      tpu.vector_store %arg12[%swap3A_265, %swap3A_266], %broadcast_in_dim3A_264 {strides = array<i32>} : memref<80x128xf32, #tpu.memory_space<vmem>>, vector<16xf32>,
      %broadcast_in_dim3A_268 = arith.constant 0.000000e+00 : f32
      %broadcast_in_dim3A_269 = vector.broadcast %broadcast_in_dim3A_268 : f32 to vector<16xf32>
      %swap3A_270 = arith.index_cast %add3A_254 : i32 to index
      %swap3A_271 = arith.constant 48 : index
      %swap3A_272 = tpu.vector_load %arg12[%swap3A_270, %swap3A_271] {strides = array<i32>} : memref<80x128xf32, #tpu.memory_space<vmem>>, vector<16xf32>,
      tpu.vector_store %arg12[%swap3A_270, %swap3A_271], %broadcast_in_dim3A_269 {strides = array<i32>} : memref<80x128xf32, #tpu.memory_space<vmem>>, vector<16xf32>,
      %broadcast_in_dim3A_273 = arith.constant 0.000000e+00 : f32
      %broadcast_in_dim3A_274 = vector.broadcast %broadcast_in_dim3A_273 : f32 to vector<16xf32>
      %swap3A_275 = arith.index_cast %add3A_254 : i32 to index
      %swap3A_276 = arith.constant 64 : index
      %swap3A_277 = tpu.vector_load %arg12[%swap3A_275, %swap3A_276] {strides = array<i32>} : memref<80x128xf32, #tpu.memory_space<vmem>>, vector<16xf32>,
      tpu.vector_store %arg12[%swap3A_275, %swap3A_276], %broadcast_in_dim3A_274 {strides = array<i32>} : memref<80x128xf32, #tpu.memory_space<vmem>>, vector<16xf32>,
      %broadcast_in_dim3A_278 = arith.constant 0.000000e+00 : f32
      %broadcast_in_dim3A_279 = vector.broadcast %broadcast_in_dim3A_278 : f32 to vector<16xf32>
      %swap3A_280 = arith.index_cast %add3A_254 : i32 to index
      %swap3A_281 = arith.constant 80 : index
      %swap3A_282 = tpu.vector_load %arg12[%swap3A_280, %swap3A_281] {strides = array<i32>} : memref<80x128xf32, #tpu.memory_space<vmem>>, vector<16xf32>,
      tpu.vector_store %arg12[%swap3A_280, %swap3A_281], %broadcast_in_dim3A_279 {strides = array<i32>} : memref<80x128xf32, #tpu.memory_space<vmem>>, vector<16xf32>,
      %broadcast_in_dim3A_283 = arith.constant 0.000000e+00 : f32
      %broadcast_in_dim3A_284 = vector.broadcast %broadcast_in_dim3A_283 : f32 to vector<16xf32>
      %swap3A_285 = arith.index_cast %add3A_254 : i32 to index
      %swap3A_286 = arith.constant 96 : index
      %swap3A_287 = tpu.vector_load %arg12[%swap3A_285, %swap3A_286] {strides = array<i32>} : memref<80x128xf32, #tpu.memory_space<vmem>>, vector<16xf32>,
      tpu.vector_store %arg12[%swap3A_285, %swap3A_286], %broadcast_in_dim3A_284 {strides = array<i32>} : memref<80x128xf32, #tpu.memory_space<vmem>>, vector<16xf32>,
      %broadcast_in_dim3A_288 = arith.constant 0.000000e+00 : f32
      %broadcast_in_dim3A_289 = vector.broadcast %broadcast_in_dim3A_288 : f32 to vector<16xf32>
      %swap3A_290 = arith.index_cast %add3A_254 : i32 to index
      %swap3A_291 = arith.constant 112 : index
      %swap3A_292 = tpu.vector_load %arg12[%swap3A_290, %swap3A_291] {strides = array<i32>} : memref<80x128xf32, #tpu.memory_space<vmem>>, vector<16xf32>,
      tpu.vector_store %arg12[%swap3A_290, %swap3A_291], %broadcast_in_dim3A_289 {strides = array<i32>} : memref<80x128xf32, #tpu.memory_space<vmem>>, vector<16xf32>,
    }
    %scan3A_62 = arith.constant 80 : i32
    %add3A_63 = arith.constant 0 : i32
    %add3A_64 = arith.addi %mul3A_2, %add3A_63 : i32
    "tpu.region"() ({
      %run_scoped3A = tpu.sem_alloc : memref<!tpu.dma_semaphore, #tpu.memory_space<semaphore_mem>>
      %dma_start3A_250 = arith.constant 0 : i32
      %dma_start3A_251 = tpu.memref_slice %arg24[%add3A_64, %dma_start3A_250] : memref<10240x128xf32, #tpu.memory_space<vmem_shared>> -> memref<80x128xf32, #tpu.memory_space<vmem_shared>>
      %dma_start3A_252 = arith.constant 0 : i32
      %dma_start3A_253 = tpu.memref_slice %arg24[%add3A_64, %dma_start3A_252] : memref<10240x128xf32, #tpu.memory_space<vmem_shared>> -> memref<80x128xf32, #tpu.memory_space<vmem_shared>>
      tpu.enqueue_dma source(%arg12 : memref<80x128xf32, #tpu.memory_space<vmem>>) target(%dma_start3A_253 : memref<80x128xf32, #tpu.memory_space<vmem_shared>>) target_semaphore(%run_scoped3A : memref<!tpu.dma_semaphore, #tpu.memory_space<semaphore_mem>>)
      %dma_wait3A_254 = arith.constant 0 : i32
      %dma_wait3A_255 = tpu.memref_slice %arg24[%add3A_64, %dma_wait3A_254] : memref<10240x128xf32, #tpu.memory_space<vmem_shared>> -> memref<80x128xf32, #tpu.memory_space<vmem_shared>>
      %dma_wait3A_256 = arith.constant 0 : i32
      %dma_wait3A_257 = tpu.memref_slice %arg24[%add3A_64, %dma_wait3A_256] : memref<10240x128xf32, #tpu.memory_space<vmem_shared>> -> memref<80x128xf32, #tpu.memory_space<vmem_shared>>
      tpu.wait_dma2 semaphore(%run_scoped3A : memref<!tpu.dma_semaphore, #tpu.memory_space<semaphore_mem>>) src(%arg12 : memref<80x128xf32, #tpu.memory_space<vmem>>) dst(%dma_wait3A_257 : memref<80x128xf32, #tpu.memory_space<vmem_shared>>)
      tpu.yield
    }) : () -> ()
    %add3A_65 = arith.constant 80 : i32
    %add3A_66 = arith.addi %mul3A_2, %add3A_65 : i32
    "tpu.region"() ({
      %run_scoped3A = tpu.sem_alloc : memref<!tpu.dma_semaphore, #tpu.memory_space<semaphore_mem>>
      %dma_start3A_250 = arith.constant 0 : i32
      %dma_start3A_251 = tpu.memref_slice %arg24[%add3A_66, %dma_start3A_250] : memref<10240x128xf32, #tpu.memory_space<vmem_shared>> -> memref<80x128xf32, #tpu.memory_space<vmem_shared>>
      %dma_start3A_252 = arith.constant 0 : i32
      %dma_start3A_253 = tpu.memref_slice %arg24[%add3A_66, %dma_start3A_252] : memref<10240x128xf32, #tpu.memory_space<vmem_shared>> -> memref<80x128xf32, #tpu.memory_space<vmem_shared>>
      tpu.enqueue_dma source(%arg12 : memref<80x128xf32, #tpu.memory_space<vmem>>) target(%dma_start3A_253 : memref<80x128xf32, #tpu.memory_space<vmem_shared>>) target_semaphore(%run_scoped3A : memref<!tpu.dma_semaphore, #tpu.memory_space<semaphore_mem>>)
      %dma_wait3A_254 = arith.constant 0 : i32
      %dma_wait3A_255 = tpu.memref_slice %arg24[%add3A_66, %dma_wait3A_254] : memref<10240x128xf32, #tpu.memory_space<vmem_shared>> -> memref<80x128xf32, #tpu.memory_space<vmem_shared>>
      %dma_wait3A_256 = arith.constant 0 : i32
      %dma_wait3A_257 = tpu.memref_slice %arg24[%add3A_66, %dma_wait3A_256] : memref<10240x128xf32, #tpu.memory_space<vmem_shared>> -> memref<80x128xf32, #tpu.memory_space<vmem_shared>>
      tpu.wait_dma2 semaphore(%run_scoped3A : memref<!tpu.dma_semaphore, #tpu.memory_space<semaphore_mem>>) src(%arg12 : memref<80x128xf32, #tpu.memory_space<vmem>>) dst(%dma_wait3A_257 : memref<80x128xf32, #tpu.memory_space<vmem_shared>>)
      tpu.yield
    }) : () -> ()
    %add3A_67 = arith.constant 160 : i32
    %add3A_68 = arith.addi %mul3A_2, %add3A_67 : i32
    "tpu.region"() ({
      %run_scoped3A = tpu.sem_alloc : memref<!tpu.dma_semaphore, #tpu.memory_space<semaphore_mem>>
      %dma_start3A_250 = arith.constant 0 : i32
      %dma_start3A_251 = tpu.memref_slice %arg24[%add3A_68, %dma_start3A_250] : memref<10240x128xf32, #tpu.memory_space<vmem_shared>> -> memref<80x128xf32, #tpu.memory_space<vmem_shared>>
      %dma_start3A_252 = arith.constant 0 : i32
      %dma_start3A_253 = tpu.memref_slice %arg24[%add3A_68, %dma_start3A_252] : memref<10240x128xf32, #tpu.memory_space<vmem_shared>> -> memref<80x128xf32, #tpu.memory_space<vmem_shared>>
      tpu.enqueue_dma source(%arg12 : memref<80x128xf32, #tpu.memory_space<vmem>>) target(%dma_start3A_253 : memref<80x128xf32, #tpu.memory_space<vmem_shared>>) target_semaphore(%run_scoped3A : memref<!tpu.dma_semaphore, #tpu.memory_space<semaphore_mem>>)
      %dma_wait3A_254 = arith.constant 0 : i32
      %dma_wait3A_255 = tpu.memref_slice %arg24[%add3A_68, %dma_wait3A_254] : memref<10240x128xf32, #tpu.memory_space<vmem_shared>> -> memref<80x128xf32, #tpu.memory_space<vmem_shared>>
      %dma_wait3A_256 = arith.constant 0 : i32
      %dma_wait3A_257 = tpu.memref_slice %arg24[%add3A_68, %dma_wait3A_256] : memref<10240x128xf32, #tpu.memory_space<vmem_shared>> -> memref<80x128xf32, #tpu.memory_space<vmem_shared>>
      tpu.wait_dma2 semaphore(%run_scoped3A : memref<!tpu.dma_semaphore, #tpu.memory_space<semaphore_mem>>) src(%arg12 : memref<80x128xf32, #tpu.memory_space<vmem>>) dst(%dma_wait3A_257 : memref<80x128xf32, #tpu.memory_space<vmem_shared>>)
      tpu.yield
    }) : () -> ()
    %add3A_69 = arith.constant 240 : i32
    %add3A_70 = arith.addi %mul3A_2, %add3A_69 : i32
    "tpu.region"() ({
      %run_scoped3A = tpu.sem_alloc : memref<!tpu.dma_semaphore, #tpu.memory_space<semaphore_mem>>
      %dma_start3A_250 = arith.constant 0 : i32
      %dma_start3A_251 = tpu.memref_slice %arg24[%add3A_70, %dma_start3A_250] : memref<10240x128xf32, #tpu.memory_space<vmem_shared>> -> memref<80x128xf32, #tpu.memory_space<vmem_shared>>
      %dma_start3A_252 = arith.constant 0 : i32
      %dma_start3A_253 = tpu.memref_slice %arg24[%add3A_70, %dma_start3A_252] : memref<10240x128xf32, #tpu.memory_space<vmem_shared>> -> memref<80x128xf32, #tpu.memory_space<vmem_shared>>
      tpu.enqueue_dma source(%arg12 : memref<80x128xf32, #tpu.memory_space<vmem>>) target(%dma_start3A_253 : memref<80x128xf32, #tpu.memory_space<vmem_shared>>) target_semaphore(%run_scoped3A : memref<!tpu.dma_semaphore, #tpu.memory_space<semaphore_mem>>)
      %dma_wait3A_254 = arith.constant 0 : i32
      %dma_wait3A_255 = tpu.memref_slice %arg24[%add3A_70, %dma_wait3A_254] : memref<10240x128xf32, #tpu.memory_space<vmem_shared>> -> memref<80x128xf32, #tpu.memory_space<vmem_shared>>
      %dma_wait3A_256 = arith.constant 0 : i32
      %dma_wait3A_257 = tpu.memref_slice %arg24[%add3A_70, %dma_wait3A_256] : memref<10240x128xf32, #tpu.memory_space<vmem_shared>> -> memref<80x128xf32, #tpu.memory_space<vmem_shared>>
      tpu.wait_dma2 semaphore(%run_scoped3A : memref<!tpu.dma_semaphore, #tpu.memory_space<semaphore_mem>>) src(%arg12 : memref<80x128xf32, #tpu.memory_space<vmem>>) dst(%dma_wait3A_257 : memref<80x128xf32, #tpu.memory_space<vmem_shared>>)
      tpu.yield
    }) : () -> ()
    %add3A_71 = arith.constant 320 : i32
    %add3A_72 = arith.addi %mul3A_2, %add3A_71 : i32
    "tpu.region"() ({
      %run_scoped3A = tpu.sem_alloc : memref<!tpu.dma_semaphore, #tpu.memory_space<semaphore_mem>>
      %dma_start3A_250 = arith.constant 0 : i32
      %dma_start3A_251 = tpu.memref_slice %arg24[%add3A_72, %dma_start3A_250] : memref<10240x128xf32, #tpu.memory_space<vmem_shared>> -> memref<80x128xf32, #tpu.memory_space<vmem_shared>>
      %dma_start3A_252 = arith.constant 0 : i32
      %dma_start3A_253 = tpu.memref_slice %arg24[%add3A_72, %dma_start3A_252] : memref<10240x128xf32, #tpu.memory_space<vmem_shared>> -> memref<80x128xf32, #tpu.memory_space<vmem_shared>>
      tpu.enqueue_dma source(%arg12 : memref<80x128xf32, #tpu.memory_space<vmem>>) target(%dma_start3A_253 : memref<80x128xf32, #tpu.memory_space<vmem_shared>>) target_semaphore(%run_scoped3A : memref<!tpu.dma_semaphore, #tpu.memory_space<semaphore_mem>>)
      %dma_wait3A_254 = arith.constant 0 : i32
      %dma_wait3A_255 = tpu.memref_slice %arg24[%add3A_72, %dma_wait3A_254] : memref<10240x128xf32, #tpu.memory_space<vmem_shared>> -> memref<80x128xf32, #tpu.memory_space<vmem_shared>>
      %dma_wait3A_256 = arith.constant 0 : i32
      %dma_wait3A_257 = tpu.memref_slice %arg24[%add3A_72, %dma_wait3A_256] : memref<10240x128xf32, #tpu.memory_space<vmem_shared>> -> memref<80x128xf32, #tpu.memory_space<vmem_shared>>
      tpu.wait_dma2 semaphore(%run_scoped3A : memref<!tpu.dma_semaphore, #tpu.memory_space<semaphore_mem>>) src(%arg12 : memref<80x128xf32, #tpu.memory_space<vmem>>) dst(%dma_wait3A_257 : memref<80x128xf32, #tpu.memory_space<vmem_shared>>)
      tpu.yield
    }) : () -> ()
    %add3A_73 = arith.constant 400 : i32
    %add3A_74 = arith.addi %mul3A_2, %add3A_73 : i32
    "tpu.region"() ({
      %run_scoped3A = tpu.sem_alloc : memref<!tpu.dma_semaphore, #tpu.memory_space<semaphore_mem>>
      %dma_start3A_250 = arith.constant 0 : i32
      %dma_start3A_251 = tpu.memref_slice %arg24[%add3A_74, %dma_start3A_250] : memref<10240x128xf32, #tpu.memory_space<vmem_shared>> -> memref<80x128xf32, #tpu.memory_space<vmem_shared>>
      %dma_start3A_252 = arith.constant 0 : i32
      %dma_start3A_253 = tpu.memref_slice %arg24[%add3A_74, %dma_start3A_252] : memref<10240x128xf32, #tpu.memory_space<vmem_shared>> -> memref<80x128xf32, #tpu.memory_space<vmem_shared>>
      tpu.enqueue_dma source(%arg12 : memref<80x128xf32, #tpu.memory_space<vmem>>) target(%dma_start3A_253 : memref<80x128xf32, #tpu.memory_space<vmem_shared>>) target_semaphore(%run_scoped3A : memref<!tpu.dma_semaphore, #tpu.memory_space<semaphore_mem>>)
      %dma_wait3A_254 = arith.constant 0 : i32
      %dma_wait3A_255 = tpu.memref_slice %arg24[%add3A_74, %dma_wait3A_254] : memref<10240x128xf32, #tpu.memory_space<vmem_shared>> -> memref<80x128xf32, #tpu.memory_space<vmem_shared>>
      %dma_wait3A_256 = arith.constant 0 : i32
      %dma_wait3A_257 = tpu.memref_slice %arg24[%add3A_74, %dma_wait3A_256] : memref<10240x128xf32, #tpu.memory_space<vmem_shared>> -> memref<80x128xf32, #tpu.memory_space<vmem_shared>>
      tpu.wait_dma2 semaphore(%run_scoped3A : memref<!tpu.dma_semaphore, #tpu.memory_space<semaphore_mem>>) src(%arg12 : memref<80x128xf32, #tpu.memory_space<vmem>>) dst(%dma_wait3A_257 : memref<80x128xf32, #tpu.memory_space<vmem_shared>>)
      tpu.yield
    }) : () -> ()
    %add3A_75 = arith.constant 480 : i32
    %add3A_76 = arith.addi %mul3A_2, %add3A_75 : i32
    "tpu.region"() ({
      %run_scoped3A = tpu.sem_alloc : memref<!tpu.dma_semaphore, #tpu.memory_space<semaphore_mem>>
      %dma_start3A_250 = arith.constant 0 : i32
      %dma_start3A_251 = tpu.memref_slice %arg24[%add3A_76, %dma_start3A_250] : memref<10240x128xf32, #tpu.memory_space<vmem_shared>> -> memref<80x128xf32, #tpu.memory_space<vmem_shared>>
      %dma_start3A_252 = arith.constant 0 : i32
      %dma_start3A_253 = tpu.memref_slice %arg24[%add3A_76, %dma_start3A_252] : memref<10240x128xf32, #tpu.memory_space<vmem_shared>> -> memref<80x128xf32, #tpu.memory_space<vmem_shared>>
      tpu.enqueue_dma source(%arg12 : memref<80x128xf32, #tpu.memory_space<vmem>>) target(%dma_start3A_253 : memref<80x128xf32, #tpu.memory_space<vmem_shared>>) target_semaphore(%run_scoped3A : memref<!tpu.dma_semaphore, #tpu.memory_space<semaphore_mem>>)
      %dma_wait3A_254 = arith.constant 0 : i32
      %dma_wait3A_255 = tpu.memref_slice %arg24[%add3A_76, %dma_wait3A_254] : memref<10240x128xf32, #tpu.memory_space<vmem_shared>> -> memref<80x128xf32, #tpu.memory_space<vmem_shared>>
      %dma_wait3A_256 = arith.constant 0 : i32
      %dma_wait3A_257 = tpu.memref_slice %arg24[%add3A_76, %dma_wait3A_256] : memref<10240x128xf32, #tpu.memory_space<vmem_shared>> -> memref<80x128xf32, #tpu.memory_space<vmem_shared>>
      tpu.wait_dma2 semaphore(%run_scoped3A : memref<!tpu.dma_semaphore, #tpu.memory_space<semaphore_mem>>) src(%arg12 : memref<80x128xf32, #tpu.memory_space<vmem>>) dst(%dma_wait3A_257 : memref<80x128xf32, #tpu.memory_space<vmem_shared>>)
      tpu.yield
    }) : () -> ()
    %add3A_77 = arith.constant 560 : i32
    %add3A_78 = arith.addi %mul3A_2, %add3A_77 : i32
    "tpu.region"() ({
      %run_scoped3A = tpu.sem_alloc : memref<!tpu.dma_semaphore, #tpu.memory_space<semaphore_mem>>
      %dma_start3A_250 = arith.constant 0 : i32
      %dma_start3A_251 = tpu.memref_slice %arg24[%add3A_78, %dma_start3A_250] : memref<10240x128xf32, #tpu.memory_space<vmem_shared>> -> memref<80x128xf32, #tpu.memory_space<vmem_shared>>
      %dma_start3A_252 = arith.constant 0 : i32
      %dma_start3A_253 = tpu.memref_slice %arg24[%add3A_78, %dma_start3A_252] : memref<10240x128xf32, #tpu.memory_space<vmem_shared>> -> memref<80x128xf32, #tpu.memory_space<vmem_shared>>
      tpu.enqueue_dma source(%arg12 : memref<80x128xf32, #tpu.memory_space<vmem>>) target(%dma_start3A_253 : memref<80x128xf32, #tpu.memory_space<vmem_shared>>) target_semaphore(%run_scoped3A : memref<!tpu.dma_semaphore, #tpu.memory_space<semaphore_mem>>)
      %dma_wait3A_254 = arith.constant 0 : i32
      %dma_wait3A_255 = tpu.memref_slice %arg24[%add3A_78, %dma_wait3A_254] : memref<10240x128xf32, #tpu.memory_space<vmem_shared>> -> memref<80x128xf32, #tpu.memory_space<vmem_shared>>
      %dma_wait3A_256 = arith.constant 0 : i32
      %dma_wait3A_257 = tpu.memref_slice %arg24[%add3A_78, %dma_wait3A_256] : memref<10240x128xf32, #tpu.memory_space<vmem_shared>> -> memref<80x128xf32, #tpu.memory_space<vmem_shared>>
      tpu.wait_dma2 semaphore(%run_scoped3A : memref<!tpu.dma_semaphore, #tpu.memory_space<semaphore_mem>>) src(%arg12 : memref<80x128xf32, #tpu.memory_space<vmem>>) dst(%dma_wait3A_257 : memref<80x128xf32, #tpu.memory_space<vmem_shared>>)
      tpu.yield
    }) : () -> ()
    %barrier3A = arith.constant 0 : index
    tpu.barrier barrier_id(%barrier3A)
    %mul3A_79 = arith.constant 10000 : i32
    %mul3A_80 = arith.muli %add3A, %mul3A_79 : i32
    %add3A_81 = arith.constant 0 : i32
    %add3A_82 = arith.addi %mul3A_80, %add3A_81 : i32
    %dma_start3A = tpu.memref_slice %arg3[%add3A_82] : memref<320000xi32, #tpu.memory_space<hbm>> -> memref<80xi32, #tpu.memory_space<hbm>>
    %dma_start3A_83 = tpu.memref_slice %arg3[%add3A_82] : memref<320000xi32, #tpu.memory_space<hbm>> -> memref<80xi32, #tpu.memory_space<hbm>>
    tpu.enqueue_dma source(%dma_start3A_83 : memref<80xi32, #tpu.memory_space<hbm>>) target(%arg10 : memref<80xi32, #tpu.memory_space<vmem>>) target_semaphore(%arg33 : memref<!tpu.dma_semaphore, #tpu.memory_space<semaphore_mem>>)
    %dma_start3A_84 = tpu.memref_slice %arg4[%add3A_82] : memref<320000xi32, #tpu.memory_space<hbm>> -> memref<80xi32, #tpu.memory_space<hbm>>
    %dma_start3A_85 = tpu.memref_slice %arg4[%add3A_82] : memref<320000xi32, #tpu.memory_space<hbm>> -> memref<80xi32, #tpu.memory_space<hbm>>
    tpu.enqueue_dma source(%dma_start3A_85 : memref<80xi32, #tpu.memory_space<hbm>>) target(%arg11 : memref<80xi32, #tpu.memory_space<vmem>>) target_semaphore(%arg34 : memref<!tpu.dma_semaphore, #tpu.memory_space<semaphore_mem>>)
    %mul3A_86 = arith.constant 10000 : i32
    %mul3A_87 = arith.muli %add3A, %mul3A_86 : i32
    %add3A_88 = arith.constant 80 : i32
    %add3A_89 = arith.addi %mul3A_87, %add3A_88 : i32
    %dma_start3A_90 = tpu.memref_slice %arg3[%add3A_89] : memref<320000xi32, #tpu.memory_space<hbm>> -> memref<80xi32, #tpu.memory_space<hbm>>
    %dma_start3A_91 = tpu.memref_slice %arg3[%add3A_89] : memref<320000xi32, #tpu.memory_space<hbm>> -> memref<80xi32, #tpu.memory_space<hbm>>
    tpu.enqueue_dma source(%dma_start3A_91 : memref<80xi32, #tpu.memory_space<hbm>>) target(%arg15 : memref<80xi32, #tpu.memory_space<vmem>>) target_semaphore(%arg36 : memref<!tpu.dma_semaphore, #tpu.memory_space<semaphore_mem>>)
    %dma_start3A_92 = tpu.memref_slice %arg4[%add3A_89] : memref<320000xi32, #tpu.memory_space<hbm>> -> memref<80xi32, #tpu.memory_space<hbm>>
    %dma_start3A_93 = tpu.memref_slice %arg4[%add3A_89] : memref<320000xi32, #tpu.memory_space<hbm>> -> memref<80xi32, #tpu.memory_space<hbm>>
    tpu.enqueue_dma source(%dma_start3A_93 : memref<80xi32, #tpu.memory_space<hbm>>) target(%arg16 : memref<80xi32, #tpu.memory_space<vmem>>) target_semaphore(%arg37 : memref<!tpu.dma_semaphore, #tpu.memory_space<semaphore_mem>>)
    %dma_wait3A = arith.constant 0 : i32
    %dma_wait3A_94 = tpu.memref_slice %arg3[%dma_wait3A] : memref<320000xi32, #tpu.memory_space<hbm>> -> memref<80xi32, #tpu.memory_space<hbm>>
    %dma_wait3A_95 = arith.constant 0 : i32
    %dma_wait3A_96 = tpu.memref_slice %arg3[%dma_wait3A_95] : memref<320000xi32, #tpu.memory_space<hbm>> -> memref<80xi32, #tpu.memory_space<hbm>>
    tpu.wait_dma2 semaphore(%arg33 : memref<!tpu.dma_semaphore, #tpu.memory_space<semaphore_mem>>) src(%dma_wait3A_96 : memref<80xi32, #tpu.memory_space<hbm>>) dst(%arg10 : memref<80xi32, #tpu.memory_space<vmem>>)
    %dma_wait3A_97 = arith.constant 0 : i32
    %dma_wait3A_98 = tpu.memref_slice %arg4[%dma_wait3A_97] : memref<320000xi32, #tpu.memory_space<hbm>> -> memref<80xi32, #tpu.memory_space<hbm>>
    %dma_wait3A_99 = arith.constant 0 : i32
    %dma_wait3A_100 = tpu.memref_slice %arg4[%dma_wait3A_99] : memref<320000xi32, #tpu.memory_space<hbm>> -> memref<80xi32, #tpu.memory_space<hbm>>
    tpu.wait_dma2 semaphore(%arg34 : memref<!tpu.dma_semaphore, #tpu.memory_space<semaphore_mem>>) src(%dma_wait3A_100 : memref<80xi32, #tpu.memory_space<hbm>>) dst(%arg11 : memref<80xi32, #tpu.memory_space<vmem>>)
    %mul3A_101 = arith.constant 10000 : i32
    %mul3A_102 = arith.muli %add3A, %mul3A_101 : i32
    %add3A_103 = arith.constant 0 : i32
    %add3A_104 = arith.addi %mul3A_102, %add3A_103 : i32
    %dma_start3A_105 = arith.constant 0 : i32
    %dma_start3A_106 = arith.constant 0 : i32
    %dma_start3A_107 = tpu.memref_slice %arg2[%dma_start3A_105, %dma_start3A_106] : memref<10000x128xf32, #tpu.memory_space<hbm>> -> memref<10000x128xf32, #tpu.memory_space<hbm>>
    tpu.enqueue_indirect_dma source(%dma_start3A_107 : memref<10000x128xf32, #tpu.memory_space<hbm>>) target(%arg12 : memref<80x128xf32, #tpu.memory_space<vmem>>) offsets(%arg10 : memref<80xi32, #tpu.memory_space<vmem>>) semaphore(%arg25 : memref<!tpu.dma_semaphore, #tpu.memory_space<semaphore_mem>>)
    %dma_start3A_108 = arith.constant 0 : i32
    %dma_start3A_109 = arith.constant 0 : i32
    %dma_start3A_110 = tpu.memref_slice %arg23[%dma_start3A_108, %dma_start3A_109] : memref<10240x16xf32, #tpu.memory_space<vmem_shared>> -> memref<10240x16xf32, #tpu.memory_space<vmem_shared>>
    tpu.enqueue_indirect_dma source(%dma_start3A_110 : memref<10240x16xf32, #tpu.memory_space<vmem_shared>>) target(%arg14 : memref<80x16xf32, #tpu.memory_space<vmem>>) offsets(%arg10 : memref<80xi32, #tpu.memory_space<vmem>>) semaphore(%arg26 : memref<!tpu.dma_semaphore, #tpu.memory_space<semaphore_mem>>)
    %dma_start3A_111 = arith.constant 0 : i32
    %dma_start3A_112 = tpu.memref_slice %arg5[%add3A_104, %dma_start3A_111] : memref<320000x16xf32, #tpu.memory_space<hbm>> -> memref<80x16xf32, #tpu.memory_space<hbm>>
    %dma_start3A_113 = arith.constant 0 : i32
    %dma_start3A_114 = tpu.memref_slice %arg5[%add3A_104, %dma_start3A_113] : memref<320000x16xf32, #tpu.memory_space<hbm>> -> memref<80x16xf32, #tpu.memory_space<hbm>>
    tpu.enqueue_dma source(%dma_start3A_114 : memref<80x16xf32, #tpu.memory_space<hbm>>) target(%arg13 : memref<80x16xf32, #tpu.memory_space<vmem>>) target_semaphore(%arg27 : memref<!tpu.dma_semaphore, #tpu.memory_space<semaphore_mem>>)
    %scan3A_115 = arith.constant 0 : i32
    %scan3A_116 = arith.constant 62 : i32
    %scan3A_117 = arith.addi %scan3A_115, %scan3A_116 : i32
    %scan3A_118 = arith.constant 1 : i32
    scf.for %scan3A_250 = %scan3A_115 to %scan3A_117 step %scan3A_118  : i32 {
      %mul3A_251 = arith.constant 1 : i32
      %mul3A_252 = arith.muli %scan3A_250, %mul3A_251 : i32
      %add3A_253 = arith.constant 0 : i32
      %add3A_254 = arith.addi %add3A_253, %mul3A_252 : i32
      %mul3A_255 = arith.constant 2 : i32
      %mul3A_256 = arith.muli %add3A_254, %mul3A_255 : i32
      %add3A_257 = arith.constant 0 : i32
      %add3A_258 = arith.addi %mul3A_256, %add3A_257 : i32
      %mul3A_259 = arith.constant 10000 : i32
      %mul3A_260 = arith.muli %add3A, %mul3A_259 : i32
      %mul3A_261 = arith.constant 80 : i32
      %mul3A_262 = arith.muli %add3A_258, %mul3A_261 : i32
      %add3A_263 = arith.addi %mul3A_260, %mul3A_262 : i32
      %dma_start3A_264 = tpu.memref_slice %arg4[%add3A_263] : memref<320000xi32, #tpu.memory_space<hbm>> -> memref<80xi32, #tpu.memory_space<hbm>>
      %dma_start3A_265 = tpu.memref_slice %arg4[%add3A_263] : memref<320000xi32, #tpu.memory_space<hbm>> -> memref<80xi32, #tpu.memory_space<hbm>>
      tpu.enqueue_dma source(%dma_start3A_265 : memref<80xi32, #tpu.memory_space<hbm>>) target(%arg20 : memref<80xi32, #tpu.memory_space<vmem>>) target_semaphore(%arg35 : memref<!tpu.dma_semaphore, #tpu.memory_space<semaphore_mem>>)
      %ge3A = arith.constant 1 : i32
      %ge3A_266 = arith.cmpi sge, %add3A_258, %ge3A : i32
      %convert_element_type3A_267 = arith.extui %ge3A_266 : i1 to i32
      %cond3A_268 = arith.constant 0 : i32
      %cond3A_269 = arith.cmpi ne, %convert_element_type3A_267, %cond3A_268 : i32
      scf.if %cond3A_269 {
        %dma_wait3A_361 = arith.constant 0 : i32
        %dma_wait3A_362 = arith.constant 0 : i32
        %dma_wait3A_363 = tpu.memref_slice %arg24[%dma_wait3A_361, %dma_wait3A_362] : memref<10240x128xf32, #tpu.memory_space<vmem_shared>> -> memref<10240x128xf32, #tpu.memory_space<vmem_shared>>
        tpu.wait_indirect_dma semaphore(%arg32 : memref<!tpu.dma_semaphore, #tpu.memory_space<semaphore_mem>>) src(%arg17 : memref<80x128xf32, #tpu.memory_space<vmem>>) dst(%dma_wait3A_363 : memref<10240x128xf32, #tpu.memory_space<vmem_shared>>)
      } else {
      }
      %add3A_270 = arith.constant 1 : i32
      %add3A_271 = arith.addi %add3A_258, %add3A_270 : i32
      %lt3A = arith.constant 125 : i32
      %lt3A_272 = arith.cmpi slt, %add3A_271, %lt3A : i32
      %convert_element_type3A_273 = arith.extui %lt3A_272 : i1 to i32
      %cond3A_274 = arith.constant 0 : i32
      %cond3A_275 = arith.cmpi ne, %convert_element_type3A_273, %cond3A_274 : i32
      scf.if %cond3A_275 {
        %dma_wait3A_361 = arith.constant 0 : i32
        %dma_wait3A_362 = tpu.memref_slice %arg3[%dma_wait3A_361] : memref<320000xi32, #tpu.memory_space<hbm>> -> memref<80xi32, #tpu.memory_space<hbm>>
        %dma_wait3A_363 = arith.constant 0 : i32
        %dma_wait3A_364 = tpu.memref_slice %arg3[%dma_wait3A_363] : memref<320000xi32, #tpu.memory_space<hbm>> -> memref<80xi32, #tpu.memory_space<hbm>>
        tpu.wait_dma2 semaphore(%arg36 : memref<!tpu.dma_semaphore, #tpu.memory_space<semaphore_mem>>) src(%dma_wait3A_364 : memref<80xi32, #tpu.memory_space<hbm>>) dst(%arg15 : memref<80xi32, #tpu.memory_space<vmem>>)
        %dma_wait3A_365 = arith.constant 0 : i32
        %dma_wait3A_366 = tpu.memref_slice %arg4[%dma_wait3A_365] : memref<320000xi32, #tpu.memory_space<hbm>> -> memref<80xi32, #tpu.memory_space<hbm>>
        %dma_wait3A_367 = arith.constant 0 : i32
        %dma_wait3A_368 = tpu.memref_slice %arg4[%dma_wait3A_367] : memref<320000xi32, #tpu.memory_space<hbm>> -> memref<80xi32, #tpu.memory_space<hbm>>
        tpu.wait_dma2 semaphore(%arg37 : memref<!tpu.dma_semaphore, #tpu.memory_space<semaphore_mem>>) src(%dma_wait3A_368 : memref<80xi32, #tpu.memory_space<hbm>>) dst(%arg16 : memref<80xi32, #tpu.memory_space<vmem>>)
        %add3A_369 = arith.constant 1 : i32
        %add3A_370 = arith.addi %add3A_258, %add3A_369 : i32
        %mul3A_371 = arith.constant 10000 : i32
        %mul3A_372 = arith.muli %add3A, %mul3A_371 : i32
        %mul3A_373 = arith.constant 80 : i32
        %mul3A_374 = arith.muli %add3A_370, %mul3A_373 : i32
        %add3A_375 = arith.addi %mul3A_372, %mul3A_374 : i32
        %dma_start3A_376 = arith.constant 0 : i32
        %dma_start3A_377 = arith.constant 0 : i32
        %dma_start3A_378 = tpu.memref_slice %arg2[%dma_start3A_376, %dma_start3A_377] : memref<10000x128xf32, #tpu.memory_space<hbm>> -> memref<10000x128xf32, #tpu.memory_space<hbm>>
        tpu.enqueue_indirect_dma source(%dma_start3A_378 : memref<10000x128xf32, #tpu.memory_space<hbm>>) target(%arg17 : memref<80x128xf32, #tpu.memory_space<vmem>>) offsets(%arg15 : memref<80xi32, #tpu.memory_space<vmem>>) semaphore(%arg29 : memref<!tpu.dma_semaphore, #tpu.memory_space<semaphore_mem>>)
        %dma_start3A_379 = arith.constant 0 : i32
        %dma_start3A_380 = arith.constant 0 : i32
        %dma_start3A_381 = tpu.memref_slice %arg23[%dma_start3A_379, %dma_start3A_380] : memref<10240x16xf32, #tpu.memory_space<vmem_shared>> -> memref<10240x16xf32, #tpu.memory_space<vmem_shared>>
        tpu.enqueue_indirect_dma source(%dma_start3A_381 : memref<10240x16xf32, #tpu.memory_space<vmem_shared>>) target(%arg19 : memref<80x16xf32, #tpu.memory_space<vmem>>) offsets(%arg15 : memref<80xi32, #tpu.memory_space<vmem>>) semaphore(%arg30 : memref<!tpu.dma_semaphore, #tpu.memory_space<semaphore_mem>>)
        %dma_start3A_382 = arith.constant 0 : i32
        %dma_start3A_383 = tpu.memref_slice %arg5[%add3A_375, %dma_start3A_382] : memref<320000x16xf32, #tpu.memory_space<hbm>> -> memref<80x16xf32, #tpu.memory_space<hbm>>
        %dma_start3A_384 = arith.constant 0 : i32
        %dma_start3A_385 = tpu.memref_slice %arg5[%add3A_375, %dma_start3A_384] : memref<320000x16xf32, #tpu.memory_space<hbm>> -> memref<80x16xf32, #tpu.memory_space<hbm>>
        tpu.enqueue_dma source(%dma_start3A_385 : memref<80x16xf32, #tpu.memory_space<hbm>>) target(%arg18 : memref<80x16xf32, #tpu.memory_space<vmem>>) target_semaphore(%arg31 : memref<!tpu.dma_semaphore, #tpu.memory_space<semaphore_mem>>)
      } else {
      }
      %dma_wait3A_276 = arith.constant 0 : i32
      %dma_wait3A_277 = arith.constant 0 : i32
      %dma_wait3A_278 = tpu.memref_slice %arg2[%dma_wait3A_276, %dma_wait3A_277] : memref<10000x128xf32, #tpu.memory_space<hbm>> -> memref<10000x128xf32, #tpu.memory_space<hbm>>
      tpu.wait_indirect_dma semaphore(%arg25 : memref<!tpu.dma_semaphore, #tpu.memory_space<semaphore_mem>>) src(%dma_wait3A_278 : memref<10000x128xf32, #tpu.memory_space<hbm>>) dst(%arg12 : memref<80x128xf32, #tpu.memory_space<vmem>>)
      %dma_wait3A_279 = arith.constant 0 : i32
      %dma_wait3A_280 = arith.constant 0 : i32
      %dma_wait3A_281 = tpu.memref_slice %arg23[%dma_wait3A_279, %dma_wait3A_280] : memref<10240x16xf32, #tpu.memory_space<vmem_shared>> -> memref<10240x16xf32, #tpu.memory_space<vmem_shared>>
      tpu.wait_indirect_dma semaphore(%arg26 : memref<!tpu.dma_semaphore, #tpu.memory_space<semaphore_mem>>) src(%dma_wait3A_281 : memref<10240x16xf32, #tpu.memory_space<vmem_shared>>) dst(%arg14 : memref<80x16xf32, #tpu.memory_space<vmem>>)
      %dma_wait3A_282 = arith.constant 0 : i32
      %dma_wait3A_283 = arith.constant 0 : i32
      %dma_wait3A_284 = tpu.memref_slice %arg5[%dma_wait3A_282, %dma_wait3A_283] : memref<320000x16xf32, #tpu.memory_space<hbm>> -> memref<80x16xf32, #tpu.memory_space<hbm>>
      %dma_wait3A_285 = arith.constant 0 : i32
      %dma_wait3A_286 = arith.constant 0 : i32
      %dma_wait3A_287 = tpu.memref_slice %arg5[%dma_wait3A_285, %dma_wait3A_286] : memref<320000x16xf32, #tpu.memory_space<hbm>> -> memref<80x16xf32, #tpu.memory_space<hbm>>
      tpu.wait_dma2 semaphore(%arg27 : memref<!tpu.dma_semaphore, #tpu.memory_space<semaphore_mem>>) src(%dma_wait3A_287 : memref<80x16xf32, #tpu.memory_space<hbm>>) dst(%arg13 : memref<80x16xf32, #tpu.memory_space<vmem>>)
      %add3A_288 = arith.constant 2 : i32
      %add3A_289 = arith.addi %add3A_258, %add3A_288 : i32
      %lt3A_290 = arith.constant 125 : i32
      %lt3A_291 = arith.cmpi slt, %add3A_289, %lt3A_290 : i32
      %convert_element_type3A_292 = arith.extui %lt3A_291 : i1 to i32
      %cond3A_293 = arith.constant 0 : i32
      %cond3A_294 = arith.cmpi ne, %convert_element_type3A_292, %cond3A_293 : i32
      scf.if %cond3A_294 {
        %add3A_361 = arith.constant 2 : i32
        %add3A_362 = arith.addi %add3A_258, %add3A_361 : i32
        %mul3A_363 = arith.constant 10000 : i32
        %mul3A_364 = arith.muli %add3A, %mul3A_363 : i32
        %mul3A_365 = arith.constant 80 : i32
        %mul3A_366 = arith.muli %add3A_362, %mul3A_365 : i32
        %add3A_367 = arith.addi %mul3A_364, %mul3A_366 : i32
        %dma_start3A_368 = tpu.memref_slice %arg3[%add3A_367] : memref<320000xi32, #tpu.memory_space<hbm>> -> memref<80xi32, #tpu.memory_space<hbm>>
        %dma_start3A_369 = tpu.memref_slice %arg3[%add3A_367] : memref<320000xi32, #tpu.memory_space<hbm>> -> memref<80xi32, #tpu.memory_space<hbm>>
        tpu.enqueue_dma source(%dma_start3A_369 : memref<80xi32, #tpu.memory_space<hbm>>) target(%arg10 : memref<80xi32, #tpu.memory_space<vmem>>) target_semaphore(%arg33 : memref<!tpu.dma_semaphore, #tpu.memory_space<semaphore_mem>>)
        %dma_start3A_370 = tpu.memref_slice %arg4[%add3A_367] : memref<320000xi32, #tpu.memory_space<hbm>> -> memref<80xi32, #tpu.memory_space<hbm>>
        %dma_start3A_371 = tpu.memref_slice %arg4[%add3A_367] : memref<320000xi32, #tpu.memory_space<hbm>> -> memref<80xi32, #tpu.memory_space<hbm>>
        tpu.enqueue_dma source(%dma_start3A_371 : memref<80xi32, #tpu.memory_space<hbm>>) target(%arg11 : memref<80xi32, #tpu.memory_space<vmem>>) target_semaphore(%arg34 : memref<!tpu.dma_semaphore, #tpu.memory_space<semaphore_mem>>)
      } else {
      }
      %scan3A_295 = arith.constant 0 : i32
      %scan3A_296 = arith.constant 80 : i32
      %scan3A_297 = arith.addi %scan3A_295, %scan3A_296 : i32
      %scan3A_298 = arith.constant 1 : i32
      scf.for %scan3A_361 = %scan3A_295 to %scan3A_297 step %scan3A_298  : i32 {
        %mul3A_362 = arith.constant 1 : i32
        %mul3A_363 = arith.muli %scan3A_361, %mul3A_362 : i32
        %add3A_364 = arith.constant 0 : i32
        %add3A_365 = arith.addi %add3A_364, %mul3A_363 : i32
        %get3A = arith.index_cast %add3A_365 : i32 to index
        %get3A_366 = arith.constant 0 : index
        %get3A_367 = tpu.vector_load %arg13[%get3A, %get3A_366] {strides = array<i32>} : memref<80x16xf32, #tpu.memory_space<vmem>>, vector<16xf32>,
        %get3A_368 = arith.index_cast %add3A_365 : i32 to index
        %get3A_369 = arith.constant 0 : index
        %get3A_370 = tpu.vector_load %arg14[%get3A_368, %get3A_369] {strides = array<i32>} : memref<80x16xf32, #tpu.memory_space<vmem>>, vector<16xf32>,
        %div3A = arith.divf %get3A_367, %get3A_370 : vector<16xf32>
        %slice3A = vector.extract_strided_slice %div3A {offsets = [0], sizes = [1], strides = [1]} : vector<16xf32> to vector<1xf32>
        %squeeze3A = vector.extract %slice3A[0] : f32 from vector<1xf32>
        %get3A_371 = arith.index_cast %add3A_365 : i32 to index
        %get3A_372 = arith.constant 0 : index
        %get3A_373 = tpu.vector_load %arg12[%get3A_371, %get3A_372] {strides = array<i32>} : memref<80x128xf32, #tpu.memory_space<vmem>>, vector<16xf32>,
        %mul3A_374 = vector.broadcast %squeeze3A : f32 to vector<16xf32>
        %mul3A_375 = arith.mulf %get3A_373, %mul3A_374 : vector<16xf32>
        %swap3A = arith.index_cast %add3A_365 : i32 to index
        %swap3A_376 = arith.constant 0 : index
        %swap3A_377 = tpu.vector_load %arg12[%swap3A, %swap3A_376] {strides = array<i32>} : memref<80x128xf32, #tpu.memory_space<vmem>>, vector<16xf32>,
        tpu.vector_store %arg12[%swap3A, %swap3A_376], %mul3A_375 {strides = array<i32>} : memref<80x128xf32, #tpu.memory_space<vmem>>, vector<16xf32>,
        %slice3A_378 = vector.extract_strided_slice %div3A {offsets = [1], sizes = [1], strides = [1]} : vector<16xf32> to vector<1xf32>
        %squeeze3A_379 = vector.extract %slice3A_378[0] : f32 from vector<1xf32>
        %get3A_380 = arith.index_cast %add3A_365 : i32 to index
        %get3A_381 = arith.constant 16 : index
        %get3A_382 = tpu.vector_load %arg12[%get3A_380, %get3A_381] {strides = array<i32>} : memref<80x128xf32, #tpu.memory_space<vmem>>, vector<16xf32>,
        %mul3A_383 = vector.broadcast %squeeze3A_379 : f32 to vector<16xf32>
        %mul3A_384 = arith.mulf %get3A_382, %mul3A_383 : vector<16xf32>
        %swap3A_385 = arith.index_cast %add3A_365 : i32 to index
        %swap3A_386 = arith.constant 16 : index
        %swap3A_387 = tpu.vector_load %arg12[%swap3A_385, %swap3A_386] {strides = array<i32>} : memref<80x128xf32, #tpu.memory_space<vmem>>, vector<16xf32>,
        tpu.vector_store %arg12[%swap3A_385, %swap3A_386], %mul3A_384 {strides = array<i32>} : memref<80x128xf32, #tpu.memory_space<vmem>>, vector<16xf32>,
        %slice3A_388 = vector.extract_strided_slice %div3A {offsets = [2], sizes = [1], strides = [1]} : vector<16xf32> to vector<1xf32>
        %squeeze3A_389 = vector.extract %slice3A_388[0] : f32 from vector<1xf32>
        %get3A_390 = arith.index_cast %add3A_365 : i32 to index
        %get3A_391 = arith.constant 32 : index
        %get3A_392 = tpu.vector_load %arg12[%get3A_390, %get3A_391] {strides = array<i32>} : memref<80x128xf32, #tpu.memory_space<vmem>>, vector<16xf32>,
        %mul3A_393 = vector.broadcast %squeeze3A_389 : f32 to vector<16xf32>
        %mul3A_394 = arith.mulf %get3A_392, %mul3A_393 : vector<16xf32>
        %swap3A_395 = arith.index_cast %add3A_365 : i32 to index
        %swap3A_396 = arith.constant 32 : index
        %swap3A_397 = tpu.vector_load %arg12[%swap3A_395, %swap3A_396] {strides = array<i32>} : memref<80x128xf32, #tpu.memory_space<vmem>>, vector<16xf32>,
        tpu.vector_store %arg12[%swap3A_395, %swap3A_396], %mul3A_394 {strides = array<i32>} : memref<80x128xf32, #tpu.memory_space<vmem>>, vector<16xf32>,
        %slice3A_398 = vector.extract_strided_slice %div3A {offsets = [3], sizes = [1], strides = [1]} : vector<16xf32> to vector<1xf32>
        %squeeze3A_399 = vector.extract %slice3A_398[0] : f32 from vector<1xf32>
        %get3A_400 = arith.index_cast %add3A_365 : i32 to index
        %get3A_401 = arith.constant 48 : index
        %get3A_402 = tpu.vector_load %arg12[%get3A_400, %get3A_401] {strides = array<i32>} : memref<80x128xf32, #tpu.memory_space<vmem>>, vector<16xf32>,
        %mul3A_403 = vector.broadcast %squeeze3A_399 : f32 to vector<16xf32>
        %mul3A_404 = arith.mulf %get3A_402, %mul3A_403 : vector<16xf32>
        %swap3A_405 = arith.index_cast %add3A_365 : i32 to index
        %swap3A_406 = arith.constant 48 : index
        %swap3A_407 = tpu.vector_load %arg12[%swap3A_405, %swap3A_406] {strides = array<i32>} : memref<80x128xf32, #tpu.memory_space<vmem>>, vector<16xf32>,
        tpu.vector_store %arg12[%swap3A_405, %swap3A_406], %mul3A_404 {strides = array<i32>} : memref<80x128xf32, #tpu.memory_space<vmem>>, vector<16xf32>,
        %slice3A_408 = vector.extract_strided_slice %div3A {offsets = [4], sizes = [1], strides = [1]} : vector<16xf32> to vector<1xf32>
        %squeeze3A_409 = vector.extract %slice3A_408[0] : f32 from vector<1xf32>
        %get3A_410 = arith.index_cast %add3A_365 : i32 to index
        %get3A_411 = arith.constant 64 : index
        %get3A_412 = tpu.vector_load %arg12[%get3A_410, %get3A_411] {strides = array<i32>} : memref<80x128xf32, #tpu.memory_space<vmem>>, vector<16xf32>,
        %mul3A_413 = vector.broadcast %squeeze3A_409 : f32 to vector<16xf32>
        %mul3A_414 = arith.mulf %get3A_412, %mul3A_413 : vector<16xf32>
        %swap3A_415 = arith.index_cast %add3A_365 : i32 to index
        %swap3A_416 = arith.constant 64 : index
        %swap3A_417 = tpu.vector_load %arg12[%swap3A_415, %swap3A_416] {strides = array<i32>} : memref<80x128xf32, #tpu.memory_space<vmem>>, vector<16xf32>,
        tpu.vector_store %arg12[%swap3A_415, %swap3A_416], %mul3A_414 {strides = array<i32>} : memref<80x128xf32, #tpu.memory_space<vmem>>, vector<16xf32>,
        %slice3A_418 = vector.extract_strided_slice %div3A {offsets = [5], sizes = [1], strides = [1]} : vector<16xf32> to vector<1xf32>
        %squeeze3A_419 = vector.extract %slice3A_418[0] : f32 from vector<1xf32>
        %get3A_420 = arith.index_cast %add3A_365 : i32 to index
        %get3A_421 = arith.constant 80 : index
        %get3A_422 = tpu.vector_load %arg12[%get3A_420, %get3A_421] {strides = array<i32>} : memref<80x128xf32, #tpu.memory_space<vmem>>, vector<16xf32>,
        %mul3A_423 = vector.broadcast %squeeze3A_419 : f32 to vector<16xf32>
        %mul3A_424 = arith.mulf %get3A_422, %mul3A_423 : vector<16xf32>
        %swap3A_425 = arith.index_cast %add3A_365 : i32 to index
        %swap3A_426 = arith.constant 80 : index
        %swap3A_427 = tpu.vector_load %arg12[%swap3A_425, %swap3A_426] {strides = array<i32>} : memref<80x128xf32, #tpu.memory_space<vmem>>, vector<16xf32>,
        tpu.vector_store %arg12[%swap3A_425, %swap3A_426], %mul3A_424 {strides = array<i32>} : memref<80x128xf32, #tpu.memory_space<vmem>>, vector<16xf32>,
        %slice3A_428 = vector.extract_strided_slice %div3A {offsets = [6], sizes = [1], strides = [1]} : vector<16xf32> to vector<1xf32>
        %squeeze3A_429 = vector.extract %slice3A_428[0] : f32 from vector<1xf32>
        %get3A_430 = arith.index_cast %add3A_365 : i32 to index
        %get3A_431 = arith.constant 96 : index
        %get3A_432 = tpu.vector_load %arg12[%get3A_430, %get3A_431] {strides = array<i32>} : memref<80x128xf32, #tpu.memory_space<vmem>>, vector<16xf32>,
        %mul3A_433 = vector.broadcast %squeeze3A_429 : f32 to vector<16xf32>
        %mul3A_434 = arith.mulf %get3A_432, %mul3A_433 : vector<16xf32>
        %swap3A_435 = arith.index_cast %add3A_365 : i32 to index
        %swap3A_436 = arith.constant 96 : index
        %swap3A_437 = tpu.vector_load %arg12[%swap3A_435, %swap3A_436] {strides = array<i32>} : memref<80x128xf32, #tpu.memory_space<vmem>>, vector<16xf32>,
        tpu.vector_store %arg12[%swap3A_435, %swap3A_436], %mul3A_434 {strides = array<i32>} : memref<80x128xf32, #tpu.memory_space<vmem>>, vector<16xf32>,
        %slice3A_438 = vector.extract_strided_slice %div3A {offsets = [7], sizes = [1], strides = [1]} : vector<16xf32> to vector<1xf32>
        %squeeze3A_439 = vector.extract %slice3A_438[0] : f32 from vector<1xf32>
        %get3A_440 = arith.index_cast %add3A_365 : i32 to index
        %get3A_441 = arith.constant 112 : index
        %get3A_442 = tpu.vector_load %arg12[%get3A_440, %get3A_441] {strides = array<i32>} : memref<80x128xf32, #tpu.memory_space<vmem>>, vector<16xf32>,
        %mul3A_443 = vector.broadcast %squeeze3A_439 : f32 to vector<16xf32>
        %mul3A_444 = arith.mulf %get3A_442, %mul3A_443 : vector<16xf32>
        %swap3A_445 = arith.index_cast %add3A_365 : i32 to index
        %swap3A_446 = arith.constant 112 : index
        %swap3A_447 = tpu.vector_load %arg12[%swap3A_445, %swap3A_446] {strides = array<i32>} : memref<80x128xf32, #tpu.memory_space<vmem>>, vector<16xf32>,
        tpu.vector_store %arg12[%swap3A_445, %swap3A_446], %mul3A_444 {strides = array<i32>} : memref<80x128xf32, #tpu.memory_space<vmem>>, vector<16xf32>,
      }
      %scan3A_299 = arith.constant 80 : i32
      %dma_wait3A_300 = arith.constant 0 : i32
      %dma_wait3A_301 = tpu.memref_slice %arg4[%dma_wait3A_300] : memref<320000xi32, #tpu.memory_space<hbm>> -> memref<80xi32, #tpu.memory_space<hbm>>
      %dma_wait3A_302 = arith.constant 0 : i32
      %dma_wait3A_303 = tpu.memref_slice %arg4[%dma_wait3A_302] : memref<320000xi32, #tpu.memory_space<hbm>> -> memref<80xi32, #tpu.memory_space<hbm>>
      tpu.wait_dma2 semaphore(%arg35 : memref<!tpu.dma_semaphore, #tpu.memory_space<semaphore_mem>>) src(%dma_wait3A_303 : memref<80xi32, #tpu.memory_space<hbm>>) dst(%arg20 : memref<80xi32, #tpu.memory_space<vmem>>)
      %dma_start3A_304 = arith.constant 0 : i32
      %dma_start3A_305 = arith.constant 0 : i32
      %dma_start3A_306 = tpu.memref_slice %arg24[%dma_start3A_304, %dma_start3A_305] : memref<10240x128xf32, #tpu.memory_space<vmem_shared>> -> memref<10240x128xf32, #tpu.memory_space<vmem_shared>>
      tpu.enqueue_indirect_dma source(%arg12 : memref<80x128xf32, #tpu.memory_space<vmem>>) target(%dma_start3A_306 : memref<10240x128xf32, #tpu.memory_space<vmem_shared>>) offsets(%arg20 : memref<80xi32, #tpu.memory_space<vmem>>) semaphore(%arg28 : memref<!tpu.dma_semaphore, #tpu.memory_space<semaphore_mem>>) {add = true}
      %mul3A_307 = arith.constant 2 : i32
      %mul3A_308 = arith.muli %add3A_254, %mul3A_307 : i32
      %add3A_309 = arith.constant 1 : i32
      %add3A_310 = arith.addi %mul3A_308, %add3A_309 : i32
      %mul3A_311 = arith.constant 10000 : i32
      %mul3A_312 = arith.muli %add3A, %mul3A_311 : i32
      %mul3A_313 = arith.constant 80 : i32
      %mul3A_314 = arith.muli %add3A_310, %mul3A_313 : i32
      %add3A_315 = arith.addi %mul3A_312, %mul3A_314 : i32
      %dma_start3A_316 = tpu.memref_slice %arg4[%add3A_315] : memref<320000xi32, #tpu.memory_space<hbm>> -> memref<80xi32, #tpu.memory_space<hbm>>
      %dma_start3A_317 = tpu.memref_slice %arg4[%add3A_315] : memref<320000xi32, #tpu.memory_space<hbm>> -> memref<80xi32, #tpu.memory_space<hbm>>
      tpu.enqueue_dma source(%dma_start3A_317 : memref<80xi32, #tpu.memory_space<hbm>>) target(%arg21 : memref<80xi32, #tpu.memory_space<vmem>>) target_semaphore(%arg38 : memref<!tpu.dma_semaphore, #tpu.memory_space<semaphore_mem>>)
      %ge3A_318 = arith.constant 1 : i32
      %ge3A_319 = arith.cmpi sge, %add3A_310, %ge3A_318 : i32
      %convert_element_type3A_320 = arith.extui %ge3A_319 : i1 to i32
      %cond3A_321 = arith.constant 0 : i32
      %cond3A_322 = arith.cmpi ne, %convert_element_type3A_320, %cond3A_321 : i32
      scf.if %cond3A_322 {
        %dma_wait3A_361 = arith.constant 0 : i32
        %dma_wait3A_362 = arith.constant 0 : i32
        %dma_wait3A_363 = tpu.memref_slice %arg24[%dma_wait3A_361, %dma_wait3A_362] : memref<10240x128xf32, #tpu.memory_space<vmem_shared>> -> memref<10240x128xf32, #tpu.memory_space<vmem_shared>>
        tpu.wait_indirect_dma semaphore(%arg28 : memref<!tpu.dma_semaphore, #tpu.memory_space<semaphore_mem>>) src(%arg12 : memref<80x128xf32, #tpu.memory_space<vmem>>) dst(%dma_wait3A_363 : memref<10240x128xf32, #tpu.memory_space<vmem_shared>>)
      } else {
      }
      %add3A_323 = arith.constant 1 : i32
      %add3A_324 = arith.addi %add3A_310, %add3A_323 : i32
      %lt3A_325 = arith.constant 125 : i32
      %lt3A_326 = arith.cmpi slt, %add3A_324, %lt3A_325 : i32
      %convert_element_type3A_327 = arith.extui %lt3A_326 : i1 to i32
      %cond3A_328 = arith.constant 0 : i32
      %cond3A_329 = arith.cmpi ne, %convert_element_type3A_327, %cond3A_328 : i32
      scf.if %cond3A_329 {
        %dma_wait3A_361 = arith.constant 0 : i32
        %dma_wait3A_362 = tpu.memref_slice %arg3[%dma_wait3A_361] : memref<320000xi32, #tpu.memory_space<hbm>> -> memref<80xi32, #tpu.memory_space<hbm>>
        %dma_wait3A_363 = arith.constant 0 : i32
        %dma_wait3A_364 = tpu.memref_slice %arg3[%dma_wait3A_363] : memref<320000xi32, #tpu.memory_space<hbm>> -> memref<80xi32, #tpu.memory_space<hbm>>
        tpu.wait_dma2 semaphore(%arg33 : memref<!tpu.dma_semaphore, #tpu.memory_space<semaphore_mem>>) src(%dma_wait3A_364 : memref<80xi32, #tpu.memory_space<hbm>>) dst(%arg10 : memref<80xi32, #tpu.memory_space<vmem>>)
        %dma_wait3A_365 = arith.constant 0 : i32
        %dma_wait3A_366 = tpu.memref_slice %arg4[%dma_wait3A_365] : memref<320000xi32, #tpu.memory_space<hbm>> -> memref<80xi32, #tpu.memory_space<hbm>>
        %dma_wait3A_367 = arith.constant 0 : i32
        %dma_wait3A_368 = tpu.memref_slice %arg4[%dma_wait3A_367] : memref<320000xi32, #tpu.memory_space<hbm>> -> memref<80xi32, #tpu.memory_space<hbm>>
        tpu.wait_dma2 semaphore(%arg34 : memref<!tpu.dma_semaphore, #tpu.memory_space<semaphore_mem>>) src(%dma_wait3A_368 : memref<80xi32, #tpu.memory_space<hbm>>) dst(%arg11 : memref<80xi32, #tpu.memory_space<vmem>>)
        %add3A_369 = arith.constant 1 : i32
        %add3A_370 = arith.addi %add3A_310, %add3A_369 : i32
        %mul3A_371 = arith.constant 10000 : i32
        %mul3A_372 = arith.muli %add3A, %mul3A_371 : i32
        %mul3A_373 = arith.constant 80 : i32
        %mul3A_374 = arith.muli %add3A_370, %mul3A_373 : i32
        %add3A_375 = arith.addi %mul3A_372, %mul3A_374 : i32
        %dma_start3A_376 = arith.constant 0 : i32
        %dma_start3A_377 = arith.constant 0 : i32
        %dma_start3A_378 = tpu.memref_slice %arg2[%dma_start3A_376, %dma_start3A_377] : memref<10000x128xf32, #tpu.memory_space<hbm>> -> memref<10000x128xf32, #tpu.memory_space<hbm>>
        tpu.enqueue_indirect_dma source(%dma_start3A_378 : memref<10000x128xf32, #tpu.memory_space<hbm>>) target(%arg12 : memref<80x128xf32, #tpu.memory_space<vmem>>) offsets(%arg10 : memref<80xi32, #tpu.memory_space<vmem>>) semaphore(%arg25 : memref<!tpu.dma_semaphore, #tpu.memory_space<semaphore_mem>>)
        %dma_start3A_379 = arith.constant 0 : i32
        %dma_start3A_380 = arith.constant 0 : i32
        %dma_start3A_381 = tpu.memref_slice %arg23[%dma_start3A_379, %dma_start3A_380] : memref<10240x16xf32, #tpu.memory_space<vmem_shared>> -> memref<10240x16xf32, #tpu.memory_space<vmem_shared>>
        tpu.enqueue_indirect_dma source(%dma_start3A_381 : memref<10240x16xf32, #tpu.memory_space<vmem_shared>>) target(%arg14 : memref<80x16xf32, #tpu.memory_space<vmem>>) offsets(%arg10 : memref<80xi32, #tpu.memory_space<vmem>>) semaphore(%arg26 : memref<!tpu.dma_semaphore, #tpu.memory_space<semaphore_mem>>)
        %dma_start3A_382 = arith.constant 0 : i32
        %dma_start3A_383 = tpu.memref_slice %arg5[%add3A_375, %dma_start3A_382] : memref<320000x16xf32, #tpu.memory_space<hbm>> -> memref<80x16xf32, #tpu.memory_space<hbm>>
        %dma_start3A_384 = arith.constant 0 : i32
        %dma_start3A_385 = tpu.memref_slice %arg5[%add3A_375, %dma_start3A_384] : memref<320000x16xf32, #tpu.memory_space<hbm>> -> memref<80x16xf32, #tpu.memory_space<hbm>>
        tpu.enqueue_dma source(%dma_start3A_385 : memref<80x16xf32, #tpu.memory_space<hbm>>) target(%arg13 : memref<80x16xf32, #tpu.memory_space<vmem>>) target_semaphore(%arg27 : memref<!tpu.dma_semaphore, #tpu.memory_space<semaphore_mem>>)
      } else {
      }
      %dma_wait3A_330 = arith.constant 0 : i32
      %dma_wait3A_331 = arith.constant 0 : i32
      %dma_wait3A_332 = tpu.memref_slice %arg2[%dma_wait3A_330, %dma_wait3A_331] : memref<10000x128xf32, #tpu.memory_space<hbm>> -> memref<10000x128xf32, #tpu.memory_space<hbm>>
      tpu.wait_indirect_dma semaphore(%arg29 : memref<!tpu.dma_semaphore, #tpu.memory_space<semaphore_mem>>) src(%dma_wait3A_332 : memref<10000x128xf32, #tpu.memory_space<hbm>>) dst(%arg17 : memref<80x128xf32, #tpu.memory_space<vmem>>)
      %dma_wait3A_333 = arith.constant 0 : i32
      %dma_wait3A_334 = arith.constant 0 : i32
      %dma_wait3A_335 = tpu.memref_slice %arg23[%dma_wait3A_333, %dma_wait3A_334] : memref<10240x16xf32, #tpu.memory_space<vmem_shared>> -> memref<10240x16xf32, #tpu.memory_space<vmem_shared>>
      tpu.wait_indirect_dma semaphore(%arg30 : memref<!tpu.dma_semaphore, #tpu.memory_space<semaphore_mem>>) src(%dma_wait3A_335 : memref<10240x16xf32, #tpu.memory_space<vmem_shared>>) dst(%arg19 : memref<80x16xf32, #tpu.memory_space<vmem>>)
      %dma_wait3A_336 = arith.constant 0 : i32
      %dma_wait3A_337 = arith.constant 0 : i32
      %dma_wait3A_338 = tpu.memref_slice %arg5[%dma_wait3A_336, %dma_wait3A_337] : memref<320000x16xf32, #tpu.memory_space<hbm>> -> memref<80x16xf32, #tpu.memory_space<hbm>>
      %dma_wait3A_339 = arith.constant 0 : i32
      %dma_wait3A_340 = arith.constant 0 : i32
      %dma_wait3A_341 = tpu.memref_slice %arg5[%dma_wait3A_339, %dma_wait3A_340] : memref<320000x16xf32, #tpu.memory_space<hbm>> -> memref<80x16xf32, #tpu.memory_space<hbm>>
      tpu.wait_dma2 semaphore(%arg31 : memref<!tpu.dma_semaphore, #tpu.memory_space<semaphore_mem>>) src(%dma_wait3A_341 : memref<80x16xf32, #tpu.memory_space<hbm>>) dst(%arg18 : memref<80x16xf32, #tpu.memory_space<vmem>>)
      %add3A_342 = arith.constant 2 : i32
      %add3A_343 = arith.addi %add3A_310, %add3A_342 : i32
      %lt3A_344 = arith.constant 125 : i32
      %lt3A_345 = arith.cmpi slt, %add3A_343, %lt3A_344 : i32
      %convert_element_type3A_346 = arith.extui %lt3A_345 : i1 to i32
      %cond3A_347 = arith.constant 0 : i32
      %cond3A_348 = arith.cmpi ne, %convert_element_type3A_346, %cond3A_347 : i32
      scf.if %cond3A_348 {
        %add3A_361 = arith.constant 2 : i32
        %add3A_362 = arith.addi %add3A_310, %add3A_361 : i32
        %mul3A_363 = arith.constant 10000 : i32
        %mul3A_364 = arith.muli %add3A, %mul3A_363 : i32
        %mul3A_365 = arith.constant 80 : i32
        %mul3A_366 = arith.muli %add3A_362, %mul3A_365 : i32
        %add3A_367 = arith.addi %mul3A_364, %mul3A_366 : i32
        %dma_start3A_368 = tpu.memref_slice %arg3[%add3A_367] : memref<320000xi32, #tpu.memory_space<hbm>> -> memref<80xi32, #tpu.memory_space<hbm>>
        %dma_start3A_369 = tpu.memref_slice %arg3[%add3A_367] : memref<320000xi32, #tpu.memory_space<hbm>> -> memref<80xi32, #tpu.memory_space<hbm>>
        tpu.enqueue_dma source(%dma_start3A_369 : memref<80xi32, #tpu.memory_space<hbm>>) target(%arg15 : memref<80xi32, #tpu.memory_space<vmem>>) target_semaphore(%arg36 : memref<!tpu.dma_semaphore, #tpu.memory_space<semaphore_mem>>)
        %dma_start3A_370 = tpu.memref_slice %arg4[%add3A_367] : memref<320000xi32, #tpu.memory_space<hbm>> -> memref<80xi32, #tpu.memory_space<hbm>>
        %dma_start3A_371 = tpu.memref_slice %arg4[%add3A_367] : memref<320000xi32, #tpu.memory_space<hbm>> -> memref<80xi32, #tpu.memory_space<hbm>>
        tpu.enqueue_dma source(%dma_start3A_371 : memref<80xi32, #tpu.memory_space<hbm>>) target(%arg16 : memref<80xi32, #tpu.memory_space<vmem>>) target_semaphore(%arg37 : memref<!tpu.dma_semaphore, #tpu.memory_space<semaphore_mem>>)
      } else {
      }
      %scan3A_349 = arith.constant 0 : i32
      %scan3A_350 = arith.constant 80 : i32
      %scan3A_351 = arith.addi %scan3A_349, %scan3A_350 : i32
      %scan3A_352 = arith.constant 1 : i32
      scf.for %scan3A_361 = %scan3A_349 to %scan3A_351 step %scan3A_352  : i32 {
        %mul3A_362 = arith.constant 1 : i32
        %mul3A_363 = arith.muli %scan3A_361, %mul3A_362 : i32
        %add3A_364 = arith.constant 0 : i32
        %add3A_365 = arith.addi %add3A_364, %mul3A_363 : i32
        %get3A = arith.index_cast %add3A_365 : i32 to index
        %get3A_366 = arith.constant 0 : index
        %get3A_367 = tpu.vector_load %arg18[%get3A, %get3A_366] {strides = array<i32>} : memref<80x16xf32, #tpu.memory_space<vmem>>, vector<16xf32>,
        %get3A_368 = arith.index_cast %add3A_365 : i32 to index
        %get3A_369 = arith.constant 0 : index
        %get3A_370 = tpu.vector_load %arg19[%get3A_368, %get3A_369] {strides = array<i32>} : memref<80x16xf32, #tpu.memory_space<vmem>>, vector<16xf32>,
        %div3A = arith.divf %get3A_367, %get3A_370 : vector<16xf32>
        %slice3A = vector.extract_strided_slice %div3A {offsets = [0], sizes = [1], strides = [1]} : vector<16xf32> to vector<1xf32>
        %squeeze3A = vector.extract %slice3A[0] : f32 from vector<1xf32>
        %get3A_371 = arith.index_cast %add3A_365 : i32 to index
        %get3A_372 = arith.constant 0 : index
        %get3A_373 = tpu.vector_load %arg17[%get3A_371, %get3A_372] {strides = array<i32>} : memref<80x128xf32, #tpu.memory_space<vmem>>, vector<16xf32>,
        %mul3A_374 = vector.broadcast %squeeze3A : f32 to vector<16xf32>
        %mul3A_375 = arith.mulf %get3A_373, %mul3A_374 : vector<16xf32>
        %swap3A = arith.index_cast %add3A_365 : i32 to index
        %swap3A_376 = arith.constant 0 : index
        %swap3A_377 = tpu.vector_load %arg17[%swap3A, %swap3A_376] {strides = array<i32>} : memref<80x128xf32, #tpu.memory_space<vmem>>, vector<16xf32>,
        tpu.vector_store %arg17[%swap3A, %swap3A_376], %mul3A_375 {strides = array<i32>} : memref<80x128xf32, #tpu.memory_space<vmem>>, vector<16xf32>,
        %slice3A_378 = vector.extract_strided_slice %div3A {offsets = [1], sizes = [1], strides = [1]} : vector<16xf32> to vector<1xf32>
        %squeeze3A_379 = vector.extract %slice3A_378[0] : f32 from vector<1xf32>
        %get3A_380 = arith.index_cast %add3A_365 : i32 to index
        %get3A_381 = arith.constant 16 : index
        %get3A_382 = tpu.vector_load %arg17[%get3A_380, %get3A_381] {strides = array<i32>} : memref<80x128xf32, #tpu.memory_space<vmem>>, vector<16xf32>,
        %mul3A_383 = vector.broadcast %squeeze3A_379 : f32 to vector<16xf32>
        %mul3A_384 = arith.mulf %get3A_382, %mul3A_383 : vector<16xf32>
        %swap3A_385 = arith.index_cast %add3A_365 : i32 to index
        %swap3A_386 = arith.constant 16 : index
        %swap3A_387 = tpu.vector_load %arg17[%swap3A_385, %swap3A_386] {strides = array<i32>} : memref<80x128xf32, #tpu.memory_space<vmem>>, vector<16xf32>,
        tpu.vector_store %arg17[%swap3A_385, %swap3A_386], %mul3A_384 {strides = array<i32>} : memref<80x128xf32, #tpu.memory_space<vmem>>, vector<16xf32>,
        %slice3A_388 = vector.extract_strided_slice %div3A {offsets = [2], sizes = [1], strides = [1]} : vector<16xf32> to vector<1xf32>
        %squeeze3A_389 = vector.extract %slice3A_388[0] : f32 from vector<1xf32>
        %get3A_390 = arith.index_cast %add3A_365 : i32 to index
        %get3A_391 = arith.constant 32 : index
        %get3A_392 = tpu.vector_load %arg17[%get3A_390, %get3A_391] {strides = array<i32>} : memref<80x128xf32, #tpu.memory_space<vmem>>, vector<16xf32>,
        %mul3A_393 = vector.broadcast %squeeze3A_389 : f32 to vector<16xf32>
        %mul3A_394 = arith.mulf %get3A_392, %mul3A_393 : vector<16xf32>
        %swap3A_395 = arith.index_cast %add3A_365 : i32 to index
        %swap3A_396 = arith.constant 32 : index
        %swap3A_397 = tpu.vector_load %arg17[%swap3A_395, %swap3A_396] {strides = array<i32>} : memref<80x128xf32, #tpu.memory_space<vmem>>, vector<16xf32>,
        tpu.vector_store %arg17[%swap3A_395, %swap3A_396], %mul3A_394 {strides = array<i32>} : memref<80x128xf32, #tpu.memory_space<vmem>>, vector<16xf32>,
        %slice3A_398 = vector.extract_strided_slice %div3A {offsets = [3], sizes = [1], strides = [1]} : vector<16xf32> to vector<1xf32>
        %squeeze3A_399 = vector.extract %slice3A_398[0] : f32 from vector<1xf32>
        %get3A_400 = arith.index_cast %add3A_365 : i32 to index
        %get3A_401 = arith.constant 48 : index
        %get3A_402 = tpu.vector_load %arg17[%get3A_400, %get3A_401] {strides = array<i32>} : memref<80x128xf32, #tpu.memory_space<vmem>>, vector<16xf32>,
        %mul3A_403 = vector.broadcast %squeeze3A_399 : f32 to vector<16xf32>
        %mul3A_404 = arith.mulf %get3A_402, %mul3A_403 : vector<16xf32>
        %swap3A_405 = arith.index_cast %add3A_365 : i32 to index
        %swap3A_406 = arith.constant 48 : index
        %swap3A_407 = tpu.vector_load %arg17[%swap3A_405, %swap3A_406] {strides = array<i32>} : memref<80x128xf32, #tpu.memory_space<vmem>>, vector<16xf32>,
        tpu.vector_store %arg17[%swap3A_405, %swap3A_406], %mul3A_404 {strides = array<i32>} : memref<80x128xf32, #tpu.memory_space<vmem>>, vector<16xf32>,
        %slice3A_408 = vector.extract_strided_slice %div3A {offsets = [4], sizes = [1], strides = [1]} : vector<16xf32> to vector<1xf32>
        %squeeze3A_409 = vector.extract %slice3A_408[0] : f32 from vector<1xf32>
        %get3A_410 = arith.index_cast %add3A_365 : i32 to index
        %get3A_411 = arith.constant 64 : index
        %get3A_412 = tpu.vector_load %arg17[%get3A_410, %get3A_411] {strides = array<i32>} : memref<80x128xf32, #tpu.memory_space<vmem>>, vector<16xf32>,
        %mul3A_413 = vector.broadcast %squeeze3A_409 : f32 to vector<16xf32>
        %mul3A_414 = arith.mulf %get3A_412, %mul3A_413 : vector<16xf32>
        %swap3A_415 = arith.index_cast %add3A_365 : i32 to index
        %swap3A_416 = arith.constant 64 : index
        %swap3A_417 = tpu.vector_load %arg17[%swap3A_415, %swap3A_416] {strides = array<i32>} : memref<80x128xf32, #tpu.memory_space<vmem>>, vector<16xf32>,
        tpu.vector_store %arg17[%swap3A_415, %swap3A_416], %mul3A_414 {strides = array<i32>} : memref<80x128xf32, #tpu.memory_space<vmem>>, vector<16xf32>,
        %slice3A_418 = vector.extract_strided_slice %div3A {offsets = [5], sizes = [1], strides = [1]} : vector<16xf32> to vector<1xf32>
        %squeeze3A_419 = vector.extract %slice3A_418[0] : f32 from vector<1xf32>
        %get3A_420 = arith.index_cast %add3A_365 : i32 to index
        %get3A_421 = arith.constant 80 : index
        %get3A_422 = tpu.vector_load %arg17[%get3A_420, %get3A_421] {strides = array<i32>} : memref<80x128xf32, #tpu.memory_space<vmem>>, vector<16xf32>,
        %mul3A_423 = vector.broadcast %squeeze3A_419 : f32 to vector<16xf32>
        %mul3A_424 = arith.mulf %get3A_422, %mul3A_423 : vector<16xf32>
        %swap3A_425 = arith.index_cast %add3A_365 : i32 to index
        %swap3A_426 = arith.constant 80 : index
        %swap3A_427 = tpu.vector_load %arg17[%swap3A_425, %swap3A_426] {strides = array<i32>} : memref<80x128xf32, #tpu.memory_space<vmem>>, vector<16xf32>,
        tpu.vector_store %arg17[%swap3A_425, %swap3A_426], %mul3A_424 {strides = array<i32>} : memref<80x128xf32, #tpu.memory_space<vmem>>, vector<16xf32>,
        %slice3A_428 = vector.extract_strided_slice %div3A {offsets = [6], sizes = [1], strides = [1]} : vector<16xf32> to vector<1xf32>
        %squeeze3A_429 = vector.extract %slice3A_428[0] : f32 from vector<1xf32>
        %get3A_430 = arith.index_cast %add3A_365 : i32 to index
        %get3A_431 = arith.constant 96 : index
        %get3A_432 = tpu.vector_load %arg17[%get3A_430, %get3A_431] {strides = array<i32>} : memref<80x128xf32, #tpu.memory_space<vmem>>, vector<16xf32>,
        %mul3A_433 = vector.broadcast %squeeze3A_429 : f32 to vector<16xf32>
        %mul3A_434 = arith.mulf %get3A_432, %mul3A_433 : vector<16xf32>
        %swap3A_435 = arith.index_cast %add3A_365 : i32 to index
        %swap3A_436 = arith.constant 96 : index
        %swap3A_437 = tpu.vector_load %arg17[%swap3A_435, %swap3A_436] {strides = array<i32>} : memref<80x128xf32, #tpu.memory_space<vmem>>, vector<16xf32>,
        tpu.vector_store %arg17[%swap3A_435, %swap3A_436], %mul3A_434 {strides = array<i32>} : memref<80x128xf32, #tpu.memory_space<vmem>>, vector<16xf32>,
        %slice3A_438 = vector.extract_strided_slice %div3A {offsets = [7], sizes = [1], strides = [1]} : vector<16xf32> to vector<1xf32>
        %squeeze3A_439 = vector.extract %slice3A_438[0] : f32 from vector<1xf32>
        %get3A_440 = arith.index_cast %add3A_365 : i32 to index
        %get3A_441 = arith.constant 112 : index
        %get3A_442 = tpu.vector_load %arg17[%get3A_440, %get3A_441] {strides = array<i32>} : memref<80x128xf32, #tpu.memory_space<vmem>>, vector<16xf32>,
        %mul3A_443 = vector.broadcast %squeeze3A_439 : f32 to vector<16xf32>
        %mul3A_444 = arith.mulf %get3A_442, %mul3A_443 : vector<16xf32>
        %swap3A_445 = arith.index_cast %add3A_365 : i32 to index
        %swap3A_446 = arith.constant 112 : index
        %swap3A_447 = tpu.vector_load %arg17[%swap3A_445, %swap3A_446] {strides = array<i32>} : memref<80x128xf32, #tpu.memory_space<vmem>>, vector<16xf32>,
        tpu.vector_store %arg17[%swap3A_445, %swap3A_446], %mul3A_444 {strides = array<i32>} : memref<80x128xf32, #tpu.memory_space<vmem>>, vector<16xf32>,
      }
      %scan3A_353 = arith.constant 80 : i32
      %dma_wait3A_354 = arith.constant 0 : i32
      %dma_wait3A_355 = tpu.memref_slice %arg4[%dma_wait3A_354] : memref<320000xi32, #tpu.memory_space<hbm>> -> memref<80xi32, #tpu.memory_space<hbm>>
      %dma_wait3A_356 = arith.constant 0 : i32
      %dma_wait3A_357 = tpu.memref_slice %arg4[%dma_wait3A_356] : memref<320000xi32, #tpu.memory_space<hbm>> -> memref<80xi32, #tpu.memory_space<hbm>>
      tpu.wait_dma2 semaphore(%arg38 : memref<!tpu.dma_semaphore, #tpu.memory_space<semaphore_mem>>) src(%dma_wait3A_357 : memref<80xi32, #tpu.memory_space<hbm>>) dst(%arg21 : memref<80xi32, #tpu.memory_space<vmem>>)
      %dma_start3A_358 = arith.constant 0 : i32
      %dma_start3A_359 = arith.constant 0 : i32
      %dma_start3A_360 = tpu.memref_slice %arg24[%dma_start3A_358, %dma_start3A_359] : memref<10240x128xf32, #tpu.memory_space<vmem_shared>> -> memref<10240x128xf32, #tpu.memory_space<vmem_shared>>
      tpu.enqueue_indirect_dma source(%arg17 : memref<80x128xf32, #tpu.memory_space<vmem>>) target(%dma_start3A_360 : memref<10240x128xf32, #tpu.memory_space<vmem_shared>>) offsets(%arg21 : memref<80xi32, #tpu.memory_space<vmem>>) semaphore(%arg32 : memref<!tpu.dma_semaphore, #tpu.memory_space<semaphore_mem>>) {add = true}
    }
    %scan3A_119 = arith.constant 62 : i32
    %mul3A_120 = arith.constant 10000 : i32
    %mul3A_121 = arith.muli %add3A, %mul3A_120 : i32
    %add3A_122 = arith.constant 9920 : i32
    %add3A_123 = arith.addi %mul3A_121, %add3A_122 : i32
    %dma_start3A_124 = tpu.memref_slice %arg4[%add3A_123] : memref<320000xi32, #tpu.memory_space<hbm>> -> memref<80xi32, #tpu.memory_space<hbm>>
    %dma_start3A_125 = tpu.memref_slice %arg4[%add3A_123] : memref<320000xi32, #tpu.memory_space<hbm>> -> memref<80xi32, #tpu.memory_space<hbm>>
    tpu.enqueue_dma source(%dma_start3A_125 : memref<80xi32, #tpu.memory_space<hbm>>) target(%arg20 : memref<80xi32, #tpu.memory_space<vmem>>) target_semaphore(%arg35 : memref<!tpu.dma_semaphore, #tpu.memory_space<semaphore_mem>>)
    %dma_wait3A_126 = arith.constant 0 : i32
    %dma_wait3A_127 = arith.constant 0 : i32
    %dma_wait3A_128 = tpu.memref_slice %arg24[%dma_wait3A_126, %dma_wait3A_127] : memref<10240x128xf32, #tpu.memory_space<vmem_shared>> -> memref<10240x128xf32, #tpu.memory_space<vmem_shared>>
    tpu.wait_indirect_dma semaphore(%arg32 : memref<!tpu.dma_semaphore, #tpu.memory_space<semaphore_mem>>) src(%arg17 : memref<80x128xf32, #tpu.memory_space<vmem>>) dst(%dma_wait3A_128 : memref<10240x128xf32, #tpu.memory_space<vmem_shared>>)
    %dma_wait3A_129 = arith.constant 0 : i32
    %dma_wait3A_130 = arith.constant 0 : i32
    %dma_wait3A_131 = tpu.memref_slice %arg2[%dma_wait3A_129, %dma_wait3A_130] : memref<10000x128xf32, #tpu.memory_space<hbm>> -> memref<10000x128xf32, #tpu.memory_space<hbm>>
    tpu.wait_indirect_dma semaphore(%arg25 : memref<!tpu.dma_semaphore, #tpu.memory_space<semaphore_mem>>) src(%dma_wait3A_131 : memref<10000x128xf32, #tpu.memory_space<hbm>>) dst(%arg12 : memref<80x128xf32, #tpu.memory_space<vmem>>)
    %dma_wait3A_132 = arith.constant 0 : i32
    %dma_wait3A_133 = arith.constant 0 : i32
    %dma_wait3A_134 = tpu.memref_slice %arg23[%dma_wait3A_132, %dma_wait3A_133] : memref<10240x16xf32, #tpu.memory_space<vmem_shared>> -> memref<10240x16xf32, #tpu.memory_space<vmem_shared>>
    tpu.wait_indirect_dma semaphore(%arg26 : memref<!tpu.dma_semaphore, #tpu.memory_space<semaphore_mem>>) src(%dma_wait3A_134 : memref<10240x16xf32, #tpu.memory_space<vmem_shared>>) dst(%arg14 : memref<80x16xf32, #tpu.memory_space<vmem>>)
    %dma_wait3A_135 = arith.constant 0 : i32
    %dma_wait3A_136 = arith.constant 0 : i32
    %dma_wait3A_137 = tpu.memref_slice %arg5[%dma_wait3A_135, %dma_wait3A_136] : memref<320000x16xf32, #tpu.memory_space<hbm>> -> memref<80x16xf32, #tpu.memory_space<hbm>>
    %dma_wait3A_138 = arith.constant 0 : i32
    %dma_wait3A_139 = arith.constant 0 : i32
    %dma_wait3A_140 = tpu.memref_slice %arg5[%dma_wait3A_138, %dma_wait3A_139] : memref<320000x16xf32, #tpu.memory_space<hbm>> -> memref<80x16xf32, #tpu.memory_space<hbm>>
    tpu.wait_dma2 semaphore(%arg27 : memref<!tpu.dma_semaphore, #tpu.memory_space<semaphore_mem>>) src(%dma_wait3A_140 : memref<80x16xf32, #tpu.memory_space<hbm>>) dst(%arg13 : memref<80x16xf32, #tpu.memory_space<vmem>>)
    %scan3A_141 = arith.constant 0 : i32
    %scan3A_142 = arith.constant 80 : i32
    %scan3A_143 = arith.addi %scan3A_141, %scan3A_142 : i32
    %scan3A_144 = arith.constant 1 : i32
    scf.for %scan3A_250 = %scan3A_141 to %scan3A_143 step %scan3A_144  : i32 {
      %mul3A_251 = arith.constant 1 : i32
      %mul3A_252 = arith.muli %scan3A_250, %mul3A_251 : i32
      %add3A_253 = arith.constant 0 : i32
      %add3A_254 = arith.addi %add3A_253, %mul3A_252 : i32
      %get3A = arith.index_cast %add3A_254 : i32 to index
      %get3A_255 = arith.constant 0 : index
      %get3A_256 = tpu.vector_load %arg13[%get3A, %get3A_255] {strides = array<i32>} : memref<80x16xf32, #tpu.memory_space<vmem>>, vector<16xf32>,
      %get3A_257 = arith.index_cast %add3A_254 : i32 to index
      %get3A_258 = arith.constant 0 : index
      %get3A_259 = tpu.vector_load %arg14[%get3A_257, %get3A_258] {strides = array<i32>} : memref<80x16xf32, #tpu.memory_space<vmem>>, vector<16xf32>,
      %div3A = arith.divf %get3A_256, %get3A_259 : vector<16xf32>
      %slice3A = vector.extract_strided_slice %div3A {offsets = [0], sizes = [1], strides = [1]} : vector<16xf32> to vector<1xf32>
      %squeeze3A = vector.extract %slice3A[0] : f32 from vector<1xf32>
      %get3A_260 = arith.index_cast %add3A_254 : i32 to index
      %get3A_261 = arith.constant 0 : index
      %get3A_262 = tpu.vector_load %arg12[%get3A_260, %get3A_261] {strides = array<i32>} : memref<80x128xf32, #tpu.memory_space<vmem>>, vector<16xf32>,
      %mul3A_263 = vector.broadcast %squeeze3A : f32 to vector<16xf32>
      %mul3A_264 = arith.mulf %get3A_262, %mul3A_263 : vector<16xf32>
      %swap3A = arith.index_cast %add3A_254 : i32 to index
      %swap3A_265 = arith.constant 0 : index
      %swap3A_266 = tpu.vector_load %arg12[%swap3A, %swap3A_265] {strides = array<i32>} : memref<80x128xf32, #tpu.memory_space<vmem>>, vector<16xf32>,
      tpu.vector_store %arg12[%swap3A, %swap3A_265], %mul3A_264 {strides = array<i32>} : memref<80x128xf32, #tpu.memory_space<vmem>>, vector<16xf32>,
      %slice3A_267 = vector.extract_strided_slice %div3A {offsets = [1], sizes = [1], strides = [1]} : vector<16xf32> to vector<1xf32>
      %squeeze3A_268 = vector.extract %slice3A_267[0] : f32 from vector<1xf32>
      %get3A_269 = arith.index_cast %add3A_254 : i32 to index
      %get3A_270 = arith.constant 16 : index
      %get3A_271 = tpu.vector_load %arg12[%get3A_269, %get3A_270] {strides = array<i32>} : memref<80x128xf32, #tpu.memory_space<vmem>>, vector<16xf32>,
      %mul3A_272 = vector.broadcast %squeeze3A_268 : f32 to vector<16xf32>
      %mul3A_273 = arith.mulf %get3A_271, %mul3A_272 : vector<16xf32>
      %swap3A_274 = arith.index_cast %add3A_254 : i32 to index
      %swap3A_275 = arith.constant 16 : index
      %swap3A_276 = tpu.vector_load %arg12[%swap3A_274, %swap3A_275] {strides = array<i32>} : memref<80x128xf32, #tpu.memory_space<vmem>>, vector<16xf32>,
      tpu.vector_store %arg12[%swap3A_274, %swap3A_275], %mul3A_273 {strides = array<i32>} : memref<80x128xf32, #tpu.memory_space<vmem>>, vector<16xf32>,
      %slice3A_277 = vector.extract_strided_slice %div3A {offsets = [2], sizes = [1], strides = [1]} : vector<16xf32> to vector<1xf32>
      %squeeze3A_278 = vector.extract %slice3A_277[0] : f32 from vector<1xf32>
      %get3A_279 = arith.index_cast %add3A_254 : i32 to index
      %get3A_280 = arith.constant 32 : index
      %get3A_281 = tpu.vector_load %arg12[%get3A_279, %get3A_280] {strides = array<i32>} : memref<80x128xf32, #tpu.memory_space<vmem>>, vector<16xf32>,
      %mul3A_282 = vector.broadcast %squeeze3A_278 : f32 to vector<16xf32>
      %mul3A_283 = arith.mulf %get3A_281, %mul3A_282 : vector<16xf32>
      %swap3A_284 = arith.index_cast %add3A_254 : i32 to index
      %swap3A_285 = arith.constant 32 : index
      %swap3A_286 = tpu.vector_load %arg12[%swap3A_284, %swap3A_285] {strides = array<i32>} : memref<80x128xf32, #tpu.memory_space<vmem>>, vector<16xf32>,
      tpu.vector_store %arg12[%swap3A_284, %swap3A_285], %mul3A_283 {strides = array<i32>} : memref<80x128xf32, #tpu.memory_space<vmem>>, vector<16xf32>,
      %slice3A_287 = vector.extract_strided_slice %div3A {offsets = [3], sizes = [1], strides = [1]} : vector<16xf32> to vector<1xf32>
      %squeeze3A_288 = vector.extract %slice3A_287[0] : f32 from vector<1xf32>
      %get3A_289 = arith.index_cast %add3A_254 : i32 to index
      %get3A_290 = arith.constant 48 : index
      %get3A_291 = tpu.vector_load %arg12[%get3A_289, %get3A_290] {strides = array<i32>} : memref<80x128xf32, #tpu.memory_space<vmem>>, vector<16xf32>,
      %mul3A_292 = vector.broadcast %squeeze3A_288 : f32 to vector<16xf32>
      %mul3A_293 = arith.mulf %get3A_291, %mul3A_292 : vector<16xf32>
      %swap3A_294 = arith.index_cast %add3A_254 : i32 to index
      %swap3A_295 = arith.constant 48 : index
      %swap3A_296 = tpu.vector_load %arg12[%swap3A_294, %swap3A_295] {strides = array<i32>} : memref<80x128xf32, #tpu.memory_space<vmem>>, vector<16xf32>,
      tpu.vector_store %arg12[%swap3A_294, %swap3A_295], %mul3A_293 {strides = array<i32>} : memref<80x128xf32, #tpu.memory_space<vmem>>, vector<16xf32>,
      %slice3A_297 = vector.extract_strided_slice %div3A {offsets = [4], sizes = [1], strides = [1]} : vector<16xf32> to vector<1xf32>
      %squeeze3A_298 = vector.extract %slice3A_297[0] : f32 from vector<1xf32>
      %get3A_299 = arith.index_cast %add3A_254 : i32 to index
      %get3A_300 = arith.constant 64 : index
      %get3A_301 = tpu.vector_load %arg12[%get3A_299, %get3A_300] {strides = array<i32>} : memref<80x128xf32, #tpu.memory_space<vmem>>, vector<16xf32>,
      %mul3A_302 = vector.broadcast %squeeze3A_298 : f32 to vector<16xf32>
      %mul3A_303 = arith.mulf %get3A_301, %mul3A_302 : vector<16xf32>
      %swap3A_304 = arith.index_cast %add3A_254 : i32 to index
      %swap3A_305 = arith.constant 64 : index
      %swap3A_306 = tpu.vector_load %arg12[%swap3A_304, %swap3A_305] {strides = array<i32>} : memref<80x128xf32, #tpu.memory_space<vmem>>, vector<16xf32>,
      tpu.vector_store %arg12[%swap3A_304, %swap3A_305], %mul3A_303 {strides = array<i32>} : memref<80x128xf32, #tpu.memory_space<vmem>>, vector<16xf32>,
      %slice3A_307 = vector.extract_strided_slice %div3A {offsets = [5], sizes = [1], strides = [1]} : vector<16xf32> to vector<1xf32>
      %squeeze3A_308 = vector.extract %slice3A_307[0] : f32 from vector<1xf32>
      %get3A_309 = arith.index_cast %add3A_254 : i32 to index
      %get3A_310 = arith.constant 80 : index
      %get3A_311 = tpu.vector_load %arg12[%get3A_309, %get3A_310] {strides = array<i32>} : memref<80x128xf32, #tpu.memory_space<vmem>>, vector<16xf32>,
      %mul3A_312 = vector.broadcast %squeeze3A_308 : f32 to vector<16xf32>
      %mul3A_313 = arith.mulf %get3A_311, %mul3A_312 : vector<16xf32>
      %swap3A_314 = arith.index_cast %add3A_254 : i32 to index
      %swap3A_315 = arith.constant 80 : index
      %swap3A_316 = tpu.vector_load %arg12[%swap3A_314, %swap3A_315] {strides = array<i32>} : memref<80x128xf32, #tpu.memory_space<vmem>>, vector<16xf32>,
      tpu.vector_store %arg12[%swap3A_314, %swap3A_315], %mul3A_313 {strides = array<i32>} : memref<80x128xf32, #tpu.memory_space<vmem>>, vector<16xf32>,
      %slice3A_317 = vector.extract_strided_slice %div3A {offsets = [6], sizes = [1], strides = [1]} : vector<16xf32> to vector<1xf32>
      %squeeze3A_318 = vector.extract %slice3A_317[0] : f32 from vector<1xf32>
      %get3A_319 = arith.index_cast %add3A_254 : i32 to index
      %get3A_320 = arith.constant 96 : index
      %get3A_321 = tpu.vector_load %arg12[%get3A_319, %get3A_320] {strides = array<i32>} : memref<80x128xf32, #tpu.memory_space<vmem>>, vector<16xf32>,
      %mul3A_322 = vector.broadcast %squeeze3A_318 : f32 to vector<16xf32>
      %mul3A_323 = arith.mulf %get3A_321, %mul3A_322 : vector<16xf32>
      %swap3A_324 = arith.index_cast %add3A_254 : i32 to index
      %swap3A_325 = arith.constant 96 : index
      %swap3A_326 = tpu.vector_load %arg12[%swap3A_324, %swap3A_325] {strides = array<i32>} : memref<80x128xf32, #tpu.memory_space<vmem>>, vector<16xf32>,
      tpu.vector_store %arg12[%swap3A_324, %swap3A_325], %mul3A_323 {strides = array<i32>} : memref<80x128xf32, #tpu.memory_space<vmem>>, vector<16xf32>,
      %slice3A_327 = vector.extract_strided_slice %div3A {offsets = [7], sizes = [1], strides = [1]} : vector<16xf32> to vector<1xf32>
      %squeeze3A_328 = vector.extract %slice3A_327[0] : f32 from vector<1xf32>
      %get3A_329 = arith.index_cast %add3A_254 : i32 to index
      %get3A_330 = arith.constant 112 : index
      %get3A_331 = tpu.vector_load %arg12[%get3A_329, %get3A_330] {strides = array<i32>} : memref<80x128xf32, #tpu.memory_space<vmem>>, vector<16xf32>,
      %mul3A_332 = vector.broadcast %squeeze3A_328 : f32 to vector<16xf32>
      %mul3A_333 = arith.mulf %get3A_331, %mul3A_332 : vector<16xf32>
      %swap3A_334 = arith.index_cast %add3A_254 : i32 to index
      %swap3A_335 = arith.constant 112 : index
      %swap3A_336 = tpu.vector_load %arg12[%swap3A_334, %swap3A_335] {strides = array<i32>} : memref<80x128xf32, #tpu.memory_space<vmem>>, vector<16xf32>,
      tpu.vector_store %arg12[%swap3A_334, %swap3A_335], %mul3A_333 {strides = array<i32>} : memref<80x128xf32, #tpu.memory_space<vmem>>, vector<16xf32>,
    }
    %scan3A_145 = arith.constant 80 : i32
    %dma_wait3A_146 = arith.constant 0 : i32
    %dma_wait3A_147 = tpu.memref_slice %arg4[%dma_wait3A_146] : memref<320000xi32, #tpu.memory_space<hbm>> -> memref<80xi32, #tpu.memory_space<hbm>>
    %dma_wait3A_148 = arith.constant 0 : i32
    %dma_wait3A_149 = tpu.memref_slice %arg4[%dma_wait3A_148] : memref<320000xi32, #tpu.memory_space<hbm>> -> memref<80xi32, #tpu.memory_space<hbm>>
    tpu.wait_dma2 semaphore(%arg35 : memref<!tpu.dma_semaphore, #tpu.memory_space<semaphore_mem>>) src(%dma_wait3A_149 : memref<80xi32, #tpu.memory_space<hbm>>) dst(%arg20 : memref<80xi32, #tpu.memory_space<vmem>>)
    %dma_start3A_150 = arith.constant 0 : i32
    %dma_start3A_151 = arith.constant 0 : i32
    %dma_start3A_152 = tpu.memref_slice %arg24[%dma_start3A_150, %dma_start3A_151] : memref<10240x128xf32, #tpu.memory_space<vmem_shared>> -> memref<10240x128xf32, #tpu.memory_space<vmem_shared>>
    tpu.enqueue_indirect_dma source(%arg12 : memref<80x128xf32, #tpu.memory_space<vmem>>) target(%dma_start3A_152 : memref<10240x128xf32, #tpu.memory_space<vmem_shared>>) offsets(%arg20 : memref<80xi32, #tpu.memory_space<vmem>>) semaphore(%arg28 : memref<!tpu.dma_semaphore, #tpu.memory_space<semaphore_mem>>) {add = true}
    %dma_wait3A_153 = arith.constant 0 : i32
    %dma_wait3A_154 = arith.constant 0 : i32
    %dma_wait3A_155 = tpu.memref_slice %arg24[%dma_wait3A_153, %dma_wait3A_154] : memref<10240x128xf32, #tpu.memory_space<vmem_shared>> -> memref<10240x128xf32, #tpu.memory_space<vmem_shared>>
    tpu.wait_indirect_dma semaphore(%arg28 : memref<!tpu.dma_semaphore, #tpu.memory_space<semaphore_mem>>) src(%arg12 : memref<80x128xf32, #tpu.memory_space<vmem>>) dst(%dma_wait3A_155 : memref<10240x128xf32, #tpu.memory_space<vmem_shared>>)
    %barrier3A_156 = arith.constant 0 : index
    tpu.barrier barrier_id(%barrier3A_156)
    %add3A_157 = arith.constant 0 : i32
    %add3A_158 = arith.addi %mul3A_2, %add3A_157 : i32
    "tpu.region"() ({
      %run_scoped3A = tpu.sem_alloc : memref<!tpu.dma_semaphore, #tpu.memory_space<semaphore_mem>>
      %dma_start3A_250 = arith.constant 0 : i32
      %dma_start3A_251 = tpu.memref_slice %arg24[%add3A_158, %dma_start3A_250] : memref<10240x128xf32, #tpu.memory_space<vmem_shared>> -> memref<80x128xf32, #tpu.memory_space<vmem_shared>>
      %dma_start3A_252 = arith.constant 0 : i32
      %dma_start3A_253 = tpu.memref_slice %arg24[%add3A_158, %dma_start3A_252] : memref<10240x128xf32, #tpu.memory_space<vmem_shared>> -> memref<80x128xf32, #tpu.memory_space<vmem_shared>>
      tpu.enqueue_dma source(%dma_start3A_253 : memref<80x128xf32, #tpu.memory_space<vmem_shared>>) target(%arg12 : memref<80x128xf32, #tpu.memory_space<vmem>>) target_semaphore(%run_scoped3A : memref<!tpu.dma_semaphore, #tpu.memory_space<semaphore_mem>>)
      %dma_wait3A_254 = arith.constant 0 : i32
      %dma_wait3A_255 = tpu.memref_slice %arg24[%add3A_158, %dma_wait3A_254] : memref<10240x128xf32, #tpu.memory_space<vmem_shared>> -> memref<80x128xf32, #tpu.memory_space<vmem_shared>>
      %dma_wait3A_256 = arith.constant 0 : i32
      %dma_wait3A_257 = tpu.memref_slice %arg24[%add3A_158, %dma_wait3A_256] : memref<10240x128xf32, #tpu.memory_space<vmem_shared>> -> memref<80x128xf32, #tpu.memory_space<vmem_shared>>
      tpu.wait_dma2 semaphore(%run_scoped3A : memref<!tpu.dma_semaphore, #tpu.memory_space<semaphore_mem>>) src(%dma_wait3A_257 : memref<80x128xf32, #tpu.memory_space<vmem_shared>>) dst(%arg12 : memref<80x128xf32, #tpu.memory_space<vmem>>)
      tpu.yield
    }) : () -> ()
    %eq3A = arith.constant 0 : i32
    %eq3A_159 = arith.cmpi eq, %arg0, %eq3A : i32
    %convert_element_type3A = arith.extui %eq3A_159 : i1 to i32
    %cond3A = arith.constant 0 : i32
    %cond3A_160 = arith.cmpi ne, %convert_element_type3A, %cond3A : i32
    scf.if %cond3A_160 {
      %add3A_250 = arith.constant 0 : i32
      %add3A_251 = arith.addi %mul3A_2, %add3A_250 : i32
      "tpu.region"() ({
        %run_scoped3A = tpu.sem_alloc : memref<!tpu.dma_semaphore, #tpu.memory_space<semaphore_mem>>
        %dma_start3A_252 = arith.constant 0 : i32
        %dma_start3A_253 = tpu.memref_slice %arg8[%add3A_251, %dma_start3A_252] : memref<10240x128xf32, #tpu.memory_space<hbm>> -> memref<80x128xf32, #tpu.memory_space<hbm>>
        %dma_start3A_254 = arith.constant 0 : i32
        %dma_start3A_255 = tpu.memref_slice %arg8[%add3A_251, %dma_start3A_254] : memref<10240x128xf32, #tpu.memory_space<hbm>> -> memref<80x128xf32, #tpu.memory_space<hbm>>
        tpu.enqueue_dma source(%arg12 : memref<80x128xf32, #tpu.memory_space<vmem>>) target(%dma_start3A_255 : memref<80x128xf32, #tpu.memory_space<hbm>>) target_semaphore(%run_scoped3A : memref<!tpu.dma_semaphore, #tpu.memory_space<semaphore_mem>>)
        %dma_wait3A_256 = arith.constant 0 : i32
        %dma_wait3A_257 = tpu.memref_slice %arg8[%add3A_251, %dma_wait3A_256] : memref<10240x128xf32, #tpu.memory_space<hbm>> -> memref<80x128xf32, #tpu.memory_space<hbm>>
        %dma_wait3A_258 = arith.constant 0 : i32
        %dma_wait3A_259 = tpu.memref_slice %arg8[%add3A_251, %dma_wait3A_258] : memref<10240x128xf32, #tpu.memory_space<hbm>> -> memref<80x128xf32, #tpu.memory_space<hbm>>
        tpu.wait_dma2 semaphore(%run_scoped3A : memref<!tpu.dma_semaphore, #tpu.memory_space<semaphore_mem>>) src(%arg12 : memref<80x128xf32, #tpu.memory_space<vmem>>) dst(%dma_wait3A_259 : memref<80x128xf32, #tpu.memory_space<hbm>>)
        tpu.yield
      }) : () -> ()
    } else {
    }
    %eq3A_161 = arith.constant 1 : i32
    %eq3A_162 = arith.cmpi eq, %arg0, %eq3A_161 : i32
    %convert_element_type3A_163 = arith.extui %eq3A_162 : i1 to i32
    %cond3A_164 = arith.constant 0 : i32
    %cond3A_165 = arith.cmpi ne, %convert_element_type3A_163, %cond3A_164 : i32
    scf.if %cond3A_165 {
      %add3A_250 = arith.constant 0 : i32
      %add3A_251 = arith.addi %mul3A_2, %add3A_250 : i32
      "tpu.region"() ({
        %run_scoped3A = tpu.sem_alloc : memref<!tpu.dma_semaphore, #tpu.memory_space<semaphore_mem>>
        %dma_start3A_252 = arith.constant 0 : i32
        %dma_start3A_253 = tpu.memref_slice %arg9[%add3A_251, %dma_start3A_252] : memref<10240x128xf32, #tpu.memory_space<hbm>> -> memref<80x128xf32, #tpu.memory_space<hbm>>
        %dma_start3A_254 = arith.constant 0 : i32
        %dma_start3A_255 = tpu.memref_slice %arg9[%add3A_251, %dma_start3A_254] : memref<10240x128xf32, #tpu.memory_space<hbm>> -> memref<80x128xf32, #tpu.memory_space<hbm>>
        tpu.enqueue_dma source(%arg12 : memref<80x128xf32, #tpu.memory_space<vmem>>) target(%dma_start3A_255 : memref<80x128xf32, #tpu.memory_space<hbm>>) target_semaphore(%run_scoped3A : memref<!tpu.dma_semaphore, #tpu.memory_space<semaphore_mem>>)
        %dma_wait3A_256 = arith.constant 0 : i32
        %dma_wait3A_257 = tpu.memref_slice %arg9[%add3A_251, %dma_wait3A_256] : memref<10240x128xf32, #tpu.memory_space<hbm>> -> memref<80x128xf32, #tpu.memory_space<hbm>>
        %dma_wait3A_258 = arith.constant 0 : i32
        %dma_wait3A_259 = tpu.memref_slice %arg9[%add3A_251, %dma_wait3A_258] : memref<10240x128xf32, #tpu.memory_space<hbm>> -> memref<80x128xf32, #tpu.memory_space<hbm>>
        tpu.wait_dma2 semaphore(%run_scoped3A : memref<!tpu.dma_semaphore, #tpu.memory_space<semaphore_mem>>) src(%arg12 : memref<80x128xf32, #tpu.memory_space<vmem>>) dst(%dma_wait3A_259 : memref<80x128xf32, #tpu.memory_space<hbm>>)
        tpu.yield
      }) : () -> ()
    } else {
    }
    %add3A_166 = arith.constant 80 : i32
    %add3A_167 = arith.addi %mul3A_2, %add3A_166 : i32
    "tpu.region"() ({
      %run_scoped3A = tpu.sem_alloc : memref<!tpu.dma_semaphore, #tpu.memory_space<semaphore_mem>>
      %dma_start3A_250 = arith.constant 0 : i32
      %dma_start3A_251 = tpu.memref_slice %arg24[%add3A_167, %dma_start3A_250] : memref<10240x128xf32, #tpu.memory_space<vmem_shared>> -> memref<80x128xf32, #tpu.memory_space<vmem_shared>>
      %dma_start3A_252 = arith.constant 0 : i32
      %dma_start3A_253 = tpu.memref_slice %arg24[%add3A_167, %dma_start3A_252] : memref<10240x128xf32, #tpu.memory_space<vmem_shared>> -> memref<80x128xf32, #tpu.memory_space<vmem_shared>>
      tpu.enqueue_dma source(%dma_start3A_253 : memref<80x128xf32, #tpu.memory_space<vmem_shared>>) target(%arg12 : memref<80x128xf32, #tpu.memory_space<vmem>>) target_semaphore(%run_scoped3A : memref<!tpu.dma_semaphore, #tpu.memory_space<semaphore_mem>>)
      %dma_wait3A_254 = arith.constant 0 : i32
      %dma_wait3A_255 = tpu.memref_slice %arg24[%add3A_167, %dma_wait3A_254] : memref<10240x128xf32, #tpu.memory_space<vmem_shared>> -> memref<80x128xf32, #tpu.memory_space<vmem_shared>>
      %dma_wait3A_256 = arith.constant 0 : i32
      %dma_wait3A_257 = tpu.memref_slice %arg24[%add3A_167, %dma_wait3A_256] : memref<10240x128xf32, #tpu.memory_space<vmem_shared>> -> memref<80x128xf32, #tpu.memory_space<vmem_shared>>
      tpu.wait_dma2 semaphore(%run_scoped3A : memref<!tpu.dma_semaphore, #tpu.memory_space<semaphore_mem>>) src(%dma_wait3A_257 : memref<80x128xf32, #tpu.memory_space<vmem_shared>>) dst(%arg12 : memref<80x128xf32, #tpu.memory_space<vmem>>)
      tpu.yield
    }) : () -> ()
    %eq3A_168 = arith.constant 0 : i32
    %eq3A_169 = arith.cmpi eq, %arg0, %eq3A_168 : i32
    %convert_element_type3A_170 = arith.extui %eq3A_169 : i1 to i32
    %cond3A_171 = arith.constant 0 : i32
    %cond3A_172 = arith.cmpi ne, %convert_element_type3A_170, %cond3A_171 : i32
    scf.if %cond3A_172 {
      %add3A_250 = arith.constant 80 : i32
      %add3A_251 = arith.addi %mul3A_2, %add3A_250 : i32
      "tpu.region"() ({
        %run_scoped3A = tpu.sem_alloc : memref<!tpu.dma_semaphore, #tpu.memory_space<semaphore_mem>>
        %dma_start3A_252 = arith.constant 0 : i32
        %dma_start3A_253 = tpu.memref_slice %arg8[%add3A_251, %dma_start3A_252] : memref<10240x128xf32, #tpu.memory_space<hbm>> -> memref<80x128xf32, #tpu.memory_space<hbm>>
        %dma_start3A_254 = arith.constant 0 : i32
        %dma_start3A_255 = tpu.memref_slice %arg8[%add3A_251, %dma_start3A_254] : memref<10240x128xf32, #tpu.memory_space<hbm>> -> memref<80x128xf32, #tpu.memory_space<hbm>>
        tpu.enqueue_dma source(%arg12 : memref<80x128xf32, #tpu.memory_space<vmem>>) target(%dma_start3A_255 : memref<80x128xf32, #tpu.memory_space<hbm>>) target_semaphore(%run_scoped3A : memref<!tpu.dma_semaphore, #tpu.memory_space<semaphore_mem>>)
        %dma_wait3A_256 = arith.constant 0 : i32
        %dma_wait3A_257 = tpu.memref_slice %arg8[%add3A_251, %dma_wait3A_256] : memref<10240x128xf32, #tpu.memory_space<hbm>> -> memref<80x128xf32, #tpu.memory_space<hbm>>
        %dma_wait3A_258 = arith.constant 0 : i32
        %dma_wait3A_259 = tpu.memref_slice %arg8[%add3A_251, %dma_wait3A_258] : memref<10240x128xf32, #tpu.memory_space<hbm>> -> memref<80x128xf32, #tpu.memory_space<hbm>>
        tpu.wait_dma2 semaphore(%run_scoped3A : memref<!tpu.dma_semaphore, #tpu.memory_space<semaphore_mem>>) src(%arg12 : memref<80x128xf32, #tpu.memory_space<vmem>>) dst(%dma_wait3A_259 : memref<80x128xf32, #tpu.memory_space<hbm>>)
        tpu.yield
      }) : () -> ()
    } else {
    }
    %eq3A_173 = arith.constant 1 : i32
    %eq3A_174 = arith.cmpi eq, %arg0, %eq3A_173 : i32
    %convert_element_type3A_175 = arith.extui %eq3A_174 : i1 to i32
    %cond3A_176 = arith.constant 0 : i32
    %cond3A_177 = arith.cmpi ne, %convert_element_type3A_175, %cond3A_176 : i32
    scf.if %cond3A_177 {
      %add3A_250 = arith.constant 80 : i32
      %add3A_251 = arith.addi %mul3A_2, %add3A_250 : i32
      "tpu.region"() ({
        %run_scoped3A = tpu.sem_alloc : memref<!tpu.dma_semaphore, #tpu.memory_space<semaphore_mem>>
        %dma_start3A_252 = arith.constant 0 : i32
        %dma_start3A_253 = tpu.memref_slice %arg9[%add3A_251, %dma_start3A_252] : memref<10240x128xf32, #tpu.memory_space<hbm>> -> memref<80x128xf32, #tpu.memory_space<hbm>>
        %dma_start3A_254 = arith.constant 0 : i32
        %dma_start3A_255 = tpu.memref_slice %arg9[%add3A_251, %dma_start3A_254] : memref<10240x128xf32, #tpu.memory_space<hbm>> -> memref<80x128xf32, #tpu.memory_space<hbm>>
        tpu.enqueue_dma source(%arg12 : memref<80x128xf32, #tpu.memory_space<vmem>>) target(%dma_start3A_255 : memref<80x128xf32, #tpu.memory_space<hbm>>) target_semaphore(%run_scoped3A : memref<!tpu.dma_semaphore, #tpu.memory_space<semaphore_mem>>)
        %dma_wait3A_256 = arith.constant 0 : i32
        %dma_wait3A_257 = tpu.memref_slice %arg9[%add3A_251, %dma_wait3A_256] : memref<10240x128xf32, #tpu.memory_space<hbm>> -> memref<80x128xf32, #tpu.memory_space<hbm>>
        %dma_wait3A_258 = arith.constant 0 : i32
        %dma_wait3A_259 = tpu.memref_slice %arg9[%add3A_251, %dma_wait3A_258] : memref<10240x128xf32, #tpu.memory_space<hbm>> -> memref<80x128xf32, #tpu.memory_space<hbm>>
        tpu.wait_dma2 semaphore(%run_scoped3A : memref<!tpu.dma_semaphore, #tpu.memory_space<semaphore_mem>>) src(%arg12 : memref<80x128xf32, #tpu.memory_space<vmem>>) dst(%dma_wait3A_259 : memref<80x128xf32, #tpu.memory_space<hbm>>)
        tpu.yield
      }) : () -> ()
    } else {
    }
    %add3A_178 = arith.constant 160 : i32
    %add3A_179 = arith.addi %mul3A_2, %add3A_178 : i32
    "tpu.region"() ({
      %run_scoped3A = tpu.sem_alloc : memref<!tpu.dma_semaphore, #tpu.memory_space<semaphore_mem>>
      %dma_start3A_250 = arith.constant 0 : i32
      %dma_start3A_251 = tpu.memref_slice %arg24[%add3A_179, %dma_start3A_250] : memref<10240x128xf32, #tpu.memory_space<vmem_shared>> -> memref<80x128xf32, #tpu.memory_space<vmem_shared>>
      %dma_start3A_252 = arith.constant 0 : i32
      %dma_start3A_253 = tpu.memref_slice %arg24[%add3A_179, %dma_start3A_252] : memref<10240x128xf32, #tpu.memory_space<vmem_shared>> -> memref<80x128xf32, #tpu.memory_space<vmem_shared>>
      tpu.enqueue_dma source(%dma_start3A_253 : memref<80x128xf32, #tpu.memory_space<vmem_shared>>) target(%arg12 : memref<80x128xf32, #tpu.memory_space<vmem>>) target_semaphore(%run_scoped3A : memref<!tpu.dma_semaphore, #tpu.memory_space<semaphore_mem>>)
      %dma_wait3A_254 = arith.constant 0 : i32
      %dma_wait3A_255 = tpu.memref_slice %arg24[%add3A_179, %dma_wait3A_254] : memref<10240x128xf32, #tpu.memory_space<vmem_shared>> -> memref<80x128xf32, #tpu.memory_space<vmem_shared>>
      %dma_wait3A_256 = arith.constant 0 : i32
      %dma_wait3A_257 = tpu.memref_slice %arg24[%add3A_179, %dma_wait3A_256] : memref<10240x128xf32, #tpu.memory_space<vmem_shared>> -> memref<80x128xf32, #tpu.memory_space<vmem_shared>>
      tpu.wait_dma2 semaphore(%run_scoped3A : memref<!tpu.dma_semaphore, #tpu.memory_space<semaphore_mem>>) src(%dma_wait3A_257 : memref<80x128xf32, #tpu.memory_space<vmem_shared>>) dst(%arg12 : memref<80x128xf32, #tpu.memory_space<vmem>>)
      tpu.yield
    }) : () -> ()
    %eq3A_180 = arith.constant 0 : i32
    %eq3A_181 = arith.cmpi eq, %arg0, %eq3A_180 : i32
    %convert_element_type3A_182 = arith.extui %eq3A_181 : i1 to i32
    %cond3A_183 = arith.constant 0 : i32
    %cond3A_184 = arith.cmpi ne, %convert_element_type3A_182, %cond3A_183 : i32
    scf.if %cond3A_184 {
      %add3A_250 = arith.constant 160 : i32
      %add3A_251 = arith.addi %mul3A_2, %add3A_250 : i32
      "tpu.region"() ({
        %run_scoped3A = tpu.sem_alloc : memref<!tpu.dma_semaphore, #tpu.memory_space<semaphore_mem>>
        %dma_start3A_252 = arith.constant 0 : i32
        %dma_start3A_253 = tpu.memref_slice %arg8[%add3A_251, %dma_start3A_252] : memref<10240x128xf32, #tpu.memory_space<hbm>> -> memref<80x128xf32, #tpu.memory_space<hbm>>
        %dma_start3A_254 = arith.constant 0 : i32
        %dma_start3A_255 = tpu.memref_slice %arg8[%add3A_251, %dma_start3A_254] : memref<10240x128xf32, #tpu.memory_space<hbm>> -> memref<80x128xf32, #tpu.memory_space<hbm>>
        tpu.enqueue_dma source(%arg12 : memref<80x128xf32, #tpu.memory_space<vmem>>) target(%dma_start3A_255 : memref<80x128xf32, #tpu.memory_space<hbm>>) target_semaphore(%run_scoped3A : memref<!tpu.dma_semaphore, #tpu.memory_space<semaphore_mem>>)
        %dma_wait3A_256 = arith.constant 0 : i32
        %dma_wait3A_257 = tpu.memref_slice %arg8[%add3A_251, %dma_wait3A_256] : memref<10240x128xf32, #tpu.memory_space<hbm>> -> memref<80x128xf32, #tpu.memory_space<hbm>>
        %dma_wait3A_258 = arith.constant 0 : i32
        %dma_wait3A_259 = tpu.memref_slice %arg8[%add3A_251, %dma_wait3A_258] : memref<10240x128xf32, #tpu.memory_space<hbm>> -> memref<80x128xf32, #tpu.memory_space<hbm>>
        tpu.wait_dma2 semaphore(%run_scoped3A : memref<!tpu.dma_semaphore, #tpu.memory_space<semaphore_mem>>) src(%arg12 : memref<80x128xf32, #tpu.memory_space<vmem>>) dst(%dma_wait3A_259 : memref<80x128xf32, #tpu.memory_space<hbm>>)
        tpu.yield
      }) : () -> ()
    } else {
    }
    %eq3A_185 = arith.constant 1 : i32
    %eq3A_186 = arith.cmpi eq, %arg0, %eq3A_185 : i32
    %convert_element_type3A_187 = arith.extui %eq3A_186 : i1 to i32
    %cond3A_188 = arith.constant 0 : i32
    %cond3A_189 = arith.cmpi ne, %convert_element_type3A_187, %cond3A_188 : i32
    scf.if %cond3A_189 {
      %add3A_250 = arith.constant 160 : i32
      %add3A_251 = arith.addi %mul3A_2, %add3A_250 : i32
      "tpu.region"() ({
        %run_scoped3A = tpu.sem_alloc : memref<!tpu.dma_semaphore, #tpu.memory_space<semaphore_mem>>
        %dma_start3A_252 = arith.constant 0 : i32
        %dma_start3A_253 = tpu.memref_slice %arg9[%add3A_251, %dma_start3A_252] : memref<10240x128xf32, #tpu.memory_space<hbm>> -> memref<80x128xf32, #tpu.memory_space<hbm>>
        %dma_start3A_254 = arith.constant 0 : i32
        %dma_start3A_255 = tpu.memref_slice %arg9[%add3A_251, %dma_start3A_254] : memref<10240x128xf32, #tpu.memory_space<hbm>> -> memref<80x128xf32, #tpu.memory_space<hbm>>
        tpu.enqueue_dma source(%arg12 : memref<80x128xf32, #tpu.memory_space<vmem>>) target(%dma_start3A_255 : memref<80x128xf32, #tpu.memory_space<hbm>>) target_semaphore(%run_scoped3A : memref<!tpu.dma_semaphore, #tpu.memory_space<semaphore_mem>>)
        %dma_wait3A_256 = arith.constant 0 : i32
        %dma_wait3A_257 = tpu.memref_slice %arg9[%add3A_251, %dma_wait3A_256] : memref<10240x128xf32, #tpu.memory_space<hbm>> -> memref<80x128xf32, #tpu.memory_space<hbm>>
        %dma_wait3A_258 = arith.constant 0 : i32
        %dma_wait3A_259 = tpu.memref_slice %arg9[%add3A_251, %dma_wait3A_258] : memref<10240x128xf32, #tpu.memory_space<hbm>> -> memref<80x128xf32, #tpu.memory_space<hbm>>
        tpu.wait_dma2 semaphore(%run_scoped3A : memref<!tpu.dma_semaphore, #tpu.memory_space<semaphore_mem>>) src(%arg12 : memref<80x128xf32, #tpu.memory_space<vmem>>) dst(%dma_wait3A_259 : memref<80x128xf32, #tpu.memory_space<hbm>>)
        tpu.yield
      }) : () -> ()
    } else {
    }
    %add3A_190 = arith.constant 240 : i32
    %add3A_191 = arith.addi %mul3A_2, %add3A_190 : i32
    "tpu.region"() ({
      %run_scoped3A = tpu.sem_alloc : memref<!tpu.dma_semaphore, #tpu.memory_space<semaphore_mem>>
      %dma_start3A_250 = arith.constant 0 : i32
      %dma_start3A_251 = tpu.memref_slice %arg24[%add3A_191, %dma_start3A_250] : memref<10240x128xf32, #tpu.memory_space<vmem_shared>> -> memref<80x128xf32, #tpu.memory_space<vmem_shared>>
      %dma_start3A_252 = arith.constant 0 : i32
      %dma_start3A_253 = tpu.memref_slice %arg24[%add3A_191, %dma_start3A_252] : memref<10240x128xf32, #tpu.memory_space<vmem_shared>> -> memref<80x128xf32, #tpu.memory_space<vmem_shared>>
      tpu.enqueue_dma source(%dma_start3A_253 : memref<80x128xf32, #tpu.memory_space<vmem_shared>>) target(%arg12 : memref<80x128xf32, #tpu.memory_space<vmem>>) target_semaphore(%run_scoped3A : memref<!tpu.dma_semaphore, #tpu.memory_space<semaphore_mem>>)
      %dma_wait3A_254 = arith.constant 0 : i32
      %dma_wait3A_255 = tpu.memref_slice %arg24[%add3A_191, %dma_wait3A_254] : memref<10240x128xf32, #tpu.memory_space<vmem_shared>> -> memref<80x128xf32, #tpu.memory_space<vmem_shared>>
      %dma_wait3A_256 = arith.constant 0 : i32
      %dma_wait3A_257 = tpu.memref_slice %arg24[%add3A_191, %dma_wait3A_256] : memref<10240x128xf32, #tpu.memory_space<vmem_shared>> -> memref<80x128xf32, #tpu.memory_space<vmem_shared>>
      tpu.wait_dma2 semaphore(%run_scoped3A : memref<!tpu.dma_semaphore, #tpu.memory_space<semaphore_mem>>) src(%dma_wait3A_257 : memref<80x128xf32, #tpu.memory_space<vmem_shared>>) dst(%arg12 : memref<80x128xf32, #tpu.memory_space<vmem>>)
      tpu.yield
    }) : () -> ()
    %eq3A_192 = arith.constant 0 : i32
    %eq3A_193 = arith.cmpi eq, %arg0, %eq3A_192 : i32
    %convert_element_type3A_194 = arith.extui %eq3A_193 : i1 to i32
    %cond3A_195 = arith.constant 0 : i32
    %cond3A_196 = arith.cmpi ne, %convert_element_type3A_194, %cond3A_195 : i32
    scf.if %cond3A_196 {
      %add3A_250 = arith.constant 240 : i32
      %add3A_251 = arith.addi %mul3A_2, %add3A_250 : i32
      "tpu.region"() ({
        %run_scoped3A = tpu.sem_alloc : memref<!tpu.dma_semaphore, #tpu.memory_space<semaphore_mem>>
        %dma_start3A_252 = arith.constant 0 : i32
        %dma_start3A_253 = tpu.memref_slice %arg8[%add3A_251, %dma_start3A_252] : memref<10240x128xf32, #tpu.memory_space<hbm>> -> memref<80x128xf32, #tpu.memory_space<hbm>>
        %dma_start3A_254 = arith.constant 0 : i32
        %dma_start3A_255 = tpu.memref_slice %arg8[%add3A_251, %dma_start3A_254] : memref<10240x128xf32, #tpu.memory_space<hbm>> -> memref<80x128xf32, #tpu.memory_space<hbm>>
        tpu.enqueue_dma source(%arg12 : memref<80x128xf32, #tpu.memory_space<vmem>>) target(%dma_start3A_255 : memref<80x128xf32, #tpu.memory_space<hbm>>) target_semaphore(%run_scoped3A : memref<!tpu.dma_semaphore, #tpu.memory_space<semaphore_mem>>)
        %dma_wait3A_256 = arith.constant 0 : i32
        %dma_wait3A_257 = tpu.memref_slice %arg8[%add3A_251, %dma_wait3A_256] : memref<10240x128xf32, #tpu.memory_space<hbm>> -> memref<80x128xf32, #tpu.memory_space<hbm>>
        %dma_wait3A_258 = arith.constant 0 : i32
        %dma_wait3A_259 = tpu.memref_slice %arg8[%add3A_251, %dma_wait3A_258] : memref<10240x128xf32, #tpu.memory_space<hbm>> -> memref<80x128xf32, #tpu.memory_space<hbm>>
        tpu.wait_dma2 semaphore(%run_scoped3A : memref<!tpu.dma_semaphore, #tpu.memory_space<semaphore_mem>>) src(%arg12 : memref<80x128xf32, #tpu.memory_space<vmem>>) dst(%dma_wait3A_259 : memref<80x128xf32, #tpu.memory_space<hbm>>)
        tpu.yield
      }) : () -> ()
    } else {
    }
    %eq3A_197 = arith.constant 1 : i32
    %eq3A_198 = arith.cmpi eq, %arg0, %eq3A_197 : i32
    %convert_element_type3A_199 = arith.extui %eq3A_198 : i1 to i32
    %cond3A_200 = arith.constant 0 : i32
    %cond3A_201 = arith.cmpi ne, %convert_element_type3A_199, %cond3A_200 : i32
    scf.if %cond3A_201 {
      %add3A_250 = arith.constant 240 : i32
      %add3A_251 = arith.addi %mul3A_2, %add3A_250 : i32
      "tpu.region"() ({
        %run_scoped3A = tpu.sem_alloc : memref<!tpu.dma_semaphore, #tpu.memory_space<semaphore_mem>>
        %dma_start3A_252 = arith.constant 0 : i32
        %dma_start3A_253 = tpu.memref_slice %arg9[%add3A_251, %dma_start3A_252] : memref<10240x128xf32, #tpu.memory_space<hbm>> -> memref<80x128xf32, #tpu.memory_space<hbm>>
        %dma_start3A_254 = arith.constant 0 : i32
        %dma_start3A_255 = tpu.memref_slice %arg9[%add3A_251, %dma_start3A_254] : memref<10240x128xf32, #tpu.memory_space<hbm>> -> memref<80x128xf32, #tpu.memory_space<hbm>>
        tpu.enqueue_dma source(%arg12 : memref<80x128xf32, #tpu.memory_space<vmem>>) target(%dma_start3A_255 : memref<80x128xf32, #tpu.memory_space<hbm>>) target_semaphore(%run_scoped3A : memref<!tpu.dma_semaphore, #tpu.memory_space<semaphore_mem>>)
        %dma_wait3A_256 = arith.constant 0 : i32
        %dma_wait3A_257 = tpu.memref_slice %arg9[%add3A_251, %dma_wait3A_256] : memref<10240x128xf32, #tpu.memory_space<hbm>> -> memref<80x128xf32, #tpu.memory_space<hbm>>
        %dma_wait3A_258 = arith.constant 0 : i32
        %dma_wait3A_259 = tpu.memref_slice %arg9[%add3A_251, %dma_wait3A_258] : memref<10240x128xf32, #tpu.memory_space<hbm>> -> memref<80x128xf32, #tpu.memory_space<hbm>>
        tpu.wait_dma2 semaphore(%run_scoped3A : memref<!tpu.dma_semaphore, #tpu.memory_space<semaphore_mem>>) src(%arg12 : memref<80x128xf32, #tpu.memory_space<vmem>>) dst(%dma_wait3A_259 : memref<80x128xf32, #tpu.memory_space<hbm>>)
        tpu.yield
      }) : () -> ()
    } else {
    }
    %add3A_202 = arith.constant 320 : i32
    %add3A_203 = arith.addi %mul3A_2, %add3A_202 : i32
    "tpu.region"() ({
      %run_scoped3A = tpu.sem_alloc : memref<!tpu.dma_semaphore, #tpu.memory_space<semaphore_mem>>
      %dma_start3A_250 = arith.constant 0 : i32
      %dma_start3A_251 = tpu.memref_slice %arg24[%add3A_203, %dma_start3A_250] : memref<10240x128xf32, #tpu.memory_space<vmem_shared>> -> memref<80x128xf32, #tpu.memory_space<vmem_shared>>
      %dma_start3A_252 = arith.constant 0 : i32
      %dma_start3A_253 = tpu.memref_slice %arg24[%add3A_203, %dma_start3A_252] : memref<10240x128xf32, #tpu.memory_space<vmem_shared>> -> memref<80x128xf32, #tpu.memory_space<vmem_shared>>
      tpu.enqueue_dma source(%dma_start3A_253 : memref<80x128xf32, #tpu.memory_space<vmem_shared>>) target(%arg12 : memref<80x128xf32, #tpu.memory_space<vmem>>) target_semaphore(%run_scoped3A : memref<!tpu.dma_semaphore, #tpu.memory_space<semaphore_mem>>)
      %dma_wait3A_254 = arith.constant 0 : i32
      %dma_wait3A_255 = tpu.memref_slice %arg24[%add3A_203, %dma_wait3A_254] : memref<10240x128xf32, #tpu.memory_space<vmem_shared>> -> memref<80x128xf32, #tpu.memory_space<vmem_shared>>
      %dma_wait3A_256 = arith.constant 0 : i32
      %dma_wait3A_257 = tpu.memref_slice %arg24[%add3A_203, %dma_wait3A_256] : memref<10240x128xf32, #tpu.memory_space<vmem_shared>> -> memref<80x128xf32, #tpu.memory_space<vmem_shared>>
      tpu.wait_dma2 semaphore(%run_scoped3A : memref<!tpu.dma_semaphore, #tpu.memory_space<semaphore_mem>>) src(%dma_wait3A_257 : memref<80x128xf32, #tpu.memory_space<vmem_shared>>) dst(%arg12 : memref<80x128xf32, #tpu.memory_space<vmem>>)
      tpu.yield
    }) : () -> ()
    %eq3A_204 = arith.constant 0 : i32
    %eq3A_205 = arith.cmpi eq, %arg0, %eq3A_204 : i32
    %convert_element_type3A_206 = arith.extui %eq3A_205 : i1 to i32
    %cond3A_207 = arith.constant 0 : i32
    %cond3A_208 = arith.cmpi ne, %convert_element_type3A_206, %cond3A_207 : i32
    scf.if %cond3A_208 {
      %add3A_250 = arith.constant 320 : i32
      %add3A_251 = arith.addi %mul3A_2, %add3A_250 : i32
      "tpu.region"() ({
        %run_scoped3A = tpu.sem_alloc : memref<!tpu.dma_semaphore, #tpu.memory_space<semaphore_mem>>
        %dma_start3A_252 = arith.constant 0 : i32
        %dma_start3A_253 = tpu.memref_slice %arg8[%add3A_251, %dma_start3A_252] : memref<10240x128xf32, #tpu.memory_space<hbm>> -> memref<80x128xf32, #tpu.memory_space<hbm>>
        %dma_start3A_254 = arith.constant 0 : i32
        %dma_start3A_255 = tpu.memref_slice %arg8[%add3A_251, %dma_start3A_254] : memref<10240x128xf32, #tpu.memory_space<hbm>> -> memref<80x128xf32, #tpu.memory_space<hbm>>
        tpu.enqueue_dma source(%arg12 : memref<80x128xf32, #tpu.memory_space<vmem>>) target(%dma_start3A_255 : memref<80x128xf32, #tpu.memory_space<hbm>>) target_semaphore(%run_scoped3A : memref<!tpu.dma_semaphore, #tpu.memory_space<semaphore_mem>>)
        %dma_wait3A_256 = arith.constant 0 : i32
        %dma_wait3A_257 = tpu.memref_slice %arg8[%add3A_251, %dma_wait3A_256] : memref<10240x128xf32, #tpu.memory_space<hbm>> -> memref<80x128xf32, #tpu.memory_space<hbm>>
        %dma_wait3A_258 = arith.constant 0 : i32
        %dma_wait3A_259 = tpu.memref_slice %arg8[%add3A_251, %dma_wait3A_258] : memref<10240x128xf32, #tpu.memory_space<hbm>> -> memref<80x128xf32, #tpu.memory_space<hbm>>
        tpu.wait_dma2 semaphore(%run_scoped3A : memref<!tpu.dma_semaphore, #tpu.memory_space<semaphore_mem>>) src(%arg12 : memref<80x128xf32, #tpu.memory_space<vmem>>) dst(%dma_wait3A_259 : memref<80x128xf32, #tpu.memory_space<hbm>>)
        tpu.yield
      }) : () -> ()
    } else {
    }
    %eq3A_209 = arith.constant 1 : i32
    %eq3A_210 = arith.cmpi eq, %arg0, %eq3A_209 : i32
    %convert_element_type3A_211 = arith.extui %eq3A_210 : i1 to i32
    %cond3A_212 = arith.constant 0 : i32
    %cond3A_213 = arith.cmpi ne, %convert_element_type3A_211, %cond3A_212 : i32
    scf.if %cond3A_213 {
      %add3A_250 = arith.constant 320 : i32
      %add3A_251 = arith.addi %mul3A_2, %add3A_250 : i32
      "tpu.region"() ({
        %run_scoped3A = tpu.sem_alloc : memref<!tpu.dma_semaphore, #tpu.memory_space<semaphore_mem>>
        %dma_start3A_252 = arith.constant 0 : i32
        %dma_start3A_253 = tpu.memref_slice %arg9[%add3A_251, %dma_start3A_252] : memref<10240x128xf32, #tpu.memory_space<hbm>> -> memref<80x128xf32, #tpu.memory_space<hbm>>
        %dma_start3A_254 = arith.constant 0 : i32
        %dma_start3A_255 = tpu.memref_slice %arg9[%add3A_251, %dma_start3A_254] : memref<10240x128xf32, #tpu.memory_space<hbm>> -> memref<80x128xf32, #tpu.memory_space<hbm>>
        tpu.enqueue_dma source(%arg12 : memref<80x128xf32, #tpu.memory_space<vmem>>) target(%dma_start3A_255 : memref<80x128xf32, #tpu.memory_space<hbm>>) target_semaphore(%run_scoped3A : memref<!tpu.dma_semaphore, #tpu.memory_space<semaphore_mem>>)
        %dma_wait3A_256 = arith.constant 0 : i32
        %dma_wait3A_257 = tpu.memref_slice %arg9[%add3A_251, %dma_wait3A_256] : memref<10240x128xf32, #tpu.memory_space<hbm>> -> memref<80x128xf32, #tpu.memory_space<hbm>>
        %dma_wait3A_258 = arith.constant 0 : i32
        %dma_wait3A_259 = tpu.memref_slice %arg9[%add3A_251, %dma_wait3A_258] : memref<10240x128xf32, #tpu.memory_space<hbm>> -> memref<80x128xf32, #tpu.memory_space<hbm>>
        tpu.wait_dma2 semaphore(%run_scoped3A : memref<!tpu.dma_semaphore, #tpu.memory_space<semaphore_mem>>) src(%arg12 : memref<80x128xf32, #tpu.memory_space<vmem>>) dst(%dma_wait3A_259 : memref<80x128xf32, #tpu.memory_space<hbm>>)
        tpu.yield
      }) : () -> ()
    } else {
    }
    %add3A_214 = arith.constant 400 : i32
    %add3A_215 = arith.addi %mul3A_2, %add3A_214 : i32
    "tpu.region"() ({
      %run_scoped3A = tpu.sem_alloc : memref<!tpu.dma_semaphore, #tpu.memory_space<semaphore_mem>>
      %dma_start3A_250 = arith.constant 0 : i32
      %dma_start3A_251 = tpu.memref_slice %arg24[%add3A_215, %dma_start3A_250] : memref<10240x128xf32, #tpu.memory_space<vmem_shared>> -> memref<80x128xf32, #tpu.memory_space<vmem_shared>>
      %dma_start3A_252 = arith.constant 0 : i32
      %dma_start3A_253 = tpu.memref_slice %arg24[%add3A_215, %dma_start3A_252] : memref<10240x128xf32, #tpu.memory_space<vmem_shared>> -> memref<80x128xf32, #tpu.memory_space<vmem_shared>>
      tpu.enqueue_dma source(%dma_start3A_253 : memref<80x128xf32, #tpu.memory_space<vmem_shared>>) target(%arg12 : memref<80x128xf32, #tpu.memory_space<vmem>>) target_semaphore(%run_scoped3A : memref<!tpu.dma_semaphore, #tpu.memory_space<semaphore_mem>>)
      %dma_wait3A_254 = arith.constant 0 : i32
      %dma_wait3A_255 = tpu.memref_slice %arg24[%add3A_215, %dma_wait3A_254] : memref<10240x128xf32, #tpu.memory_space<vmem_shared>> -> memref<80x128xf32, #tpu.memory_space<vmem_shared>>
      %dma_wait3A_256 = arith.constant 0 : i32
      %dma_wait3A_257 = tpu.memref_slice %arg24[%add3A_215, %dma_wait3A_256] : memref<10240x128xf32, #tpu.memory_space<vmem_shared>> -> memref<80x128xf32, #tpu.memory_space<vmem_shared>>
      tpu.wait_dma2 semaphore(%run_scoped3A : memref<!tpu.dma_semaphore, #tpu.memory_space<semaphore_mem>>) src(%dma_wait3A_257 : memref<80x128xf32, #tpu.memory_space<vmem_shared>>) dst(%arg12 : memref<80x128xf32, #tpu.memory_space<vmem>>)
      tpu.yield
    }) : () -> ()
    %eq3A_216 = arith.constant 0 : i32
    %eq3A_217 = arith.cmpi eq, %arg0, %eq3A_216 : i32
    %convert_element_type3A_218 = arith.extui %eq3A_217 : i1 to i32
    %cond3A_219 = arith.constant 0 : i32
    %cond3A_220 = arith.cmpi ne, %convert_element_type3A_218, %cond3A_219 : i32
    scf.if %cond3A_220 {
      %add3A_250 = arith.constant 400 : i32
      %add3A_251 = arith.addi %mul3A_2, %add3A_250 : i32
      "tpu.region"() ({
        %run_scoped3A = tpu.sem_alloc : memref<!tpu.dma_semaphore, #tpu.memory_space<semaphore_mem>>
        %dma_start3A_252 = arith.constant 0 : i32
        %dma_start3A_253 = tpu.memref_slice %arg8[%add3A_251, %dma_start3A_252] : memref<10240x128xf32, #tpu.memory_space<hbm>> -> memref<80x128xf32, #tpu.memory_space<hbm>>
        %dma_start3A_254 = arith.constant 0 : i32
        %dma_start3A_255 = tpu.memref_slice %arg8[%add3A_251, %dma_start3A_254] : memref<10240x128xf32, #tpu.memory_space<hbm>> -> memref<80x128xf32, #tpu.memory_space<hbm>>
        tpu.enqueue_dma source(%arg12 : memref<80x128xf32, #tpu.memory_space<vmem>>) target(%dma_start3A_255 : memref<80x128xf32, #tpu.memory_space<hbm>>) target_semaphore(%run_scoped3A : memref<!tpu.dma_semaphore, #tpu.memory_space<semaphore_mem>>)
        %dma_wait3A_256 = arith.constant 0 : i32
        %dma_wait3A_257 = tpu.memref_slice %arg8[%add3A_251, %dma_wait3A_256] : memref<10240x128xf32, #tpu.memory_space<hbm>> -> memref<80x128xf32, #tpu.memory_space<hbm>>
        %dma_wait3A_258 = arith.constant 0 : i32
        %dma_wait3A_259 = tpu.memref_slice %arg8[%add3A_251, %dma_wait3A_258] : memref<10240x128xf32, #tpu.memory_space<hbm>> -> memref<80x128xf32, #tpu.memory_space<hbm>>
        tpu.wait_dma2 semaphore(%run_scoped3A : memref<!tpu.dma_semaphore, #tpu.memory_space<semaphore_mem>>) src(%arg12 : memref<80x128xf32, #tpu.memory_space<vmem>>) dst(%dma_wait3A_259 : memref<80x128xf32, #tpu.memory_space<hbm>>)
        tpu.yield
      }) : () -> ()
    } else {
    }
    %eq3A_221 = arith.constant 1 : i32
    %eq3A_222 = arith.cmpi eq, %arg0, %eq3A_221 : i32
    %convert_element_type3A_223 = arith.extui %eq3A_222 : i1 to i32
    %cond3A_224 = arith.constant 0 : i32
    %cond3A_225 = arith.cmpi ne, %convert_element_type3A_223, %cond3A_224 : i32
    scf.if %cond3A_225 {
      %add3A_250 = arith.constant 400 : i32
      %add3A_251 = arith.addi %mul3A_2, %add3A_250 : i32
      "tpu.region"() ({
        %run_scoped3A = tpu.sem_alloc : memref<!tpu.dma_semaphore, #tpu.memory_space<semaphore_mem>>
        %dma_start3A_252 = arith.constant 0 : i32
        %dma_start3A_253 = tpu.memref_slice %arg9[%add3A_251, %dma_start3A_252] : memref<10240x128xf32, #tpu.memory_space<hbm>> -> memref<80x128xf32, #tpu.memory_space<hbm>>
        %dma_start3A_254 = arith.constant 0 : i32
        %dma_start3A_255 = tpu.memref_slice %arg9[%add3A_251, %dma_start3A_254] : memref<10240x128xf32, #tpu.memory_space<hbm>> -> memref<80x128xf32, #tpu.memory_space<hbm>>
        tpu.enqueue_dma source(%arg12 : memref<80x128xf32, #tpu.memory_space<vmem>>) target(%dma_start3A_255 : memref<80x128xf32, #tpu.memory_space<hbm>>) target_semaphore(%run_scoped3A : memref<!tpu.dma_semaphore, #tpu.memory_space<semaphore_mem>>)
        %dma_wait3A_256 = arith.constant 0 : i32
        %dma_wait3A_257 = tpu.memref_slice %arg9[%add3A_251, %dma_wait3A_256] : memref<10240x128xf32, #tpu.memory_space<hbm>> -> memref<80x128xf32, #tpu.memory_space<hbm>>
        %dma_wait3A_258 = arith.constant 0 : i32
        %dma_wait3A_259 = tpu.memref_slice %arg9[%add3A_251, %dma_wait3A_258] : memref<10240x128xf32, #tpu.memory_space<hbm>> -> memref<80x128xf32, #tpu.memory_space<hbm>>
        tpu.wait_dma2 semaphore(%run_scoped3A : memref<!tpu.dma_semaphore, #tpu.memory_space<semaphore_mem>>) src(%arg12 : memref<80x128xf32, #tpu.memory_space<vmem>>) dst(%dma_wait3A_259 : memref<80x128xf32, #tpu.memory_space<hbm>>)
        tpu.yield
      }) : () -> ()
    } else {
    }
    %add3A_226 = arith.constant 480 : i32
    %add3A_227 = arith.addi %mul3A_2, %add3A_226 : i32
    "tpu.region"() ({
      %run_scoped3A = tpu.sem_alloc : memref<!tpu.dma_semaphore, #tpu.memory_space<semaphore_mem>>
      %dma_start3A_250 = arith.constant 0 : i32
      %dma_start3A_251 = tpu.memref_slice %arg24[%add3A_227, %dma_start3A_250] : memref<10240x128xf32, #tpu.memory_space<vmem_shared>> -> memref<80x128xf32, #tpu.memory_space<vmem_shared>>
      %dma_start3A_252 = arith.constant 0 : i32
      %dma_start3A_253 = tpu.memref_slice %arg24[%add3A_227, %dma_start3A_252] : memref<10240x128xf32, #tpu.memory_space<vmem_shared>> -> memref<80x128xf32, #tpu.memory_space<vmem_shared>>
      tpu.enqueue_dma source(%dma_start3A_253 : memref<80x128xf32, #tpu.memory_space<vmem_shared>>) target(%arg12 : memref<80x128xf32, #tpu.memory_space<vmem>>) target_semaphore(%run_scoped3A : memref<!tpu.dma_semaphore, #tpu.memory_space<semaphore_mem>>)
      %dma_wait3A_254 = arith.constant 0 : i32
      %dma_wait3A_255 = tpu.memref_slice %arg24[%add3A_227, %dma_wait3A_254] : memref<10240x128xf32, #tpu.memory_space<vmem_shared>> -> memref<80x128xf32, #tpu.memory_space<vmem_shared>>
      %dma_wait3A_256 = arith.constant 0 : i32
      %dma_wait3A_257 = tpu.memref_slice %arg24[%add3A_227, %dma_wait3A_256] : memref<10240x128xf32, #tpu.memory_space<vmem_shared>> -> memref<80x128xf32, #tpu.memory_space<vmem_shared>>
      tpu.wait_dma2 semaphore(%run_scoped3A : memref<!tpu.dma_semaphore, #tpu.memory_space<semaphore_mem>>) src(%dma_wait3A_257 : memref<80x128xf32, #tpu.memory_space<vmem_shared>>) dst(%arg12 : memref<80x128xf32, #tpu.memory_space<vmem>>)
      tpu.yield
    }) : () -> ()
    %eq3A_228 = arith.constant 0 : i32
    %eq3A_229 = arith.cmpi eq, %arg0, %eq3A_228 : i32
    %convert_element_type3A_230 = arith.extui %eq3A_229 : i1 to i32
    %cond3A_231 = arith.constant 0 : i32
    %cond3A_232 = arith.cmpi ne, %convert_element_type3A_230, %cond3A_231 : i32
    scf.if %cond3A_232 {
      %add3A_250 = arith.constant 480 : i32
      %add3A_251 = arith.addi %mul3A_2, %add3A_250 : i32
      "tpu.region"() ({
        %run_scoped3A = tpu.sem_alloc : memref<!tpu.dma_semaphore, #tpu.memory_space<semaphore_mem>>
        %dma_start3A_252 = arith.constant 0 : i32
        %dma_start3A_253 = tpu.memref_slice %arg8[%add3A_251, %dma_start3A_252] : memref<10240x128xf32, #tpu.memory_space<hbm>> -> memref<80x128xf32, #tpu.memory_space<hbm>>
        %dma_start3A_254 = arith.constant 0 : i32
        %dma_start3A_255 = tpu.memref_slice %arg8[%add3A_251, %dma_start3A_254] : memref<10240x128xf32, #tpu.memory_space<hbm>> -> memref<80x128xf32, #tpu.memory_space<hbm>>
        tpu.enqueue_dma source(%arg12 : memref<80x128xf32, #tpu.memory_space<vmem>>) target(%dma_start3A_255 : memref<80x128xf32, #tpu.memory_space<hbm>>) target_semaphore(%run_scoped3A : memref<!tpu.dma_semaphore, #tpu.memory_space<semaphore_mem>>)
        %dma_wait3A_256 = arith.constant 0 : i32
        %dma_wait3A_257 = tpu.memref_slice %arg8[%add3A_251, %dma_wait3A_256] : memref<10240x128xf32, #tpu.memory_space<hbm>> -> memref<80x128xf32, #tpu.memory_space<hbm>>
        %dma_wait3A_258 = arith.constant 0 : i32
        %dma_wait3A_259 = tpu.memref_slice %arg8[%add3A_251, %dma_wait3A_258] : memref<10240x128xf32, #tpu.memory_space<hbm>> -> memref<80x128xf32, #tpu.memory_space<hbm>>
        tpu.wait_dma2 semaphore(%run_scoped3A : memref<!tpu.dma_semaphore, #tpu.memory_space<semaphore_mem>>) src(%arg12 : memref<80x128xf32, #tpu.memory_space<vmem>>) dst(%dma_wait3A_259 : memref<80x128xf32, #tpu.memory_space<hbm>>)
        tpu.yield
      }) : () -> ()
    } else {
    }
    %eq3A_233 = arith.constant 1 : i32
    %eq3A_234 = arith.cmpi eq, %arg0, %eq3A_233 : i32
    %convert_element_type3A_235 = arith.extui %eq3A_234 : i1 to i32
    %cond3A_236 = arith.constant 0 : i32
    %cond3A_237 = arith.cmpi ne, %convert_element_type3A_235, %cond3A_236 : i32
    scf.if %cond3A_237 {
      %add3A_250 = arith.constant 480 : i32
      %add3A_251 = arith.addi %mul3A_2, %add3A_250 : i32
      "tpu.region"() ({
        %run_scoped3A = tpu.sem_alloc : memref<!tpu.dma_semaphore, #tpu.memory_space<semaphore_mem>>
        %dma_start3A_252 = arith.constant 0 : i32
        %dma_start3A_253 = tpu.memref_slice %arg9[%add3A_251, %dma_start3A_252] : memref<10240x128xf32, #tpu.memory_space<hbm>> -> memref<80x128xf32, #tpu.memory_space<hbm>>
        %dma_start3A_254 = arith.constant 0 : i32
        %dma_start3A_255 = tpu.memref_slice %arg9[%add3A_251, %dma_start3A_254] : memref<10240x128xf32, #tpu.memory_space<hbm>> -> memref<80x128xf32, #tpu.memory_space<hbm>>
        tpu.enqueue_dma source(%arg12 : memref<80x128xf32, #tpu.memory_space<vmem>>) target(%dma_start3A_255 : memref<80x128xf32, #tpu.memory_space<hbm>>) target_semaphore(%run_scoped3A : memref<!tpu.dma_semaphore, #tpu.memory_space<semaphore_mem>>)
        %dma_wait3A_256 = arith.constant 0 : i32
        %dma_wait3A_257 = tpu.memref_slice %arg9[%add3A_251, %dma_wait3A_256] : memref<10240x128xf32, #tpu.memory_space<hbm>> -> memref<80x128xf32, #tpu.memory_space<hbm>>
        %dma_wait3A_258 = arith.constant 0 : i32
        %dma_wait3A_259 = tpu.memref_slice %arg9[%add3A_251, %dma_wait3A_258] : memref<10240x128xf32, #tpu.memory_space<hbm>> -> memref<80x128xf32, #tpu.memory_space<hbm>>
        tpu.wait_dma2 semaphore(%run_scoped3A : memref<!tpu.dma_semaphore, #tpu.memory_space<semaphore_mem>>) src(%arg12 : memref<80x128xf32, #tpu.memory_space<vmem>>) dst(%dma_wait3A_259 : memref<80x128xf32, #tpu.memory_space<hbm>>)
        tpu.yield
      }) : () -> ()
    } else {
    }
    %add3A_238 = arith.constant 560 : i32
    %add3A_239 = arith.addi %mul3A_2, %add3A_238 : i32
    "tpu.region"() ({
      %run_scoped3A = tpu.sem_alloc : memref<!tpu.dma_semaphore, #tpu.memory_space<semaphore_mem>>
      %dma_start3A_250 = arith.constant 0 : i32
      %dma_start3A_251 = tpu.memref_slice %arg24[%add3A_239, %dma_start3A_250] : memref<10240x128xf32, #tpu.memory_space<vmem_shared>> -> memref<80x128xf32, #tpu.memory_space<vmem_shared>>
      %dma_start3A_252 = arith.constant 0 : i32
      %dma_start3A_253 = tpu.memref_slice %arg24[%add3A_239, %dma_start3A_252] : memref<10240x128xf32, #tpu.memory_space<vmem_shared>> -> memref<80x128xf32, #tpu.memory_space<vmem_shared>>
      tpu.enqueue_dma source(%dma_start3A_253 : memref<80x128xf32, #tpu.memory_space<vmem_shared>>) target(%arg12 : memref<80x128xf32, #tpu.memory_space<vmem>>) target_semaphore(%run_scoped3A : memref<!tpu.dma_semaphore, #tpu.memory_space<semaphore_mem>>)
      %dma_wait3A_254 = arith.constant 0 : i32
      %dma_wait3A_255 = tpu.memref_slice %arg24[%add3A_239, %dma_wait3A_254] : memref<10240x128xf32, #tpu.memory_space<vmem_shared>> -> memref<80x128xf32, #tpu.memory_space<vmem_shared>>
      %dma_wait3A_256 = arith.constant 0 : i32
      %dma_wait3A_257 = tpu.memref_slice %arg24[%add3A_239, %dma_wait3A_256] : memref<10240x128xf32, #tpu.memory_space<vmem_shared>> -> memref<80x128xf32, #tpu.memory_space<vmem_shared>>
      tpu.wait_dma2 semaphore(%run_scoped3A : memref<!tpu.dma_semaphore, #tpu.memory_space<semaphore_mem>>) src(%dma_wait3A_257 : memref<80x128xf32, #tpu.memory_space<vmem_shared>>) dst(%arg12 : memref<80x128xf32, #tpu.memory_space<vmem>>)
      tpu.yield
    }) : () -> ()
    %eq3A_240 = arith.constant 0 : i32
    %eq3A_241 = arith.cmpi eq, %arg0, %eq3A_240 : i32
    %convert_element_type3A_242 = arith.extui %eq3A_241 : i1 to i32
    %cond3A_243 = arith.constant 0 : i32
    %cond3A_244 = arith.cmpi ne, %convert_element_type3A_242, %cond3A_243 : i32
    scf.if %cond3A_244 {
      %add3A_250 = arith.constant 560 : i32
      %add3A_251 = arith.addi %mul3A_2, %add3A_250 : i32
      "tpu.region"() ({
        %run_scoped3A = tpu.sem_alloc : memref<!tpu.dma_semaphore, #tpu.memory_space<semaphore_mem>>
        %dma_start3A_252 = arith.constant 0 : i32
        %dma_start3A_253 = tpu.memref_slice %arg8[%add3A_251, %dma_start3A_252] : memref<10240x128xf32, #tpu.memory_space<hbm>> -> memref<80x128xf32, #tpu.memory_space<hbm>>
        %dma_start3A_254 = arith.constant 0 : i32
        %dma_start3A_255 = tpu.memref_slice %arg8[%add3A_251, %dma_start3A_254] : memref<10240x128xf32, #tpu.memory_space<hbm>> -> memref<80x128xf32, #tpu.memory_space<hbm>>
        tpu.enqueue_dma source(%arg12 : memref<80x128xf32, #tpu.memory_space<vmem>>) target(%dma_start3A_255 : memref<80x128xf32, #tpu.memory_space<hbm>>) target_semaphore(%run_scoped3A : memref<!tpu.dma_semaphore, #tpu.memory_space<semaphore_mem>>)
        %dma_wait3A_256 = arith.constant 0 : i32
        %dma_wait3A_257 = tpu.memref_slice %arg8[%add3A_251, %dma_wait3A_256] : memref<10240x128xf32, #tpu.memory_space<hbm>> -> memref<80x128xf32, #tpu.memory_space<hbm>>
        %dma_wait3A_258 = arith.constant 0 : i32
        %dma_wait3A_259 = tpu.memref_slice %arg8[%add3A_251, %dma_wait3A_258] : memref<10240x128xf32, #tpu.memory_space<hbm>> -> memref<80x128xf32, #tpu.memory_space<hbm>>
        tpu.wait_dma2 semaphore(%run_scoped3A : memref<!tpu.dma_semaphore, #tpu.memory_space<semaphore_mem>>) src(%arg12 : memref<80x128xf32, #tpu.memory_space<vmem>>) dst(%dma_wait3A_259 : memref<80x128xf32, #tpu.memory_space<hbm>>)
        tpu.yield
      }) : () -> ()
    } else {
    }
    %eq3A_245 = arith.constant 1 : i32
    %eq3A_246 = arith.cmpi eq, %arg0, %eq3A_245 : i32
    %convert_element_type3A_247 = arith.extui %eq3A_246 : i1 to i32
    %cond3A_248 = arith.constant 0 : i32
    %cond3A_249 = arith.cmpi ne, %convert_element_type3A_247, %cond3A_248 : i32
    scf.if %cond3A_249 {
      %add3A_250 = arith.constant 560 : i32
      %add3A_251 = arith.addi %mul3A_2, %add3A_250 : i32
      "tpu.region"() ({
        %run_scoped3A = tpu.sem_alloc : memref<!tpu.dma_semaphore, #tpu.memory_space<semaphore_mem>>
        %dma_start3A_252 = arith.constant 0 : i32
        %dma_start3A_253 = tpu.memref_slice %arg9[%add3A_251, %dma_start3A_252] : memref<10240x128xf32, #tpu.memory_space<hbm>> -> memref<80x128xf32, #tpu.memory_space<hbm>>
        %dma_start3A_254 = arith.constant 0 : i32
        %dma_start3A_255 = tpu.memref_slice %arg9[%add3A_251, %dma_start3A_254] : memref<10240x128xf32, #tpu.memory_space<hbm>> -> memref<80x128xf32, #tpu.memory_space<hbm>>
        tpu.enqueue_dma source(%arg12 : memref<80x128xf32, #tpu.memory_space<vmem>>) target(%dma_start3A_255 : memref<80x128xf32, #tpu.memory_space<hbm>>) target_semaphore(%run_scoped3A : memref<!tpu.dma_semaphore, #tpu.memory_space<semaphore_mem>>)
        %dma_wait3A_256 = arith.constant 0 : i32
        %dma_wait3A_257 = tpu.memref_slice %arg9[%add3A_251, %dma_wait3A_256] : memref<10240x128xf32, #tpu.memory_space<hbm>> -> memref<80x128xf32, #tpu.memory_space<hbm>>
        %dma_wait3A_258 = arith.constant 0 : i32
        %dma_wait3A_259 = tpu.memref_slice %arg9[%add3A_251, %dma_wait3A_258] : memref<10240x128xf32, #tpu.memory_space<hbm>> -> memref<80x128xf32, #tpu.memory_space<hbm>>
        tpu.wait_dma2 semaphore(%run_scoped3A : memref<!tpu.dma_semaphore, #tpu.memory_space<semaphore_mem>>) src(%arg12 : memref<80x128xf32, #tpu.memory_space<vmem>>) dst(%dma_wait3A_259 : memref<80x128xf32, #tpu.memory_space<hbm>>)
        tpu.yield
      }) : () -> ()
    } else {
    }
    return
  }
}

module attributes {stable_mosaic.version = 14 : i64} {
  func.func @_out_body(%arg0: i32, %arg1: memref<1000x128xf32, #tpu.memory_space<vmem>>, %arg2: memref<1000x128xf32, #tpu.memory_space<vmem>>, %arg3: memref<128x128xf32, #tpu.memory_space<vmem>>, %arg4: memref<1x128xf32, #tpu.memory_space<vmem>>, %arg5: memref<1000x128xf32, #tpu.memory_space<vmem>>) attributes {dimension_semantics = [#tpu.dimension_semantics<arbitrary>], iteration_bounds = array<i64: 10>, scalar_prefetch = 0 : i64, scratch_operands = 0 : i64, tpu.core_type = #tpu.core_type<tc>, window_params = [{transform_indices = @transform_0, window_bounds = array<i64: 1000, 128>}, {transform_indices = @transform_1, window_bounds = array<i64: 1000, 128>}, {pipeline_mode = #tpu.pipeline_mode<synchronous>, transform_indices = @transform_2, window_bounds = array<i64: 128, 128>}, {pipeline_mode = #tpu.pipeline_mode<synchronous>, transform_indices = @transform_3, window_bounds = array<i64: 1, 128>}, {transform_indices = @transform_4, window_bounds = array<i64: 1000, 128>}]} {
    %get3A = arith.constant 0 : index
    %get3A_0 = arith.constant 0 : index
    %get3A_1 = vector.load %arg1[%get3A, %get3A_0] : memref<1000x128xf32, #tpu.memory_space<vmem>>, vector<1000x128xf32>
    %get3A_2 = arith.constant 0 : index
    %get3A_3 = arith.constant 0 : index
    %get3A_4 = vector.load %arg2[%get3A_2, %get3A_3] : memref<1000x128xf32, #tpu.memory_space<vmem>>, vector<1000x128xf32>
    %add3A = arith.addf %get3A_1, %get3A_4 : vector<1000x128xf32>
    %get3A_5 = arith.constant 0 : index
    %get3A_6 = arith.constant 0 : index
    %get3A_7 = vector.load %arg3[%get3A_5, %get3A_6] : memref<128x128xf32, #tpu.memory_space<vmem>>, vector<128x128xf32>
    %dot_general3A = arith.constant dense<0.000000e+00> : vector<1000x128xf32>
    %dot_general3A_8 = tpu.matmul %add3A, %get3A_7, %dot_general3A {dimension_numbers = #tpu.dot_dimension_numbers<[1], [1], [0], [0], [0, 0, 1, 0], [], []>, precision = #tpu.contract_precision<fp32>, transpose_lhs_hint = false} : vector<1000x128xf32>, vector<128x128xf32>, vector<1000x128xf32> -> vector<1000x128xf32>
    %get3A_9 = arith.constant 0 : index
    %get3A_10 = arith.constant 0 : index
    %get3A_11 = vector.load %arg4[%get3A_9, %get3A_10] : memref<1x128xf32, #tpu.memory_space<vmem>>, vector<1x128xf32>
    %add3A_12 = vector.broadcast %get3A_11 : vector<1x128xf32> to vector<1000x128xf32>
    %add3A_13 = arith.addf %dot_general3A_8, %add3A_12 : vector<1000x128xf32>
    %swap3A = arith.constant 0 : index
    %swap3A_14 = arith.constant 0 : index
    %swap3A_15 = vector.load %arg5[%swap3A, %swap3A_14] : memref<1000x128xf32, #tpu.memory_space<vmem>>, vector<1000x128xf32>
    tpu.vector_store %arg5[%swap3A, %swap3A_14], %add3A_13 {strides = array<i32>} : memref<1000x128xf32, #tpu.memory_space<vmem>>, vector<1000x128xf32>,
    return
  }
  func.func @transform_0(%arg0: i32) -> (i32, i32) {
    %c0_i32 = arith.constant 0 : i32
    %c0_i32_0 = arith.constant 0 : i32
    return %arg0, %c0_i32 : i32, i32
  }
  func.func @transform_1(%arg0: i32) -> (i32, i32) {
    %c0_i32 = arith.constant 0 : i32
    %c0_i32_0 = arith.constant 0 : i32
    return %arg0, %c0_i32 : i32, i32
  }
  func.func @transform_2(%arg0: i32) -> (i32, i32) {
    %c0_i32 = arith.constant 0 : i32
    %c0_i32_0 = arith.constant 0 : i32
    %c0_i32_1 = arith.constant 0 : i32
    return %c0_i32, %c0_i32_0 : i32, i32
  }
  func.func @transform_3(%arg0: i32) -> (i32, i32) {
    %c0_i32 = arith.constant 0 : i32
    %c0_i32_0 = arith.constant 0 : i32
    %c0_i32_1 = arith.constant 0 : i32
    return %c0_i32, %c0_i32_0 : i32, i32
  }
  func.func @transform_4(%arg0: i32) -> (i32, i32) {
    %c0_i32 = arith.constant 0 : i32
    %c0_i32_0 = arith.constant 0 : i32
    return %arg0, %c0_i32 : i32, i32
  }
}

module attributes {stable_mosaic.version = 14 : i64} {
  func.func @_qkv_body(%arg0: i32, %arg1: memref<1000x128xf32, #tpu.memory_space<vmem>>, %arg2: memref<128x128xf32, #tpu.memory_space<vmem>>, %arg3: memref<1x128xf32, #tpu.memory_space<vmem>>, %arg4: memref<128x128xf32, #tpu.memory_space<vmem>>, %arg5: memref<1x128xf32, #tpu.memory_space<vmem>>, %arg6: memref<128x128xf32, #tpu.memory_space<vmem>>, %arg7: memref<1x128xf32, #tpu.memory_space<vmem>>, %arg8: memref<1000x128xf32, #tpu.memory_space<vmem>>, %arg9: memref<1000x128xf32, #tpu.memory_space<vmem>>, %arg10: memref<1000x128xf32, #tpu.memory_space<vmem>>) attributes {dimension_semantics = [#tpu.dimension_semantics<arbitrary>], iteration_bounds = array<i64: 10>, scalar_prefetch = 0 : i64, scratch_operands = 0 : i64, tpu.core_type = #tpu.core_type<tc>, window_params = [{transform_indices = @transform_0, window_bounds = array<i64: 1000, 128>}, {pipeline_mode = #tpu.pipeline_mode<synchronous>, transform_indices = @transform_1, window_bounds = array<i64: 128, 128>}, {pipeline_mode = #tpu.pipeline_mode<synchronous>, transform_indices = @transform_2, window_bounds = array<i64: 1, 128>}, {pipeline_mode = #tpu.pipeline_mode<synchronous>, transform_indices = @transform_3, window_bounds = array<i64: 128, 128>}, {pipeline_mode = #tpu.pipeline_mode<synchronous>, transform_indices = @transform_4, window_bounds = array<i64: 1, 128>}, {pipeline_mode = #tpu.pipeline_mode<synchronous>, transform_indices = @transform_5, window_bounds = array<i64: 128, 128>}, {pipeline_mode = #tpu.pipeline_mode<synchronous>, transform_indices = @transform_6, window_bounds = array<i64: 1, 128>}, {transform_indices = @transform_7, window_bounds = array<i64: 1000, 128>}, {transform_indices = @transform_8, window_bounds = array<i64: 1000, 128>}, {transform_indices = @transform_9, window_bounds = array<i64: 1000, 128>}]} {
    %get3A = arith.constant 0 : index
    %get3A_0 = arith.constant 0 : index
    %get3A_1 = vector.load %arg1[%get3A, %get3A_0] : memref<1000x128xf32, #tpu.memory_space<vmem>>, vector<1000x128xf32>
    %get3A_2 = arith.constant 0 : index
    %get3A_3 = arith.constant 0 : index
    %get3A_4 = vector.load %arg2[%get3A_2, %get3A_3] : memref<128x128xf32, #tpu.memory_space<vmem>>, vector<128x128xf32>
    %dot_general3A = arith.constant dense<0.000000e+00> : vector<1000x128xf32>
    %dot_general3A_5 = tpu.matmul %get3A_1, %get3A_4, %dot_general3A {dimension_numbers = #tpu.dot_dimension_numbers<[1], [1], [0], [0], [0, 0, 1, 0], [], []>, precision = #tpu.contract_precision<fp32>, transpose_lhs_hint = false} : vector<1000x128xf32>, vector<128x128xf32>, vector<1000x128xf32> -> vector<1000x128xf32>
    %get3A_6 = arith.constant 0 : index
    %get3A_7 = arith.constant 0 : index
    %get3A_8 = vector.load %arg3[%get3A_6, %get3A_7] : memref<1x128xf32, #tpu.memory_space<vmem>>, vector<1x128xf32>
    %add3A = vector.broadcast %get3A_8 : vector<1x128xf32> to vector<1000x128xf32>
    %add3A_9 = arith.addf %dot_general3A_5, %add3A : vector<1000x128xf32>
    %swap3A = arith.constant 0 : index
    %swap3A_10 = arith.constant 0 : index
    %swap3A_11 = vector.load %arg8[%swap3A, %swap3A_10] : memref<1000x128xf32, #tpu.memory_space<vmem>>, vector<1000x128xf32>
    tpu.vector_store %arg8[%swap3A, %swap3A_10], %add3A_9 {strides = array<i32>} : memref<1000x128xf32, #tpu.memory_space<vmem>>, vector<1000x128xf32>,
    %get3A_12 = arith.constant 0 : index
    %get3A_13 = arith.constant 0 : index
    %get3A_14 = vector.load %arg4[%get3A_12, %get3A_13] : memref<128x128xf32, #tpu.memory_space<vmem>>, vector<128x128xf32>
    %dot_general3A_15 = arith.constant dense<0.000000e+00> : vector<1000x128xf32>
    %dot_general3A_16 = tpu.matmul %get3A_1, %get3A_14, %dot_general3A_15 {dimension_numbers = #tpu.dot_dimension_numbers<[1], [1], [0], [0], [0, 0, 1, 0], [], []>, precision = #tpu.contract_precision<fp32>, transpose_lhs_hint = false} : vector<1000x128xf32>, vector<128x128xf32>, vector<1000x128xf32> -> vector<1000x128xf32>
    %get3A_17 = arith.constant 0 : index
    %get3A_18 = arith.constant 0 : index
    %get3A_19 = vector.load %arg5[%get3A_17, %get3A_18] : memref<1x128xf32, #tpu.memory_space<vmem>>, vector<1x128xf32>
    %add3A_20 = vector.broadcast %get3A_19 : vector<1x128xf32> to vector<1000x128xf32>
    %add3A_21 = arith.addf %dot_general3A_16, %add3A_20 : vector<1000x128xf32>
    %swap3A_22 = arith.constant 0 : index
    %swap3A_23 = arith.constant 0 : index
    %swap3A_24 = vector.load %arg9[%swap3A_22, %swap3A_23] : memref<1000x128xf32, #tpu.memory_space<vmem>>, vector<1000x128xf32>
    tpu.vector_store %arg9[%swap3A_22, %swap3A_23], %add3A_21 {strides = array<i32>} : memref<1000x128xf32, #tpu.memory_space<vmem>>, vector<1000x128xf32>,
    %get3A_25 = arith.constant 0 : index
    %get3A_26 = arith.constant 0 : index
    %get3A_27 = vector.load %arg6[%get3A_25, %get3A_26] : memref<128x128xf32, #tpu.memory_space<vmem>>, vector<128x128xf32>
    %dot_general3A_28 = arith.constant dense<0.000000e+00> : vector<1000x128xf32>
    %dot_general3A_29 = tpu.matmul %get3A_1, %get3A_27, %dot_general3A_28 {dimension_numbers = #tpu.dot_dimension_numbers<[1], [1], [0], [0], [0, 0, 1, 0], [], []>, precision = #tpu.contract_precision<fp32>, transpose_lhs_hint = false} : vector<1000x128xf32>, vector<128x128xf32>, vector<1000x128xf32> -> vector<1000x128xf32>
    %get3A_30 = arith.constant 0 : index
    %get3A_31 = arith.constant 0 : index
    %get3A_32 = vector.load %arg7[%get3A_30, %get3A_31] : memref<1x128xf32, #tpu.memory_space<vmem>>, vector<1x128xf32>
    %add3A_33 = vector.broadcast %get3A_32 : vector<1x128xf32> to vector<1000x128xf32>
    %add3A_34 = arith.addf %dot_general3A_29, %add3A_33 : vector<1000x128xf32>
    %swap3A_35 = arith.constant 0 : index
    %swap3A_36 = arith.constant 0 : index
    %swap3A_37 = vector.load %arg10[%swap3A_35, %swap3A_36] : memref<1000x128xf32, #tpu.memory_space<vmem>>, vector<1000x128xf32>
    tpu.vector_store %arg10[%swap3A_35, %swap3A_36], %add3A_34 {strides = array<i32>} : memref<1000x128xf32, #tpu.memory_space<vmem>>, vector<1000x128xf32>,
    return
  }
  func.func @transform_0(%arg0: i32) -> (i32, i32) {
    %c0_i32 = arith.constant 0 : i32
    %c0_i32_0 = arith.constant 0 : i32
    return %arg0, %c0_i32 : i32, i32
  }
  func.func @transform_1(%arg0: i32) -> (i32, i32) {
    %c0_i32 = arith.constant 0 : i32
    %c0_i32_0 = arith.constant 0 : i32
    %c0_i32_1 = arith.constant 0 : i32
    return %c0_i32, %c0_i32_0 : i32, i32
  }
  func.func @transform_2(%arg0: i32) -> (i32, i32) {
    %c0_i32 = arith.constant 0 : i32
    %c0_i32_0 = arith.constant 0 : i32
    %c0_i32_1 = arith.constant 0 : i32
    return %c0_i32, %c0_i32_0 : i32, i32
  }
  func.func @transform_3(%arg0: i32) -> (i32, i32) {
    %c0_i32 = arith.constant 0 : i32
    %c0_i32_0 = arith.constant 0 : i32
    %c0_i32_1 = arith.constant 0 : i32
    return %c0_i32, %c0_i32_0 : i32, i32
  }
  func.func @transform_4(%arg0: i32) -> (i32, i32) {
    %c0_i32 = arith.constant 0 : i32
    %c0_i32_0 = arith.constant 0 : i32
    %c0_i32_1 = arith.constant 0 : i32
    return %c0_i32, %c0_i32_0 : i32, i32
  }
  func.func @transform_5(%arg0: i32) -> (i32, i32) {
    %c0_i32 = arith.constant 0 : i32
    %c0_i32_0 = arith.constant 0 : i32
    %c0_i32_1 = arith.constant 0 : i32
    return %c0_i32, %c0_i32_0 : i32, i32
  }
  func.func @transform_6(%arg0: i32) -> (i32, i32) {
    %c0_i32 = arith.constant 0 : i32
    %c0_i32_0 = arith.constant 0 : i32
    %c0_i32_1 = arith.constant 0 : i32
    return %c0_i32, %c0_i32_0 : i32, i32
  }
  func.func @transform_7(%arg0: i32) -> (i32, i32) {
    %c0_i32 = arith.constant 0 : i32
    %c0_i32_0 = arith.constant 0 : i32
    return %arg0, %c0_i32 : i32, i32
  }
  func.func @transform_8(%arg0: i32) -> (i32, i32) {
    %c0_i32 = arith.constant 0 : i32
    %c0_i32_0 = arith.constant 0 : i32
    return %arg0, %c0_i32 : i32, i32
  }
  func.func @transform_9(%arg0: i32) -> (i32, i32) {
    %c0_i32 = arith.constant 0 : i32
    %c0_i32_0 = arith.constant 0 : i32
    return %arg0, %c0_i32 : i32, i32
  }
}

</mosaic_0001>

<sc_bundles>
// kernel: kernel.6.cloned.1.call-start
scs
__scs_entry_jumppad:
0x0: {  	(pc) =	sbr.rel $0x88, $3  }
0x1: {  	(tag) =	ssettag $0x0;
	lr =	simm.s32 $0x1  }
0x2: {  	[smem:$0x3F97] =	sst lr;
	_ =	strace $0xD0000000  }
0x3: {  	_ = 	snop  }
0x4: {  	_ = 	snop  }
0x5: {  	_ = 	snop  }
0x6: {  	_ = 	snop  }
0x7: {  	_ = 	snop  }
__scs_overlays_trampoline_lowered:
0x8: {  	[smem:$0x3FA6] =	sst s0  }
0x9: {  	[smem:$0x3FA7] =	sst s1  }
0xa: {  	[smem:$0x3FA8] =	sst s2  }
0xb: {  	[smem:$0x3FA9] =	sst s3  }
0xc: {  	[smem:$0x3FAA] =	sst s4  }
0xd: {  	[smem:$0x3FAB] =	sst s5  }
0xe: {  	[smem:$0x3FAC] =	sst s6  }
0xf: {  	[smem:$0x3FAD] =	sst s7  }
0x10: {  	[smem:$0x3FAE] =	sst s8  }
0x11: {  	[smem:$0x3FAF] =	sst s9;
	s0 =	simm.s32 @!p0 $0x0  }
0x12: {  	s1 =	sld [smem:$0x3F95];
	s0 =	simm.s32 @p0 $0x1  }
0x13: {  	[smem:$0x3FB0] =	sst s0;
	s0 =	simm.s32 @!p1 $0x0  }
0x14: {  	s2 =	sld [smem:$0x3F94];
	s0 =	simm.s32 @p1 $0x1  }
0x15: {  	[smem:$0x3FB1] =	sst s0;
	s0 =	simm.s32 @!p2 $0x0  }
0x16: {  	s3 =	sld [smem:$0x3FDB];
	s0 =	simm.s32 @p2 $0x1  }
0x17: {  	s4 =	simm.s32 $0x1BF5;
	[smem:$0x3FB3] =	sst s0  }
0x18: {  	s0 =	sld [smem:$0x3F96];
	_ =	swait.ge [sflag:s4], $0x0  }
0x19: {  	s7 =	sld [smem:$0x3F97]  }
0x1a: {  	s8 =	sadd.s32 $0xFFFFE003, lr  }
0x1b: {  	s9 =	sadd.s32 $0xFFFFFEF7, lr;
	s5 =	simm.s32 $0xFFFFFFFF;
	p2 =	slt.u32 s8, $0xFFFFF086  }
0x1c: {  	p1 =	slt.u32 s9, $0xF7A;
	s5 =	simm.s32 @!p2 $0x0  }
0x1d: {  	s5 =	simm.s32 @p1 $0x1;
	p0 =	seq.s32 s7, s2  }
0x1e: {  	s7 =	smul.u32 @!p0 $0xF7A, s2;
	p2 =	seq.s32 @!p0 s5, $0x0  }
0x1f: {  	s9 =	smul.u32 $0xF7A, s1;
	s8 =	simm.s32 @!p0 $0x1BF5;
	p2 =	por !p2, p0  }
0x20: {  	[sflag:s8] =	ssyncset.s32 @!p0 $0xFFFFF086;
	s6 =	sadd.s32 @!p0 s3, s7;
	s7 =	simm.s32 @!p0 $0x108  }
0x21: {  	s3 =	sadd.s32 s3, s9;
	s6 =	sadd.s32 @!p0 $0x88, s6;
	s7 =	simm.s32 @p2 $0x1082  }
0x22: {  	[simem:s7], [sflag:s8] =	dma.local @!p0 [hbm:s6], $0xF7A  }
0x23: {  	s9 =	sor.u32 $0xD0000000, s2;
	s6 =	simm.s32 $0x108;
	_ =	swait.ge @!p0 [sflag:s8], $0x0  }
0x24: {  	s3 =	sadd.s32 $0x88, s3;
	s6 =	simm.s32 @!p1 $0x1082;
	[sflag:s4] =	ssyncset.s32 $0xFFFFF086  }
0x25: {  	[simem:s6], [sflag:s4] =	dma.local [hbm:s3], $0xF7A  }
0x26: {  	[smem:$0x3F97] =	sst s1;
	(tag) =	ssettag s2;
	_ =	strace s9  }
0x27: {  	s1 =	sld [smem:$0x3FA7]  }
0x28: {  	s2 =	sld [smem:$0x3FA8]  }
0x29: {  	s4 =	sld [smem:$0x3FAA]  }
0x2a: {  	p0 =	seq.s32 s5, $0x0;
	s5 =	sld [smem:$0x3FAB]  }
0x2b: {  	s6 =	sld [smem:$0x3FAC]  }
0x2c: {  	s7 =	sld [smem:$0x3FAD]  }
0x2d: {  	s3 =	simm.s32 $0x108;
	s8 =	sld [smem:$0x3FAE]  }
0x2e: {  	s3 =	simm.s32 @!p0 $0x1082;
	s9 =	sld [smem:$0x3FAF]  }
0x2f: {  	lr =	sadd.s32 s0, s3;
	s0 =	sld [smem:$0x3FA6]  }
0x30: {  	s3 =	sld [smem:$0x3FA9]  }
0x31: {  	[smem:$0x3FB2] =	sst s10  }
0x32: {  	s10 =	sld [smem:$0x3FB0];
	_ =	sdelay $0x3  }
0x33: {  	p0 =	seq.s32 s10, $0x1;
	s10 =	sld [smem:$0x3FB2];
	_ =	sdelay $0x3  }
0x34: {  	[smem:$0x3FB2] =	sst s10  }
0x35: {  	s10 =	sld [smem:$0x3FB1];
	_ =	sdelay $0x3  }
0x36: {  	p1 =	seq.s32 s10, $0x1;
	s10 =	sld [smem:$0x3FB2];
	_ =	sdelay $0x3  }
0x37: {  	[smem:$0x3FB2] =	sst s10  }
0x38: {  	s10 =	sld [smem:$0x3FB3]  }
0x39: {  	_ = 	snop;
	(pc) =	sbr.ind lr, $3  }
0x3a: {  	_ = 	snop  }
0x3b: {  	_ = 	snop  }
0x3c: {  	p2 =	seq.s32 s10, $0x1;
	s10 =	sld [smem:$0x3FB2]  }
0x3d: {  	_ =	shalt  }
0x3e: {  	_ =	shalt  }
0x3f: {  	_ =	shalt  }
0x40: {  	_ =	shalt  }
0x41: {  	_ =	shalt  }
0x42: {  	_ =	shalt  }
0x43: {  	_ =	shalt  }
0x44: {  	_ =	shalt  }
0x45: {  	_ =	shalt  }
0x46: {  	_ =	shalt  }
0x47: {  	_ =	shalt  }
0x48: {  	_ =	shalt  }
0x49: {  	_ =	shalt  }
0x4a: {  	_ =	shalt  }
0x4b: {  	_ =	shalt  }
0x4c: {  	_ =	shalt  }
0x4d: {  	_ =	shalt  }
0x4e: {  	_ =	shalt  }
0x4f: {  	_ =	shalt  }
0x50: {  	_ =	shalt  }
0x51: {  	_ =	shalt  }
0x52: {  	_ =	shalt  }
0x53: {  	_ =	shalt  }
0x54: {  	_ =	shalt  }
0x55: {  	_ =	shalt  }
0x56: {  	_ =	shalt  }
0x57: {  	_ =	shalt  }
0x58: {  	_ =	shalt  }
0x59: {  	_ =	shalt  }
0x5a: {  	_ =	shalt  }
0x5b: {  	_ =	shalt  }
0x5c: {  	_ =	shalt  }
0x5d: {  	_ =	shalt  }
0x5e: {  	_ =	shalt  }
0x5f: {  	_ =	shalt  }
0x60: {  	_ =	shalt  }
0x61: {  	_ =	shalt  }
0x62: {  	_ =	shalt  }
0x63: {  	_ =	shalt  }
0x64: {  	_ =	shalt  }
0x65: {  	_ =	shalt  }
0x66: {  	_ =	shalt  }
0x67: {  	_ =	shalt  }
0x68: {  	_ =	shalt  }
0x69: {  	_ =	shalt  }
0x6a: {  	_ =	shalt  }
0x6b: {  	_ =	shalt  }
0x6c: {  	_ =	shalt  }
0x6d: {  	_ =	shalt  }
0x6e: {  	_ =	shalt  }
0x6f: {  	_ =	shalt  }
0x70: {  	_ =	shalt  }
0x71: {  	_ =	shalt  }
0x72: {  	_ =	shalt  }
0x73: {  	_ =	shalt  }
0x74: {  	_ =	shalt  }
0x75: {  	_ =	shalt  }
0x76: {  	_ =	shalt  }
0x77: {  	_ =	shalt  }
0x78: {  	_ =	shalt  }
0x79: {  	_ =	shalt  }
0x7a: {  	_ =	shalt  }
0x7b: {  	_ =	shalt  }
0x7c: {  	_ =	shalt  }
0x7d: {  	_ =	shalt  }
0x7e: {  	_ =	shalt  }
0x7f: {  	_ =	shalt  }
0x80: {  	_ =	shalt  }
0x81: {  	_ =	shalt  }
0x82: {  	_ =	shalt  }
0x83: {  	_ =	shalt  }
0x84: {  	_ =	shalt  }
0x85: {  	_ =	shalt  }
0x86: {  	_ =	shalt  }
0x87: {  	_ =	shalt  }
.Lfunc_end0:
.L_simem_size_0:
called_computation_lowered:
.L_overlay_start_0:
0x88: {  	s2 =	sld [smem:$0x3FD9]  }
0x89: {  	s3 =	sld [smem:$0x3FFE];
	_ =	sdelay $0x1  }
0x8a: {  	s1 =	srdreg.scid  }
0x8b: {  	s0 =	sand.u32 $0x1, s1  }
0x8c: {  	s16 =	sshll.u32 s0, $0xA;
	s2 =	sadd.s32 s3, s2  }
0x8d: {  	s2 =	sadd.s32 s2, s16  }
0x8e: {  	[smem:$0x3FBE] =	sst s2  }
0x8f: {  	_ = 	snop  }
0x90: {  	(tm) =	ssettm $0x1  }
0x91: {  	s17 =	sld [smem:$0x3FFB];
	_ =	sdelay $0x3  }
0x92: {  	_ =	strace s17  }
0x93: {  	s2 =	sld [smem:$0x3FFC];
	_ =	sdelay $0x3  }
0x94: {  	_ =	strace s2  }
0x95: {  	s2 =	sld [smem:$0x3FFD];
	_ =	sdelay $0x3  }
0x96: {  	_ =	strace s2  }
0x97: {  	_ =	strace $0x8FFFFFFF  }
0x98: {  	s18 =	sld [smem:$0x3FDB];
	_ =	sdelay $0x1  }
0x99: {  	s19 =	simm.s32 $_scs_section_size  }
0x9a: {  	s4 =	simm.s32 $_size__tile_overlayer_lowered;
	s5 =	simm.s32 $_tile_overlayer_lowered  }
0x9b: {  	s22 =	simm.s32 $0x1BFF;
	s21 =	sshll.u32 s5, $0x1;
	s2 =	sadd.s32 s19, s18  }
0x9c: {  	s6 =	simm.s32 $0x0;
	s20 =	sshll.u32 s4, $0x1;
	s4 =	sadd.s32 s21, s2  }
0x9d: {  	[timem:s6], [sflag:s22] =	dma.local [hbm:s4], s20  }
0x9e: {  	_ =	swait.ge [sflag:s22], s20  }
0x9f: {  	s3 =	ssub.s32 $0x0, s20;
	[sflag:s22] =	ssyncset.done $0x0  }
0xa0: {  	[sflag:s22] =	ssyncadd.s32 s3;
	_ =	sdelay $0x1  }
0xa1: {  	s23 =	simm.s32 $0x1B8B  }
0xa2: {  	_ =	swait.ge [sflag:s23], $0x1  }
0xa3: {  	[sflag:s23] =	ssyncset.done $0x0  }
0xa4: {  	s25 =	simm.s32 $0x1B8E;
	s24 =	sld [smem:$0x3FFE];
	[sflag:s23] =	ssyncadd.s32 $0xFFFFFFFF  }
0xa5: {  	s26 =	simm.s32 $execute0_lowered;
	[smem:$0x3FD2] =	sst s25  }
0xa6: {  	s4 =	sshll.u32 s26, $0x1;
	_ =	strace $0x80000046;
	[dreg:$0x1] =	wrdreg $0xFFFFFFFF  }
0xa7: {  	s28 =	simm.s32 $_size_execute0_lowered;
	s2 =	sadd.s32 s2, s4;
	[dreg:$0x0] =	wrdreg $0x0  }
0xa8: {  	s4 =	sshll.u32 s28, $0x1;
	[dreg:$0x2] =	wrdreg s2  }
0xa9: {  	[dreg:$0x3] =	wrdreg s4  }
0xaa: {  	[dreg:$0x4] =	wrdreg $0xC0  }
0xab: {  	_ =	task [dreg:s6], $0x5FFFF  }
0xac: {  	[dreg:$0x1] =	wrdreg $0xFFFFFFFF  }
0xad: {  	[dreg:$0x0] =	wrdreg $0x60  }
0xae: {  	[dreg:$0x2] =	wrdreg s24  }
0xaf: {  	[dreg:$0x3] =	wrdreg $0x1ADB00  }
0xb0: {  	[dreg:$0x4] =	wrdreg $0x9  }
0xb1: {  	_ =	task.clear_ibuf [dreg:s6], $0x5FFFF;
	_ =	strace $0x90000046  }
0xb2: {  	s29 =	simm.s32 $0x9;
	_ =	strace $0x80000048  }
0xb3: {  	_ =	swait.ge [sflag:s29], $0x1  }
0xb4: {  	[sflag:s29] =	ssyncadd.s32 $0xFFFFFFFF  }
0xb5: {  	_ =	strace $0x90000048  }
0xb6: {  	_ =	sfence  }
0xb7: {  	s30 =	sld [smem:$0x0];
	_ =	sdelay $0x2  }
0xb8: {  	s31 =	sshll.u32 s1, $0xD;
	s1 =	sshrl.u32 s1, $0x2  }
0xb9: {  	s3 =	sand.u32 $0x4000, s31;
	s1 =	sadd.s32 s1, s30  }
0xba: {  	s0 =	sor.u32 s3, s0;
	s1 =	sshll.u32 s1, $0x11  }
0xbb: {  	s0 =	sor.u32 s1, s0  }
0xbc: {  	s0 =	sadd.s32 $0x8F2B, s0  }
0xbd: {  	[sflag:s0] =	ssyncadd.remote.s32 $0x1  }
0xbe: {  	_ =	sfence.sel $0xFFFF  }
0xbf: {  	[dreg:$0x0] =	wrdreg $0xFFFFFFFF;
	(pc) =	sbr.abs _section_cstart, $3  }
0xc0: {  	[dreg:$0x1] =	wrdreg $0xFFFFFFFF  }
0xc1: {  	_ =	task.clear_ibuf [dreg:s6], $0x2FFFF;
	_ =	strace $0x9FFFFFFF  }
0xc2: {  	(tm) =	ssettm $0x7FFFFFFF  }
0xc3: {  	_ =	shalt  }
tec
execute0_lowered:
.L_overlay_start_1:
0x0: {  	(tag) =	ssettag $0x1  }
0x1: {  	s0 =	rddreg [dreg:$0x0]  }
0x2: {  	s1 =	rddreg [dreg:$0x1]  }
0x3: {  	s2 =	simm.s32 $0x0;
	s4 =	srdreg.scid;
	s8 =	stileid.u32  }
0x4: {  	s28 =	simm.s32 $0xF;
	s29 =	simm.s32 $0xC8;
	[smem:$0x7FF] =	sst s2  }
0x5: {  	s3 =	sadd.s32 $0x16200, s0;
	s5 =	sadd.s32 $0x3D400, s0;
	s6 =	sadd.s32 $0xC400, s0  }
0x6: {  	s7 =	sadd.s32 $0x2600, s0;
	s4 =	sand.u32 $0x1, s4;
	s9 =	sshll.u32 s8, $0x1  }
0x7: {  	s10 =	smul.u32 $0x2800, s8;
	s8 =	sadd.s32 $0x64600, s0;
	_ =	strace $0x80000047  }
0x8: {  	s11 =	ssub.s32 $0x2, s4;
	s9 =	sor.u32 s4, s9;
	p0 =	seq.s32 s4, $0x0  }
0x9: {  	s4 =	simm.s32 $0x100A00;
	s12 =	sshrl.u32 s11, $0x1;
	s13 =	sadd.s32 $0xC80, s10  }
0xa: {  	s9 =	smul.u32 $0x2710, s9;
	s20 =	sadd.s32 s10, s1;
	s26 =	sadd.s32 $0x1900, s10  }
0xb: {  	s14 =	sadd.s32 $0x2580, s10;
	s4 =	simm.s32 @!p0 $0x105A00;
	s21 =	sshrl.u32 s10, $0x3  }
0xc: {  	s10 =	simm.s32 $0xE;
	s11 =	ssub.s32 s11, s12;
	s30 =	sadd.s32 s13, s1  }
0xd: {  	s31 =	sadd.s32 s26, s1;
	s15 =	sadd.s32 s14, s1;
	s0 =	sadd.s32 s4, s0  }
0xe: {  	s22 =	sshrl.u32 s13, $0x3;
	s12 =	sshrl.u32 s26, $0x3;
	s23 =	sshrl.u32 s14, $0x3  }
0xf: {  	s14 =	simm.s32 $0x1AC20;
	s13 =	simm.s32 $0x0;
	[dreg:$0x3] =	wrdreg s20  }
0x10: {  	s16 =	sshrl.u32 s9, $0x3;
	[dreg:$0x6] =	wrdreg s15;
	s15 =	sadd.s32 $0xC8, s9  }
0x11: {  	s4 =	sadd.s32 s0, s21;
	s24 =	sadd.s32 s0, s22;
	[dreg:$0x4] =	wrdreg s30  }
0x12: {  	s25 =	sadd.s32 s0, s12;
	s0 =	sadd.s32 s0, s23;
	[dreg:$0x5] =	wrdreg s31  }
0x13: {  	s26 =	smax.u32 s11, $0x1;
	s21 =	simm.s32 $0x1;
	[dreg:$0xb] =	wrdreg s4  }
0x14: {  	s22 =	simm.s32 $0x2;
	s23 =	simm.s32 $0xD;
	[dreg:$0xc] =	wrdreg s24  }
0x15: {  	s11 =	simm.s32 $0x19FA0;
	s18 =	sadd.s32 s6, s16;
	[dreg:$0xd] =	wrdreg s25  }
0x16: {  	s16 =	sadd.s32 s7, s16;
	s19 =	sshrl.u32 s15, $0x3;
	[dreg:$0xe] =	wrdreg s0  }
0x17: {  	s24 =	sadd.s32 $0x258, s9;
	[dreg:$0xf] =	wrdreg s26;
	s26 =	simm.s32 $0xC990  }
0x18: {  	s25 =	simm.s32 $0x1ACE8;
	s0 =	simm.s32 $0x3;
	[dreg:$0x7] =	wrdreg s18  }
0x19: {  	v0 =	vimm.f32 $0.0e+00;
	vm0 =	vmmov $0x1;
	vm1 =	vcmask $0x320;
	s4 =	simm.s32 $0x4;
	[dreg:$0x8] =	wrdreg s16;
	s17 =	sadd.s32 s6, s19  }
0x1a: {  	vm2 =	vcmask $0x720;
	vm3 =	vcmask $0xB20;
	vm4 =	vcmask $0xF20;
	s16 =	sadd.s32 s7, s19;
	s19 =	sadd.s32 $0x190, s9;
	[dreg:$0x9] =	wrdreg s17  }
0x1b: {  	vm5 =	vcmask $0x1320;
	vm6 =	vcmask $0x1720;
	vm7 =	vcmask $0x1B20;
	[dreg:$0xa] =	wrdreg s16;
	s16 =	simm.s32 $0xB;
	s17 =	simm.s32 $0xC  }
.LBB2_1:
0x1c: {  	[dreg:$0x10] =	wrdreg s13;
	s12 =	simm.s32 $0x40;
	s13 =	simm.s32 $0x0  }
.LBB2_2:
0x1d: {  	p0 =	sne.s32 s12, $0x31C0;
	[tilespmem:s13+$0xC990] =	vst v0;
	s18 =	smov.u32 s12;
	s12 =	sadd.s32 $0x40, s12  }
.Ltmp0:
0x1e: {  	[tilespmem:s13+$0x19FA0] =	vst v0;
	(pc) =	sbr.rel @p0 .LBB2_2-.Ltmp0, $2  }
0x1f: {  	_ =	sdelay $0x2  }
0x20: {  	s13 =	sshra.s32 s18, $0x2  }
0x21: {  	[tilespmem:s13+$0xC990] =	vst v0  }
0x22: {  	[tilespmem:s13+$0x19FA0] =	vst v0  }
0x23: {  	[spmem:s20] =	stream.linear.scatter [tilespmem:s26], [sflag:$0xF], $0xC80, $0x38;
	[tilespmem:$0x1D5B0] =	vst v63  }
0x24: {  	_ =	swait.ge [sflag:s28], $0xC80  }
0x25: {  	[sflag:s28] =	ssyncset.done $0x0  }
0x26: {  	[sflag:s28] =	ssyncadd.s32 $0xFFFFF380  }
0x27: {  	[spmem:s30] =	stream.linear.scatter [tilespmem:s26], [sflag:$0xF], $0xC80, $0x38;
	[tilespmem:$0x1D5B0] =	vst v63  }
0x28: {  	_ =	swait.ge [sflag:s28], $0xC80  }
0x29: {  	[sflag:s28] =	ssyncset.done $0x0  }
0x2a: {  	[sflag:s28] =	ssyncadd.s32 $0xFFFFF380  }
0x2b: {  	[spmem:s31] =	stream.linear.scatter [tilespmem:s26], [sflag:$0xF], $0xC80, $0x38;
	[tilespmem:$0x1D5B0] =	vst v63  }
0x2c: {  	_ =	swait.ge [sflag:s28], $0xC80  }
0x2d: {  	[sflag:s28] =	ssyncset.done $0x0  }
0x2e: {  	s12 =	rddreg [dreg:$0x6];
	[sflag:s28] =	ssyncadd.s32 $0xFFFFF380  }
0x2f: {  	[spmem:s12] =	stream.linear.scatter [tilespmem:s26], [sflag:$0xF], $0x280, $0x38;
	[tilespmem:$0x1D5B0] =	vst v63  }
0x30: {  	_ =	swait.ge [sflag:s28], $0x280  }
0x31: {  	[sflag:s28] =	ssyncset.done $0x0  }
0x32: {  	[sflag:s28] =	ssyncadd.s32 $0xFFFFFD80  }
0x33: {  	[bflag:$0x0] =	sbarrier.arrive $0xFFFF  }
0x34: {  	s13 =	simm.s32 $0x0;
	s31 =	rddreg [dreg:$0x7]  }
0x35: {  	[tilespmem:s13], [sflag:$0x9] =	stream.linear.gather [hbm4b:s31+s13], $0xC8, $0x38;
	[tilespmem:$0x1D5B0] =	vst v63  }
0x36: {  	s18 =	rddreg [dreg:$0x8]  }
0x37: {  	[tilespmem:s29], [sflag:$0xA] =	stream.linear.gather [hbm4b:s18+s13], $0xC8, $0x38;
	[tilespmem:$0x1D5B0] =	vst v63  }
0x38: {  	s20 =	rddreg [dreg:$0x9];
	s18 =	simm.s32 $0xD610  }
0x39: {  	[tilespmem:s18], [sflag:$0xB] =	stream.linear.gather [hbm4b:s20+s13], $0xC8, $0x38;
	[tilespmem:$0x1D5B0] =	vst v63  }
0x3a: {  	s30 =	rddreg [dreg:$0xa];
	s31 =	simm.s32 $0xD6D8;
	s18 =	simm.s32 $0x9  }
0x3b: {  	[tilespmem:s31], [sflag:$0xC] =	stream.linear.gather [hbm4b:s30+s13], $0xC8, $0x38;
	[tilespmem:$0x1D5B0] =	vst v63  }
0x3c: {  	_ =	swait.ge [sflag:s18], $0xC8  }
0x3d: {  	[sflag:s18] =	ssyncset.done $0x0  }
0x3e: {  	s20 =	simm.s32 $0xA;
	[sflag:s18] =	ssyncadd.s32 $0xFFFFFF38  }
0x3f: {  	_ =	swait.ge [sflag:s20], $0xC8  }
0x40: {  	[sflag:s20] =	ssyncset.done $0x0  }
0x41: {  	s30 =	simm.s32 $0x190;
	[sflag:s20] =	ssyncadd.s32 $0xFFFFFF38  }
0x42: {  	[tilespmem:s30], [sflag:$0x1] =	stream.indirect.gather [hbm4b:s3+s29], $0x80, s13, s29, $0xb8;
	[tilespmem:$0x1D5B0] =	vst v63  }
0x43: {  	s31 =	simm.s32 $0x6590  }
0x44: {  	[tilespmem:s31], [sflag:$0x2] =	stream.indirect.gather [hbm4b:s5+s29], $0x80, s29, s29, $0xb8;
	[tilespmem:$0x1D5B0] =	vst v63  }
.LBB2_4:
0x45: {  	s12 =	smul.u32 $0x190, s13;
	_ =	sdelay $0x1  }
0x46: {  	s18 =	sadd.s32 s9, s12  }
0x47: {  	s20 =	sshrl.u32 s18, $0x3  }
0x48: {  	p0 =	seq.s32 s13, $0x0;
	s20 =	sadd.s32 s6, s20  }
0x49: {  	[tilespmem:s14], [sflag:$0xD] =	stream.linear.gather [hbm4b:s20+s2], $0xC8, $0x38;
	[tilespmem:$0x1D5B0] =	vst v63  }
0x4a: {  	s20 =	simm.s32 @!p0 $0x7  }
0x4b: {  	_ =	swait.ge @!p0 [sflag:s20], $0xC80  }
0x4c: {  	[sflag:s20] =	ssyncset.done @!p0 $0x0  }
0x4d: {  	[sflag:s20] =	ssyncadd.s32 @!p0 $0xFFFFF380;
	s20 =	simm.s32 @!p0 $0x8  }
0x4e: {  	_ =	swait.ge @!p0 [sflag:s20], $0xC80  }
0x4f: {  	[sflag:s20] =	ssyncset.done @!p0 $0x0  }
0x50: {  	[sflag:s20] =	ssyncadd.s32 @!p0 $0xFFFFF380  }
0x51: {  	_ =	swait.ge [sflag:s16], $0xC8  }
0x52: {  	[sflag:s16] =	ssyncset.done $0x0  }
0x53: {  	[sflag:s16] =	ssyncadd.s32 $0xFFFFFF38  }
0x54: {  	_ =	swait.ge [sflag:s17], $0xC8  }
0x55: {  	[sflag:s17] =	ssyncset.done $0x0  }
0x56: {  	s31 =	simm.s32 $0xD610;
	s30 =	simm.s32 $0xD7A0;
	[sflag:s17] =	ssyncadd.s32 $0xFFFFFF38  }
0x57: {  	[tilespmem:s30], [sflag:$0x5] =	stream.indirect.gather [hbm4b:s3+s29], $0x80, s31, s29, $0xb8;
	[tilespmem:$0x1D5B0] =	vst v63  }
0x58: {  	s31 =	simm.s32 $0xD6D8;
	s30 =	simm.s32 $0x13BA0  }
0x59: {  	[tilespmem:s30], [sflag:$0x6] =	stream.indirect.gather [hbm4b:s5+s29], $0x80, s31, s29, $0xb8;
	[tilespmem:$0x1D5B0] =	vst v63  }
0x5a: {  	_ =	swait.ge [sflag:s21], $0x6400  }
0x5b: {  	[sflag:s21] =	ssyncset.done $0x0  }
0x5c: {  	p0 =	seq.s32 s13, $0x18;
	[sflag:s21] =	ssyncadd.s32 $0xFFFF9C00  }
0x5d: {  	s20 =	sadd.s32 @!p0 s12, s19;
	_ =	swait.ge [sflag:s22], $0x6400  }
0x5e: {  	s20 =	sshrl.u32 @!p0 s20, $0x3;
	[sflag:s22] =	ssyncset.done $0x0  }
0x5f: {  	s30 =	sadd.s32 @!p0 s6, s20;
	s31 =	simm.s32 @!p0 $0x0;
	[sflag:s22] =	ssyncadd.s32 $0xFFFF9C00  }
0x60: {  	[tilespmem:s31], [sflag:$0x9] =	stream.linear.gather @!p0 [hbm4b:s30+s31], $0xC8, $0x38;
	[tilespmem:$0x1D5B0] =	vst v63  }
0x61: {  	s20 =	sadd.s32 @!p0 s7, s20;
	s30 =	simm.s32 @!p0 $0xC8  }
0x62: {  	[tilespmem:s30], [sflag:$0xA] =	stream.linear.gather @!p0 [hbm4b:s20+s31], $0xC8, $0x38;
	[tilespmem:$0x1D5B0] =	vst v63  }
0x63: {  	s20 =	simm.s32 $0xC990;
	s30 =	simm.s32 $0x0  }
.LBB2_5:
0x64: {  	s31 =	sshra.s32 s30, $0x2  }
0x65: {  	v1 =	vld [tilespmem:s31+$0x190]  }
0x66: {  	v2 =	vld [tilespmem:s31+$0x6590]  }
0x67: {  	v3 =	vld [tilespmem:s31+$0x1A0]  }
0x68: {  	v4 =	vld [tilespmem:s31+$0x65A0]  }
0x69: {  	v5 =	vld [tilespmem:s31+$0x1B0]  }
0x6a: {  	v6 =	vld [tilespmem:s31+$0x65B0]  }
0x6b: {  	v7 =	vld [tilespmem:s31+$0x1C0]  }
0x6c: {  	v8 =	vld [tilespmem:s31+$0x65C0]  }
0x6d: {  	v9 =	vld [tilespmem:s31+$0x1D0]  }
0x6e: {  	v10 =	vld [tilespmem:s31+$0x65D0]  }
0x6f: {  	v11 =	vld [tilespmem:s31+$0x1E0]  }
0x70: {  	v12 =	vld [tilespmem:s31+$0x65E0]  }
0x71: {  	v13 =	vld [tilespmem:s31+$0x1F0]  }
0x72: {  	v57 =	vld [tilespmem:s31+$0x200];
	v1 =	vmul.f32 v2, v1  }
0x73: {  	v2 =	vld [tilespmem:s31+$0x65F0];
	v3 =	vmul.f32 v4, v3  }
0x74: {  	v58 =	vld [tilespmem:s31+$0x6600];
	(xrf2) =	vadd.scan.msk.f32 $0xffff, v1;
	v1 =	vmul.f32 v6, v5  }
0x75: {  	(xrf2) =	vadd.scan.msk.f32 $0xffff, v3;
	v3 =	vmul.f32 v8, v7  }
0x76: {  	(xrf2) =	vadd.scan.msk.f32 $0xffff, v1;
	v1 =	vmul.f32 v10, v9  }
0x77: {  	(xrf2) =	vadd.scan.msk.f32 $0xffff, v3;
	v3 =	vmul.f32 v12, v11  }
0x78: {  	(xrf2) =	vadd.scan.msk.f32 $0xffff, v1;
	v1 =	vmul.f32 v2, v13  }
0x79: {  	v2 =	vmul.f32 v58, v57;
	(xrf2) =	vadd.scan.msk.f32 $0xffff, v3  }
0x7a: {  	(xrf2) =	vadd.scan.msk.f32 $0xffff, v1  }
0x7b: {  	(xrf2) =	vadd.scan.msk.f32 $0xffff, v2;
	_ =	sdelay $0x2  }
0x7c: {  	v1, _, _ =	vpop (xrf2)  }
0x7d: {  	v2, _, _ =	vpop (xrf2);
	v1 =	vbroadcast v1, $0xF  }
0x7e: {  	v3, _, _ =	vpop (xrf2);
	v2 =	vbroadcast v2, $0xF  }
0x7f: {  	v59, _, _ =	vpop (xrf2);
	v1 =	vnsel vm0, $0xFF800000, v1;
	v3 =	vbroadcast v3, $0xF  }
0x80: {  	v60, _, _ =	vpop (xrf2);
	v1 =	vsel vm1, v1, v2;
	v2 =	vbroadcast v59, $0xF  }
0x81: {  	v61, _, _ =	vpop (xrf2);
	v1 =	vsel vm2, v1, v3;
	v3 =	vbroadcast v60, $0xF  }
0x82: {  	v62, _, _ =	vpop (xrf2);
	v1 =	vsel vm3, v1, v2;
	v2 =	vbroadcast v61, $0xF  }
0x83: {  	v1 =	vsel vm4, v1, v3;
	v3 =	vbroadcast v62, $0xF;
	v63, _, _ =	vpop (xrf2)  }
0x84: {  	v1 =	vsel vm5, v1, v2;
	v2 =	vbroadcast v63, $0xF  }
0x85: {  	v1 =	vsel vm6, v1, v3  }
0x86: {  	v1 =	vsel vm7, v1, v2  }
0x87: {  	v1 =	vmul.f32 $2.500000000e-01, v1;
	_ =	sdelay $0x1  }
0x88: {  	v1 =	vmul.f32 $1.442695020e+00, v1;
	_ =	sdelay $0x1  }
0x89: {  	(erf) = vpow2.f32 v1;
	_ =	sdelay $0x4  }
0x8a: {  	p1 =	sne.s32 s30, $0x18E00  }
.Ltmp1:
0x8b: {  	_ = 	snop;
	(pc) =	sbr.rel @p1 .LBB2_5-.Ltmp1, $3  }
0x8c: {  	_ =	sdelay $0x1  }
0x8d: {  	v1 =	vpop (erf)  }
0x8e: {  	s30 =	sadd.s32 $0x200, s30;
	[tilespmem:s20+$0x0] =	vst v1;
	s20 =	sadd.s32 $0x10, s20  }
0x8f: {  	_ =	swait.ge [sflag:s23], $0xC8  }
0x90: {  	[sflag:s23] =	ssyncset.done $0x0  }
0x91: {  	s18 =	sshll.u32 s18, $0x1;
	[sflag:s23] =	ssyncadd.s32 $0xFFFFFF38  }
0x92: {  	[spmem:s1] =	stream.indirect.scatter.add.f32 [tilespmem:s26], [sflag:$0x3], $0x10, s14, s29, $0xb8;
	[tilespmem:$0x1D5B0] =	vst v63  }
0x93: {  	s18 =	sadd.s32 s8, s18  }
0x94: {  	[hbm4b:s18+s2] =	stream.linear.scatter [tilespmem:s26], [sflag:$0x4], $0xC80, $0x38;
	[tilespmem:$0x1D5B0] =	vst v63  }
0x95: {  	s18 =	sadd.s32 s12, s15  }
0x96: {  	s20 =	sshrl.u32 s18, $0x3  }
0x97: {  	s20 =	sadd.s32 s6, s20  }
0x98: {  	[tilespmem:s25], [sflag:$0xE] =	stream.linear.gather [hbm4b:s20+s2], $0xC8, $0x38;
	[tilespmem:$0x1D5B0] =	vst v63  }
0x99: {  	_ =	swait.ge [sflag:s0], $0xC80  }
0x9a: {  	[sflag:s0] =	ssyncset.done $0x0  }
0x9b: {  	[sflag:s0] =	ssyncadd.s32 $0xFFFFF380  }
0x9c: {  	_ =	swait.ge [sflag:s4], $0xC80  }
0x9d: {  	[sflag:s4] =	ssyncset.done $0x0  }
0x9e: {  	s20 =	simm.s32 @p0 $0x5;
	[sflag:s4] =	ssyncadd.s32 $0xFFFFF380  }
0x9f: {  	_ =	swait.ge @p0 [sflag:s20], $0x6400  }
0xa0: {  	[sflag:s20] =	ssyncset.done @p0 $0x0  }
0xa1: {  	[sflag:s20] =	ssyncadd.s32 @p0 $0xFFFF9C00;
	s20 =	simm.s32 @p0 $0x6  }
0xa2: {  	_ =	swait.ge @p0 [sflag:s20], $0x6400  }
0xa3: {  	[sflag:s20] =	ssyncset.done @p0 $0x0  }
0xa4: {  	[sflag:s20] =	ssyncadd.s32 @p0 $0xFFFF9C00;
	s20 =	simm.s32 @!p0 $0x9  }
0xa5: {  	_ =	swait.ge @!p0 [sflag:s20], $0xC8  }
0xa6: {  	[sflag:s20] =	ssyncset.done @!p0 $0x0  }
0xa7: {  	[sflag:s20] =	ssyncadd.s32 @!p0 $0xFFFFFF38;
	s20 =	simm.s32 @!p0 $0xA  }
0xa8: {  	_ =	swait.ge @!p0 [sflag:s20], $0xC8  }
0xa9: {  	s30 =	simm.s32 @!p0 $0x0;
	[sflag:s20] =	ssyncset.done @!p0 $0x0  }
0xaa: {  	s31 =	simm.s32 @!p0 $0x190;
	[sflag:s20] =	ssyncadd.s32 @!p0 $0xFFFFFF38;
	s20 =	simm.s32 @!p0 $0xC8  }
0xab: {  	[tilespmem:s31], [sflag:$0x1] =	stream.indirect.gather @!p0 [hbm4b:s3+s20], $0x80, s30, s20, $0xb8;
	[tilespmem:$0x1D5B0] =	vst v63  }
0xac: {  	s31 =	simm.s32 @!p0 $0x6590  }
0xad: {  	[tilespmem:s31], [sflag:$0x2] =	stream.indirect.gather @!p0 [hbm4b:s5+s20], $0x80, s20, s20, $0xb8;
	[tilespmem:$0x1D5B0] =	vst v63  }
0xae: {  	s20 =	simm.s32 @!p0 $0x5  }
0xaf: {  	_ =	swait.ge @!p0 [sflag:s20], $0x6400  }
0xb0: {  	[sflag:s20] =	ssyncset.done @!p0 $0x0  }
0xb1: {  	[sflag:s20] =	ssyncadd.s32 @!p0 $0xFFFF9C00;
	s20 =	simm.s32 @!p0 $0x6  }
0xb2: {  	s12 =	sadd.s32 @!p0 s12, s24;
	_ =	swait.ge @!p0 [sflag:s20], $0x6400  }
0xb3: {  	s12 =	sshrl.u32 @!p0 s12, $0x3;
	[sflag:s20] =	ssyncset.done @!p0 $0x0  }
0xb4: {  	s31 =	simm.s32 @!p0 $0xD610;
	[sflag:s20] =	ssyncadd.s32 @!p0 $0xFFFF9C00;
	s20 =	sadd.s32 @!p0 s6, s12  }
0xb5: {  	[tilespmem:s31], [sflag:$0xB] =	stream.linear.gather @!p0 [hbm4b:s20+s30], $0xC8, $0x38;
	[tilespmem:$0x1D5B0] =	vst v63  }
0xb6: {  	s12 =	sadd.s32 @!p0 s7, s12;
	s20 =	simm.s32 @!p0 $0xD6D8  }
0xb7: {  	[tilespmem:s20], [sflag:$0xC] =	stream.linear.gather @!p0 [hbm4b:s12+s30], $0xC8, $0x38;
	[tilespmem:$0x1D5B0] =	vst v63  }
0xb8: {  	s12 =	simm.s32 $0x0;
	s20 =	simm.s32 $0x19FA0  }
.LBB2_7:
0xb9: {  	s30 =	sshra.s32 s12, $0x2  }
0xba: {  	v1 =	vld [tilespmem:s30+$0xD7A0]  }
0xbb: {  	v2 =	vld [tilespmem:s30+$0x13BA0]  }
0xbc: {  	v3 =	vld [tilespmem:s30+$0xD7B0]  }
0xbd: {  	v4 =	vld [tilespmem:s30+$0x13BB0]  }
0xbe: {  	v5 =	vld [tilespmem:s30+$0xD7C0]  }
0xbf: {  	v6 =	vld [tilespmem:s30+$0x13BC0]  }
0xc0: {  	v7 =	vld [tilespmem:s30+$0xD7D0]  }
0xc1: {  	v8 =	vld [tilespmem:s30+$0x13BD0]  }
0xc2: {  	v9 =	vld [tilespmem:s30+$0xD7E0]  }
0xc3: {  	v10 =	vld [tilespmem:s30+$0x13BE0]  }
0xc4: {  	v11 =	vld [tilespmem:s30+$0xD7F0]  }
0xc5: {  	v12 =	vld [tilespmem:s30+$0x13BF0]  }
0xc6: {  	v13 =	vld [tilespmem:s30+$0xD800]  }
0xc7: {  	v57 =	vld [tilespmem:s30+$0xD810];
	v1 =	vmul.f32 v2, v1  }
0xc8: {  	v2 =	vld [tilespmem:s30+$0x13C00];
	v3 =	vmul.f32 v4, v3  }
0xc9: {  	v58 =	vld [tilespmem:s30+$0x13C10];
	(xrf2) =	vadd.scan.msk.f32 $0xffff, v1;
	v1 =	vmul.f32 v6, v5  }
0xca: {  	(xrf2) =	vadd.scan.msk.f32 $0xffff, v3;
	v3 =	vmul.f32 v8, v7  }
0xcb: {  	(xrf2) =	vadd.scan.msk.f32 $0xffff, v1;
	v1 =	vmul.f32 v10, v9  }
0xcc: {  	(xrf2) =	vadd.scan.msk.f32 $0xffff, v3;
	v3 =	vmul.f32 v12, v11  }
0xcd: {  	(xrf2) =	vadd.scan.msk.f32 $0xffff, v1;
	v1 =	vmul.f32 v2, v13  }
0xce: {  	v2 =	vmul.f32 v58, v57;
	(xrf2) =	vadd.scan.msk.f32 $0xffff, v3  }
0xcf: {  	(xrf2) =	vadd.scan.msk.f32 $0xffff, v1  }
0xd0: {  	(xrf2) =	vadd.scan.msk.f32 $0xffff, v2;
	_ =	sdelay $0x2  }
0xd1: {  	v1, _, _ =	vpop (xrf2)  }
0xd2: {  	v2, _, _ =	vpop (xrf2);
	v1 =	vbroadcast v1, $0xF  }
0xd3: {  	v3, _, _ =	vpop (xrf2);
	v2 =	vbroadcast v2, $0xF  }
0xd4: {  	v59, _, _ =	vpop (xrf2);
	v1 =	vnsel vm0, $0xFF800000, v1;
	v3 =	vbroadcast v3, $0xF  }
0xd5: {  	v60, _, _ =	vpop (xrf2);
	v1 =	vsel vm1, v1, v2;
	v2 =	vbroadcast v59, $0xF  }
0xd6: {  	v61, _, _ =	vpop (xrf2);
	v1 =	vsel vm2, v1, v3;
	v3 =	vbroadcast v60, $0xF  }
0xd7: {  	v62, _, _ =	vpop (xrf2);
	v1 =	vsel vm3, v1, v2;
	v2 =	vbroadcast v61, $0xF  }
0xd8: {  	v1 =	vsel vm4, v1, v3;
	v3 =	vbroadcast v62, $0xF;
	v63, _, _ =	vpop (xrf2)  }
0xd9: {  	v1 =	vsel vm5, v1, v2;
	v2 =	vbroadcast v63, $0xF  }
0xda: {  	v1 =	vsel vm6, v1, v3  }
0xdb: {  	v1 =	vsel vm7, v1, v2  }
0xdc: {  	v1 =	vmul.f32 $2.500000000e-01, v1;
	_ =	sdelay $0x1  }
0xdd: {  	v1 =	vmul.f32 $1.442695020e+00, v1;
	_ =	sdelay $0x1  }
0xde: {  	(erf) = vpow2.f32 v1;
	_ =	sdelay $0x4  }
0xdf: {  	p0 =	sne.s32 s12, $0x18E00  }
.Ltmp2:
0xe0: {  	_ = 	snop;
	(pc) =	sbr.rel @p0 .LBB2_7-.Ltmp2, $3  }
0xe1: {  	_ =	sdelay $0x1  }
0xe2: {  	v1 =	vpop (erf)  }
0xe3: {  	s12 =	sadd.s32 $0x200, s12;
	[tilespmem:s20+$0x0] =	vst v1;
	s20 =	sadd.s32 $0x10, s20  }
0xe4: {  	s13 =	sadd.s32 $0x1, s13  }
0xe5: {  	_ =	swait.ge [sflag:s10], $0xC8;
	p0 =	sne.s32 s13, $0x19  }
.Ltmp3:
0xe6: {  	s12 =	sshll.u32 s18, $0x1;
	[sflag:s10] =	ssyncset.done $0x0;
	(pc) =	sbr.rel @p0 .LBB2_4-.Ltmp3, $4  }
0xe7: {  	s12 =	sand.u32 $0x1FFFFFF0, s12;
	[sflag:s10] =	ssyncadd.s32 $0xFFFFFF38  }
0xe8: {  	[spmem:s1] =	stream.indirect.scatter.add.f32 [tilespmem:s11], [sflag:$0x7], $0x10, s25, s29, $0xb8;
	[tilespmem:$0x1D5B0] =	vst v63  }
0xe9: {  	s12 =	sadd.s32 s8, s12  }
0xea: {  	[hbm4b:s12+s2] =	stream.linear.scatter [tilespmem:s11], [sflag:$0x8], $0xC80, $0x38;
	[tilespmem:$0x1D5B0] =	vst v63  }
0xeb: {  	s12 =	simm.s32 $0x7  }
0xec: {  	_ =	swait.ge [sflag:s12], $0xC80  }
0xed: {  	[sflag:s12] =	ssyncset.done $0x0  }
0xee: {  	s20 =	simm.s32 $0x8;
	[sflag:s12] =	ssyncadd.s32 $0xFFFFF380  }
0xef: {  	_ =	swait.ge [sflag:s20], $0xC80  }
0xf0: {  	[sflag:s20] =	ssyncset.done $0x0  }
0xf1: {  	[sflag:s20] =	ssyncadd.s32 $0xFFFFF380  }
0xf2: {  	[bflag:$0x0] =	sbarrier.arrive $0xFFFF  }
0xf3: {  	s20 =	rddreg [dreg:$0x3]  }
0xf4: {  	[tilespmem:s26], [sflag:$0xF] =	stream.linear.gather [spmem:s20], $0xC80, $0x38;
	[tilespmem:$0x1D5B0] =	vst v63  }
0xf5: {  	_ =	swait.ge [sflag:s28], $0xC80  }
0xf6: {  	[sflag:s28] =	ssyncset.done $0x0  }
0xf7: {  	s13 =	rddreg [dreg:$0xb];
	[sflag:s28] =	ssyncadd.s32 $0xFFFFF380  }
0xf8: {  	[hbm4b:s13+s2] =	stream.linear.scatter [tilespmem:s26], [sflag:$0xF], $0xC80, $0x38;
	[tilespmem:$0x1D5B0] =	vst v63  }
0xf9: {  	_ =	swait.ge [sflag:s28], $0xC80  }
0xfa: {  	[sflag:s28] =	ssyncset.done $0x0  }
0xfb: {  	s30 =	rddreg [dreg:$0x4];
	[sflag:s28] =	ssyncadd.s32 $0xFFFFF380  }
0xfc: {  	[tilespmem:s26], [sflag:$0xF] =	stream.linear.gather [spmem:s30], $0xC80, $0x38;
	[tilespmem:$0x1D5B0] =	vst v63  }
0xfd: {  	_ =	swait.ge [sflag:s28], $0xC80  }
0xfe: {  	[sflag:s28] =	ssyncset.done $0x0  }
0xff: {  	s18 =	rddreg [dreg:$0xc];
	[sflag:s28] =	ssyncadd.s32 $0xFFFFF380  }
0x100: {  	[hbm4b:s18+s2] =	stream.linear.scatter [tilespmem:s26], [sflag:$0xF], $0xC80, $0x38;
	[tilespmem:$0x1D5B0] =	vst v63  }
0x101: {  	_ =	swait.ge [sflag:s28], $0xC80  }
0x102: {  	[sflag:s28] =	ssyncset.done $0x0  }
0x103: {  	s31 =	rddreg [dreg:$0x5];
	[sflag:s28] =	ssyncadd.s32 $0xFFFFF380  }
0x104: {  	[tilespmem:s26], [sflag:$0xF] =	stream.linear.gather [spmem:s31], $0xC80, $0x38;
	[tilespmem:$0x1D5B0] =	vst v63  }
0x105: {  	_ =	swait.ge [sflag:s28], $0xC80  }
0x106: {  	[sflag:s28] =	ssyncset.done $0x0  }
0x107: {  	s13 =	rddreg [dreg:$0xd];
	[sflag:s28] =	ssyncadd.s32 $0xFFFFF380  }
0x108: {  	[hbm4b:s13+s2] =	stream.linear.scatter [tilespmem:s26], [sflag:$0xF], $0xC80, $0x38;
	[tilespmem:$0x1D5B0] =	vst v63  }
0x109: {  	_ =	swait.ge [sflag:s28], $0xC80  }
0x10a: {  	[sflag:s28] =	ssyncset.done $0x0  }
0x10b: {  	s18 =	rddreg [dreg:$0x6];
	[sflag:s28] =	ssyncadd.s32 $0xFFFFF380  }
0x10c: {  	[tilespmem:s26], [sflag:$0xF] =	stream.linear.gather [spmem:s18], $0x280, $0x38;
	[tilespmem:$0x1D5B0] =	vst v63  }
0x10d: {  	_ =	swait.ge [sflag:s28], $0x280  }
0x10e: {  	[sflag:s28] =	ssyncset.done $0x0  }
0x10f: {  	s13 =	rddreg [dreg:$0xe];
	[sflag:s28] =	ssyncadd.s32 $0xFFFFFD80  }
0x110: {  	[hbm4b:s13+s2] =	stream.linear.scatter [tilespmem:s26], [sflag:$0xF], $0x280, $0x38;
	[tilespmem:$0x1D5B0] =	vst v63  }
0x111: {  	_ =	swait.ge [sflag:s28], $0x280  }
0x112: {  	s13 =	rddreg [dreg:$0x10]  }
0x113: {  	s18 =	rddreg [dreg:$0xf];
	s13 =	sadd.s32 $0x1, s13  }
0x114: {  	p0 =	sne.s32 s13, s18  }
.Ltmp4:
0x115: {  	_ = 	snop;
	(pc) =	sbr.rel @p0 .LBB2_1-.Ltmp4, $3  }
0x116: {  	_ =	sdelay $0x1  }
0x117: {  	[sflag:s28] =	ssyncset.done $0x0  }
0x118: {  	[sflag:s28] =	ssyncadd.s32 $0xFFFFFD80  }
0x119: {  	_ =	sfence.sel $0x180000  }
0x11a: {  	[bflag:$0x0] =	sbarrier.arrive $0xFFFF  }
0x11b: {  	_ =	strace $0x90000047  }
0x11c: {  	s0 =	stileid.u32;
	[bflag:$0x2] =	sbarrier.arrive $0xFFFF  }
0x11d: {  	p0 =	sne.s32 s0, $0x0;
	s0 =	rddreg [dreg:$0x2]  }
0x11e: {  	s0 =	sadd.s32 @!p0 $0x100000, s0  }
0x11f: {  	[sflag:s0] =	ssyncadd.tile.s32 @!p0 $0x1;
	_ =	shalt  }
.Lfunc_end2:
_tile_overlayer_lowered:
.L_overlay_start_2:
0x120: {  	(tag) =	ssettag $0x2  }
0x121: {  	s0 =	rddreg [dreg:$0x0];
	s2 =	stileid.u32  }
0x122: {  	s1 =	rddreg [dreg:$0x1];
	p0 =	sne.s32 s2, $0x0  }
0x123: {  	s3 =	rddreg [dreg:$0x2];
	[bflag:$0x3] =	sbarrier.arrive $0xFFFF;
	s2 =	simm.s32 @!p0 $0x1C0F  }
0x124: {  	[timem:s3], [sflag:s2] =	dma.local @!p0 [hbm:s0], s1  }
0x125: {  	s0 =	simm.s32 @!p0 $0xF  }
0x126: {  	_ =	swait.ge @!p0 [sflag:s0], s1  }
0x127: {  	s1 =	ssub.s32 @!p0 $0x0, s1;
	[sflag:s0] =	ssyncset.done @!p0 $0x0  }
0x128: {  	[sflag:s0] =	ssyncadd.s32 @!p0 s1  }
0x129: {  	[bflag:$0x3] =	sbarrier.arrive $0xFFFF  }
0x12a: {  	_ =	shalt  }

// kernel: kernel.9.cloned.1.call-start
scs
__scs_entry_jumppad:
0x0: {  	(pc) =	sbr.rel $0x88, $3  }
0x1: {  	(tag) =	ssettag $0x0;
	lr =	simm.s32 $0x1  }
0x2: {  	[smem:$0x3F97] =	sst lr;
	_ =	strace $0xD0000000  }
0x3: {  	_ = 	snop  }
0x4: {  	_ = 	snop  }
0x5: {  	_ = 	snop  }
0x6: {  	_ = 	snop  }
0x7: {  	_ = 	snop  }
__scs_overlays_trampoline_lowered:
0x8: {  	[smem:$0x3FA6] =	sst s0  }
0x9: {  	[smem:$0x3FA7] =	sst s1  }
0xa: {  	[smem:$0x3FA8] =	sst s2  }
0xb: {  	[smem:$0x3FA9] =	sst s3  }
0xc: {  	[smem:$0x3FAA] =	sst s4  }
0xd: {  	[smem:$0x3FAB] =	sst s5  }
0xe: {  	[smem:$0x3FAC] =	sst s6  }
0xf: {  	[smem:$0x3FAD] =	sst s7  }
0x10: {  	[smem:$0x3FAE] =	sst s8  }
0x11: {  	[smem:$0x3FAF] =	sst s9;
	s0 =	simm.s32 @!p0 $0x0  }
0x12: {  	s1 =	sld [smem:$0x3F95];
	s0 =	simm.s32 @p0 $0x1  }
0x13: {  	[smem:$0x3FB0] =	sst s0;
	s0 =	simm.s32 @!p1 $0x0  }
0x14: {  	s2 =	sld [smem:$0x3F94];
	s0 =	simm.s32 @p1 $0x1  }
0x15: {  	[smem:$0x3FB1] =	sst s0;
	s0 =	simm.s32 @!p2 $0x0  }
0x16: {  	s3 =	sld [smem:$0x3FDB];
	s0 =	simm.s32 @p2 $0x1  }
0x17: {  	s4 =	simm.s32 $0x1BF5;
	[smem:$0x3FB3] =	sst s0  }
0x18: {  	s0 =	sld [smem:$0x3F96];
	_ =	swait.ge [sflag:s4], $0x0  }
0x19: {  	s7 =	sld [smem:$0x3F97]  }
0x1a: {  	s8 =	sadd.s32 $0xFFFFE003, lr  }
0x1b: {  	s9 =	sadd.s32 $0xFFFFFEF7, lr;
	s5 =	simm.s32 $0xFFFFFFFF;
	p2 =	slt.u32 s8, $0xFFFFF086  }
0x1c: {  	p1 =	slt.u32 s9, $0xF7A;
	s5 =	simm.s32 @!p2 $0x0  }
0x1d: {  	s5 =	simm.s32 @p1 $0x1;
	p0 =	seq.s32 s7, s2  }
0x1e: {  	s7 =	smul.u32 @!p0 $0xF7A, s2;
	p2 =	seq.s32 @!p0 s5, $0x0  }
0x1f: {  	s9 =	smul.u32 $0xF7A, s1;
	s8 =	simm.s32 @!p0 $0x1BF5;
	p2 =	por !p2, p0  }
0x20: {  	[sflag:s8] =	ssyncset.s32 @!p0 $0xFFFFF086;
	s6 =	sadd.s32 @!p0 s3, s7;
	s7 =	simm.s32 @!p0 $0x108  }
0x21: {  	s3 =	sadd.s32 s3, s9;
	s6 =	sadd.s32 @!p0 $0x88, s6;
	s7 =	simm.s32 @p2 $0x1082  }
0x22: {  	[simem:s7], [sflag:s8] =	dma.local @!p0 [hbm:s6], $0xF7A  }
0x23: {  	s9 =	sor.u32 $0xD0000000, s2;
	s6 =	simm.s32 $0x108;
	_ =	swait.ge @!p0 [sflag:s8], $0x0  }
0x24: {  	s3 =	sadd.s32 $0x88, s3;
	s6 =	simm.s32 @!p1 $0x1082;
	[sflag:s4] =	ssyncset.s32 $0xFFFFF086  }
0x25: {  	[simem:s6], [sflag:s4] =	dma.local [hbm:s3], $0xF7A  }
0x26: {  	[smem:$0x3F97] =	sst s1;
	(tag) =	ssettag s2;
	_ =	strace s9  }
0x27: {  	s1 =	sld [smem:$0x3FA7]  }
0x28: {  	s2 =	sld [smem:$0x3FA8]  }
0x29: {  	s4 =	sld [smem:$0x3FAA]  }
0x2a: {  	p0 =	seq.s32 s5, $0x0;
	s5 =	sld [smem:$0x3FAB]  }
0x2b: {  	s6 =	sld [smem:$0x3FAC]  }
0x2c: {  	s7 =	sld [smem:$0x3FAD]  }
0x2d: {  	s3 =	simm.s32 $0x108;
	s8 =	sld [smem:$0x3FAE]  }
0x2e: {  	s3 =	simm.s32 @!p0 $0x1082;
	s9 =	sld [smem:$0x3FAF]  }
0x2f: {  	lr =	sadd.s32 s0, s3;
	s0 =	sld [smem:$0x3FA6]  }
0x30: {  	s3 =	sld [smem:$0x3FA9]  }
0x31: {  	[smem:$0x3FB2] =	sst s10  }
0x32: {  	s10 =	sld [smem:$0x3FB0];
	_ =	sdelay $0x3  }
0x33: {  	p0 =	seq.s32 s10, $0x1;
	s10 =	sld [smem:$0x3FB2];
	_ =	sdelay $0x3  }
0x34: {  	[smem:$0x3FB2] =	sst s10  }
0x35: {  	s10 =	sld [smem:$0x3FB1];
	_ =	sdelay $0x3  }
0x36: {  	p1 =	seq.s32 s10, $0x1;
	s10 =	sld [smem:$0x3FB2];
	_ =	sdelay $0x3  }
0x37: {  	[smem:$0x3FB2] =	sst s10  }
0x38: {  	s10 =	sld [smem:$0x3FB3]  }
0x39: {  	_ = 	snop;
	(pc) =	sbr.ind lr, $3  }
0x3a: {  	_ = 	snop  }
0x3b: {  	_ = 	snop  }
0x3c: {  	p2 =	seq.s32 s10, $0x1;
	s10 =	sld [smem:$0x3FB2]  }
0x3d: {  	_ =	shalt  }
0x3e: {  	_ =	shalt  }
0x3f: {  	_ =	shalt  }
0x40: {  	_ =	shalt  }
0x41: {  	_ =	shalt  }
0x42: {  	_ =	shalt  }
0x43: {  	_ =	shalt  }
0x44: {  	_ =	shalt  }
0x45: {  	_ =	shalt  }
0x46: {  	_ =	shalt  }
0x47: {  	_ =	shalt  }
0x48: {  	_ =	shalt  }
0x49: {  	_ =	shalt  }
0x4a: {  	_ =	shalt  }
0x4b: {  	_ =	shalt  }
0x4c: {  	_ =	shalt  }
0x4d: {  	_ =	shalt  }
0x4e: {  	_ =	shalt  }
0x4f: {  	_ =	shalt  }
0x50: {  	_ =	shalt  }
0x51: {  	_ =	shalt  }
0x52: {  	_ =	shalt  }
0x53: {  	_ =	shalt  }
0x54: {  	_ =	shalt  }
0x55: {  	_ =	shalt  }
0x56: {  	_ =	shalt  }
0x57: {  	_ =	shalt  }
0x58: {  	_ =	shalt  }
0x59: {  	_ =	shalt  }
0x5a: {  	_ =	shalt  }
0x5b: {  	_ =	shalt  }
0x5c: {  	_ =	shalt  }
0x5d: {  	_ =	shalt  }
0x5e: {  	_ =	shalt  }
0x5f: {  	_ =	shalt  }
0x60: {  	_ =	shalt  }
0x61: {  	_ =	shalt  }
0x62: {  	_ =	shalt  }
0x63: {  	_ =	shalt  }
0x64: {  	_ =	shalt  }
0x65: {  	_ =	shalt  }
0x66: {  	_ =	shalt  }
0x67: {  	_ =	shalt  }
0x68: {  	_ =	shalt  }
0x69: {  	_ =	shalt  }
0x6a: {  	_ =	shalt  }
0x6b: {  	_ =	shalt  }
0x6c: {  	_ =	shalt  }
0x6d: {  	_ =	shalt  }
0x6e: {  	_ =	shalt  }
0x6f: {  	_ =	shalt  }
0x70: {  	_ =	shalt  }
0x71: {  	_ =	shalt  }
0x72: {  	_ =	shalt  }
0x73: {  	_ =	shalt  }
0x74: {  	_ =	shalt  }
0x75: {  	_ =	shalt  }
0x76: {  	_ =	shalt  }
0x77: {  	_ =	shalt  }
0x78: {  	_ =	shalt  }
0x79: {  	_ =	shalt  }
0x7a: {  	_ =	shalt  }
0x7b: {  	_ =	shalt  }
0x7c: {  	_ =	shalt  }
0x7d: {  	_ =	shalt  }
0x7e: {  	_ =	shalt  }
0x7f: {  	_ =	shalt  }
0x80: {  	_ =	shalt  }
0x81: {  	_ =	shalt  }
0x82: {  	_ =	shalt  }
0x83: {  	_ =	shalt  }
0x84: {  	_ =	shalt  }
0x85: {  	_ =	shalt  }
0x86: {  	_ =	shalt  }
0x87: {  	_ =	shalt  }
.Lfunc_end0:
.L_simem_size_0:
called_computation.1_lowered:
.L_overlay_start_0:
0x88: {  	s2 =	sld [smem:$0x3FD9]  }
0x89: {  	s3 =	sld [smem:$0x3FFE];
	_ =	sdelay $0x1  }
0x8a: {  	s1 =	srdreg.scid  }
0x8b: {  	s0 =	sand.u32 $0x1, s1  }
0x8c: {  	s17 =	sshll.u32 s0, $0xA;
	s2 =	sadd.s32 s3, s2  }
0x8d: {  	s2 =	sadd.s32 s2, s17  }
0x8e: {  	[smem:$0x3FBE] =	sst s2  }
0x8f: {  	_ = 	snop  }
0x90: {  	s2 =	sld [smem:$0x3FD0];
	(tm) =	ssettm $0x1  }
0x91: {  	s18 =	sld [smem:$0x3FFB];
	_ =	sdelay $0x3  }
0x92: {  	_ =	strace s18  }
0x93: {  	s3 =	sld [smem:$0x3FFC];
	_ =	sdelay $0x3  }
0x94: {  	_ =	strace s3  }
0x95: {  	s3 =	sld [smem:$0x3FFD];
	_ =	sdelay $0x3  }
0x96: {  	_ =	strace s3  }
0x97: {  	_ =	strace $0x8FFFFFFF  }
0x98: {  	s19 =	sld [smem:$0x3FDB];
	_ =	sdelay $0x1  }
0x99: {  	s4 =	simm.s32 $_scs_section_size  }
0x9a: {  	s5 =	simm.s32 $_size__tile_overlayer_lowered;
	s6 =	simm.s32 $_tile_overlayer_lowered  }
0x9b: {  	s22 =	simm.s32 $0x1BFF;
	s21 =	sshll.u32 s6, $0x1;
	s3 =	sadd.s32 s4, s19  }
0x9c: {  	s7 =	simm.s32 $0x0;
	s20 =	sshll.u32 s5, $0x1;
	s5 =	sadd.s32 s21, s3  }
0x9d: {  	[timem:s7], [sflag:s22] =	dma.local [hbm:s5], s20  }
0x9e: {  	_ =	swait.ge [sflag:s22], s20  }
0x9f: {  	s4 =	ssub.s32 $0x0, s20;
	[sflag:s22] =	ssyncset.done $0x0  }
0xa0: {  	[sflag:s22] =	ssyncadd.s32 s4;
	_ =	sdelay $0x1  }
0xa1: {  	s23 =	simm.s32 $0x1B8B  }
0xa2: {  	_ =	swait.ge [sflag:s23], $0x1  }
0xa3: {  	[sflag:s23] =	ssyncset.done $0x0  }
0xa4: {  	s25 =	simm.s32 $0x1B8E;
	s24 =	sld [smem:$0x3FFE];
	[sflag:s23] =	ssyncadd.s32 $0xFFFFFFFF  }
0xa5: {  	s26 =	simm.s32 $execute0_lowered;
	[smem:$0x3FD2] =	sst s25  }
0xa6: {  	s5 =	sshll.u32 s26, $0x1;
	_ =	strace $0x80000049;
	[dreg:$0x1] =	wrdreg $0xFFFFFFFF  }
0xa7: {  	s28 =	simm.s32 $_size_execute0_lowered;
	s3 =	sadd.s32 s3, s5;
	[dreg:$0x0] =	wrdreg $0x0  }
0xa8: {  	s5 =	sshll.u32 s28, $0x1;
	[dreg:$0x2] =	wrdreg s3  }
0xa9: {  	[dreg:$0x3] =	wrdreg s5  }
0xaa: {  	[dreg:$0x4] =	wrdreg $0xC0  }
0xab: {  	_ =	task [dreg:s7], $0x5FFFF  }
0xac: {  	[dreg:$0x1] =	wrdreg $0xFFFFFFFF  }
0xad: {  	[dreg:$0x0] =	wrdreg $0x60  }
0xae: {  	[dreg:$0x2] =	wrdreg s2  }
0xaf: {  	[dreg:$0x3] =	wrdreg s24  }
0xb0: {  	[dreg:$0x4] =	wrdreg $0x8DE00  }
0xb1: {  	[dreg:$0x5] =	wrdreg $0xB5E00  }
0xb2: {  	[dreg:$0x6] =	wrdreg $0x9  }
0xb3: {  	_ =	task.clear_ibuf [dreg:s7], $0x7FFFF;
	_ =	strace $0x90000049  }
0xb4: {  	s29 =	simm.s32 $0x9;
	_ =	strace $0x8000004B  }
0xb5: {  	_ =	swait.ge [sflag:s29], $0x1  }
0xb6: {  	[sflag:s29] =	ssyncadd.s32 $0xFFFFFFFF  }
0xb7: {  	_ =	strace $0x9000004B  }
0xb8: {  	_ =	sfence  }
0xb9: {  	s30 =	sld [smem:$0x0];
	_ =	sdelay $0x2  }
0xba: {  	s31 =	sshll.u32 s1, $0xD;
	s1 =	sshrl.u32 s1, $0x2  }
0xbb: {  	s3 =	sand.u32 $0x4000, s31;
	s1 =	sadd.s32 s1, s30  }
0xbc: {  	s0 =	sor.u32 s3, s0;
	s1 =	sshll.u32 s1, $0x11  }
0xbd: {  	s0 =	sor.u32 s1, s0  }
0xbe: {  	s0 =	sadd.s32 $0x8F2B, s0  }
0xbf: {  	[sflag:s0] =	ssyncadd.remote.s32 $0x1  }
0xc0: {  	_ =	sfence.sel $0xFFFF  }
0xc1: {  	[dreg:$0x0] =	wrdreg $0xFFFFFFFF;
	(pc) =	sbr.abs _section_cstart, $3  }
0xc2: {  	[dreg:$0x1] =	wrdreg $0xFFFFFFFF  }
0xc3: {  	_ =	task.clear_ibuf [dreg:s7], $0x2FFFF;
	_ =	strace $0x9FFFFFFF  }
0xc4: {  	(tm) =	ssettm $0x7FFFFFFF  }
0xc5: {  	_ =	shalt  }
tec
execute0_lowered:
.L_overlay_start_1:
0x0: {  	(tag) =	ssettag $0x1  }
0x1: {  	s21 =	rddreg [dreg:$0x0]  }
0x2: {  	s2 =	rddreg [dreg:$0x1]  }
0x3: {  	s25 =	rddreg [dreg:$0x2]  }
0x4: {  	s26 =	rddreg [dreg:$0x3];
	s0 =	srdreg.scid  }
0x5: {  	s5 =	simm.s32 $0x0;
	s22 =	stileid.u32;
	s15 =	simm.s32 $0x16200  }
0x6: {  	s30 =	simm.s32 $0x1;
	s31 =	simm.s32 $0x2;
	s28 =	simm.s32 $0x5  }
0x7: {  	s29 =	simm.s32 $0x6;
	s3 =	sand.u32 $0x1, s0;
	s4 =	smul.u32 $0x280, s22  }
0x8: {  	[smem:$0x7FF] =	sst s5;
	s6 =	sshll.u32 s22, $0x1;
	s9 =	smul.u32 $0x14000, s22  }
0x9: {  	s0 =	ssub.s32 $0x2, s3;
	_ =	strace $0x8000004A;
	p0 =	seq.s32 s3, $0x0  }
0xa: {  	s1 =	sshrl.u32 s0, $0x1;
	s7 =	sadd.s32 $0xA0, s4;
	s8 =	sadd.s32 $0xF0, s4  }
0xb: {  	s10 =	sadd.s32 $0x140, s4;
	s11 =	sadd.s32 $0x190, s4;
	s12 =	sadd.s32 $0x1E0, s4  }
0xc: {  	s24 =	sshrl.u32 s9, $0x3;
	s15 =	simm.s32 @!p0 $0x10AA00;
	s0 =	ssub.s32 s0, s1  }
0xd: {  	s1 =	sor.u32 s3, s6;
	s6 =	sor.u32 $0x50, s4;
	s4 =	sadd.s32 $0x230, s4  }
0xe: {  	s14 =	sshll.u32 s7, $0x4;
	s16 =	sshll.u32 s8, $0x4;
	s17 =	sshll.u32 s10, $0x4  }
0xf: {  	s18 =	sshll.u32 s11, $0x4;
	s19 =	sshll.u32 s12, $0x4;
	s15 =	sadd.s32 s15, s2  }
0x10: {  	s13 =	sshll.u32 s6, $0x4;
	s20 =	sshll.u32 s4, $0x4;
	s3 =	sadd.s32 s15, s24  }
0x11: {  	s14 =	sadd.s32 s15, s14;
	s16 =	sadd.s32 s15, s16;
	[dreg:$0x5] =	wrdreg s3  }
0x12: {  	s17 =	sadd.s32 s15, s17;
	s18 =	sadd.s32 s15, s18;
	[dreg:$0x7] =	wrdreg s14  }
0x13: {  	s19 =	sadd.s32 s15, s19;
	s23 =	sshll.u32 s6, $0x1;
	[dreg:$0x8] =	wrdreg s16  }
0x14: {  	s24 =	sshll.u32 s7, $0x1;
	s0 =	smax.u32 s0, $0x1;
	[dreg:$0x9] =	wrdreg s17  }
0x15: {  	s13 =	sadd.s32 s15, s13;
	s17 =	smov.u32 s21;
	[dreg:$0xa] =	wrdreg s18  }
0x16: {  	[dreg:$0xb] =	wrdreg s19;
	s21 =	sadd.s32 s15, s20;
	s3 =	sadd.s32 $0x105A00, s2  }
0x17: {  	s15 =	sshll.u32 s8, $0x1;
	s16 =	sshll.u32 s10, $0x1;
	[smem:$0x7F9] =	sst s0  }
0x18: {  	s18 =	sshll.u32 s11, $0x1;
	s0 =	simm.s32 $0x3;
	[dreg:$0x6] =	wrdreg s13  }
0x19: {  	[dreg:$0xc] =	wrdreg s21;
	s13 =	sadd.s32 s3, s23;
	s14 =	sadd.s32 s3, s24  }
0x1a: {  	s19 =	sadd.s32 s3, s16;
	s20 =	sadd.s32 s3, s18;
	[dreg:$0xd] =	wrdreg s13  }
0x1b: {  	s23 =	sshll.u32 s4, $0x1;
	s18 =	sshll.u32 s6, $0x7;
	[dreg:$0xe] =	wrdreg s14  }
0x1c: {  	s13 =	smul.u32 $0x2800, s22;
	s14 =	sadd.s32 s3, s15;
	[dreg:$0x10] =	wrdreg s19  }
0x1d: {  	[dreg:$0x11] =	wrdreg s20;
	s22 =	sshll.u32 s12, $0x1;
	s24 =	sadd.s32 s3, s23  }
0x1e: {  	s23 =	sadd.s32 $0x2600, s2;
	s20 =	sshll.u32 s7, $0x7;
	[dreg:$0xf] =	wrdreg s14  }
0x1f: {  	s15 =	sadd.s32 s3, s22;
	[dreg:$0x13] =	wrdreg s24;
	s22 =	sadd.s32 $0xC400, s2  }
0x20: {  	s24 =	sadd.s32 $0x64600, s2;
	s7 =	sadd.s32 s20, s26;
	s21 =	sshrl.u32 s13, $0x3  }
0x21: {  	[dreg:$0x12] =	wrdreg s15;
	s19 =	sadd.s32 s13, s25;
	s25 =	sshll.u32 s10, $0x7  }
0x22: {  	s10 =	smul.u32 $0x2710, s1;
	s13 =	sshll.u32 s4, $0x7;
	[dreg:$0x19] =	wrdreg s7  }
0x23: {  	s1 =	smul.u32 $0x4E20, s1;
	s3 =	sadd.s32 s3, s21;
	[dreg:$0x16] =	wrdreg s19  }
0x24: {  	s15 =	sadd.s32 s21, s2;
	s6 =	sadd.s32 s25, s26;
	[dreg:$0x14] =	wrdreg s3  }
0x25: {  	s19 =	sadd.s32 s18, s26;
	s21 =	sshll.u32 s8, $0x7;
	[dreg:$0x1b] =	wrdreg s6  }
0x26: {  	s8 =	sshll.u32 s11, $0x7;
	s4 =	sadd.s32 s13, s26;
	[dreg:$0x1c] =	wrdreg s10  }
0x27: {  	s13 =	simm.s32 $0x7;
	s16 =	sadd.s32 $0x100A00, s15;
	[dreg:$0x18] =	wrdreg s19  }
0x28: {  	s3 =	sadd.s32 s21, s26;
	s11 =	sadd.s32 s8, s26;
	[dreg:$0x1f] =	wrdreg s4  }
0x29: {  	s14 =	sshrl.u32 s10, $0x3;
	s1 =	sadd.s32 s24, s1;
	[dreg:$0x15] =	wrdreg s16  }
0x2a: {  	s21 =	sadd.s32 $0xA0, s10;
	s25 =	sadd.s32 $0xF0, s10;
	[dreg:$0x1a] =	wrdreg s3  }
0x2b: {  	s6 =	simm.s32 $0xB;
	s8 =	simm.s32 $0x4;
	[smem:$0x7F8] =	sst s1  }
0x2c: {  	s16 =	sadd.s32 s9, s26;
	s9 =	sshll.u32 s12, $0x7;
	[smem:$0x7FA] =	sst s21  }
0x2d: {  	s15 =	sadd.s32 s22, s14;
	s2 =	sadd.s32 s23, s14;
	[smem:$0x7FB] =	sst s25  }
0x2e: {  	s25 =	simm.s32 $0xA0;
	s14 =	simm.s32 $0x32A0;
	[dreg:$0x1d] =	wrdreg s11  }
0x2f: {  	s21 =	simm.s32 $0xE;
	s12 =	sadd.s32 s9, s26;
	[smem:$0x7F5] =	sst s15  }
0x30: {  	s9 =	sadd.s32 $0x50, s10;
	[smem:$0x7FC] =	sst s2;
	s26 =	sadd.s32 $0x4D8, s2  }
0x31: {  	s10 =	simm.s32 $0x9;
	s15 =	simm.s32 $0xC;
	[dreg:$0x17] =	wrdreg s16  }
0x32: {  	s2 =	simm.s32 $0x0;
	[dreg:$0x1e] =	wrdreg s12;
	s18 =	sshrl.u32 s9, $0x3  }
0x33: {  	[smem:$0x7FD] =	sst s26;
	s26 =	simm.s32 $0x50;
	s20 =	sadd.s32 s22, s18  }
0x34: {  	s12 =	simm.s32 $0xA;
	s3 =	sadd.s32 s23, s18;
	[smem:$0x7F6] =	sst s20  }
0x35: {  	v0 =	vimm.f32 $0.0e+00;
	s18 =	simm.s32 $0xD;
	[smem:$0x7F7] =	sst s3;
	s20 =	simm.s32 $0xF  }
.LBB2_1:
0x36: {  	[smem:$0x7F4] =	sst s2  }
0x37: {  	s1 =	rddreg [dreg:$0x15];
	s3 =	simm.s32 $0x65E0  }
0x38: {  	[tilespmem:s3], [sflag:$0xF] =	stream.linear.gather [hbm4b:s1+s5], $0x2800, $0x38;
	[tilespmem:$0x1F5E0] =	vst v63  }
0x39: {  	_ =	swait.ge [sflag:s20], $0x2800  }
0x3a: {  	[sflag:s20] =	ssyncset.done $0x0  }
0x3b: {  	s3 =	simm.s32 $0x28A0;
	s2 =	rddreg [dreg:$0x14];
	[sflag:s20] =	ssyncadd.s32 $0xFFFFD800  }
0x3c: {  	[tilespmem:s3], [sflag:$0xF] =	stream.linear.gather [hbm4b:s2+s5], $0x500, $0x38;
	[tilespmem:$0x1F5E0] =	vst v63  }
0x3d: {  	_ =	swait.ge [sflag:s20], $0x500  }
0x3e: {  	[sflag:s20] =	ssyncset.done $0x0  }
0x3f: {  	s1 =	simm.s32 $0x0;
	[sflag:s20] =	ssyncadd.s32 $0xFFFFFB00  }
0x40: {  	s2 =	simm.s32 $0x40;
	v1 =	vld [tilespmem:s1+$0x28A0]  }
.LBB2_2:
0x41: {  	p0 =	sne.s32 s2, $0x13C0;
	v2 =	vld [tilespmem:s1+$0x65E0];
	_ =	sdelay $0x2  }
.Ltmp0:
0x42: {  	(pc) =	sbr.rel @p0 .LBB2_2-.Ltmp0, $4  }
0x43: {  	_ = 	snop  }
0x44: {  	v2 =	vadd.f32 v1, v2  }
0x45: {  	s3 =	sshra.s32 s2, $0x2  }
0x46: {  	s2 =	sadd.s32 $0x40, s2;
	v1 =	vld [tilespmem:s3+$0x28A0];
	[tilespmem:s1+$0x65E0] =	vst v2;
	s1 =	smov.u32 s3  }
0x47: {  	v2 =	vld [tilespmem:s1+$0x65E0];
	_ =	sdelay $0x4  }
0x48: {  	v1 =	vadd.f32 v1, v2;
	_ =	sdelay $0x1  }
0x49: {  	s2 =	rddreg [dreg:$0xd];
	s3 =	simm.s32 $0x28A0;
	[tilespmem:s1+$0x65E0] =	vst v1;
	s1 =	simm.s32 $0x0  }
0x4a: {  	[tilespmem:s3], [sflag:$0xF] =	stream.linear.gather [hbm4b:s2+s1], $0x500, $0x38;
	[tilespmem:$0x1F5E0] =	vst v63  }
0x4b: {  	_ =	swait.ge [sflag:s20], $0x500  }
0x4c: {  	[sflag:s20] =	ssyncset.done $0x0  }
0x4d: {  	s1 =	simm.s32 $0x0;
	[sflag:s20] =	ssyncadd.s32 $0xFFFFFB00  }
0x4e: {  	s2 =	simm.s32 $0x40;
	v1 =	vld [tilespmem:s1+$0x28A0]  }
.LBB2_4:
0x4f: {  	p0 =	sne.s32 s2, $0x13C0;
	v2 =	vld [tilespmem:s1+$0x6AE0];
	_ =	sdelay $0x2  }
.Ltmp1:
0x50: {  	(pc) =	sbr.rel @p0 .LBB2_4-.Ltmp1, $4  }
0x51: {  	_ = 	snop  }
0x52: {  	v2 =	vadd.f32 v1, v2  }
0x53: {  	s3 =	sshra.s32 s2, $0x2  }
0x54: {  	s2 =	sadd.s32 $0x40, s2;
	v1 =	vld [tilespmem:s3+$0x28A0];
	[tilespmem:s1+$0x6AE0] =	vst v2;
	s1 =	smov.u32 s3  }
0x55: {  	v2 =	vld [tilespmem:s1+$0x6AE0];
	_ =	sdelay $0x4  }
0x56: {  	v1 =	vadd.f32 v1, v2;
	_ =	sdelay $0x1  }
0x57: {  	s2 =	rddreg [dreg:$0xe];
	s3 =	simm.s32 $0x28A0;
	[tilespmem:s1+$0x6AE0] =	vst v1;
	s1 =	simm.s32 $0x0  }
0x58: {  	[tilespmem:s3], [sflag:$0xF] =	stream.linear.gather [hbm4b:s2+s1], $0x500, $0x38;
	[tilespmem:$0x1F5E0] =	vst v63  }
0x59: {  	_ =	swait.ge [sflag:s20], $0x500  }
0x5a: {  	[sflag:s20] =	ssyncset.done $0x0  }
0x5b: {  	s1 =	simm.s32 $0x0;
	[sflag:s20] =	ssyncadd.s32 $0xFFFFFB00  }
0x5c: {  	s2 =	simm.s32 $0x40;
	v1 =	vld [tilespmem:s1+$0x28A0]  }
.LBB2_6:
0x5d: {  	p0 =	sne.s32 s2, $0x13C0;
	v2 =	vld [tilespmem:s1+$0x6FE0];
	_ =	sdelay $0x2  }
.Ltmp2:
0x5e: {  	(pc) =	sbr.rel @p0 .LBB2_6-.Ltmp2, $4  }
0x5f: {  	_ = 	snop  }
0x60: {  	v2 =	vadd.f32 v1, v2  }
0x61: {  	s3 =	sshra.s32 s2, $0x2  }
0x62: {  	s2 =	sadd.s32 $0x40, s2;
	v1 =	vld [tilespmem:s3+$0x28A0];
	[tilespmem:s1+$0x6FE0] =	vst v2;
	s1 =	smov.u32 s3  }
0x63: {  	v2 =	vld [tilespmem:s1+$0x6FE0];
	_ =	sdelay $0x4  }
0x64: {  	v1 =	vadd.f32 v1, v2;
	_ =	sdelay $0x1  }
0x65: {  	s2 =	rddreg [dreg:$0xf];
	s3 =	simm.s32 $0x28A0;
	[tilespmem:s1+$0x6FE0] =	vst v1;
	s1 =	simm.s32 $0x0  }
0x66: {  	[tilespmem:s3], [sflag:$0xF] =	stream.linear.gather [hbm4b:s2+s1], $0x500, $0x38;
	[tilespmem:$0x1F5E0] =	vst v63  }
0x67: {  	_ =	swait.ge [sflag:s20], $0x500  }
0x68: {  	[sflag:s20] =	ssyncset.done $0x0  }
0x69: {  	s1 =	simm.s32 $0x0;
	[sflag:s20] =	ssyncadd.s32 $0xFFFFFB00  }
0x6a: {  	s2 =	simm.s32 $0x40;
	v1 =	vld [tilespmem:s1+$0x28A0]  }
.LBB2_8:
0x6b: {  	p0 =	sne.s32 s2, $0x13C0;
	v2 =	vld [tilespmem:s1+$0x74E0];
	_ =	sdelay $0x2  }
.Ltmp3:
0x6c: {  	(pc) =	sbr.rel @p0 .LBB2_8-.Ltmp3, $4  }
0x6d: {  	_ = 	snop  }
0x6e: {  	v2 =	vadd.f32 v1, v2  }
0x6f: {  	s3 =	sshra.s32 s2, $0x2  }
0x70: {  	s2 =	sadd.s32 $0x40, s2;
	v1 =	vld [tilespmem:s3+$0x28A0];
	[tilespmem:s1+$0x74E0] =	vst v2;
	s1 =	smov.u32 s3  }
0x71: {  	v2 =	vld [tilespmem:s1+$0x74E0];
	_ =	sdelay $0x4  }
0x72: {  	v1 =	vadd.f32 v1, v2;
	_ =	sdelay $0x1  }
0x73: {  	s2 =	rddreg [dreg:$0x10];
	s3 =	simm.s32 $0x28A0;
	[tilespmem:s1+$0x74E0] =	vst v1;
	s1 =	simm.s32 $0x0  }
0x74: {  	[tilespmem:s3], [sflag:$0xF] =	stream.linear.gather [hbm4b:s2+s1], $0x500, $0x38;
	[tilespmem:$0x1F5E0] =	vst v63  }
0x75: {  	_ =	swait.ge [sflag:s20], $0x500  }
0x76: {  	[sflag:s20] =	ssyncset.done $0x0  }
0x77: {  	s1 =	simm.s32 $0x0;
	[sflag:s20] =	ssyncadd.s32 $0xFFFFFB00  }
0x78: {  	s2 =	simm.s32 $0x40;
	v1 =	vld [tilespmem:s1+$0x28A0]  }
.LBB2_10:
0x79: {  	p0 =	sne.s32 s2, $0x13C0;
	v2 =	vld [tilespmem:s1+$0x79E0];
	_ =	sdelay $0x2  }
.Ltmp4:
0x7a: {  	(pc) =	sbr.rel @p0 .LBB2_10-.Ltmp4, $4  }
0x7b: {  	_ = 	snop  }
0x7c: {  	v2 =	vadd.f32 v1, v2  }
0x7d: {  	s3 =	sshra.s32 s2, $0x2  }
0x7e: {  	s2 =	sadd.s32 $0x40, s2;
	v1 =	vld [tilespmem:s3+$0x28A0];
	[tilespmem:s1+$0x79E0] =	vst v2;
	s1 =	smov.u32 s3  }
0x7f: {  	v2 =	vld [tilespmem:s1+$0x79E0];
	_ =	sdelay $0x4  }
0x80: {  	v1 =	vadd.f32 v1, v2;
	_ =	sdelay $0x1  }
0x81: {  	s2 =	rddreg [dreg:$0x11];
	s3 =	simm.s32 $0x28A0;
	[tilespmem:s1+$0x79E0] =	vst v1;
	s1 =	simm.s32 $0x0  }
0x82: {  	[tilespmem:s3], [sflag:$0xF] =	stream.linear.gather [hbm4b:s2+s1], $0x500, $0x38;
	[tilespmem:$0x1F5E0] =	vst v63  }
0x83: {  	_ =	swait.ge [sflag:s20], $0x500  }
0x84: {  	[sflag:s20] =	ssyncset.done $0x0  }
0x85: {  	s1 =	simm.s32 $0x0;
	[sflag:s20] =	ssyncadd.s32 $0xFFFFFB00  }
0x86: {  	s2 =	simm.s32 $0x40;
	v1 =	vld [tilespmem:s1+$0x28A0]  }
.LBB2_12:
0x87: {  	p0 =	sne.s32 s2, $0x13C0;
	v2 =	vld [tilespmem:s1+$0x7EE0];
	_ =	sdelay $0x2  }
.Ltmp5:
0x88: {  	(pc) =	sbr.rel @p0 .LBB2_12-.Ltmp5, $4  }
0x89: {  	_ = 	snop  }
0x8a: {  	v2 =	vadd.f32 v1, v2  }
0x8b: {  	s3 =	sshra.s32 s2, $0x2  }
0x8c: {  	s2 =	sadd.s32 $0x40, s2;
	v1 =	vld [tilespmem:s3+$0x28A0];
	[tilespmem:s1+$0x7EE0] =	vst v2;
	s1 =	smov.u32 s3  }
0x8d: {  	v2 =	vld [tilespmem:s1+$0x7EE0];
	_ =	sdelay $0x4  }
0x8e: {  	v1 =	vadd.f32 v1, v2;
	_ =	sdelay $0x1  }
0x8f: {  	s2 =	rddreg [dreg:$0x12];
	s3 =	simm.s32 $0x28A0;
	[tilespmem:s1+$0x7EE0] =	vst v1;
	s1 =	simm.s32 $0x0  }
0x90: {  	[tilespmem:s3], [sflag:$0xF] =	stream.linear.gather [hbm4b:s2+s1], $0x500, $0x38;
	[tilespmem:$0x1F5E0] =	vst v63  }
0x91: {  	_ =	swait.ge [sflag:s20], $0x500  }
0x92: {  	[sflag:s20] =	ssyncset.done $0x0  }
0x93: {  	s1 =	simm.s32 $0x0;
	[sflag:s20] =	ssyncadd.s32 $0xFFFFFB00  }
0x94: {  	s2 =	simm.s32 $0x40;
	v1 =	vld [tilespmem:s1+$0x28A0]  }
.LBB2_14:
0x95: {  	p0 =	sne.s32 s2, $0x13C0;
	v2 =	vld [tilespmem:s1+$0x83E0];
	_ =	sdelay $0x2  }
.Ltmp6:
0x96: {  	(pc) =	sbr.rel @p0 .LBB2_14-.Ltmp6, $4  }
0x97: {  	_ = 	snop  }
0x98: {  	v2 =	vadd.f32 v1, v2  }
0x99: {  	s3 =	sshra.s32 s2, $0x2  }
0x9a: {  	s2 =	sadd.s32 $0x40, s2;
	v1 =	vld [tilespmem:s3+$0x28A0];
	[tilespmem:s1+$0x83E0] =	vst v2;
	s1 =	smov.u32 s3  }
0x9b: {  	v2 =	vld [tilespmem:s1+$0x83E0];
	_ =	sdelay $0x4  }
0x9c: {  	v1 =	vadd.f32 v1, v2;
	_ =	sdelay $0x1  }
0x9d: {  	s2 =	rddreg [dreg:$0x13];
	s3 =	simm.s32 $0x28A0;
	[tilespmem:s1+$0x83E0] =	vst v1;
	s1 =	simm.s32 $0x0  }
0x9e: {  	[tilespmem:s3], [sflag:$0xF] =	stream.linear.gather [hbm4b:s2+s1], $0x500, $0x38;
	[tilespmem:$0x1F5E0] =	vst v63  }
0x9f: {  	_ =	swait.ge [sflag:s20], $0x500  }
0xa0: {  	[sflag:s20] =	ssyncset.done $0x0  }
0xa1: {  	s1 =	simm.s32 $0x0;
	[sflag:s20] =	ssyncadd.s32 $0xFFFFFB00  }
0xa2: {  	s2 =	simm.s32 $0x40;
	v1 =	vld [tilespmem:s1+$0x28A0]  }
.LBB2_16:
0xa3: {  	p0 =	sne.s32 s2, $0x13C0;
	v2 =	vld [tilespmem:s1+$0x88E0];
	_ =	sdelay $0x2  }
.Ltmp7:
0xa4: {  	(pc) =	sbr.rel @p0 .LBB2_16-.Ltmp7, $4  }
0xa5: {  	_ = 	snop  }
0xa6: {  	v2 =	vadd.f32 v1, v2  }
0xa7: {  	s3 =	sshra.s32 s2, $0x2  }
0xa8: {  	s2 =	sadd.s32 $0x40, s2;
	v1 =	vld [tilespmem:s3+$0x28A0];
	[tilespmem:s1+$0x88E0] =	vst v2;
	s1 =	smov.u32 s3  }
0xa9: {  	v2 =	vld [tilespmem:s1+$0x88E0];
	_ =	sdelay $0x4  }
0xaa: {  	v1 =	vadd.f32 v1, v2;
	_ =	sdelay $0x1  }
0xab: {  	s3 =	rddreg [dreg:$0x16];
	s2 =	simm.s32 $0x65E0;
	[tilespmem:s1+$0x88E0] =	vst v1  }
0xac: {  	[spmem:s3] =	stream.linear.scatter [tilespmem:s2], [sflag:$0xF], $0x2800, $0x38;
	[tilespmem:$0x1F5E0] =	vst v63  }
0xad: {  	_ =	swait.ge [sflag:s20], $0x2800  }
0xae: {  	[sflag:s20] =	ssyncset.done $0x0  }
0xaf: {  	s1 =	simm.s32 $0x0;
	s2 =	simm.s32 $0x200;
	[sflag:s20] =	ssyncadd.s32 $0xFFFFD800  }
.LBB2_18:
0xb0: {  	p0 =	sne.s32 s2, $0x9E00;
	[tilespmem:s1+$0x110] =	vst v0  }
0xb1: {  	[tilespmem:s1+$0xA0] =	vst v0  }
0xb2: {  	[tilespmem:s1+$0xB0] =	vst v0  }
.Ltmp8:
0xb3: {  	[tilespmem:s1+$0xC0] =	vst v0;
	(pc) =	sbr.rel @p0 .LBB2_18-.Ltmp8, $4  }
0xb4: {  	[tilespmem:s1+$0xD0] =	vst v0  }
0xb5: {  	[tilespmem:s1+$0xE0] =	vst v0  }
0xb6: {  	[tilespmem:s1+$0xF0] =	vst v0  }
0xb7: {  	[tilespmem:s1+$0x100] =	vst v0;
	s1 =	sshra.s32 s2, $0x2;
	s2 =	sadd.s32 $0x200, s2  }
0xb8: {  	[tilespmem:s1+$0x110] =	vst v0  }
0xb9: {  	[tilespmem:s1+$0xA0] =	vst v0  }
0xba: {  	[tilespmem:s1+$0xB0] =	vst v0  }
0xbb: {  	[tilespmem:s1+$0xC0] =	vst v0  }
0xbc: {  	[tilespmem:s1+$0xD0] =	vst v0  }
0xbd: {  	[tilespmem:s1+$0xE0] =	vst v0  }
0xbe: {  	[tilespmem:s1+$0xF0] =	vst v0  }
0xbf: {  	[tilespmem:s1+$0x100] =	vst v0  }
0xc0: {  	[spmem:s16] =	stream.linear.scatter [tilespmem:s25], [sflag:$0xF], $0x2800, $0x38;
	[tilespmem:$0x1F5E0] =	vst v63  }
0xc1: {  	_ =	swait.ge [sflag:s20], $0x2800  }
0xc2: {  	[sflag:s20] =	ssyncset.done $0x0  }
0xc3: {  	[sflag:s20] =	ssyncadd.s32 $0xFFFFD800  }
0xc4: {  	[spmem:s19] =	stream.linear.scatter [tilespmem:s25], [sflag:$0xF], $0x2800, $0x38;
	[tilespmem:$0x1F5E0] =	vst v63  }
0xc5: {  	_ =	swait.ge [sflag:s20], $0x2800  }
0xc6: {  	[sflag:s20] =	ssyncset.done $0x0  }
0xc7: {  	[sflag:s20] =	ssyncadd.s32 $0xFFFFD800  }
0xc8: {  	[spmem:s7] =	stream.linear.scatter [tilespmem:s25], [sflag:$0xF], $0x2800, $0x38;
	[tilespmem:$0x1F5E0] =	vst v63  }
0xc9: {  	_ =	swait.ge [sflag:s20], $0x2800  }
0xca: {  	[sflag:s20] =	ssyncset.done $0x0  }
0xcb: {  	s16 =	rddreg [dreg:$0x1a];
	[sflag:s20] =	ssyncadd.s32 $0xFFFFD800  }
0xcc: {  	[spmem:s16] =	stream.linear.scatter [tilespmem:s25], [sflag:$0xF], $0x2800, $0x38;
	[tilespmem:$0x1F5E0] =	vst v63  }
0xcd: {  	_ =	swait.ge [sflag:s20], $0x2800  }
0xce: {  	[sflag:s20] =	ssyncset.done $0x0  }
0xcf: {  	s19 =	rddreg [dreg:$0x1b];
	[sflag:s20] =	ssyncadd.s32 $0xFFFFD800  }
0xd0: {  	[spmem:s19] =	stream.linear.scatter [tilespmem:s25], [sflag:$0xF], $0x2800, $0x38;
	[tilespmem:$0x1F5E0] =	vst v63  }
0xd1: {  	_ =	swait.ge [sflag:s20], $0x2800  }
0xd2: {  	[sflag:s20] =	ssyncset.done $0x0  }
0xd3: {  	[sflag:s20] =	ssyncadd.s32 $0xFFFFD800  }
0xd4: {  	[spmem:s11] =	stream.linear.scatter [tilespmem:s25], [sflag:$0xF], $0x2800, $0x38;
	[tilespmem:$0x1F5E0] =	vst v63  }
0xd5: {  	_ =	swait.ge [sflag:s20], $0x2800  }
0xd6: {  	[sflag:s20] =	ssyncset.done $0x0  }
0xd7: {  	s2 =	rddreg [dreg:$0x1e];
	[sflag:s20] =	ssyncadd.s32 $0xFFFFD800  }
0xd8: {  	[spmem:s2] =	stream.linear.scatter [tilespmem:s25], [sflag:$0xF], $0x2800, $0x38;
	[tilespmem:$0x1F5E0] =	vst v63  }
0xd9: {  	_ =	swait.ge [sflag:s20], $0x2800  }
0xda: {  	[sflag:s20] =	ssyncset.done $0x0  }
0xdb: {  	[sflag:s20] =	ssyncadd.s32 $0xFFFFD800  }
0xdc: {  	[spmem:s4] =	stream.linear.scatter [tilespmem:s25], [sflag:$0xF], $0x2800, $0x38;
	[tilespmem:$0x1F5E0] =	vst v63  }
0xdd: {  	_ =	swait.ge [sflag:s20], $0x2800  }
0xde: {  	[sflag:s20] =	ssyncset.done $0x0  }
0xdf: {  	[sflag:s20] =	ssyncadd.s32 $0xFFFFD800  }
0xe0: {  	[bflag:$0x0] =	sbarrier.arrive $0xFFFF  }
0xe1: {  	s2 =	sld [smem:$0x7F5];
	_ =	sdelay $0x1  }
0xe2: {  	s1 =	simm.s32 $0x0;
	s3 =	sld [smem:$0x7FC]  }
0xe3: {  	[tilespmem:s1], [sflag:$0x9] =	stream.linear.gather [hbm4b:s2+s1], $0x50, $0x38;
	[tilespmem:$0x1F5E0] =	vst v63  }
0xe4: {  	s4 =	sld [smem:$0x7F6]  }
0xe5: {  	[tilespmem:s26], [sflag:$0xA] =	stream.linear.gather [hbm4b:s3+s1], $0x50, $0x38;
	[tilespmem:$0x1F5E0] =	vst v63  }
0xe6: {  	s7 =	sld [smem:$0x7F7]  }
0xe7: {  	[tilespmem:s14], [sflag:$0xC] =	stream.linear.gather [hbm4b:s4+s1], $0x50, $0x38;
	[tilespmem:$0x1F5E0] =	vst v63  }
0xe8: {  	s3 =	simm.s32 $0x32F0  }
0xe9: {  	[tilespmem:s3], [sflag:$0xD] =	stream.linear.gather [hbm4b:s7+s1], $0x50, $0x38;
	[tilespmem:$0x1F5E0] =	vst v63  }
0xea: {  	_ =	swait.ge [sflag:s10], $0x50  }
0xeb: {  	[sflag:s10] =	ssyncset.done $0x0  }
0xec: {  	[sflag:s10] =	ssyncadd.s32 $0xFFFFFFB0  }
0xed: {  	_ =	swait.ge [sflag:s12], $0x50  }
0xee: {  	[sflag:s12] =	ssyncset.done $0x0  }
0xef: {  	s16 =	sld [smem:$0x7F8];
	[sflag:s12] =	ssyncadd.s32 $0xFFFFFFB0  }
0xf0: {  	[tilespmem:s25], [sflag:$0x1] =	stream.indirect.gather [hbm4b:s17+s26], $0x80, s1, s26, $0xb8;
	[tilespmem:$0x1F5E0] =	vst v63  }
0xf1: {  	s14 =	simm.s32 $0x2DA0;
	s11 =	rddreg [dreg:$0x2]  }
0xf2: {  	[tilespmem:s14], [sflag:$0x2] =	stream.indirect.gather [spmem:s11], $0x10, s1, s26, $0xb8;
	[tilespmem:$0x1F5E0] =	vst v63  }
0xf3: {  	s19 =	simm.s32 $0x28A0  }
0xf4: {  	[tilespmem:s19], [sflag:$0x3] =	stream.linear.gather [hbm4b:s16+s1], $0x500, $0x38;
	[tilespmem:$0x1F5E0] =	vst v63  }
0xf5: {  	s2 =	simm.s32 $0x0;
	s16 =	simm.s32 $0x3340  }
.LBB2_20:
0xf6: {  	s4 =	smul.u32 $0xA0, s2  }
0xf7: {  	s3 =	rddreg [dreg:$0x1c]  }
0xf8: {  	s3 =	sadd.s32 s3, s4  }
0xf9: {  	s3 =	sshrl.u32 s3, $0x3  }
0xfa: {  	s7 =	simm.s32 $0x6540;
	p0 =	seq.s32 s2, $0x0;
	s3 =	sadd.s32 s23, s3  }
0xfb: {  	[tilespmem:s7], [sflag:$0xB] =	stream.linear.gather [hbm4b:s3+s5], $0x50, $0x38;
	[tilespmem:$0x1F5E0] =	vst v63  }
0xfc: {  	s3 =	simm.s32 @!p0 $0x8  }
0xfd: {  	_ =	swait.ge @!p0 [sflag:s3], $0x2800  }
0xfe: {  	[sflag:s3] =	ssyncset.done @!p0 $0x0  }
0xff: {  	[sflag:s3] =	ssyncadd.s32 @!p0 $0xFFFFD800  }
0x100: {  	_ =	swait.ge [sflag:s15], $0x50  }
0x101: {  	[sflag:s15] =	ssyncset.done $0x0  }
0x102: {  	[sflag:s15] =	ssyncadd.s32 $0xFFFFFFB0  }
0x103: {  	_ =	swait.ge [sflag:s18], $0x50  }
0x104: {  	s19 =	smov.u32 s17;
	[sflag:s18] =	ssyncset.done $0x0  }
0x105: {  	s11 =	simm.s32 $0x32A0;
	s3 =	sadd.s32 @!p0 s9, s4;
	[sflag:s18] =	ssyncadd.s32 $0xFFFFFFB0  }
0x106: {  	[tilespmem:s16], [sflag:$0x5] =	stream.indirect.gather [hbm4b:s17+s26], $0x80, s11, s26, $0xb8;
	[tilespmem:$0x1F5E0] =	vst v63  }
0x107: {  	s3 =	smov.u32 @p0 s9;
	s16 =	rddreg [dreg:$0x2];
	s17 =	simm.s32 $0x6040  }
0x108: {  	[tilespmem:s17], [sflag:$0x6] =	stream.indirect.gather [spmem:s16], $0x10, s11, s26, $0xb8;
	[tilespmem:$0x1F5E0] =	vst v63  }
0x109: {  	s16 =	sshll.u32 s3, $0x1  }
0x10a: {  	s7 =	sand.u32 $0x1FFFFFE0, s16  }
0x10b: {  	s17 =	simm.s32 $0x5B40;
	s7 =	sadd.s32 s24, s7  }
0x10c: {  	[tilespmem:s17], [sflag:$0x7] =	stream.linear.gather [hbm4b:s7+s1], $0x500, $0x38;
	[tilespmem:$0x1F5E0] =	vst v63  }
0x10d: {  	_ =	swait.ge [sflag:s30], $0x2800  }
0x10e: {  	[sflag:s30] =	ssyncset.done $0x0  }
0x10f: {  	[sflag:s30] =	ssyncadd.s32 $0xFFFFD800  }
0x110: {  	_ =	swait.ge [sflag:s31], $0x500  }
0x111: {  	[sflag:s31] =	ssyncset.done $0x0  }
0x112: {  	[sflag:s31] =	ssyncadd.s32 $0xFFFFFB00  }
0x113: {  	_ =	swait.ge [sflag:s0], $0x500  }
0x114: {  	s16 =	sld [smem:$0x7FA];
	_ =	sdelay $0x2  }
0x115: {  	s16 =	sadd.s32 s4, s16  }
0x116: {  	[sflag:s0] =	ssyncset.done $0x0;
	s7 =	sshrl.u32 s16, $0x3  }
0x117: {  	[sflag:s0] =	ssyncadd.s32 $0xFFFFFB00;
	s17 =	sadd.s32 s22, s7  }
0x118: {  	[tilespmem:s1], [sflag:$0x9] =	stream.linear.gather [hbm4b:s17+s1], $0x50, $0x38;
	[tilespmem:$0x1F5E0] =	vst v63  }
0x119: {  	s7 =	sadd.s32 s23, s7;
	s17 =	simm.s32 $0x0  }
0x11a: {  	[tilespmem:s26], [sflag:$0xA] =	stream.linear.gather [hbm4b:s7+s1], $0x50, $0x38;
	[tilespmem:$0x1F5E0] =	vst v63  }
0x11b: {  	v1 =	vld [tilespmem:s17+$0x2DA0];
	_ =	sdelay $0x4  }
0x11c: {  	(erf) = vrcp.f32 v1;
	_ =	sdelay $0x4  }
0x11d: {  	v1 =	vld [tilespmem:s17+$0x28A0];
	_ =	sdelay $0x2  }
0x11e: {  	s17 =	simm.s32 $0xE0  }
0x11f: {  	v2 =	vld [tilespmem:s17+$0xFFFFFFC0];
	v3 =	vpop (erf)  }
0x120: {  	v4 =	vld [tilespmem:s17+$0xFFFFFFD0];
	v1 =	vmul.f32 v3, v1  }
0x121: {  	v5 =	vld [tilespmem:s17+$0xFFFFFFF0]  }
0x122: {  	v3 =	vld [tilespmem:s17+$0xFFFFFFE0];
	v6 =	vbroadcast v1, $0x0  }
0x123: {  	v61 =	vld [tilespmem:s17+$0x20];
	v7 =	vbroadcast v1, $0x1  }
0x124: {  	v9 =	vld [tilespmem:s17+$0x10];
	v60 =	vbroadcast v1, $0x3;
	v2 =	vmul.f32 v6, v2  }
0x125: {  	v8 =	vld [tilespmem:s17+$0x0];
	v10 =	vbroadcast v1, $0x2;
	v4 =	vmul.f32 v7, v4  }
0x126: {  	v11 =	vld [tilespmem:s17+$0x30];
	v63 =	vbroadcast v1, $0x6;
	v5 =	vmul.f32 v5, v60;
	[tilespmem:s17+$0xFFFFFFC0] =	vst v2  }
0x127: {  	v62 =	vbroadcast v1, $0x5;
	v3 =	vmul.f32 v3, v10;
	[tilespmem:s17+$0xFFFFFFD0] =	vst v4  }
0x128: {  	v2 =	vbroadcast v1, $0x4;
	[tilespmem:s17+$0xFFFFFFF0] =	vst v5;
	v4 =	vmul.f32 v61, v63  }
0x129: {  	v1 =	vbroadcast v1, $0x7;
	[tilespmem:s17+$0xFFFFFFE0] =	vst v3;
	v3 =	vmul.f32 v9, v62  }
0x12a: {  	v2 =	vmul.f32 v8, v2;
	[tilespmem:s17+$0x20] =	vst v4  }
0x12b: {  	v1 =	vmul.f32 v11, v1;
	[tilespmem:s17+$0x10] =	vst v3  }
0x12c: {  	[tilespmem:s17+$0x0] =	vst v2  }
0x12d: {  	s14 =	simm.s32 $0x32A0;
	s11 =	simm.s32 $0x80;
	s7 =	simm.s32 $0x10;
	[tilespmem:s17+$0x30] =	vst v1  }
.LBB2_21:
0x12e: {  	p0 =	sne.s32 s11, $0x13C0;
	v1 =	vld [tilespmem:s7+$0x2DA0]  }
0x12f: {  	v2 =	vld [tilespmem:s7+$0x28A0];
	_ =	sdelay $0x3  }
0x130: {  	(erf) = vrcp.f32 v1;
	_ =	sdelay $0x5  }
0x131: {  	s17 =	sadd.s32 $0x80, s17  }
0x132: {  	v1 =	vld [tilespmem:s17+$0xFFFFFFF0]  }
0x133: {  	v3 =	vld [tilespmem:s17+$0xFFFFFFC0]  }
0x134: {  	v4 =	vld [tilespmem:s17+$0xFFFFFFD0];
	v5 =	vpop (erf)  }
0x135: {  	v2 =	vmul.f32 v5, v2;
	v5 =	vld [tilespmem:s17+$0xFFFFFFE0]  }
0x136: {  	v6 =	vld [tilespmem:s17+$0x30]  }
0x137: {  	v7 =	vbroadcast v2, $0x0;
	v8 =	vbroadcast v2, $0x1;
	v9 =	vld [tilespmem:s17+$0x10]  }
0x138: {  	v10 =	vbroadcast v2, $0x2;
	v11 =	vbroadcast v2, $0x3;
	v12 =	vld [tilespmem:s17+$0x0]  }
0x139: {  	v3 =	vmul.f32 v7, v3;
	v4 =	vmul.f32 v8, v4;
	v7 =	vld [tilespmem:s17+$0x20]  }
0x13a: {  	v1 =	vmul.f32 v1, v11;
	v5 =	vmul.f32 v5, v10  }
0x13b: {  	v8 =	vbroadcast v2, $0x5;
	[tilespmem:s17+$0xFFFFFFC0] =	vst v3;
	v3 =	vbroadcast v2, $0x4  }
0x13c: {  	[tilespmem:s17+$0xFFFFFFD0] =	vst v4;
	v4 =	vbroadcast v2, $0x6;
	v2 =	vbroadcast v2, $0x7  }
0x13d: {  	[tilespmem:s17+$0xFFFFFFE0] =	vst v5;
	v3 =	vmul.f32 v12, v3;
	v5 =	vmul.f32 v9, v8  }
.Ltmp9:
0x13e: {  	[tilespmem:s17+$0xFFFFFFF0] =	vst v1;
	v1 =	vmul.f32 v7, v4;
	v2 =	vmul.f32 v6, v2;
	(pc) =	sbr.rel @p0 .LBB2_21-.Ltmp9, $4  }
0x13f: {  	[tilespmem:s17+$0x0] =	vst v3  }
0x140: {  	[tilespmem:s17+$0x10] =	vst v5  }
0x141: {  	[tilespmem:s17+$0x20] =	vst v1  }
0x142: {  	s7 =	sshra.s32 s11, $0x2;
	s11 =	sadd.s32 $0x40, s11;
	[tilespmem:s17+$0x30] =	vst v2  }
0x143: {  	v1 =	vld [tilespmem:s7+$0x2DA0];
	_ =	sdelay $0x4  }
0x144: {  	(erf) = vrcp.f32 v1;
	_ =	sdelay $0x4  }
0x145: {  	v1 =	vld [tilespmem:s7+$0x28A0];
	_ =	sdelay $0x2  }
0x146: {  	s11 =	sadd.s32 $0x80, s17  }
0x147: {  	v2 =	vld [tilespmem:s11+$0xFFFFFFC0];
	v3 =	vpop (erf)  }
0x148: {  	v4 =	vld [tilespmem:s11+$0xFFFFFFD0];
	v1 =	vmul.f32 v3, v1  }
0x149: {  	v5 =	vld [tilespmem:s11+$0xFFFFFFF0]  }
0x14a: {  	v3 =	vld [tilespmem:s11+$0xFFFFFFE0];
	v6 =	vbroadcast v1, $0x0  }
0x14b: {  	v49 =	vld [tilespmem:s11+$0x20];
	v7 =	vbroadcast v1, $0x1  }
0x14c: {  	v9 =	vld [tilespmem:s11+$0x10];
	v48 =	vbroadcast v1, $0x3;
	v2 =	vmul.f32 v6, v2  }
0x14d: {  	v8 =	vld [tilespmem:s11+$0x0];
	v10 =	vbroadcast v1, $0x2;
	v4 =	vmul.f32 v7, v4  }
0x14e: {  	v11 =	vld [tilespmem:s11+$0x30];
	v51 =	vbroadcast v1, $0x6;
	v5 =	vmul.f32 v5, v48;
	[tilespmem:s11+$0xFFFFFFC0] =	vst v2  }
0x14f: {  	v50 =	vbroadcast v1, $0x5;
	v3 =	vmul.f32 v3, v10;
	[tilespmem:s11+$0xFFFFFFD0] =	vst v4  }
0x150: {  	v2 =	vbroadcast v1, $0x4;
	[tilespmem:s11+$0xFFFFFFF0] =	vst v5;
	v4 =	vmul.f32 v49, v51  }
0x151: {  	v1 =	vbroadcast v1, $0x7;
	[tilespmem:s11+$0xFFFFFFE0] =	vst v3;
	v3 =	vmul.f32 v9, v50  }
0x152: {  	v2 =	vmul.f32 v8, v2;
	[tilespmem:s11+$0x20] =	vst v4  }
0x153: {  	v1 =	vmul.f32 v11, v1;
	[tilespmem:s11+$0x10] =	vst v3  }
0x154: {  	[tilespmem:s11+$0x0] =	vst v2  }
0x155: {  	[tilespmem:s11+$0x30] =	vst v1  }
0x156: {  	_ =	swait.ge [sflag:s6], $0x50  }
0x157: {  	[sflag:s6] =	ssyncset.done $0x0  }
0x158: {  	[sflag:s6] =	ssyncadd.s32 $0xFFFFFFB0  }
0x159: {  	s3 =	sshrl.u32 s3, $0x3;
	s11 =	simm.s32 $0x6540;
	s17 =	rddreg [dreg:$0x3]  }
0x15a: {  	[spmem:s17] =	stream.indirect.scatter.add.f32 [tilespmem:s25], [sflag:$0x4], $0x80, s11, s26, $0xb8;
	[tilespmem:$0x1F5E0] =	vst v63  }
0x15b: {  	s3 =	sadd.s32 s23, s3;
	s17 =	simm.s32 $0x6590  }
0x15c: {  	[tilespmem:s17], [sflag:$0xE] =	stream.linear.gather [hbm4b:s3+s5], $0x50, $0x38;
	[tilespmem:$0x1F5E0] =	vst v63  }
0x15d: {  	_ =	swait.ge [sflag:s8], $0x2800  }
0x15e: {  	[sflag:s8] =	ssyncset.done $0x0  }
0x15f: {  	[sflag:s8] =	ssyncadd.s32 $0xFFFFD800  }
0x160: {  	_ =	swait.ge [sflag:s10], $0x50  }
0x161: {  	[sflag:s10] =	ssyncset.done $0x0  }
0x162: {  	[sflag:s10] =	ssyncadd.s32 $0xFFFFFFB0  }
0x163: {  	_ =	swait.ge [sflag:s12], $0x50  }
0x164: {  	[sflag:s12] =	ssyncset.done $0x0  }
0x165: {  	[sflag:s12] =	ssyncadd.s32 $0xFFFFFFB0  }
0x166: {  	[tilespmem:s25], [sflag:$0x1] =	stream.indirect.gather [hbm4b:s19+s26], $0x80, s5, s26, $0xb8;
	[tilespmem:$0x1F5E0] =	vst v63  }
0x167: {  	s17 =	smov.u32 s19;
	s11 =	rddreg [dreg:$0x2];
	s19 =	simm.s32 $0x2DA0  }
0x168: {  	[tilespmem:s19], [sflag:$0x2] =	stream.indirect.gather [spmem:s11], $0x10, s5, s26, $0xb8;
	[tilespmem:$0x1F5E0] =	vst v63  }
0x169: {  	s11 =	sshll.u32 s16, $0x1  }
0x16a: {  	s3 =	sand.u32 $0x1FFFFFE0, s11  }
0x16b: {  	s16 =	simm.s32 $0x28A0;
	s3 =	sadd.s32 s24, s3  }
0x16c: {  	[tilespmem:s16], [sflag:$0x3] =	stream.linear.gather [hbm4b:s3+s5], $0x500, $0x38;
	[tilespmem:$0x1F5E0] =	vst v63  }
0x16d: {  	_ =	swait.ge [sflag:s28], $0x2800  }
0x16e: {  	[sflag:s28] =	ssyncset.done $0x0  }
0x16f: {  	[sflag:s28] =	ssyncadd.s32 $0xFFFFD800  }
0x170: {  	_ =	swait.ge [sflag:s29], $0x500  }
0x171: {  	[sflag:s29] =	ssyncset.done $0x0  }
0x172: {  	[sflag:s29] =	ssyncadd.s32 $0xFFFFFB00  }
0x173: {  	_ =	swait.ge [sflag:s13], $0x500  }
0x174: {  	s3 =	sld [smem:$0x7FB];
	_ =	sdelay $0x1  }
0x175: {  	p0 =	seq.s32 s2, $0x3D  }
0x176: {  	s3 =	sadd.s32 @!p0 s4, s3  }
0x177: {  	s7 =	simm.s32 @!p0 $0x0;
	[sflag:s13] =	ssyncset.done $0x0;
	s3 =	sshrl.u32 @!p0 s3, $0x3  }
0x178: {  	s11 =	simm.s32 @!p0 $0x32A0;
	[sflag:s13] =	ssyncadd.s32 $0xFFFFFB00;
	s4 =	sadd.s32 @!p0 s22, s3  }
0x179: {  	[tilespmem:s11], [sflag:$0xC] =	stream.linear.gather @!p0 [hbm4b:s4+s7], $0x50, $0x38;
	[tilespmem:$0x1F5E0] =	vst v63  }
0x17a: {  	s19 =	simm.s32 $0x0;
	s3 =	sadd.s32 @!p0 s23, s3;
	s4 =	simm.s32 @!p0 $0x32F0  }
0x17b: {  	[tilespmem:s4], [sflag:$0xD] =	stream.linear.gather @!p0 [hbm4b:s3+s7], $0x50, $0x38;
	[tilespmem:$0x1F5E0] =	vst v63  }
0x17c: {  	v1 =	vld [tilespmem:s19+$0x6040];
	_ =	sdelay $0x4  }
0x17d: {  	(erf) = vrcp.f32 v1;
	_ =	sdelay $0x4  }
0x17e: {  	v1 =	vld [tilespmem:s19+$0x5B40];
	_ =	sdelay $0x2  }
0x17f: {  	s3 =	simm.s32 $0x3380  }
0x180: {  	v2 =	vld [tilespmem:s3+$0xFFFFFFC0];
	v3 =	vpop (erf)  }
0x181: {  	v52 =	vld [tilespmem:s3+$0xFFFFFFD0];
	v1 =	vmul.f32 v3, v1  }
0x182: {  	v53 =	vld [tilespmem:s3+$0xFFFFFFF0]  }
0x183: {  	v3 =	vld [tilespmem:s3+$0xFFFFFFE0];
	v54 =	vbroadcast v1, $0x0  }
0x184: {  	v60 =	vld [tilespmem:s3+$0x20];
	v55 =	vbroadcast v1, $0x1  }
0x185: {  	v57 =	vld [tilespmem:s3+$0x10];
	v59 =	vbroadcast v1, $0x3;
	v2 =	vmul.f32 v54, v2  }
0x186: {  	v56 =	vld [tilespmem:s3+$0x0];
	v58 =	vbroadcast v1, $0x2;
	v4 =	vmul.f32 v55, v52  }
0x187: {  	v61 =	vld [tilespmem:s3+$0x30];
	v63 =	vbroadcast v1, $0x6;
	v5 =	vmul.f32 v53, v59;
	[tilespmem:s3+$0xFFFFFFC0] =	vst v2  }
0x188: {  	v62 =	vbroadcast v1, $0x5;
	v3 =	vmul.f32 v3, v58;
	[tilespmem:s3+$0xFFFFFFD0] =	vst v4  }
0x189: {  	v2 =	vbroadcast v1, $0x4;
	[tilespmem:s3+$0xFFFFFFF0] =	vst v5;
	v4 =	vmul.f32 v60, v63  }
0x18a: {  	v1 =	vbroadcast v1, $0x7;
	[tilespmem:s3+$0xFFFFFFE0] =	vst v3;
	v3 =	vmul.f32 v57, v62  }
0x18b: {  	v2 =	vmul.f32 v56, v2;
	[tilespmem:s3+$0x20] =	vst v4  }
0x18c: {  	v1 =	vmul.f32 v61, v1;
	[tilespmem:s3+$0x10] =	vst v3  }
0x18d: {  	[tilespmem:s3+$0x0] =	vst v2  }
0x18e: {  	s7 =	simm.s32 $0x10;
	s4 =	simm.s32 $0x80;
	[tilespmem:s3+$0x30] =	vst v1  }
.LBB2_23:
0x18f: {  	p0 =	sne.s32 s4, $0x13C0;
	v1 =	vld [tilespmem:s7+$0x6040]  }
0x190: {  	v2 =	vld [tilespmem:s7+$0x5B40];
	_ =	sdelay $0x3  }
0x191: {  	(erf) = vrcp.f32 v1;
	_ =	sdelay $0x5  }
0x192: {  	s3 =	sadd.s32 $0x80, s3  }
0x193: {  	v1 =	vld [tilespmem:s3+$0xFFFFFFF0]  }
0x194: {  	v3 =	vld [tilespmem:s3+$0xFFFFFFC0]  }
0x195: {  	v4 =	vld [tilespmem:s3+$0xFFFFFFD0];
	v5 =	vpop (erf)  }
0x196: {  	v2 =	vmul.f32 v5, v2;
	v5 =	vld [tilespmem:s3+$0xFFFFFFE0]  }
0x197: {  	v6 =	vld [tilespmem:s3+$0x30]  }
0x198: {  	v7 =	vbroadcast v2, $0x0;
	v8 =	vbroadcast v2, $0x1;
	v9 =	vld [tilespmem:s3+$0x10]  }
0x199: {  	v10 =	vbroadcast v2, $0x2;
	v11 =	vbroadcast v2, $0x3;
	v12 =	vld [tilespmem:s3+$0x0]  }
0x19a: {  	v3 =	vmul.f32 v7, v3;
	v4 =	vmul.f32 v8, v4;
	v7 =	vld [tilespmem:s3+$0x20]  }
0x19b: {  	v1 =	vmul.f32 v1, v11;
	v5 =	vmul.f32 v5, v10  }
0x19c: {  	v8 =	vbroadcast v2, $0x5;
	[tilespmem:s3+$0xFFFFFFC0] =	vst v3;
	v3 =	vbroadcast v2, $0x4  }
0x19d: {  	[tilespmem:s3+$0xFFFFFFD0] =	vst v4;
	v4 =	vbroadcast v2, $0x6;
	v2 =	vbroadcast v2, $0x7  }
0x19e: {  	[tilespmem:s3+$0xFFFFFFE0] =	vst v5;
	v3 =	vmul.f32 v12, v3;
	v5 =	vmul.f32 v9, v8  }
.Ltmp10:
0x19f: {  	[tilespmem:s3+$0xFFFFFFF0] =	vst v1;
	v1 =	vmul.f32 v7, v4;
	v2 =	vmul.f32 v6, v2;
	(pc) =	sbr.rel @p0 .LBB2_23-.Ltmp10, $4  }
0x1a0: {  	[tilespmem:s3+$0x0] =	vst v3  }
0x1a1: {  	[tilespmem:s3+$0x10] =	vst v5  }
0x1a2: {  	[tilespmem:s3+$0x20] =	vst v1  }
0x1a3: {  	s7 =	sshra.s32 s4, $0x2;
	s4 =	sadd.s32 $0x40, s4;
	[tilespmem:s3+$0x30] =	vst v2  }
0x1a4: {  	v1 =	vld [tilespmem:s7+$0x6040];
	_ =	sdelay $0x4  }
0x1a5: {  	(erf) = vrcp.f32 v1;
	_ =	sdelay $0x4  }
0x1a6: {  	v1 =	vld [tilespmem:s7+$0x5B40];
	_ =	sdelay $0x2  }
0x1a7: {  	s3 =	sadd.s32 $0x80, s3  }
0x1a8: {  	v2 =	vld [tilespmem:s3+$0xFFFFFFC0];
	v3 =	vpop (erf)  }
0x1a9: {  	v4 =	vld [tilespmem:s3+$0xFFFFFFD0];
	v1 =	vmul.f32 v3, v1  }
0x1aa: {  	v5 =	vld [tilespmem:s3+$0xFFFFFFF0]  }
0x1ab: {  	v3 =	vld [tilespmem:s3+$0xFFFFFFE0];
	v6 =	vbroadcast v1, $0x0  }
0x1ac: {  	v61 =	vld [tilespmem:s3+$0x20];
	v7 =	vbroadcast v1, $0x1  }
0x1ad: {  	v9 =	vld [tilespmem:s3+$0x10];
	v60 =	vbroadcast v1, $0x3;
	v2 =	vmul.f32 v6, v2  }
0x1ae: {  	v8 =	vld [tilespmem:s3+$0x0];
	v10 =	vbroadcast v1, $0x2;
	v4 =	vmul.f32 v7, v4  }
0x1af: {  	v11 =	vld [tilespmem:s3+$0x30];
	v63 =	vbroadcast v1, $0x6;
	v5 =	vmul.f32 v5, v60;
	[tilespmem:s3+$0xFFFFFFC0] =	vst v2  }
0x1b0: {  	v62 =	vbroadcast v1, $0x5;
	v3 =	vmul.f32 v3, v10;
	[tilespmem:s3+$0xFFFFFFD0] =	vst v4  }
0x1b1: {  	v2 =	vbroadcast v1, $0x4;
	[tilespmem:s3+$0xFFFFFFF0] =	vst v5;
	v4 =	vmul.f32 v61, v63  }
0x1b2: {  	v1 =	vbroadcast v1, $0x7;
	[tilespmem:s3+$0xFFFFFFE0] =	vst v3;
	v3 =	vmul.f32 v9, v62  }
0x1b3: {  	v2 =	vmul.f32 v8, v2;
	[tilespmem:s3+$0x20] =	vst v4  }
0x1b4: {  	v1 =	vmul.f32 v11, v1;
	[tilespmem:s3+$0x10] =	vst v3  }
0x1b5: {  	s2 =	sadd.s32 $0x1, s2;
	[tilespmem:s3+$0x0] =	vst v2  }
0x1b6: {  	p0 =	sne.s32 s2, $0x3E;
	[tilespmem:s3+$0x30] =	vst v1  }
.Ltmp11:
0x1b7: {  	_ =	swait.ge [sflag:s21], $0x50;
	(pc) =	sbr.rel @p0 .LBB2_20-.Ltmp11, $4  }
0x1b8: {  	[sflag:s21] =	ssyncset.done $0x0  }
0x1b9: {  	[sflag:s21] =	ssyncadd.s32 $0xFFFFFFB0  }
0x1ba: {  	s16 =	simm.s32 $0x3340;
	s4 =	simm.s32 $0x6590;
	s19 =	rddreg [dreg:$0x3]  }
0x1bb: {  	[spmem:s19] =	stream.indirect.scatter.add.f32 [tilespmem:s16], [sflag:$0x8], $0x80, s4, s26, $0xb8;
	[tilespmem:$0x1F5E0] =	vst v63  }
0x1bc: {  	s2 =	sld [smem:$0x7FD];
	_ =	sdelay $0x1  }
0x1bd: {  	s1 =	simm.s32 $0x0;
	s3 =	simm.s32 $0x6540;
	s16 =	simm.s32 $0x8  }
0x1be: {  	[tilespmem:s3], [sflag:$0xB] =	stream.linear.gather [hbm4b:s2+s1], $0x50, $0x38;
	[tilespmem:$0x1F5E0] =	vst v63  }
0x1bf: {  	_ =	swait.ge [sflag:s16], $0x2800  }
0x1c0: {  	[sflag:s16] =	ssyncset.done $0x0  }
0x1c1: {  	[sflag:s16] =	ssyncadd.s32 $0xFFFFD800  }
0x1c2: {  	_ =	swait.ge [sflag:s30], $0x2800  }
0x1c3: {  	[sflag:s30] =	ssyncset.done $0x0  }
0x1c4: {  	[sflag:s30] =	ssyncadd.s32 $0xFFFFD800  }
0x1c5: {  	_ =	swait.ge [sflag:s31], $0x500  }
0x1c6: {  	[sflag:s31] =	ssyncset.done $0x0  }
0x1c7: {  	[sflag:s31] =	ssyncadd.s32 $0xFFFFFB00  }
0x1c8: {  	_ =	swait.ge [sflag:s0], $0x500  }
0x1c9: {  	[sflag:s0] =	ssyncset.done $0x0  }
0x1ca: {  	s19 =	simm.s32 $0x0;
	[sflag:s0] =	ssyncadd.s32 $0xFFFFFB00  }
0x1cb: {  	v1 =	vld [tilespmem:s19+$0x2DA0];
	_ =	sdelay $0x4  }
0x1cc: {  	(erf) = vrcp.f32 v1;
	_ =	sdelay $0x4  }
0x1cd: {  	v1 =	vld [tilespmem:s19+$0x28A0];
	_ =	sdelay $0x2  }
0x1ce: {  	s1 =	simm.s32 $0xE0  }
0x1cf: {  	v2 =	vld [tilespmem:s1+$0xFFFFFFC0];
	v3 =	vpop (erf)  }
0x1d0: {  	v4 =	vld [tilespmem:s1+$0xFFFFFFD0];
	v1 =	vmul.f32 v3, v1  }
0x1d1: {  	v5 =	vld [tilespmem:s1+$0xFFFFFFF0]  }
0x1d2: {  	v3 =	vld [tilespmem:s1+$0xFFFFFFE0];
	v6 =	vbroadcast v1, $0x0  }
0x1d3: {  	v61 =	vld [tilespmem:s1+$0x20];
	v7 =	vbroadcast v1, $0x1  }
0x1d4: {  	v9 =	vld [tilespmem:s1+$0x10];
	v60 =	vbroadcast v1, $0x3;
	v2 =	vmul.f32 v6, v2  }
0x1d5: {  	v8 =	vld [tilespmem:s1+$0x0];
	v10 =	vbroadcast v1, $0x2;
	v4 =	vmul.f32 v7, v4  }
0x1d6: {  	v11 =	vld [tilespmem:s1+$0x30];
	v63 =	vbroadcast v1, $0x6;
	v5 =	vmul.f32 v5, v60;
	[tilespmem:s1+$0xFFFFFFC0] =	vst v2  }
0x1d7: {  	v62 =	vbroadcast v1, $0x5;
	v3 =	vmul.f32 v3, v10;
	[tilespmem:s1+$0xFFFFFFD0] =	vst v4  }
0x1d8: {  	v2 =	vbroadcast v1, $0x4;
	[tilespmem:s1+$0xFFFFFFF0] =	vst v5;
	v4 =	vmul.f32 v61, v63  }
0x1d9: {  	v1 =	vbroadcast v1, $0x7;
	[tilespmem:s1+$0xFFFFFFE0] =	vst v3;
	v3 =	vmul.f32 v9, v62  }
0x1da: {  	v2 =	vmul.f32 v8, v2;
	[tilespmem:s1+$0x20] =	vst v4  }
0x1db: {  	v1 =	vmul.f32 v11, v1;
	[tilespmem:s1+$0x10] =	vst v3  }
0x1dc: {  	[tilespmem:s1+$0x0] =	vst v2  }
0x1dd: {  	s3 =	simm.s32 $0x10;
	s2 =	simm.s32 $0x80;
	[tilespmem:s1+$0x30] =	vst v1  }
.LBB2_26:
0x1de: {  	p0 =	sne.s32 s2, $0x13C0;
	v1 =	vld [tilespmem:s3+$0x2DA0]  }
0x1df: {  	v2 =	vld [tilespmem:s3+$0x28A0];
	_ =	sdelay $0x3  }
0x1e0: {  	(erf) = vrcp.f32 v1;
	_ =	sdelay $0x5  }
0x1e1: {  	s1 =	sadd.s32 $0x80, s1  }
0x1e2: {  	v1 =	vld [tilespmem:s1+$0xFFFFFFF0]  }
0x1e3: {  	v3 =	vld [tilespmem:s1+$0xFFFFFFC0]  }
0x1e4: {  	v4 =	vld [tilespmem:s1+$0xFFFFFFD0];
	v5 =	vpop (erf)  }
0x1e5: {  	v2 =	vmul.f32 v5, v2;
	v5 =	vld [tilespmem:s1+$0xFFFFFFE0]  }
0x1e6: {  	v6 =	vld [tilespmem:s1+$0x30]  }
0x1e7: {  	v7 =	vbroadcast v2, $0x0;
	v8 =	vbroadcast v2, $0x1;
	v9 =	vld [tilespmem:s1+$0x10]  }
0x1e8: {  	v10 =	vbroadcast v2, $0x2;
	v11 =	vbroadcast v2, $0x3;
	v12 =	vld [tilespmem:s1+$0x0]  }
0x1e9: {  	v3 =	vmul.f32 v7, v3;
	v4 =	vmul.f32 v8, v4;
	v7 =	vld [tilespmem:s1+$0x20]  }
0x1ea: {  	v1 =	vmul.f32 v1, v11;
	v5 =	vmul.f32 v5, v10  }
0x1eb: {  	v8 =	vbroadcast v2, $0x5;
	[tilespmem:s1+$0xFFFFFFC0] =	vst v3;
	v3 =	vbroadcast v2, $0x4  }
0x1ec: {  	[tilespmem:s1+$0xFFFFFFD0] =	vst v4;
	v4 =	vbroadcast v2, $0x6;
	v2 =	vbroadcast v2, $0x7  }
0x1ed: {  	[tilespmem:s1+$0xFFFFFFE0] =	vst v5;
	v3 =	vmul.f32 v12, v3;
	v5 =	vmul.f32 v9, v8  }
.Ltmp12:
0x1ee: {  	[tilespmem:s1+$0xFFFFFFF0] =	vst v1;
	v1 =	vmul.f32 v7, v4;
	v2 =	vmul.f32 v6, v2;
	(pc) =	sbr.rel @p0 .LBB2_26-.Ltmp12, $4  }
0x1ef: {  	[tilespmem:s1+$0x0] =	vst v3  }
0x1f0: {  	[tilespmem:s1+$0x10] =	vst v5  }
0x1f1: {  	[tilespmem:s1+$0x20] =	vst v1  }
0x1f2: {  	s3 =	sshra.s32 s2, $0x2;
	s2 =	sadd.s32 $0x40, s2;
	[tilespmem:s1+$0x30] =	vst v2  }
0x1f3: {  	v1 =	vld [tilespmem:s3+$0x2DA0];
	_ =	sdelay $0x4  }
0x1f4: {  	(erf) = vrcp.f32 v1;
	_ =	sdelay $0x4  }
0x1f5: {  	v1 =	vld [tilespmem:s3+$0x28A0];
	_ =	sdelay $0x2  }
0x1f6: {  	s1 =	sadd.s32 $0x80, s1  }
0x1f7: {  	v2 =	vld [tilespmem:s1+$0xFFFFFFC0];
	v3 =	vpop (erf)  }
0x1f8: {  	v4 =	vld [tilespmem:s1+$0xFFFFFFD0];
	v1 =	vmul.f32 v3, v1  }
0x1f9: {  	v5 =	vld [tilespmem:s1+$0xFFFFFFF0]  }
0x1fa: {  	v3 =	vld [tilespmem:s1+$0xFFFFFFE0];
	v6 =	vbroadcast v1, $0x0  }
0x1fb: {  	v61 =	vld [tilespmem:s1+$0x20];
	v7 =	vbroadcast v1, $0x1  }
0x1fc: {  	v9 =	vld [tilespmem:s1+$0x10];
	v60 =	vbroadcast v1, $0x3;
	v2 =	vmul.f32 v6, v2  }
0x1fd: {  	v8 =	vld [tilespmem:s1+$0x0];
	v10 =	vbroadcast v1, $0x2;
	v4 =	vmul.f32 v7, v4  }
0x1fe: {  	v11 =	vld [tilespmem:s1+$0x30];
	v63 =	vbroadcast v1, $0x6;
	v5 =	vmul.f32 v5, v60;
	[tilespmem:s1+$0xFFFFFFC0] =	vst v2  }
0x1ff: {  	v62 =	vbroadcast v1, $0x5;
	v3 =	vmul.f32 v3, v10;
	[tilespmem:s1+$0xFFFFFFD0] =	vst v4  }
0x200: {  	v2 =	vbroadcast v1, $0x4;
	[tilespmem:s1+$0xFFFFFFF0] =	vst v5;
	v4 =	vmul.f32 v61, v63  }
0x201: {  	v1 =	vbroadcast v1, $0x7;
	[tilespmem:s1+$0xFFFFFFE0] =	vst v3;
	v3 =	vmul.f32 v9, v62  }
0x202: {  	v2 =	vmul.f32 v8, v2;
	[tilespmem:s1+$0x20] =	vst v4  }
0x203: {  	v1 =	vmul.f32 v11, v1;
	[tilespmem:s1+$0x10] =	vst v3  }
0x204: {  	[tilespmem:s1+$0x0] =	vst v2  }
0x205: {  	[tilespmem:s1+$0x30] =	vst v1  }
0x206: {  	_ =	swait.ge [sflag:s6], $0x50  }
0x207: {  	[sflag:s6] =	ssyncset.done $0x0  }
0x208: {  	[sflag:s6] =	ssyncadd.s32 $0xFFFFFFB0  }
0x209: {  	s2 =	simm.s32 $0x6540;
	s4 =	rddreg [dreg:$0x3]  }
0x20a: {  	[spmem:s4] =	stream.indirect.scatter.add.f32 [tilespmem:s25], [sflag:$0x4], $0x80, s2, s26, $0xb8;
	[tilespmem:$0x1F5E0] =	vst v63  }
0x20b: {  	_ =	swait.ge [sflag:s8], $0x2800  }
0x20c: {  	[sflag:s8] =	ssyncset.done $0x0  }
0x20d: {  	[sflag:s8] =	ssyncadd.s32 $0xFFFFD800  }
0x20e: {  	[bflag:$0x0] =	sbarrier.arrive $0xFFFF  }
0x20f: {  	s16 =	rddreg [dreg:$0x17]  }
0x210: {  	[tilespmem:s25], [sflag:$0xF] =	stream.linear.gather [spmem:s16], $0x2800, $0x38;
	[tilespmem:$0x1F5E0] =	vst v63  }
0x211: {  	_ =	swait.ge [sflag:s20], $0x2800  }
0x212: {  	[sflag:s20] =	ssyncset.done $0x0  }
0x213: {  	s7 =	rddreg [dreg:$0x5];
	[sflag:s20] =	ssyncadd.s32 $0xFFFFD800  }
0x214: {  	[hbm4b:s7+s5] =	stream.linear.scatter [tilespmem:s25], [sflag:$0xF], $0x2800, $0x38;
	[tilespmem:$0x1F5E0] =	vst v63  }
0x215: {  	_ =	swait.ge [sflag:s20], $0x2800  }
0x216: {  	[sflag:s20] =	ssyncset.done $0x0  }
0x217: {  	s19 =	rddreg [dreg:$0x18];
	[sflag:s20] =	ssyncadd.s32 $0xFFFFD800  }
0x218: {  	[tilespmem:s25], [sflag:$0xF] =	stream.linear.gather [spmem:s19], $0x2800, $0x38;
	[tilespmem:$0x1F5E0] =	vst v63  }
0x219: {  	_ =	swait.ge [sflag:s20], $0x2800  }
0x21a: {  	[sflag:s20] =	ssyncset.done $0x0  }
0x21b: {  	s11 =	rddreg [dreg:$0x6];
	[sflag:s20] =	ssyncadd.s32 $0xFFFFD800  }
0x21c: {  	[hbm4b:s11+s5] =	stream.linear.scatter [tilespmem:s25], [sflag:$0xF], $0x2800, $0x38;
	[tilespmem:$0x1F5E0] =	vst v63  }
0x21d: {  	_ =	swait.ge [sflag:s20], $0x2800  }
0x21e: {  	[sflag:s20] =	ssyncset.done $0x0  }
0x21f: {  	s7 =	rddreg [dreg:$0x19];
	[sflag:s20] =	ssyncadd.s32 $0xFFFFD800  }
0x220: {  	[tilespmem:s25], [sflag:$0xF] =	stream.linear.gather [spmem:s7], $0x2800, $0x38;
	[tilespmem:$0x1F5E0] =	vst v63  }
0x221: {  	_ =	swait.ge [sflag:s20], $0x2800  }
0x222: {  	[sflag:s20] =	ssyncset.done $0x0  }
0x223: {  	s2 =	rddreg [dreg:$0x7];
	[sflag:s20] =	ssyncadd.s32 $0xFFFFD800  }
0x224: {  	[hbm4b:s2+s5] =	stream.linear.scatter [tilespmem:s25], [sflag:$0xF], $0x2800, $0x38;
	[tilespmem:$0x1F5E0] =	vst v63  }
0x225: {  	_ =	swait.ge [sflag:s20], $0x2800  }
0x226: {  	[sflag:s20] =	ssyncset.done $0x0  }
0x227: {  	s3 =	rddreg [dreg:$0x1a];
	[sflag:s20] =	ssyncadd.s32 $0xFFFFD800  }
0x228: {  	[tilespmem:s25], [sflag:$0xF] =	stream.linear.gather [spmem:s3], $0x2800, $0x38;
	[tilespmem:$0x1F5E0] =	vst v63  }
0x229: {  	_ =	swait.ge [sflag:s20], $0x2800  }
0x22a: {  	[sflag:s20] =	ssyncset.done $0x0  }
0x22b: {  	s4 =	rddreg [dreg:$0x8];
	[sflag:s20] =	ssyncadd.s32 $0xFFFFD800  }
0x22c: {  	[hbm4b:s4+s5] =	stream.linear.scatter [tilespmem:s25], [sflag:$0xF], $0x2800, $0x38;
	[tilespmem:$0x1F5E0] =	vst v63  }
0x22d: {  	_ =	swait.ge [sflag:s20], $0x2800  }
0x22e: {  	[sflag:s20] =	ssyncset.done $0x0  }
0x22f: {  	s11 =	rddreg [dreg:$0x1b];
	[sflag:s20] =	ssyncadd.s32 $0xFFFFD800  }
0x230: {  	[tilespmem:s25], [sflag:$0xF] =	stream.linear.gather [spmem:s11], $0x2800, $0x38;
	[tilespmem:$0x1F5E0] =	vst v63  }
0x231: {  	_ =	swait.ge [sflag:s20], $0x2800  }
0x232: {  	[sflag:s20] =	ssyncset.done $0x0  }
0x233: {  	s2 =	rddreg [dreg:$0x9];
	[sflag:s20] =	ssyncadd.s32 $0xFFFFD800  }
0x234: {  	[hbm4b:s2+s5] =	stream.linear.scatter [tilespmem:s25], [sflag:$0xF], $0x2800, $0x38;
	[tilespmem:$0x1F5E0] =	vst v63  }
0x235: {  	_ =	swait.ge [sflag:s20], $0x2800  }
0x236: {  	[sflag:s20] =	ssyncset.done $0x0  }
0x237: {  	s11 =	rddreg [dreg:$0x1d];
	[sflag:s20] =	ssyncadd.s32 $0xFFFFD800  }
0x238: {  	[tilespmem:s25], [sflag:$0xF] =	stream.linear.gather [spmem:s11], $0x2800, $0x38;
	[tilespmem:$0x1F5E0] =	vst v63  }
0x239: {  	_ =	swait.ge [sflag:s20], $0x2800  }
0x23a: {  	[sflag:s20] =	ssyncset.done $0x0  }
0x23b: {  	s3 =	rddreg [dreg:$0xa];
	[sflag:s20] =	ssyncadd.s32 $0xFFFFD800  }
0x23c: {  	[hbm4b:s3+s5] =	stream.linear.scatter [tilespmem:s25], [sflag:$0xF], $0x2800, $0x38;
	[tilespmem:$0x1F5E0] =	vst v63  }
0x23d: {  	_ =	swait.ge [sflag:s20], $0x2800  }
0x23e: {  	[sflag:s20] =	ssyncset.done $0x0  }
0x23f: {  	s4 =	rddreg [dreg:$0x1e];
	[sflag:s20] =	ssyncadd.s32 $0xFFFFD800  }
0x240: {  	[tilespmem:s25], [sflag:$0xF] =	stream.linear.gather [spmem:s4], $0x2800, $0x38;
	[tilespmem:$0x1F5E0] =	vst v63  }
0x241: {  	_ =	swait.ge [sflag:s20], $0x2800  }
0x242: {  	[sflag:s20] =	ssyncset.done $0x0  }
0x243: {  	s2 =	rddreg [dreg:$0xb];
	[sflag:s20] =	ssyncadd.s32 $0xFFFFD800  }
0x244: {  	[hbm4b:s2+s5] =	stream.linear.scatter [tilespmem:s25], [sflag:$0xF], $0x2800, $0x38;
	[tilespmem:$0x1F5E0] =	vst v63  }
0x245: {  	_ =	swait.ge [sflag:s20], $0x2800  }
0x246: {  	[sflag:s20] =	ssyncset.done $0x0  }
0x247: {  	s4 =	rddreg [dreg:$0x1f];
	[sflag:s20] =	ssyncadd.s32 $0xFFFFD800  }
0x248: {  	[tilespmem:s25], [sflag:$0xF] =	stream.linear.gather [spmem:s4], $0x2800, $0x38;
	[tilespmem:$0x1F5E0] =	vst v63  }
0x249: {  	_ =	swait.ge [sflag:s20], $0x2800  }
0x24a: {  	[sflag:s20] =	ssyncset.done $0x0  }
0x24b: {  	s3 =	rddreg [dreg:$0xc];
	[sflag:s20] =	ssyncadd.s32 $0xFFFFD800  }
0x24c: {  	[hbm4b:s3+s5] =	stream.linear.scatter [tilespmem:s25], [sflag:$0xF], $0x2800, $0x38;
	[tilespmem:$0x1F5E0] =	vst v63  }
0x24d: {  	_ =	swait.ge [sflag:s20], $0x2800  }
0x24e: {  	s1 =	sld [smem:$0x7F4]  }
0x24f: {  	s3 =	sld [smem:$0x7F9];
	_ =	sdelay $0x1  }
0x250: {  	s2 =	sadd.s32 $0x1, s1  }
0x251: {  	p0 =	sne.s32 s2, s3  }
.Ltmp13:
0x252: {  	_ = 	snop;
	(pc) =	sbr.rel @p0 .LBB2_1-.Ltmp13, $3  }
0x253: {  	_ =	sdelay $0x1  }
0x254: {  	[sflag:s20] =	ssyncset.done $0x0  }
0x255: {  	[sflag:s20] =	ssyncadd.s32 $0xFFFFD800  }
0x256: {  	_ =	sfence.sel $0x180000  }
0x257: {  	[bflag:$0x0] =	sbarrier.arrive $0xFFFF  }
0x258: {  	_ =	strace $0x9000004A  }
0x259: {  	s0 =	stileid.u32;
	[bflag:$0x2] =	sbarrier.arrive $0xFFFF  }
0x25a: {  	p0 =	sne.s32 s0, $0x0;
	s0 =	rddreg [dreg:$0x4]  }
0x25b: {  	s0 =	sadd.s32 @!p0 $0x100000, s0  }
0x25c: {  	[sflag:s0] =	ssyncadd.tile.s32 @!p0 $0x1;
	_ =	shalt  }
.Lfunc_end2:
_tile_overlayer_lowered:
.L_overlay_start_2:
0x25d: {  	(tag) =	ssettag $0x2  }
0x25e: {  	s0 =	rddreg [dreg:$0x0];
	s2 =	stileid.u32  }
0x25f: {  	s1 =	rddreg [dreg:$0x1];
	p0 =	sne.s32 s2, $0x0  }
0x260: {  	s3 =	rddreg [dreg:$0x2];
	[bflag:$0x3] =	sbarrier.arrive $0xFFFF;
	s2 =	simm.s32 @!p0 $0x1C0F  }
0x261: {  	[timem:s3], [sflag:s2] =	dma.local @!p0 [hbm:s0], s1  }
0x262: {  	s0 =	simm.s32 @!p0 $0xF  }
0x263: {  	_ =	swait.ge @!p0 [sflag:s0], s1  }
0x264: {  	s1 =	ssub.s32 @!p0 $0x0, s1;
	[sflag:s0] =	ssyncset.done @!p0 $0x0  }
0x265: {  	[sflag:s0] =	ssyncadd.s32 @!p0 s1  }
0x266: {  	[bflag:$0x3] =	sbarrier.arrive $0xFFFF  }
0x267: {  	_ =	shalt  }

</sc_bundles>
